<compile_context>
chip_gen: v7x
topology: tpu7x:2x2x1
jax: 0.10.2.dev20260603
libtpu: 0.0.44.dev20260713+nightly
codegen_flags: <defaults>
</compile_context>

<pallas_src>
import functools

import numpy as np
import jax
import jax.numpy as jnp
from jax import lax
from jax.experimental import pallas as pl
from jax.experimental.pallas import tpu as pltpu
from jax.experimental.pallas import tpu_sc as plsc

N = 10000
E = 320000
D = 128
H = 64
G = 64
C = 16

NC = 2
NS = 16
NW = NC * NS
CHUNK = 128
CPW = 80
NCH = NW * CPW
EP = NCH * CHUNK
NP = 10240
ZR = NP // NS

_IT = np.arange(EP - E, dtype=np.int32)
_PAD_S = _IT % N
_PAD_D = N + _IT % (NP - N)



NB = 8
NOUT = CPW // NB


def _sc_agg_body(y_hbm, src_hbm, dst_hbm, z_hbm, out_hbm, sidx, didx, rows,
                 gsem, ssem, agg):
    cid = lax.axis_index("c")
    sid = lax.axis_index("s")
    pltpu.sync_copy(z_hbm, agg.at[pl.ds(sid * ZR, ZR)])
    base = (cid * NS + sid) * CPW
    pltpu.sync_copy(src_hbm.at[pl.ds(base, CPW)], sidx)
    pltpu.sync_copy(dst_hbm.at[pl.ds(base, CPW)], didx)
    plsc.subcore_barrier()

    @pl.loop(0, NOUT)
    def _outer(t):
        descs = []
        for k in range(NB):
            @pl.when(t > 0)
            def _drain():
                pltpu.make_async_copy(z_hbm.at[pl.ds(0, CHUNK)],
                                      rows.at[k], ssem.at[k]).wait()
            descs.append(pltpu.async_copy(y_hbm.at[sidx.at[t * NB + k]],
                                          rows.at[k], gsem.at[k]))
        for k in range(NB):
            descs[k].wait()
            pltpu.async_copy(rows.at[k], agg.at[didx.at[t * NB + k]],
                             ssem.at[k], add=True)

    for k in range(NB):
        pltpu.make_async_copy(z_hbm.at[pl.ds(0, CHUNK)],
                              rows.at[k], ssem.at[k]).wait()
    plsc.subcore_barrier()
    pltpu.sync_copy(agg.at[pl.ds(sid * ZR, ZR)],
                    out_hbm.at[cid, pl.ds(sid * ZR, ZR), pl.ds(0, H)])


@functools.cache
def _sc_agg():
    mesh = plsc.VectorSubcoreMesh(core_axis_name="c", subcore_axis_name="s",
                                  num_cores=NC, num_subcores=NS)
    return pl.kernel(
        _sc_agg_body,
        out_type=jax.ShapeDtypeStruct((NC, NP, 2 * H), jnp.float32),
        mesh=mesh,
        compiler_params=pltpu.CompilerParams(use_tc_tiling_on_sc=False),
        scratch_types=[
            pltpu.VMEM((CPW, CHUNK), jnp.int32),
            pltpu.VMEM((CPW, CHUNK), jnp.int32),
            pltpu.VMEM((NB, CHUNK, H), jnp.float32),
            pltpu.SemaphoreType.DMA((NB,)),
            pltpu.SemaphoreType.DMA((NB,)),
            pltpu.VMEM_SHARED((NP, H), jnp.float32),
        ],
    )


def _agg_partials(y, src2, dst2, zblk):
    return _sc_agg()(y, src2, dst2, zblk)



def _proj_body(x_ref, w_ref, o_ref):
    o_ref[...] = jnp.dot(x_ref[...], w_ref[...],
                         preferred_element_type=jnp.float32)


def _proj(x, w):
    return pl.pallas_call(
        _proj_body,
        out_shape=jax.ShapeDtypeStruct((N, H), jnp.float32),
    )(x, w)


def _layer_math(y_ref, parts_ref, eps_ref, b1_ref, w2_ref, b2_ref, g_ref,
                be_ref):
    agg = parts_ref[0, :N, 0:H] + parts_ref[1, :N, 0:H]
    t = jnp.maximum(
        (1.0 + eps_ref[0, 0]) * y_ref[...] + agg + b1_ref[0, :], 0.0)
    hraw = jnp.maximum(
        jnp.dot(t, w2_ref[...], preferred_element_type=jnp.float32)
        + b2_ref[0, :], 0.0)
    mu = jnp.mean(hraw, axis=0, keepdims=True)
    hc = hraw - mu
    var = jnp.mean(hc * hc, axis=0, keepdims=True)
    return hc * lax.rsqrt(var + 1e-5) * g_ref[0, :] + be_ref[0, :]


def _layer_next_body(y_ref, parts_ref, eps_ref, b1_ref, w2_ref, b2_ref, g_ref,
                     be_ref, wn_ref, h_ref, yn_ref):
    hn = _layer_math(y_ref, parts_ref, eps_ref, b1_ref, w2_ref, b2_ref, g_ref,
                     be_ref)
    h_ref[...] = hn
    yn_ref[...] = jnp.dot(hn, wn_ref[...],
                          preferred_element_type=jnp.float32)


def _layer_next(y, parts, eps, b1, w2, b2, g, be, wn):
    return pl.pallas_call(
        _layer_next_body,
        out_shape=[jax.ShapeDtypeStruct((N, H), jnp.float32),
                   jax.ShapeDtypeStruct((N, H), jnp.float32)],
    )(y, parts, eps, b1, w2, b2, g, be, wn)


def _pool_body(h_ref, batch_ref, s_ref, cnt_ref):
    bt = batch_ref[0, :]
    oh = (lax.broadcasted_iota(jnp.int32, (G, N), 0)
          == bt[None, :]).astype(jnp.float32)
    s_ref[...] = jnp.dot(oh, h_ref[...], preferred_element_type=jnp.float32)
    cnt_ref[...] = jnp.sum(oh, axis=1, keepdims=True)


def _pool(h, batch2):
    return pl.pallas_call(
        _pool_body,
        out_shape=[jax.ShapeDtypeStruct((G, H), jnp.float32),
                   jax.ShapeDtypeStruct((G, 1), jnp.float32)],
    )(h, batch2)


def _head_body(s1_ref, s2_ref, cnt_ref, y3_ref, parts_ref, eps_ref, b1_ref,
               w2_ref, b2_ref, g_ref, be_ref, batch_ref, f1w_ref, f1b_ref,
               f2w_ref, f2b_ref, f3w_ref, f3b_ref, f4w_ref, f4b_ref, out_ref):
    h3 = _layer_math(y3_ref, parts_ref, eps_ref, b1_ref, w2_ref, b2_ref,
                     g_ref, be_ref)
    bt = batch_ref[0, :]
    oh = (lax.broadcasted_iota(jnp.int32, (G, N), 0)
          == bt[None, :]).astype(jnp.float32)
    s1 = s1_ref[...]
    s2 = s2_ref[...]
    s3 = jnp.dot(oh, h3, preferred_element_type=jnp.float32)
    inv = 1.0 / jnp.maximum(cnt_ref[...], 1.0)
    h = (jnp.dot(s1 * inv, f1w_ref[0:H, :], preferred_element_type=jnp.float32)
         + jnp.dot(s2 * inv, f1w_ref[H:2 * H, :],
                   preferred_element_type=jnp.float32)
         + jnp.dot(s3 * inv, f1w_ref[2 * H:3 * H, :],
                   preferred_element_type=jnp.float32)
         + f1b_ref[0, :])
    h = jnp.maximum(h, 0.0)
    h = jnp.maximum(
        jnp.dot(h, f2w_ref[...], preferred_element_type=jnp.float32)
        + f2b_ref[0, :], 0.0)
    h = jnp.maximum(
        jnp.dot(h, f3w_ref[...], preferred_element_type=jnp.float32)
        + f3b_ref[0, :], 0.0)
    logits = (jnp.dot(h, f4w_ref[...], preferred_element_type=jnp.float32)
              + f4b_ref[0, :])
    shifted = logits - jnp.max(logits, axis=1, keepdims=True)
    lse = jnp.log(jnp.sum(jnp.exp(shifted), axis=1, keepdims=True))
    out_ref[...] = shifted - lse


def _head(s1, s2, cnt, y3, parts, eps, b1, w2, b2, g, be, batch2, f1_w,
          f1_b, f2_w, f2_b, f3_w, f3_b, f4_w, f4_b):
    return pl.pallas_call(
        _head_body,
        out_shape=jax.ShapeDtypeStruct((G, C), jnp.float32),
    )(s1, s2, cnt, y3, parts, eps, b1, w2, b2, g, be, batch2, f1_w, f1_b,
      f2_w, f2_b, f3_w, f3_b, f4_w, f4_b)



def kernel(x, edge_index, batch, c1_w1, c1_b1, c1_w2, c1_b2, c1_g, c1_be,
           c1_eps, c2_w1, c2_b1, c2_w2, c2_b2, c2_g, c2_be, c2_eps, c3_w1,
           c3_b1, c3_w2, c3_b2, c3_g, c3_be, c3_eps, f1_w, f1_b, f2_w, f2_b,
           f3_w, f3_b, f4_w, f4_b):
    src2 = jnp.concatenate([edge_index[0], jnp.asarray(_PAD_S)]).reshape(
        NCH, CHUNK)
    dst2 = jnp.concatenate([edge_index[1], jnp.asarray(_PAD_D)]).reshape(
        NCH, CHUNK)
    zblk = jnp.zeros((ZR, H), jnp.float32)
    batch2 = batch.reshape(1, N)

    r1 = lambda v: v.reshape(1, -1)
    e1 = lambda v: v.reshape(1, 1)

    y1 = _proj(x, c1_w1)
    p1 = _agg_partials(y1, src2, dst2, zblk)
    h1, y2 = _layer_next(y1, p1, e1(c1_eps), r1(c1_b1), c1_w2, r1(c1_b2),
                         r1(c1_g), r1(c1_be), c2_w1)
    p2 = _agg_partials(y2, src2, dst2, zblk)
    s1, cnt = _pool(h1, batch2)
    h2, y3 = _layer_next(y2, p2, e1(c2_eps), r1(c2_b1), c2_w2, r1(c2_b2),
                         r1(c2_g), r1(c2_be), c3_w1)
    p3 = _agg_partials(y3, src2, dst2, zblk)
    s2, _ = _pool(h2, batch2)
    return _head(s1, s2, cnt, y3, p3, e1(c3_eps), r1(c3_b1), c3_w2, r1(c3_b2),
                 r1(c3_g), r1(c3_be), batch2, f1_w, r1(f1_b), f2_w, r1(f2_b),
                 f3_w, r1(f3_b), f4_w, r1(f4_b))

# --- scband reference (transcript-rebuilt; emitter-appended) ---
"""Pipeline reference for scband-multi-task-fegin-15779709845720 (READ-ONLY COPY).

The authoritative reference and input builder live on the scoring server;
editing this copy changes nothing except your own understanding.
"""

import jax, jax.numpy as jnp
import numpy as np

N = 10000; E = 320000; D = 128; H = 64; L = 3; C = 16; G = 64

def _lin(k, i, o):
    kw, kb = jax.random.split(k)
    s = 1.0 / np.sqrt(i)
    w = jax.random.uniform(kw, (i, o), minval=-s, maxval=s, dtype=jnp.float32)
    b = jax.random.uniform(kb, (o,), minval=-s, maxval=s, dtype=jnp.float32)
    return w, b

def setup_inputs(seed: int = 0):
    key = jax.random.key(seed)
    ks = jax.random.split(key, 40)
    inp = {}
    inp['x'] = jax.random.normal(ks[0], (N, D), dtype=jnp.float32)
    inp['edge_index'] = jax.random.randint(ks[1], (2, E), 0, N, dtype=jnp.int32)
    inp['batch'] = jnp.sort(jax.random.randint(ks[2], (N,), 0, G, dtype=jnp.int32))
    ki = 3
    for li, ind in [(1, D), (2, H), (3, H)]:
        w1, b1 = _lin(ks[ki], ind, H); ki += 1
        w2, b2 = _lin(ks[ki], H, H); ki += 1
        inp['c%d_w1' % li] = w1; inp['c%d_b1' % li] = b1
        inp['c%d_w2' % li] = w2; inp['c%d_b2' % li] = b2
        inp['c%d_g' % li] = jnp.ones((H,), jnp.float32)
        inp['c%d_be' % li] = jnp.zeros((H,), jnp.float32)
        inp['c%d_eps' % li] = jnp.zeros((), jnp.float32)
    dims = [(L * H, 2 * H), (2 * H, H), (H, H), (H, C)]
    for i, (a, b) in enumerate(dims, 1):
        w, bb = _lin(ks[ki], a, b); ki += 1
        inp['f%d_w' % i] = w; inp['f%d_b' % i] = bb
    return inp

def _gin(x, src, dst, eps, w1, b1, w2, b2, g, be):
    agg = jnp.zeros_like(x).at[dst].add(x[src])
    h = (1.0 + eps) * x + agg
    h = jax.nn.relu(h @ w1 + b1)
    h = jax.nn.relu(h @ w2 + b2)
    mu = jnp.mean(h, axis=0)
    var = jnp.var(h, axis=0)
    return (h - mu) / jnp.sqrt(var + 1e-5) * g + be

def reference(x, edge_index, batch, c1_w1, c1_b1, c1_w2, c1_b2, c1_g, c1_be, c1_eps, c2_w1, c2_b1, c2_w2, c2_b2, c2_g, c2_be, c2_eps, c3_w1, c3_b1, c3_w2, c3_b2, c3_g, c3_be, c3_eps, f1_w, f1_b, f2_w, f2_b, f3_w, f3_b, f4_w, f4_b):
    src, dst = edge_index[0], edge_index[1]
    h1 = _gin(x, src, dst, c1_eps, c1_w1, c1_b1, c1_w2, c1_b2, c1_g, c1_be)
    h2 = _gin(h1, src, dst, c2_eps, c2_w1, c2_b1, c2_w2, c2_b2, c2_g, c2_be)
    h3 = _gin(h2, src, dst, c3_eps, c3_w1, c3_b1, c3_w2, c3_b2, c3_g, c3_be)
    ne = jnp.concatenate([h1, h2, h3], axis=-1)
    sums = jax.ops.segment_sum(ne, batch, num_segments=G)
    cnt = jax.ops.segment_sum(jnp.ones((ne.shape[0],), jnp.float32), batch, num_segments=G)
    gm = sums / jnp.clip(cnt, 1.0)[:, None]
    h = jax.nn.relu(gm @ f1_w + f1_b)
    h = jax.nn.relu(h @ f2_w + f2_b)
    h = jax.nn.relu(h @ f3_w + f3_b)
    logits = h @ f4_w + f4_b
    return jax.nn.log_softmax(logits, axis=1)

if __name__ == "__main__":
    import jax
    _d = setup_inputs()
    print(jax.jit(kernel)(*tuple(_d.values())))

</pallas_src>

<mosaic_0001>
#map = affine_map<(d0, d1) -> (0, 0)>
#map1 = affine_map<(d0, d1) -> (0, 0, 0)>
module attributes {stable_mosaic.version = 14 : i64} {
  func.func @_sc_agg_body(%arg0: i32, %arg1: i32, %arg2: memref<10000x64xf32, #tpu.memory_space<hbm>>, %arg3: memref<2560x128xi32, #tpu.memory_space<hbm>>, %arg4: memref<2560x128xi32, #tpu.memory_space<hbm>>, %arg5: memref<640x64xf32, #tpu.memory_space<hbm>>, %arg6: memref<2x10240x128xf32, #tpu.memory_space<hbm>>, %arg7: memref<80x128xi32, #tpu.memory_space<vmem>>, %arg8: memref<80x128xi32, #tpu.memory_space<vmem>>, %arg9: memref<8x128x64xf32, #tpu.memory_space<vmem>>, %arg10: memref<8x!tpu.dma_semaphore, #tpu.memory_space<semaphore_mem>>, %arg11: memref<8x!tpu.dma_semaphore, #tpu.memory_space<semaphore_mem>>, %arg12: memref<10240x64xf32, #tpu.memory_space<vmem_shared>>) attributes {dimension_semantics = [#tpu.dimension_semantics<core_parallel>, #tpu.dimension_semantics<subcore_parallel>], iteration_bounds = array<i64: 2, 16>, scalar_prefetch = 0 : i64, scratch_operands = 6 : i64, tpu.core_type = #tpu.core_type<sc_vector_subcore>, window_params = [{transform_indices = #map}, {transform_indices = #map}, {transform_indices = #map}, {transform_indices = #map}, {transform_indices = #map1}]} {
    %mul3A = arith.constant 640 : i32
    %mul3A_0 = arith.muli %arg1, %mul3A : i32
    "tpu.region"() ({
      %run_scoped3A = tpu.sem_alloc : memref<!tpu.dma_semaphore, #tpu.memory_space<semaphore_mem>>
      %dma_start3A = arith.constant 0 : i32
      %dma_start3A_157 = tpu.memref_slice %arg12[%mul3A_0, %dma_start3A] : memref<10240x64xf32, #tpu.memory_space<vmem_shared>> -> memref<640x64xf32, #tpu.memory_space<vmem_shared>>
      tpu.enqueue_dma source(%arg5 : memref<640x64xf32, #tpu.memory_space<hbm>>) target(%dma_start3A_157 : memref<640x64xf32, #tpu.memory_space<vmem_shared>>) target_semaphore(%run_scoped3A : memref<!tpu.dma_semaphore, #tpu.memory_space<semaphore_mem>>)
      %dma_wait3A_158 = arith.constant 0 : i32
      %dma_wait3A_159 = tpu.memref_slice %arg12[%mul3A_0, %dma_wait3A_158] : memref<10240x64xf32, #tpu.memory_space<vmem_shared>> -> memref<640x64xf32, #tpu.memory_space<vmem_shared>>
      tpu.wait_dma2 semaphore(%run_scoped3A : memref<!tpu.dma_semaphore, #tpu.memory_space<semaphore_mem>>) src(%arg5 : memref<640x64xf32, #tpu.memory_space<hbm>>) dst(%dma_wait3A_159 : memref<640x64xf32, #tpu.memory_space<vmem_shared>>)
      tpu.yield
    }) : () -> ()
    %mul3A_1 = arith.constant 16 : i32
    %mul3A_2 = arith.muli %arg0, %mul3A_1 : i32
    %add3A = arith.addi %mul3A_2, %arg1 : i32
    %mul3A_3 = arith.constant 80 : i32
    %mul3A_4 = arith.muli %add3A, %mul3A_3 : i32
    "tpu.region"() ({
      %run_scoped3A = tpu.sem_alloc : memref<!tpu.dma_semaphore, #tpu.memory_space<semaphore_mem>>
      %dma_start3A = arith.constant 0 : i32
      %dma_start3A_157 = tpu.memref_slice %arg3[%mul3A_4, %dma_start3A] : memref<2560x128xi32, #tpu.memory_space<hbm>> -> memref<80x128xi32, #tpu.memory_space<hbm>>
      %dma_start3A_158 = arith.constant 0 : i32
      %dma_start3A_159 = tpu.memref_slice %arg3[%mul3A_4, %dma_start3A_158] : memref<2560x128xi32, #tpu.memory_space<hbm>> -> memref<80x128xi32, #tpu.memory_space<hbm>>
      tpu.enqueue_dma source(%dma_start3A_159 : memref<80x128xi32, #tpu.memory_space<hbm>>) target(%arg7 : memref<80x128xi32, #tpu.memory_space<vmem>>) target_semaphore(%run_scoped3A : memref<!tpu.dma_semaphore, #tpu.memory_space<semaphore_mem>>)
      %dma_wait3A_160 = arith.constant 0 : i32
      %dma_wait3A_161 = tpu.memref_slice %arg3[%mul3A_4, %dma_wait3A_160] : memref<2560x128xi32, #tpu.memory_space<hbm>> -> memref<80x128xi32, #tpu.memory_space<hbm>>
      %dma_wait3A_162 = arith.constant 0 : i32
      %dma_wait3A_163 = tpu.memref_slice %arg3[%mul3A_4, %dma_wait3A_162] : memref<2560x128xi32, #tpu.memory_space<hbm>> -> memref<80x128xi32, #tpu.memory_space<hbm>>
      tpu.wait_dma2 semaphore(%run_scoped3A : memref<!tpu.dma_semaphore, #tpu.memory_space<semaphore_mem>>) src(%dma_wait3A_163 : memref<80x128xi32, #tpu.memory_space<hbm>>) dst(%arg7 : memref<80x128xi32, #tpu.memory_space<vmem>>)
      tpu.yield
    }) : () -> ()
    "tpu.region"() ({
      %run_scoped3A = tpu.sem_alloc : memref<!tpu.dma_semaphore, #tpu.memory_space<semaphore_mem>>
      %dma_start3A = arith.constant 0 : i32
      %dma_start3A_157 = tpu.memref_slice %arg4[%mul3A_4, %dma_start3A] : memref<2560x128xi32, #tpu.memory_space<hbm>> -> memref<80x128xi32, #tpu.memory_space<hbm>>
      %dma_start3A_158 = arith.constant 0 : i32
      %dma_start3A_159 = tpu.memref_slice %arg4[%mul3A_4, %dma_start3A_158] : memref<2560x128xi32, #tpu.memory_space<hbm>> -> memref<80x128xi32, #tpu.memory_space<hbm>>
      tpu.enqueue_dma source(%dma_start3A_159 : memref<80x128xi32, #tpu.memory_space<hbm>>) target(%arg8 : memref<80x128xi32, #tpu.memory_space<vmem>>) target_semaphore(%run_scoped3A : memref<!tpu.dma_semaphore, #tpu.memory_space<semaphore_mem>>)
      %dma_wait3A_160 = arith.constant 0 : i32
      %dma_wait3A_161 = tpu.memref_slice %arg4[%mul3A_4, %dma_wait3A_160] : memref<2560x128xi32, #tpu.memory_space<hbm>> -> memref<80x128xi32, #tpu.memory_space<hbm>>
      %dma_wait3A_162 = arith.constant 0 : i32
      %dma_wait3A_163 = tpu.memref_slice %arg4[%mul3A_4, %dma_wait3A_162] : memref<2560x128xi32, #tpu.memory_space<hbm>> -> memref<80x128xi32, #tpu.memory_space<hbm>>
      tpu.wait_dma2 semaphore(%run_scoped3A : memref<!tpu.dma_semaphore, #tpu.memory_space<semaphore_mem>>) src(%dma_wait3A_163 : memref<80x128xi32, #tpu.memory_space<hbm>>) dst(%arg8 : memref<80x128xi32, #tpu.memory_space<vmem>>)
      tpu.yield
    }) : () -> ()
    %barrier3A = arith.constant 0 : index
    tpu.barrier barrier_id(%barrier3A)
    %scan3A = arith.constant 0 : i32
    %scan3A_5 = arith.constant 10 : i32
    %scan3A_6 = arith.addi %scan3A, %scan3A_5 : i32
    %scan3A_7 = arith.constant 1 : i32
    scf.for %scan3A_157 = %scan3A to %scan3A_6 step %scan3A_7  : i32 {
      %mul3A_158 = arith.constant 1 : i32
      %mul3A_159 = arith.muli %scan3A_157, %mul3A_158 : i32
      %add3A_160 = arith.constant 0 : i32
      %add3A_161 = arith.addi %add3A_160, %mul3A_159 : i32
      %gt3A = arith.constant 0 : i32
      %gt3A_162 = arith.cmpi sgt, %add3A_161, %gt3A : i32
      %convert_element_type3A = arith.extui %gt3A_162 : i1 to i32
      %cond3A = arith.constant 0 : i32
      %cond3A_163 = arith.cmpi ne, %convert_element_type3A, %cond3A : i32
      scf.if %cond3A_163 {
        %dma_wait3A_598 = arith.constant 0 : i32
        %dma_wait3A_599 = arith.constant 0 : i32
        %dma_wait3A_600 = arith.constant 0 : i32
        %dma_wait3A_601 = arith.constant 0 : i32
        %dma_wait3A_602 = tpu.memref_slice %arg9[%dma_wait3A_598, %dma_wait3A_600, %dma_wait3A_601] : memref<8x128x64xf32, #tpu.memory_space<vmem>> -> memref<1x128x64xf32, #tpu.memory_space<vmem>>
        %dma_wait3A_603 = tpu.memref_squeeze %dma_wait3A_602 : memref<1x128x64xf32, #tpu.memory_space<vmem>> -> memref<128x64xf32, #tpu.memory_space<vmem>>
        %dma_wait3A_604 = arith.constant 0 : i32
        %dma_wait3A_605 = arith.constant 0 : i32
        %dma_wait3A_606 = tpu.memref_slice %arg5[%dma_wait3A_604, %dma_wait3A_605] : memref<640x64xf32, #tpu.memory_space<hbm>> -> memref<128x64xf32, #tpu.memory_space<hbm>>
        %dma_wait3A_607 = tpu.memref_slice %arg11[%dma_wait3A_599] : memref<8x!tpu.dma_semaphore, #tpu.memory_space<semaphore_mem>> -> memref<1x!tpu.dma_semaphore, #tpu.memory_space<semaphore_mem>>
        %dma_wait3A_608 = tpu.memref_squeeze %dma_wait3A_607 : memref<1x!tpu.dma_semaphore, #tpu.memory_space<semaphore_mem>> -> memref<!tpu.dma_semaphore, #tpu.memory_space<semaphore_mem>>
        %dma_wait3A_609 = arith.constant 0 : i32
        %dma_wait3A_610 = arith.constant 0 : i32
        %dma_wait3A_611 = tpu.memref_slice %arg9[%dma_wait3A_598, %dma_wait3A_609, %dma_wait3A_610] : memref<8x128x64xf32, #tpu.memory_space<vmem>> -> memref<1x128x64xf32, #tpu.memory_space<vmem>>
        %dma_wait3A_612 = tpu.memref_squeeze %dma_wait3A_611 : memref<1x128x64xf32, #tpu.memory_space<vmem>> -> memref<128x64xf32, #tpu.memory_space<vmem>>
        %dma_wait3A_613 = arith.constant 0 : i32
        %dma_wait3A_614 = arith.constant 0 : i32
        %dma_wait3A_615 = tpu.memref_slice %arg5[%dma_wait3A_613, %dma_wait3A_614] : memref<640x64xf32, #tpu.memory_space<hbm>> -> memref<128x64xf32, #tpu.memory_space<hbm>>
        tpu.wait_dma2 semaphore(%dma_wait3A_608 : memref<!tpu.dma_semaphore, #tpu.memory_space<semaphore_mem>>) src(%dma_wait3A_615 : memref<128x64xf32, #tpu.memory_space<hbm>>) dst(%dma_wait3A_612 : memref<128x64xf32, #tpu.memory_space<vmem>>)
      } else {
      }
      %mul3A_164 = arith.constant 8 : i32
      %mul3A_165 = arith.muli %add3A_161, %mul3A_164 : i32
      %add3A_166 = arith.constant 0 : i32
      %add3A_167 = arith.addi %mul3A_165, %add3A_166 : i32
      %dma_start3A = arith.constant 0 : i32
      %dma_start3A_168 = arith.constant 0 : i32
      %dma_start3A_169 = arith.constant 0 : i32
      %dma_start3A_170 = arith.constant 0 : i32
      %dma_start3A_171 = tpu.memref_slice %arg9[%dma_start3A, %dma_start3A_169, %dma_start3A_170] : memref<8x128x64xf32, #tpu.memory_space<vmem>> -> memref<1x128x64xf32, #tpu.memory_space<vmem>>
      %dma_start3A_172 = tpu.memref_squeeze %dma_start3A_171 : memref<1x128x64xf32, #tpu.memory_space<vmem>> -> memref<128x64xf32, #tpu.memory_space<vmem>>
      %dma_start3A_173 = arith.constant 0 : i32
      %dma_start3A_174 = tpu.memref_slice %arg7[%add3A_167, %dma_start3A_173] : memref<80x128xi32, #tpu.memory_space<vmem>> -> memref<1x128xi32, #tpu.memory_space<vmem>>
      %dma_start3A_175 = tpu.memref_squeeze %dma_start3A_174 : memref<1x128xi32, #tpu.memory_space<vmem>> -> memref<128xi32, #tpu.memory_space<vmem>>
      %dma_start3A_176 = arith.constant 0 : i32
      %dma_start3A_177 = arith.constant 0 : i32
      %dma_start3A_178 = tpu.memref_slice %arg2[%dma_start3A_176, %dma_start3A_177] : memref<10000x64xf32, #tpu.memory_space<hbm>> -> memref<10000x64xf32, #tpu.memory_space<hbm>>
      %dma_start3A_179 = tpu.memref_slice %arg10[%dma_start3A_168] : memref<8x!tpu.dma_semaphore, #tpu.memory_space<semaphore_mem>> -> memref<1x!tpu.dma_semaphore, #tpu.memory_space<semaphore_mem>>
      %dma_start3A_180 = tpu.memref_squeeze %dma_start3A_179 : memref<1x!tpu.dma_semaphore, #tpu.memory_space<semaphore_mem>> -> memref<!tpu.dma_semaphore, #tpu.memory_space<semaphore_mem>>
      tpu.enqueue_indirect_dma source(%dma_start3A_178 : memref<10000x64xf32, #tpu.memory_space<hbm>>) target(%dma_start3A_172 : memref<128x64xf32, #tpu.memory_space<vmem>>) offsets(%dma_start3A_175 : memref<128xi32, #tpu.memory_space<vmem>>) semaphore(%dma_start3A_180 : memref<!tpu.dma_semaphore, #tpu.memory_space<semaphore_mem>>)
      %gt3A_181 = arith.constant 0 : i32
      %gt3A_182 = arith.cmpi sgt, %add3A_161, %gt3A_181 : i32
      %convert_element_type3A_183 = arith.extui %gt3A_182 : i1 to i32
      %cond3A_184 = arith.constant 0 : i32
      %cond3A_185 = arith.cmpi ne, %convert_element_type3A_183, %cond3A_184 : i32
      scf.if %cond3A_185 {
        %dma_wait3A_598 = arith.constant 1 : i32
        %dma_wait3A_599 = arith.constant 1 : i32
        %dma_wait3A_600 = arith.constant 0 : i32
        %dma_wait3A_601 = arith.constant 0 : i32
        %dma_wait3A_602 = tpu.memref_slice %arg9[%dma_wait3A_598, %dma_wait3A_600, %dma_wait3A_601] : memref<8x128x64xf32, #tpu.memory_space<vmem>> -> memref<1x128x64xf32, #tpu.memory_space<vmem>>
        %dma_wait3A_603 = tpu.memref_squeeze %dma_wait3A_602 : memref<1x128x64xf32, #tpu.memory_space<vmem>> -> memref<128x64xf32, #tpu.memory_space<vmem>>
        %dma_wait3A_604 = arith.constant 0 : i32
        %dma_wait3A_605 = arith.constant 0 : i32
        %dma_wait3A_606 = tpu.memref_slice %arg5[%dma_wait3A_604, %dma_wait3A_605] : memref<640x64xf32, #tpu.memory_space<hbm>> -> memref<128x64xf32, #tpu.memory_space<hbm>>
        %dma_wait3A_607 = tpu.memref_slice %arg11[%dma_wait3A_599] : memref<8x!tpu.dma_semaphore, #tpu.memory_space<semaphore_mem>> -> memref<1x!tpu.dma_semaphore, #tpu.memory_space<semaphore_mem>>
        %dma_wait3A_608 = tpu.memref_squeeze %dma_wait3A_607 : memref<1x!tpu.dma_semaphore, #tpu.memory_space<semaphore_mem>> -> memref<!tpu.dma_semaphore, #tpu.memory_space<semaphore_mem>>
        %dma_wait3A_609 = arith.constant 0 : i32
        %dma_wait3A_610 = arith.constant 0 : i32
        %dma_wait3A_611 = tpu.memref_slice %arg9[%dma_wait3A_598, %dma_wait3A_609, %dma_wait3A_610] : memref<8x128x64xf32, #tpu.memory_space<vmem>> -> memref<1x128x64xf32, #tpu.memory_space<vmem>>
        %dma_wait3A_612 = tpu.memref_squeeze %dma_wait3A_611 : memref<1x128x64xf32, #tpu.memory_space<vmem>> -> memref<128x64xf32, #tpu.memory_space<vmem>>
        %dma_wait3A_613 = arith.constant 0 : i32
        %dma_wait3A_614 = arith.constant 0 : i32
        %dma_wait3A_615 = tpu.memref_slice %arg5[%dma_wait3A_613, %dma_wait3A_614] : memref<640x64xf32, #tpu.memory_space<hbm>> -> memref<128x64xf32, #tpu.memory_space<hbm>>
        tpu.wait_dma2 semaphore(%dma_wait3A_608 : memref<!tpu.dma_semaphore, #tpu.memory_space<semaphore_mem>>) src(%dma_wait3A_615 : memref<128x64xf32, #tpu.memory_space<hbm>>) dst(%dma_wait3A_612 : memref<128x64xf32, #tpu.memory_space<vmem>>)
      } else {
      }
      %mul3A_186 = arith.constant 8 : i32
      %mul3A_187 = arith.muli %add3A_161, %mul3A_186 : i32
      %add3A_188 = arith.constant 1 : i32
      %add3A_189 = arith.addi %mul3A_187, %add3A_188 : i32
      %dma_start3A_190 = arith.constant 1 : i32
      %dma_start3A_191 = arith.constant 1 : i32
      %dma_start3A_192 = arith.constant 0 : i32
      %dma_start3A_193 = arith.constant 0 : i32
      %dma_start3A_194 = tpu.memref_slice %arg9[%dma_start3A_190, %dma_start3A_192, %dma_start3A_193] : memref<8x128x64xf32, #tpu.memory_space<vmem>> -> memref<1x128x64xf32, #tpu.memory_space<vmem>>
      %dma_start3A_195 = tpu.memref_squeeze %dma_start3A_194 : memref<1x128x64xf32, #tpu.memory_space<vmem>> -> memref<128x64xf32, #tpu.memory_space<vmem>>
      %dma_start3A_196 = arith.constant 0 : i32
      %dma_start3A_197 = tpu.memref_slice %arg7[%add3A_189, %dma_start3A_196] : memref<80x128xi32, #tpu.memory_space<vmem>> -> memref<1x128xi32, #tpu.memory_space<vmem>>
      %dma_start3A_198 = tpu.memref_squeeze %dma_start3A_197 : memref<1x128xi32, #tpu.memory_space<vmem>> -> memref<128xi32, #tpu.memory_space<vmem>>
      %dma_start3A_199 = arith.constant 0 : i32
      %dma_start3A_200 = arith.constant 0 : i32
      %dma_start3A_201 = tpu.memref_slice %arg2[%dma_start3A_199, %dma_start3A_200] : memref<10000x64xf32, #tpu.memory_space<hbm>> -> memref<10000x64xf32, #tpu.memory_space<hbm>>
      %dma_start3A_202 = tpu.memref_slice %arg10[%dma_start3A_191] : memref<8x!tpu.dma_semaphore, #tpu.memory_space<semaphore_mem>> -> memref<1x!tpu.dma_semaphore, #tpu.memory_space<semaphore_mem>>
      %dma_start3A_203 = tpu.memref_squeeze %dma_start3A_202 : memref<1x!tpu.dma_semaphore, #tpu.memory_space<semaphore_mem>> -> memref<!tpu.dma_semaphore, #tpu.memory_space<semaphore_mem>>
      tpu.enqueue_indirect_dma source(%dma_start3A_201 : memref<10000x64xf32, #tpu.memory_space<hbm>>) target(%dma_start3A_195 : memref<128x64xf32, #tpu.memory_space<vmem>>) offsets(%dma_start3A_198 : memref<128xi32, #tpu.memory_space<vmem>>) semaphore(%dma_start3A_203 : memref<!tpu.dma_semaphore, #tpu.memory_space<semaphore_mem>>)
      %gt3A_204 = arith.constant 0 : i32
      %gt3A_205 = arith.cmpi sgt, %add3A_161, %gt3A_204 : i32
      %convert_element_type3A_206 = arith.extui %gt3A_205 : i1 to i32
      %cond3A_207 = arith.constant 0 : i32
      %cond3A_208 = arith.cmpi ne, %convert_element_type3A_206, %cond3A_207 : i32
      scf.if %cond3A_208 {
        %dma_wait3A_598 = arith.constant 2 : i32
        %dma_wait3A_599 = arith.constant 2 : i32
        %dma_wait3A_600 = arith.constant 0 : i32
        %dma_wait3A_601 = arith.constant 0 : i32
        %dma_wait3A_602 = tpu.memref_slice %arg9[%dma_wait3A_598, %dma_wait3A_600, %dma_wait3A_601] : memref<8x128x64xf32, #tpu.memory_space<vmem>> -> memref<1x128x64xf32, #tpu.memory_space<vmem>>
        %dma_wait3A_603 = tpu.memref_squeeze %dma_wait3A_602 : memref<1x128x64xf32, #tpu.memory_space<vmem>> -> memref<128x64xf32, #tpu.memory_space<vmem>>
        %dma_wait3A_604 = arith.constant 0 : i32
        %dma_wait3A_605 = arith.constant 0 : i32
        %dma_wait3A_606 = tpu.memref_slice %arg5[%dma_wait3A_604, %dma_wait3A_605] : memref<640x64xf32, #tpu.memory_space<hbm>> -> memref<128x64xf32, #tpu.memory_space<hbm>>
        %dma_wait3A_607 = tpu.memref_slice %arg11[%dma_wait3A_599] : memref<8x!tpu.dma_semaphore, #tpu.memory_space<semaphore_mem>> -> memref<1x!tpu.dma_semaphore, #tpu.memory_space<semaphore_mem>>
        %dma_wait3A_608 = tpu.memref_squeeze %dma_wait3A_607 : memref<1x!tpu.dma_semaphore, #tpu.memory_space<semaphore_mem>> -> memref<!tpu.dma_semaphore, #tpu.memory_space<semaphore_mem>>
        %dma_wait3A_609 = arith.constant 0 : i32
        %dma_wait3A_610 = arith.constant 0 : i32
        %dma_wait3A_611 = tpu.memref_slice %arg9[%dma_wait3A_598, %dma_wait3A_609, %dma_wait3A_610] : memref<8x128x64xf32, #tpu.memory_space<vmem>> -> memref<1x128x64xf32, #tpu.memory_space<vmem>>
        %dma_wait3A_612 = tpu.memref_squeeze %dma_wait3A_611 : memref<1x128x64xf32, #tpu.memory_space<vmem>> -> memref<128x64xf32, #tpu.memory_space<vmem>>
        %dma_wait3A_613 = arith.constant 0 : i32
        %dma_wait3A_614 = arith.constant 0 : i32
        %dma_wait3A_615 = tpu.memref_slice %arg5[%dma_wait3A_613, %dma_wait3A_614] : memref<640x64xf32, #tpu.memory_space<hbm>> -> memref<128x64xf32, #tpu.memory_space<hbm>>
        tpu.wait_dma2 semaphore(%dma_wait3A_608 : memref<!tpu.dma_semaphore, #tpu.memory_space<semaphore_mem>>) src(%dma_wait3A_615 : memref<128x64xf32, #tpu.memory_space<hbm>>) dst(%dma_wait3A_612 : memref<128x64xf32, #tpu.memory_space<vmem>>)
      } else {
      }
      %mul3A_209 = arith.constant 8 : i32
      %mul3A_210 = arith.muli %add3A_161, %mul3A_209 : i32
      %add3A_211 = arith.constant 2 : i32
      %add3A_212 = arith.addi %mul3A_210, %add3A_211 : i32
      %dma_start3A_213 = arith.constant 2 : i32
      %dma_start3A_214 = arith.constant 2 : i32
      %dma_start3A_215 = arith.constant 0 : i32
      %dma_start3A_216 = arith.constant 0 : i32
      %dma_start3A_217 = tpu.memref_slice %arg9[%dma_start3A_213, %dma_start3A_215, %dma_start3A_216] : memref<8x128x64xf32, #tpu.memory_space<vmem>> -> memref<1x128x64xf32, #tpu.memory_space<vmem>>
      %dma_start3A_218 = tpu.memref_squeeze %dma_start3A_217 : memref<1x128x64xf32, #tpu.memory_space<vmem>> -> memref<128x64xf32, #tpu.memory_space<vmem>>
      %dma_start3A_219 = arith.constant 0 : i32
      %dma_start3A_220 = tpu.memref_slice %arg7[%add3A_212, %dma_start3A_219] : memref<80x128xi32, #tpu.memory_space<vmem>> -> memref<1x128xi32, #tpu.memory_space<vmem>>
      %dma_start3A_221 = tpu.memref_squeeze %dma_start3A_220 : memref<1x128xi32, #tpu.memory_space<vmem>> -> memref<128xi32, #tpu.memory_space<vmem>>
      %dma_start3A_222 = arith.constant 0 : i32
      %dma_start3A_223 = arith.constant 0 : i32
      %dma_start3A_224 = tpu.memref_slice %arg2[%dma_start3A_222, %dma_start3A_223] : memref<10000x64xf32, #tpu.memory_space<hbm>> -> memref<10000x64xf32, #tpu.memory_space<hbm>>
      %dma_start3A_225 = tpu.memref_slice %arg10[%dma_start3A_214] : memref<8x!tpu.dma_semaphore, #tpu.memory_space<semaphore_mem>> -> memref<1x!tpu.dma_semaphore, #tpu.memory_space<semaphore_mem>>
      %dma_start3A_226 = tpu.memref_squeeze %dma_start3A_225 : memref<1x!tpu.dma_semaphore, #tpu.memory_space<semaphore_mem>> -> memref<!tpu.dma_semaphore, #tpu.memory_space<semaphore_mem>>
      tpu.enqueue_indirect_dma source(%dma_start3A_224 : memref<10000x64xf32, #tpu.memory_space<hbm>>) target(%dma_start3A_218 : memref<128x64xf32, #tpu.memory_space<vmem>>) offsets(%dma_start3A_221 : memref<128xi32, #tpu.memory_space<vmem>>) semaphore(%dma_start3A_226 : memref<!tpu.dma_semaphore, #tpu.memory_space<semaphore_mem>>)
      %gt3A_227 = arith.constant 0 : i32
      %gt3A_228 = arith.cmpi sgt, %add3A_161, %gt3A_227 : i32
      %convert_element_type3A_229 = arith.extui %gt3A_228 : i1 to i32
      %cond3A_230 = arith.constant 0 : i32
      %cond3A_231 = arith.cmpi ne, %convert_element_type3A_229, %cond3A_230 : i32
      scf.if %cond3A_231 {
        %dma_wait3A_598 = arith.constant 3 : i32
        %dma_wait3A_599 = arith.constant 3 : i32
        %dma_wait3A_600 = arith.constant 0 : i32
        %dma_wait3A_601 = arith.constant 0 : i32
        %dma_wait3A_602 = tpu.memref_slice %arg9[%dma_wait3A_598, %dma_wait3A_600, %dma_wait3A_601] : memref<8x128x64xf32, #tpu.memory_space<vmem>> -> memref<1x128x64xf32, #tpu.memory_space<vmem>>
        %dma_wait3A_603 = tpu.memref_squeeze %dma_wait3A_602 : memref<1x128x64xf32, #tpu.memory_space<vmem>> -> memref<128x64xf32, #tpu.memory_space<vmem>>
        %dma_wait3A_604 = arith.constant 0 : i32
        %dma_wait3A_605 = arith.constant 0 : i32
        %dma_wait3A_606 = tpu.memref_slice %arg5[%dma_wait3A_604, %dma_wait3A_605] : memref<640x64xf32, #tpu.memory_space<hbm>> -> memref<128x64xf32, #tpu.memory_space<hbm>>
        %dma_wait3A_607 = tpu.memref_slice %arg11[%dma_wait3A_599] : memref<8x!tpu.dma_semaphore, #tpu.memory_space<semaphore_mem>> -> memref<1x!tpu.dma_semaphore, #tpu.memory_space<semaphore_mem>>
        %dma_wait3A_608 = tpu.memref_squeeze %dma_wait3A_607 : memref<1x!tpu.dma_semaphore, #tpu.memory_space<semaphore_mem>> -> memref<!tpu.dma_semaphore, #tpu.memory_space<semaphore_mem>>
        %dma_wait3A_609 = arith.constant 0 : i32
        %dma_wait3A_610 = arith.constant 0 : i32
        %dma_wait3A_611 = tpu.memref_slice %arg9[%dma_wait3A_598, %dma_wait3A_609, %dma_wait3A_610] : memref<8x128x64xf32, #tpu.memory_space<vmem>> -> memref<1x128x64xf32, #tpu.memory_space<vmem>>
        %dma_wait3A_612 = tpu.memref_squeeze %dma_wait3A_611 : memref<1x128x64xf32, #tpu.memory_space<vmem>> -> memref<128x64xf32, #tpu.memory_space<vmem>>
        %dma_wait3A_613 = arith.constant 0 : i32
        %dma_wait3A_614 = arith.constant 0 : i32
        %dma_wait3A_615 = tpu.memref_slice %arg5[%dma_wait3A_613, %dma_wait3A_614] : memref<640x64xf32, #tpu.memory_space<hbm>> -> memref<128x64xf32, #tpu.memory_space<hbm>>
        tpu.wait_dma2 semaphore(%dma_wait3A_608 : memref<!tpu.dma_semaphore, #tpu.memory_space<semaphore_mem>>) src(%dma_wait3A_615 : memref<128x64xf32, #tpu.memory_space<hbm>>) dst(%dma_wait3A_612 : memref<128x64xf32, #tpu.memory_space<vmem>>)
      } else {
      }
      %mul3A_232 = arith.constant 8 : i32
      %mul3A_233 = arith.muli %add3A_161, %mul3A_232 : i32
      %add3A_234 = arith.constant 3 : i32
      %add3A_235 = arith.addi %mul3A_233, %add3A_234 : i32
      %dma_start3A_236 = arith.constant 3 : i32
      %dma_start3A_237 = arith.constant 3 : i32
      %dma_start3A_238 = arith.constant 0 : i32
      %dma_start3A_239 = arith.constant 0 : i32
      %dma_start3A_240 = tpu.memref_slice %arg9[%dma_start3A_236, %dma_start3A_238, %dma_start3A_239] : memref<8x128x64xf32, #tpu.memory_space<vmem>> -> memref<1x128x64xf32, #tpu.memory_space<vmem>>
      %dma_start3A_241 = tpu.memref_squeeze %dma_start3A_240 : memref<1x128x64xf32, #tpu.memory_space<vmem>> -> memref<128x64xf32, #tpu.memory_space<vmem>>
      %dma_start3A_242 = arith.constant 0 : i32
      %dma_start3A_243 = tpu.memref_slice %arg7[%add3A_235, %dma_start3A_242] : memref<80x128xi32, #tpu.memory_space<vmem>> -> memref<1x128xi32, #tpu.memory_space<vmem>>
      %dma_start3A_244 = tpu.memref_squeeze %dma_start3A_243 : memref<1x128xi32, #tpu.memory_space<vmem>> -> memref<128xi32, #tpu.memory_space<vmem>>
      %dma_start3A_245 = arith.constant 0 : i32
      %dma_start3A_246 = arith.constant 0 : i32
      %dma_start3A_247 = tpu.memref_slice %arg2[%dma_start3A_245, %dma_start3A_246] : memref<10000x64xf32, #tpu.memory_space<hbm>> -> memref<10000x64xf32, #tpu.memory_space<hbm>>
      %dma_start3A_248 = tpu.memref_slice %arg10[%dma_start3A_237] : memref<8x!tpu.dma_semaphore, #tpu.memory_space<semaphore_mem>> -> memref<1x!tpu.dma_semaphore, #tpu.memory_space<semaphore_mem>>
      %dma_start3A_249 = tpu.memref_squeeze %dma_start3A_248 : memref<1x!tpu.dma_semaphore, #tpu.memory_space<semaphore_mem>> -> memref<!tpu.dma_semaphore, #tpu.memory_space<semaphore_mem>>
      tpu.enqueue_indirect_dma source(%dma_start3A_247 : memref<10000x64xf32, #tpu.memory_space<hbm>>) target(%dma_start3A_241 : memref<128x64xf32, #tpu.memory_space<vmem>>) offsets(%dma_start3A_244 : memref<128xi32, #tpu.memory_space<vmem>>) semaphore(%dma_start3A_249 : memref<!tpu.dma_semaphore, #tpu.memory_space<semaphore_mem>>)
      %gt3A_250 = arith.constant 0 : i32
      %gt3A_251 = arith.cmpi sgt, %add3A_161, %gt3A_250 : i32
      %convert_element_type3A_252 = arith.extui %gt3A_251 : i1 to i32
      %cond3A_253 = arith.constant 0 : i32
      %cond3A_254 = arith.cmpi ne, %convert_element_type3A_252, %cond3A_253 : i32
      scf.if %cond3A_254 {
        %dma_wait3A_598 = arith.constant 4 : i32
        %dma_wait3A_599 = arith.constant 4 : i32
        %dma_wait3A_600 = arith.constant 0 : i32
        %dma_wait3A_601 = arith.constant 0 : i32
        %dma_wait3A_602 = tpu.memref_slice %arg9[%dma_wait3A_598, %dma_wait3A_600, %dma_wait3A_601] : memref<8x128x64xf32, #tpu.memory_space<vmem>> -> memref<1x128x64xf32, #tpu.memory_space<vmem>>
        %dma_wait3A_603 = tpu.memref_squeeze %dma_wait3A_602 : memref<1x128x64xf32, #tpu.memory_space<vmem>> -> memref<128x64xf32, #tpu.memory_space<vmem>>
        %dma_wait3A_604 = arith.constant 0 : i32
        %dma_wait3A_605 = arith.constant 0 : i32
        %dma_wait3A_606 = tpu.memref_slice %arg5[%dma_wait3A_604, %dma_wait3A_605] : memref<640x64xf32, #tpu.memory_space<hbm>> -> memref<128x64xf32, #tpu.memory_space<hbm>>
        %dma_wait3A_607 = tpu.memref_slice %arg11[%dma_wait3A_599] : memref<8x!tpu.dma_semaphore, #tpu.memory_space<semaphore_mem>> -> memref<1x!tpu.dma_semaphore, #tpu.memory_space<semaphore_mem>>
        %dma_wait3A_608 = tpu.memref_squeeze %dma_wait3A_607 : memref<1x!tpu.dma_semaphore, #tpu.memory_space<semaphore_mem>> -> memref<!tpu.dma_semaphore, #tpu.memory_space<semaphore_mem>>
        %dma_wait3A_609 = arith.constant 0 : i32
        %dma_wait3A_610 = arith.constant 0 : i32
        %dma_wait3A_611 = tpu.memref_slice %arg9[%dma_wait3A_598, %dma_wait3A_609, %dma_wait3A_610] : memref<8x128x64xf32, #tpu.memory_space<vmem>> -> memref<1x128x64xf32, #tpu.memory_space<vmem>>
        %dma_wait3A_612 = tpu.memref_squeeze %dma_wait3A_611 : memref<1x128x64xf32, #tpu.memory_space<vmem>> -> memref<128x64xf32, #tpu.memory_space<vmem>>
        %dma_wait3A_613 = arith.constant 0 : i32
        %dma_wait3A_614 = arith.constant 0 : i32
        %dma_wait3A_615 = tpu.memref_slice %arg5[%dma_wait3A_613, %dma_wait3A_614] : memref<640x64xf32, #tpu.memory_space<hbm>> -> memref<128x64xf32, #tpu.memory_space<hbm>>
        tpu.wait_dma2 semaphore(%dma_wait3A_608 : memref<!tpu.dma_semaphore, #tpu.memory_space<semaphore_mem>>) src(%dma_wait3A_615 : memref<128x64xf32, #tpu.memory_space<hbm>>) dst(%dma_wait3A_612 : memref<128x64xf32, #tpu.memory_space<vmem>>)
      } else {
      }
      %mul3A_255 = arith.constant 8 : i32
      %mul3A_256 = arith.muli %add3A_161, %mul3A_255 : i32
      %add3A_257 = arith.constant 4 : i32
      %add3A_258 = arith.addi %mul3A_256, %add3A_257 : i32
      %dma_start3A_259 = arith.constant 4 : i32
      %dma_start3A_260 = arith.constant 4 : i32
      %dma_start3A_261 = arith.constant 0 : i32
      %dma_start3A_262 = arith.constant 0 : i32
      %dma_start3A_263 = tpu.memref_slice %arg9[%dma_start3A_259, %dma_start3A_261, %dma_start3A_262] : memref<8x128x64xf32, #tpu.memory_space<vmem>> -> memref<1x128x64xf32, #tpu.memory_space<vmem>>
      %dma_start3A_264 = tpu.memref_squeeze %dma_start3A_263 : memref<1x128x64xf32, #tpu.memory_space<vmem>> -> memref<128x64xf32, #tpu.memory_space<vmem>>
      %dma_start3A_265 = arith.constant 0 : i32
      %dma_start3A_266 = tpu.memref_slice %arg7[%add3A_258, %dma_start3A_265] : memref<80x128xi32, #tpu.memory_space<vmem>> -> memref<1x128xi32, #tpu.memory_space<vmem>>
      %dma_start3A_267 = tpu.memref_squeeze %dma_start3A_266 : memref<1x128xi32, #tpu.memory_space<vmem>> -> memref<128xi32, #tpu.memory_space<vmem>>
      %dma_start3A_268 = arith.constant 0 : i32
      %dma_start3A_269 = arith.constant 0 : i32
      %dma_start3A_270 = tpu.memref_slice %arg2[%dma_start3A_268, %dma_start3A_269] : memref<10000x64xf32, #tpu.memory_space<hbm>> -> memref<10000x64xf32, #tpu.memory_space<hbm>>
      %dma_start3A_271 = tpu.memref_slice %arg10[%dma_start3A_260] : memref<8x!tpu.dma_semaphore, #tpu.memory_space<semaphore_mem>> -> memref<1x!tpu.dma_semaphore, #tpu.memory_space<semaphore_mem>>
      %dma_start3A_272 = tpu.memref_squeeze %dma_start3A_271 : memref<1x!tpu.dma_semaphore, #tpu.memory_space<semaphore_mem>> -> memref<!tpu.dma_semaphore, #tpu.memory_space<semaphore_mem>>
      tpu.enqueue_indirect_dma source(%dma_start3A_270 : memref<10000x64xf32, #tpu.memory_space<hbm>>) target(%dma_start3A_264 : memref<128x64xf32, #tpu.memory_space<vmem>>) offsets(%dma_start3A_267 : memref<128xi32, #tpu.memory_space<vmem>>) semaphore(%dma_start3A_272 : memref<!tpu.dma_semaphore, #tpu.memory_space<semaphore_mem>>)
      %gt3A_273 = arith.constant 0 : i32
      %gt3A_274 = arith.cmpi sgt, %add3A_161, %gt3A_273 : i32
      %convert_element_type3A_275 = arith.extui %gt3A_274 : i1 to i32
      %cond3A_276 = arith.constant 0 : i32
      %cond3A_277 = arith.cmpi ne, %convert_element_type3A_275, %cond3A_276 : i32
      scf.if %cond3A_277 {
        %dma_wait3A_598 = arith.constant 5 : i32
        %dma_wait3A_599 = arith.constant 5 : i32
        %dma_wait3A_600 = arith.constant 0 : i32
        %dma_wait3A_601 = arith.constant 0 : i32
        %dma_wait3A_602 = tpu.memref_slice %arg9[%dma_wait3A_598, %dma_wait3A_600, %dma_wait3A_601] : memref<8x128x64xf32, #tpu.memory_space<vmem>> -> memref<1x128x64xf32, #tpu.memory_space<vmem>>
        %dma_wait3A_603 = tpu.memref_squeeze %dma_wait3A_602 : memref<1x128x64xf32, #tpu.memory_space<vmem>> -> memref<128x64xf32, #tpu.memory_space<vmem>>
        %dma_wait3A_604 = arith.constant 0 : i32
        %dma_wait3A_605 = arith.constant 0 : i32
        %dma_wait3A_606 = tpu.memref_slice %arg5[%dma_wait3A_604, %dma_wait3A_605] : memref<640x64xf32, #tpu.memory_space<hbm>> -> memref<128x64xf32, #tpu.memory_space<hbm>>
        %dma_wait3A_607 = tpu.memref_slice %arg11[%dma_wait3A_599] : memref<8x!tpu.dma_semaphore, #tpu.memory_space<semaphore_mem>> -> memref<1x!tpu.dma_semaphore, #tpu.memory_space<semaphore_mem>>
        %dma_wait3A_608 = tpu.memref_squeeze %dma_wait3A_607 : memref<1x!tpu.dma_semaphore, #tpu.memory_space<semaphore_mem>> -> memref<!tpu.dma_semaphore, #tpu.memory_space<semaphore_mem>>
        %dma_wait3A_609 = arith.constant 0 : i32
        %dma_wait3A_610 = arith.constant 0 : i32
        %dma_wait3A_611 = tpu.memref_slice %arg9[%dma_wait3A_598, %dma_wait3A_609, %dma_wait3A_610] : memref<8x128x64xf32, #tpu.memory_space<vmem>> -> memref<1x128x64xf32, #tpu.memory_space<vmem>>
        %dma_wait3A_612 = tpu.memref_squeeze %dma_wait3A_611 : memref<1x128x64xf32, #tpu.memory_space<vmem>> -> memref<128x64xf32, #tpu.memory_space<vmem>>
        %dma_wait3A_613 = arith.constant 0 : i32
        %dma_wait3A_614 = arith.constant 0 : i32
        %dma_wait3A_615 = tpu.memref_slice %arg5[%dma_wait3A_613, %dma_wait3A_614] : memref<640x64xf32, #tpu.memory_space<hbm>> -> memref<128x64xf32, #tpu.memory_space<hbm>>
        tpu.wait_dma2 semaphore(%dma_wait3A_608 : memref<!tpu.dma_semaphore, #tpu.memory_space<semaphore_mem>>) src(%dma_wait3A_615 : memref<128x64xf32, #tpu.memory_space<hbm>>) dst(%dma_wait3A_612 : memref<128x64xf32, #tpu.memory_space<vmem>>)
      } else {
      }
      %mul3A_278 = arith.constant 8 : i32
      %mul3A_279 = arith.muli %add3A_161, %mul3A_278 : i32
      %add3A_280 = arith.constant 5 : i32
      %add3A_281 = arith.addi %mul3A_279, %add3A_280 : i32
      %dma_start3A_282 = arith.constant 5 : i32
      %dma_start3A_283 = arith.constant 5 : i32
      %dma_start3A_284 = arith.constant 0 : i32
      %dma_start3A_285 = arith.constant 0 : i32
      %dma_start3A_286 = tpu.memref_slice %arg9[%dma_start3A_282, %dma_start3A_284, %dma_start3A_285] : memref<8x128x64xf32, #tpu.memory_space<vmem>> -> memref<1x128x64xf32, #tpu.memory_space<vmem>>
      %dma_start3A_287 = tpu.memref_squeeze %dma_start3A_286 : memref<1x128x64xf32, #tpu.memory_space<vmem>> -> memref<128x64xf32, #tpu.memory_space<vmem>>
      %dma_start3A_288 = arith.constant 0 : i32
      %dma_start3A_289 = tpu.memref_slice %arg7[%add3A_281, %dma_start3A_288] : memref<80x128xi32, #tpu.memory_space<vmem>> -> memref<1x128xi32, #tpu.memory_space<vmem>>
      %dma_start3A_290 = tpu.memref_squeeze %dma_start3A_289 : memref<1x128xi32, #tpu.memory_space<vmem>> -> memref<128xi32, #tpu.memory_space<vmem>>
      %dma_start3A_291 = arith.constant 0 : i32
      %dma_start3A_292 = arith.constant 0 : i32
      %dma_start3A_293 = tpu.memref_slice %arg2[%dma_start3A_291, %dma_start3A_292] : memref<10000x64xf32, #tpu.memory_space<hbm>> -> memref<10000x64xf32, #tpu.memory_space<hbm>>
      %dma_start3A_294 = tpu.memref_slice %arg10[%dma_start3A_283] : memref<8x!tpu.dma_semaphore, #tpu.memory_space<semaphore_mem>> -> memref<1x!tpu.dma_semaphore, #tpu.memory_space<semaphore_mem>>
      %dma_start3A_295 = tpu.memref_squeeze %dma_start3A_294 : memref<1x!tpu.dma_semaphore, #tpu.memory_space<semaphore_mem>> -> memref<!tpu.dma_semaphore, #tpu.memory_space<semaphore_mem>>
      tpu.enqueue_indirect_dma source(%dma_start3A_293 : memref<10000x64xf32, #tpu.memory_space<hbm>>) target(%dma_start3A_287 : memref<128x64xf32, #tpu.memory_space<vmem>>) offsets(%dma_start3A_290 : memref<128xi32, #tpu.memory_space<vmem>>) semaphore(%dma_start3A_295 : memref<!tpu.dma_semaphore, #tpu.memory_space<semaphore_mem>>)
      %gt3A_296 = arith.constant 0 : i32
      %gt3A_297 = arith.cmpi sgt, %add3A_161, %gt3A_296 : i32
      %convert_element_type3A_298 = arith.extui %gt3A_297 : i1 to i32
      %cond3A_299 = arith.constant 0 : i32
      %cond3A_300 = arith.cmpi ne, %convert_element_type3A_298, %cond3A_299 : i32
      scf.if %cond3A_300 {
        %dma_wait3A_598 = arith.constant 6 : i32
        %dma_wait3A_599 = arith.constant 6 : i32
        %dma_wait3A_600 = arith.constant 0 : i32
        %dma_wait3A_601 = arith.constant 0 : i32
        %dma_wait3A_602 = tpu.memref_slice %arg9[%dma_wait3A_598, %dma_wait3A_600, %dma_wait3A_601] : memref<8x128x64xf32, #tpu.memory_space<vmem>> -> memref<1x128x64xf32, #tpu.memory_space<vmem>>
        %dma_wait3A_603 = tpu.memref_squeeze %dma_wait3A_602 : memref<1x128x64xf32, #tpu.memory_space<vmem>> -> memref<128x64xf32, #tpu.memory_space<vmem>>
        %dma_wait3A_604 = arith.constant 0 : i32
        %dma_wait3A_605 = arith.constant 0 : i32
        %dma_wait3A_606 = tpu.memref_slice %arg5[%dma_wait3A_604, %dma_wait3A_605] : memref<640x64xf32, #tpu.memory_space<hbm>> -> memref<128x64xf32, #tpu.memory_space<hbm>>
        %dma_wait3A_607 = tpu.memref_slice %arg11[%dma_wait3A_599] : memref<8x!tpu.dma_semaphore, #tpu.memory_space<semaphore_mem>> -> memref<1x!tpu.dma_semaphore, #tpu.memory_space<semaphore_mem>>
        %dma_wait3A_608 = tpu.memref_squeeze %dma_wait3A_607 : memref<1x!tpu.dma_semaphore, #tpu.memory_space<semaphore_mem>> -> memref<!tpu.dma_semaphore, #tpu.memory_space<semaphore_mem>>
        %dma_wait3A_609 = arith.constant 0 : i32
        %dma_wait3A_610 = arith.constant 0 : i32
        %dma_wait3A_611 = tpu.memref_slice %arg9[%dma_wait3A_598, %dma_wait3A_609, %dma_wait3A_610] : memref<8x128x64xf32, #tpu.memory_space<vmem>> -> memref<1x128x64xf32, #tpu.memory_space<vmem>>
        %dma_wait3A_612 = tpu.memref_squeeze %dma_wait3A_611 : memref<1x128x64xf32, #tpu.memory_space<vmem>> -> memref<128x64xf32, #tpu.memory_space<vmem>>
        %dma_wait3A_613 = arith.constant 0 : i32
        %dma_wait3A_614 = arith.constant 0 : i32
        %dma_wait3A_615 = tpu.memref_slice %arg5[%dma_wait3A_613, %dma_wait3A_614] : memref<640x64xf32, #tpu.memory_space<hbm>> -> memref<128x64xf32, #tpu.memory_space<hbm>>
        tpu.wait_dma2 semaphore(%dma_wait3A_608 : memref<!tpu.dma_semaphore, #tpu.memory_space<semaphore_mem>>) src(%dma_wait3A_615 : memref<128x64xf32, #tpu.memory_space<hbm>>) dst(%dma_wait3A_612 : memref<128x64xf32, #tpu.memory_space<vmem>>)
      } else {
      }
      %mul3A_301 = arith.constant 8 : i32
      %mul3A_302 = arith.muli %add3A_161, %mul3A_301 : i32
      %add3A_303 = arith.constant 6 : i32
      %add3A_304 = arith.addi %mul3A_302, %add3A_303 : i32
      %dma_start3A_305 = arith.constant 6 : i32
      %dma_start3A_306 = arith.constant 6 : i32
      %dma_start3A_307 = arith.constant 0 : i32
      %dma_start3A_308 = arith.constant 0 : i32
      %dma_start3A_309 = tpu.memref_slice %arg9[%dma_start3A_305, %dma_start3A_307, %dma_start3A_308] : memref<8x128x64xf32, #tpu.memory_space<vmem>> -> memref<1x128x64xf32, #tpu.memory_space<vmem>>
      %dma_start3A_310 = tpu.memref_squeeze %dma_start3A_309 : memref<1x128x64xf32, #tpu.memory_space<vmem>> -> memref<128x64xf32, #tpu.memory_space<vmem>>
      %dma_start3A_311 = arith.constant 0 : i32
      %dma_start3A_312 = tpu.memref_slice %arg7[%add3A_304, %dma_start3A_311] : memref<80x128xi32, #tpu.memory_space<vmem>> -> memref<1x128xi32, #tpu.memory_space<vmem>>
      %dma_start3A_313 = tpu.memref_squeeze %dma_start3A_312 : memref<1x128xi32, #tpu.memory_space<vmem>> -> memref<128xi32, #tpu.memory_space<vmem>>
      %dma_start3A_314 = arith.constant 0 : i32
      %dma_start3A_315 = arith.constant 0 : i32
      %dma_start3A_316 = tpu.memref_slice %arg2[%dma_start3A_314, %dma_start3A_315] : memref<10000x64xf32, #tpu.memory_space<hbm>> -> memref<10000x64xf32, #tpu.memory_space<hbm>>
      %dma_start3A_317 = tpu.memref_slice %arg10[%dma_start3A_306] : memref<8x!tpu.dma_semaphore, #tpu.memory_space<semaphore_mem>> -> memref<1x!tpu.dma_semaphore, #tpu.memory_space<semaphore_mem>>
      %dma_start3A_318 = tpu.memref_squeeze %dma_start3A_317 : memref<1x!tpu.dma_semaphore, #tpu.memory_space<semaphore_mem>> -> memref<!tpu.dma_semaphore, #tpu.memory_space<semaphore_mem>>
      tpu.enqueue_indirect_dma source(%dma_start3A_316 : memref<10000x64xf32, #tpu.memory_space<hbm>>) target(%dma_start3A_310 : memref<128x64xf32, #tpu.memory_space<vmem>>) offsets(%dma_start3A_313 : memref<128xi32, #tpu.memory_space<vmem>>) semaphore(%dma_start3A_318 : memref<!tpu.dma_semaphore, #tpu.memory_space<semaphore_mem>>)
      %gt3A_319 = arith.constant 0 : i32
      %gt3A_320 = arith.cmpi sgt, %add3A_161, %gt3A_319 : i32
      %convert_element_type3A_321 = arith.extui %gt3A_320 : i1 to i32
      %cond3A_322 = arith.constant 0 : i32
      %cond3A_323 = arith.cmpi ne, %convert_element_type3A_321, %cond3A_322 : i32
      scf.if %cond3A_323 {
        %dma_wait3A_598 = arith.constant 7 : i32
        %dma_wait3A_599 = arith.constant 7 : i32
        %dma_wait3A_600 = arith.constant 0 : i32
        %dma_wait3A_601 = arith.constant 0 : i32
        %dma_wait3A_602 = tpu.memref_slice %arg9[%dma_wait3A_598, %dma_wait3A_600, %dma_wait3A_601] : memref<8x128x64xf32, #tpu.memory_space<vmem>> -> memref<1x128x64xf32, #tpu.memory_space<vmem>>
        %dma_wait3A_603 = tpu.memref_squeeze %dma_wait3A_602 : memref<1x128x64xf32, #tpu.memory_space<vmem>> -> memref<128x64xf32, #tpu.memory_space<vmem>>
        %dma_wait3A_604 = arith.constant 0 : i32
        %dma_wait3A_605 = arith.constant 0 : i32
        %dma_wait3A_606 = tpu.memref_slice %arg5[%dma_wait3A_604, %dma_wait3A_605] : memref<640x64xf32, #tpu.memory_space<hbm>> -> memref<128x64xf32, #tpu.memory_space<hbm>>
        %dma_wait3A_607 = tpu.memref_slice %arg11[%dma_wait3A_599] : memref<8x!tpu.dma_semaphore, #tpu.memory_space<semaphore_mem>> -> memref<1x!tpu.dma_semaphore, #tpu.memory_space<semaphore_mem>>
        %dma_wait3A_608 = tpu.memref_squeeze %dma_wait3A_607 : memref<1x!tpu.dma_semaphore, #tpu.memory_space<semaphore_mem>> -> memref<!tpu.dma_semaphore, #tpu.memory_space<semaphore_mem>>
        %dma_wait3A_609 = arith.constant 0 : i32
        %dma_wait3A_610 = arith.constant 0 : i32
        %dma_wait3A_611 = tpu.memref_slice %arg9[%dma_wait3A_598, %dma_wait3A_609, %dma_wait3A_610] : memref<8x128x64xf32, #tpu.memory_space<vmem>> -> memref<1x128x64xf32, #tpu.memory_space<vmem>>
        %dma_wait3A_612 = tpu.memref_squeeze %dma_wait3A_611 : memref<1x128x64xf32, #tpu.memory_space<vmem>> -> memref<128x64xf32, #tpu.memory_space<vmem>>
        %dma_wait3A_613 = arith.constant 0 : i32
        %dma_wait3A_614 = arith.constant 0 : i32
        %dma_wait3A_615 = tpu.memref_slice %arg5[%dma_wait3A_613, %dma_wait3A_614] : memref<640x64xf32, #tpu.memory_space<hbm>> -> memref<128x64xf32, #tpu.memory_space<hbm>>
        tpu.wait_dma2 semaphore(%dma_wait3A_608 : memref<!tpu.dma_semaphore, #tpu.memory_space<semaphore_mem>>) src(%dma_wait3A_615 : memref<128x64xf32, #tpu.memory_space<hbm>>) dst(%dma_wait3A_612 : memref<128x64xf32, #tpu.memory_space<vmem>>)
      } else {
      }
      %mul3A_324 = arith.constant 8 : i32
      %mul3A_325 = arith.muli %add3A_161, %mul3A_324 : i32
      %add3A_326 = arith.constant 7 : i32
      %add3A_327 = arith.addi %mul3A_325, %add3A_326 : i32
      %dma_start3A_328 = arith.constant 7 : i32
      %dma_start3A_329 = arith.constant 7 : i32
      %dma_start3A_330 = arith.constant 0 : i32
      %dma_start3A_331 = arith.constant 0 : i32
      %dma_start3A_332 = tpu.memref_slice %arg9[%dma_start3A_328, %dma_start3A_330, %dma_start3A_331] : memref<8x128x64xf32, #tpu.memory_space<vmem>> -> memref<1x128x64xf32, #tpu.memory_space<vmem>>
      %dma_start3A_333 = tpu.memref_squeeze %dma_start3A_332 : memref<1x128x64xf32, #tpu.memory_space<vmem>> -> memref<128x64xf32, #tpu.memory_space<vmem>>
      %dma_start3A_334 = arith.constant 0 : i32
      %dma_start3A_335 = tpu.memref_slice %arg7[%add3A_327, %dma_start3A_334] : memref<80x128xi32, #tpu.memory_space<vmem>> -> memref<1x128xi32, #tpu.memory_space<vmem>>
      %dma_start3A_336 = tpu.memref_squeeze %dma_start3A_335 : memref<1x128xi32, #tpu.memory_space<vmem>> -> memref<128xi32, #tpu.memory_space<vmem>>
      %dma_start3A_337 = arith.constant 0 : i32
      %dma_start3A_338 = arith.constant 0 : i32
      %dma_start3A_339 = tpu.memref_slice %arg2[%dma_start3A_337, %dma_start3A_338] : memref<10000x64xf32, #tpu.memory_space<hbm>> -> memref<10000x64xf32, #tpu.memory_space<hbm>>
      %dma_start3A_340 = tpu.memref_slice %arg10[%dma_start3A_329] : memref<8x!tpu.dma_semaphore, #tpu.memory_space<semaphore_mem>> -> memref<1x!tpu.dma_semaphore, #tpu.memory_space<semaphore_mem>>
      %dma_start3A_341 = tpu.memref_squeeze %dma_start3A_340 : memref<1x!tpu.dma_semaphore, #tpu.memory_space<semaphore_mem>> -> memref<!tpu.dma_semaphore, #tpu.memory_space<semaphore_mem>>
      tpu.enqueue_indirect_dma source(%dma_start3A_339 : memref<10000x64xf32, #tpu.memory_space<hbm>>) target(%dma_start3A_333 : memref<128x64xf32, #tpu.memory_space<vmem>>) offsets(%dma_start3A_336 : memref<128xi32, #tpu.memory_space<vmem>>) semaphore(%dma_start3A_341 : memref<!tpu.dma_semaphore, #tpu.memory_space<semaphore_mem>>)
      %dma_wait3A_342 = arith.constant 0 : i32
      %dma_wait3A_343 = arith.constant 0 : i32
      %dma_wait3A_344 = arith.constant 0 : i32
      %dma_wait3A_345 = arith.constant 0 : i32
      %dma_wait3A_346 = tpu.memref_slice %arg9[%dma_wait3A_342, %dma_wait3A_344, %dma_wait3A_345] : memref<8x128x64xf32, #tpu.memory_space<vmem>> -> memref<1x128x64xf32, #tpu.memory_space<vmem>>
      %dma_wait3A_347 = tpu.memref_squeeze %dma_wait3A_346 : memref<1x128x64xf32, #tpu.memory_space<vmem>> -> memref<128x64xf32, #tpu.memory_space<vmem>>
      %dma_wait3A_348 = arith.constant 0 : i32
      %dma_wait3A_349 = tpu.memref_slice %arg7[%add3A_167, %dma_wait3A_348] : memref<80x128xi32, #tpu.memory_space<vmem>> -> memref<1x128xi32, #tpu.memory_space<vmem>>
      %dma_wait3A_350 = tpu.memref_squeeze %dma_wait3A_349 : memref<1x128xi32, #tpu.memory_space<vmem>> -> memref<128xi32, #tpu.memory_space<vmem>>
      %dma_wait3A_351 = arith.constant 0 : i32
      %dma_wait3A_352 = arith.constant 0 : i32
      %dma_wait3A_353 = tpu.memref_slice %arg2[%dma_wait3A_351, %dma_wait3A_352] : memref<10000x64xf32, #tpu.memory_space<hbm>> -> memref<10000x64xf32, #tpu.memory_space<hbm>>
      %dma_wait3A_354 = tpu.memref_slice %arg10[%dma_wait3A_343] : memref<8x!tpu.dma_semaphore, #tpu.memory_space<semaphore_mem>> -> memref<1x!tpu.dma_semaphore, #tpu.memory_space<semaphore_mem>>
      %dma_wait3A_355 = tpu.memref_squeeze %dma_wait3A_354 : memref<1x!tpu.dma_semaphore, #tpu.memory_space<semaphore_mem>> -> memref<!tpu.dma_semaphore, #tpu.memory_space<semaphore_mem>>
      tpu.wait_indirect_dma semaphore(%dma_wait3A_355 : memref<!tpu.dma_semaphore, #tpu.memory_space<semaphore_mem>>) src(%dma_wait3A_353 : memref<10000x64xf32, #tpu.memory_space<hbm>>) dst(%dma_wait3A_347 : memref<128x64xf32, #tpu.memory_space<vmem>>)
      %mul3A_356 = arith.constant 8 : i32
      %mul3A_357 = arith.muli %add3A_161, %mul3A_356 : i32
      %add3A_358 = arith.constant 0 : i32
      %add3A_359 = arith.addi %mul3A_357, %add3A_358 : i32
      %dma_start3A_360 = arith.constant 0 : i32
      %dma_start3A_361 = arith.constant 0 : i32
      %dma_start3A_362 = arith.constant 0 : i32
      %dma_start3A_363 = arith.constant 0 : i32
      %dma_start3A_364 = tpu.memref_slice %arg9[%dma_start3A_360, %dma_start3A_362, %dma_start3A_363] : memref<8x128x64xf32, #tpu.memory_space<vmem>> -> memref<1x128x64xf32, #tpu.memory_space<vmem>>
      %dma_start3A_365 = tpu.memref_squeeze %dma_start3A_364 : memref<1x128x64xf32, #tpu.memory_space<vmem>> -> memref<128x64xf32, #tpu.memory_space<vmem>>
      %dma_start3A_366 = arith.constant 0 : i32
      %dma_start3A_367 = tpu.memref_slice %arg8[%add3A_359, %dma_start3A_366] : memref<80x128xi32, #tpu.memory_space<vmem>> -> memref<1x128xi32, #tpu.memory_space<vmem>>
      %dma_start3A_368 = tpu.memref_squeeze %dma_start3A_367 : memref<1x128xi32, #tpu.memory_space<vmem>> -> memref<128xi32, #tpu.memory_space<vmem>>
      %dma_start3A_369 = arith.constant 0 : i32
      %dma_start3A_370 = arith.constant 0 : i32
      %dma_start3A_371 = tpu.memref_slice %arg12[%dma_start3A_369, %dma_start3A_370] : memref<10240x64xf32, #tpu.memory_space<vmem_shared>> -> memref<10240x64xf32, #tpu.memory_space<vmem_shared>>
      %dma_start3A_372 = tpu.memref_slice %arg11[%dma_start3A_361] : memref<8x!tpu.dma_semaphore, #tpu.memory_space<semaphore_mem>> -> memref<1x!tpu.dma_semaphore, #tpu.memory_space<semaphore_mem>>
      %dma_start3A_373 = tpu.memref_squeeze %dma_start3A_372 : memref<1x!tpu.dma_semaphore, #tpu.memory_space<semaphore_mem>> -> memref<!tpu.dma_semaphore, #tpu.memory_space<semaphore_mem>>
      tpu.enqueue_indirect_dma source(%dma_start3A_365 : memref<128x64xf32, #tpu.memory_space<vmem>>) target(%dma_start3A_371 : memref<10240x64xf32, #tpu.memory_space<vmem_shared>>) offsets(%dma_start3A_368 : memref<128xi32, #tpu.memory_space<vmem>>) semaphore(%dma_start3A_373 : memref<!tpu.dma_semaphore, #tpu.memory_space<semaphore_mem>>) {add = true}
      %dma_wait3A_374 = arith.constant 1 : i32
      %dma_wait3A_375 = arith.constant 1 : i32
      %dma_wait3A_376 = arith.constant 0 : i32
      %dma_wait3A_377 = arith.constant 0 : i32
      %dma_wait3A_378 = tpu.memref_slice %arg9[%dma_wait3A_374, %dma_wait3A_376, %dma_wait3A_377] : memref<8x128x64xf32, #tpu.memory_space<vmem>> -> memref<1x128x64xf32, #tpu.memory_space<vmem>>
      %dma_wait3A_379 = tpu.memref_squeeze %dma_wait3A_378 : memref<1x128x64xf32, #tpu.memory_space<vmem>> -> memref<128x64xf32, #tpu.memory_space<vmem>>
      %dma_wait3A_380 = arith.constant 0 : i32
      %dma_wait3A_381 = tpu.memref_slice %arg7[%add3A_189, %dma_wait3A_380] : memref<80x128xi32, #tpu.memory_space<vmem>> -> memref<1x128xi32, #tpu.memory_space<vmem>>
      %dma_wait3A_382 = tpu.memref_squeeze %dma_wait3A_381 : memref<1x128xi32, #tpu.memory_space<vmem>> -> memref<128xi32, #tpu.memory_space<vmem>>
      %dma_wait3A_383 = arith.constant 0 : i32
      %dma_wait3A_384 = arith.constant 0 : i32
      %dma_wait3A_385 = tpu.memref_slice %arg2[%dma_wait3A_383, %dma_wait3A_384] : memref<10000x64xf32, #tpu.memory_space<hbm>> -> memref<10000x64xf32, #tpu.memory_space<hbm>>
      %dma_wait3A_386 = tpu.memref_slice %arg10[%dma_wait3A_375] : memref<8x!tpu.dma_semaphore, #tpu.memory_space<semaphore_mem>> -> memref<1x!tpu.dma_semaphore, #tpu.memory_space<semaphore_mem>>
      %dma_wait3A_387 = tpu.memref_squeeze %dma_wait3A_386 : memref<1x!tpu.dma_semaphore, #tpu.memory_space<semaphore_mem>> -> memref<!tpu.dma_semaphore, #tpu.memory_space<semaphore_mem>>
      tpu.wait_indirect_dma semaphore(%dma_wait3A_387 : memref<!tpu.dma_semaphore, #tpu.memory_space<semaphore_mem>>) src(%dma_wait3A_385 : memref<10000x64xf32, #tpu.memory_space<hbm>>) dst(%dma_wait3A_379 : memref<128x64xf32, #tpu.memory_space<vmem>>)
      %mul3A_388 = arith.constant 8 : i32
      %mul3A_389 = arith.muli %add3A_161, %mul3A_388 : i32
      %add3A_390 = arith.constant 1 : i32
      %add3A_391 = arith.addi %mul3A_389, %add3A_390 : i32
      %dma_start3A_392 = arith.constant 1 : i32
      %dma_start3A_393 = arith.constant 1 : i32
      %dma_start3A_394 = arith.constant 0 : i32
      %dma_start3A_395 = arith.constant 0 : i32
      %dma_start3A_396 = tpu.memref_slice %arg9[%dma_start3A_392, %dma_start3A_394, %dma_start3A_395] : memref<8x128x64xf32, #tpu.memory_space<vmem>> -> memref<1x128x64xf32, #tpu.memory_space<vmem>>
      %dma_start3A_397 = tpu.memref_squeeze %dma_start3A_396 : memref<1x128x64xf32, #tpu.memory_space<vmem>> -> memref<128x64xf32, #tpu.memory_space<vmem>>
      %dma_start3A_398 = arith.constant 0 : i32
      %dma_start3A_399 = tpu.memref_slice %arg8[%add3A_391, %dma_start3A_398] : memref<80x128xi32, #tpu.memory_space<vmem>> -> memref<1x128xi32, #tpu.memory_space<vmem>>
      %dma_start3A_400 = tpu.memref_squeeze %dma_start3A_399 : memref<1x128xi32, #tpu.memory_space<vmem>> -> memref<128xi32, #tpu.memory_space<vmem>>
      %dma_start3A_401 = arith.constant 0 : i32
      %dma_start3A_402 = arith.constant 0 : i32
      %dma_start3A_403 = tpu.memref_slice %arg12[%dma_start3A_401, %dma_start3A_402] : memref<10240x64xf32, #tpu.memory_space<vmem_shared>> -> memref<10240x64xf32, #tpu.memory_space<vmem_shared>>
      %dma_start3A_404 = tpu.memref_slice %arg11[%dma_start3A_393] : memref<8x!tpu.dma_semaphore, #tpu.memory_space<semaphore_mem>> -> memref<1x!tpu.dma_semaphore, #tpu.memory_space<semaphore_mem>>
      %dma_start3A_405 = tpu.memref_squeeze %dma_start3A_404 : memref<1x!tpu.dma_semaphore, #tpu.memory_space<semaphore_mem>> -> memref<!tpu.dma_semaphore, #tpu.memory_space<semaphore_mem>>
      tpu.enqueue_indirect_dma source(%dma_start3A_397 : memref<128x64xf32, #tpu.memory_space<vmem>>) target(%dma_start3A_403 : memref<10240x64xf32, #tpu.memory_space<vmem_shared>>) offsets(%dma_start3A_400 : memref<128xi32, #tpu.memory_space<vmem>>) semaphore(%dma_start3A_405 : memref<!tpu.dma_semaphore, #tpu.memory_space<semaphore_mem>>) {add = true}
      %dma_wait3A_406 = arith.constant 2 : i32
      %dma_wait3A_407 = arith.constant 2 : i32
      %dma_wait3A_408 = arith.constant 0 : i32
      %dma_wait3A_409 = arith.constant 0 : i32
      %dma_wait3A_410 = tpu.memref_slice %arg9[%dma_wait3A_406, %dma_wait3A_408, %dma_wait3A_409] : memref<8x128x64xf32, #tpu.memory_space<vmem>> -> memref<1x128x64xf32, #tpu.memory_space<vmem>>
      %dma_wait3A_411 = tpu.memref_squeeze %dma_wait3A_410 : memref<1x128x64xf32, #tpu.memory_space<vmem>> -> memref<128x64xf32, #tpu.memory_space<vmem>>
      %dma_wait3A_412 = arith.constant 0 : i32
      %dma_wait3A_413 = tpu.memref_slice %arg7[%add3A_212, %dma_wait3A_412] : memref<80x128xi32, #tpu.memory_space<vmem>> -> memref<1x128xi32, #tpu.memory_space<vmem>>
      %dma_wait3A_414 = tpu.memref_squeeze %dma_wait3A_413 : memref<1x128xi32, #tpu.memory_space<vmem>> -> memref<128xi32, #tpu.memory_space<vmem>>
      %dma_wait3A_415 = arith.constant 0 : i32
      %dma_wait3A_416 = arith.constant 0 : i32
      %dma_wait3A_417 = tpu.memref_slice %arg2[%dma_wait3A_415, %dma_wait3A_416] : memref<10000x64xf32, #tpu.memory_space<hbm>> -> memref<10000x64xf32, #tpu.memory_space<hbm>>
      %dma_wait3A_418 = tpu.memref_slice %arg10[%dma_wait3A_407] : memref<8x!tpu.dma_semaphore, #tpu.memory_space<semaphore_mem>> -> memref<1x!tpu.dma_semaphore, #tpu.memory_space<semaphore_mem>>
      %dma_wait3A_419 = tpu.memref_squeeze %dma_wait3A_418 : memref<1x!tpu.dma_semaphore, #tpu.memory_space<semaphore_mem>> -> memref<!tpu.dma_semaphore, #tpu.memory_space<semaphore_mem>>
      tpu.wait_indirect_dma semaphore(%dma_wait3A_419 : memref<!tpu.dma_semaphore, #tpu.memory_space<semaphore_mem>>) src(%dma_wait3A_417 : memref<10000x64xf32, #tpu.memory_space<hbm>>) dst(%dma_wait3A_411 : memref<128x64xf32, #tpu.memory_space<vmem>>)
      %mul3A_420 = arith.constant 8 : i32
      %mul3A_421 = arith.muli %add3A_161, %mul3A_420 : i32
      %add3A_422 = arith.constant 2 : i32
      %add3A_423 = arith.addi %mul3A_421, %add3A_422 : i32
      %dma_start3A_424 = arith.constant 2 : i32
      %dma_start3A_425 = arith.constant 2 : i32
      %dma_start3A_426 = arith.constant 0 : i32
      %dma_start3A_427 = arith.constant 0 : i32
      %dma_start3A_428 = tpu.memref_slice %arg9[%dma_start3A_424, %dma_start3A_426, %dma_start3A_427] : memref<8x128x64xf32, #tpu.memory_space<vmem>> -> memref<1x128x64xf32, #tpu.memory_space<vmem>>
      %dma_start3A_429 = tpu.memref_squeeze %dma_start3A_428 : memref<1x128x64xf32, #tpu.memory_space<vmem>> -> memref<128x64xf32, #tpu.memory_space<vmem>>
      %dma_start3A_430 = arith.constant 0 : i32
      %dma_start3A_431 = tpu.memref_slice %arg8[%add3A_423, %dma_start3A_430] : memref<80x128xi32, #tpu.memory_space<vmem>> -> memref<1x128xi32, #tpu.memory_space<vmem>>
      %dma_start3A_432 = tpu.memref_squeeze %dma_start3A_431 : memref<1x128xi32, #tpu.memory_space<vmem>> -> memref<128xi32, #tpu.memory_space<vmem>>
      %dma_start3A_433 = arith.constant 0 : i32
      %dma_start3A_434 = arith.constant 0 : i32
      %dma_start3A_435 = tpu.memref_slice %arg12[%dma_start3A_433, %dma_start3A_434] : memref<10240x64xf32, #tpu.memory_space<vmem_shared>> -> memref<10240x64xf32, #tpu.memory_space<vmem_shared>>
      %dma_start3A_436 = tpu.memref_slice %arg11[%dma_start3A_425] : memref<8x!tpu.dma_semaphore, #tpu.memory_space<semaphore_mem>> -> memref<1x!tpu.dma_semaphore, #tpu.memory_space<semaphore_mem>>
      %dma_start3A_437 = tpu.memref_squeeze %dma_start3A_436 : memref<1x!tpu.dma_semaphore, #tpu.memory_space<semaphore_mem>> -> memref<!tpu.dma_semaphore, #tpu.memory_space<semaphore_mem>>
      tpu.enqueue_indirect_dma source(%dma_start3A_429 : memref<128x64xf32, #tpu.memory_space<vmem>>) target(%dma_start3A_435 : memref<10240x64xf32, #tpu.memory_space<vmem_shared>>) offsets(%dma_start3A_432 : memref<128xi32, #tpu.memory_space<vmem>>) semaphore(%dma_start3A_437 : memref<!tpu.dma_semaphore, #tpu.memory_space<semaphore_mem>>) {add = true}
      %dma_wait3A_438 = arith.constant 3 : i32
      %dma_wait3A_439 = arith.constant 3 : i32
      %dma_wait3A_440 = arith.constant 0 : i32
      %dma_wait3A_441 = arith.constant 0 : i32
      %dma_wait3A_442 = tpu.memref_slice %arg9[%dma_wait3A_438, %dma_wait3A_440, %dma_wait3A_441] : memref<8x128x64xf32, #tpu.memory_space<vmem>> -> memref<1x128x64xf32, #tpu.memory_space<vmem>>
      %dma_wait3A_443 = tpu.memref_squeeze %dma_wait3A_442 : memref<1x128x64xf32, #tpu.memory_space<vmem>> -> memref<128x64xf32, #tpu.memory_space<vmem>>
      %dma_wait3A_444 = arith.constant 0 : i32
      %dma_wait3A_445 = tpu.memref_slice %arg7[%add3A_235, %dma_wait3A_444] : memref<80x128xi32, #tpu.memory_space<vmem>> -> memref<1x128xi32, #tpu.memory_space<vmem>>
      %dma_wait3A_446 = tpu.memref_squeeze %dma_wait3A_445 : memref<1x128xi32, #tpu.memory_space<vmem>> -> memref<128xi32, #tpu.memory_space<vmem>>
      %dma_wait3A_447 = arith.constant 0 : i32
      %dma_wait3A_448 = arith.constant 0 : i32
      %dma_wait3A_449 = tpu.memref_slice %arg2[%dma_wait3A_447, %dma_wait3A_448] : memref<10000x64xf32, #tpu.memory_space<hbm>> -> memref<10000x64xf32, #tpu.memory_space<hbm>>
      %dma_wait3A_450 = tpu.memref_slice %arg10[%dma_wait3A_439] : memref<8x!tpu.dma_semaphore, #tpu.memory_space<semaphore_mem>> -> memref<1x!tpu.dma_semaphore, #tpu.memory_space<semaphore_mem>>
      %dma_wait3A_451 = tpu.memref_squeeze %dma_wait3A_450 : memref<1x!tpu.dma_semaphore, #tpu.memory_space<semaphore_mem>> -> memref<!tpu.dma_semaphore, #tpu.memory_space<semaphore_mem>>
      tpu.wait_indirect_dma semaphore(%dma_wait3A_451 : memref<!tpu.dma_semaphore, #tpu.memory_space<semaphore_mem>>) src(%dma_wait3A_449 : memref<10000x64xf32, #tpu.memory_space<hbm>>) dst(%dma_wait3A_443 : memref<128x64xf32, #tpu.memory_space<vmem>>)
      %mul3A_452 = arith.constant 8 : i32
      %mul3A_453 = arith.muli %add3A_161, %mul3A_452 : i32
      %add3A_454 = arith.constant 3 : i32
      %add3A_455 = arith.addi %mul3A_453, %add3A_454 : i32
      %dma_start3A_456 = arith.constant 3 : i32
      %dma_start3A_457 = arith.constant 3 : i32
      %dma_start3A_458 = arith.constant 0 : i32
      %dma_start3A_459 = arith.constant 0 : i32
      %dma_start3A_460 = tpu.memref_slice %arg9[%dma_start3A_456, %dma_start3A_458, %dma_start3A_459] : memref<8x128x64xf32, #tpu.memory_space<vmem>> -> memref<1x128x64xf32, #tpu.memory_space<vmem>>
      %dma_start3A_461 = tpu.memref_squeeze %dma_start3A_460 : memref<1x128x64xf32, #tpu.memory_space<vmem>> -> memref<128x64xf32, #tpu.memory_space<vmem>>
      %dma_start3A_462 = arith.constant 0 : i32
      %dma_start3A_463 = tpu.memref_slice %arg8[%add3A_455, %dma_start3A_462] : memref<80x128xi32, #tpu.memory_space<vmem>> -> memref<1x128xi32, #tpu.memory_space<vmem>>
      %dma_start3A_464 = tpu.memref_squeeze %dma_start3A_463 : memref<1x128xi32, #tpu.memory_space<vmem>> -> memref<128xi32, #tpu.memory_space<vmem>>
      %dma_start3A_465 = arith.constant 0 : i32
      %dma_start3A_466 = arith.constant 0 : i32
      %dma_start3A_467 = tpu.memref_slice %arg12[%dma_start3A_465, %dma_start3A_466] : memref<10240x64xf32, #tpu.memory_space<vmem_shared>> -> memref<10240x64xf32, #tpu.memory_space<vmem_shared>>
      %dma_start3A_468 = tpu.memref_slice %arg11[%dma_start3A_457] : memref<8x!tpu.dma_semaphore, #tpu.memory_space<semaphore_mem>> -> memref<1x!tpu.dma_semaphore, #tpu.memory_space<semaphore_mem>>
      %dma_start3A_469 = tpu.memref_squeeze %dma_start3A_468 : memref<1x!tpu.dma_semaphore, #tpu.memory_space<semaphore_mem>> -> memref<!tpu.dma_semaphore, #tpu.memory_space<semaphore_mem>>
      tpu.enqueue_indirect_dma source(%dma_start3A_461 : memref<128x64xf32, #tpu.memory_space<vmem>>) target(%dma_start3A_467 : memref<10240x64xf32, #tpu.memory_space<vmem_shared>>) offsets(%dma_start3A_464 : memref<128xi32, #tpu.memory_space<vmem>>) semaphore(%dma_start3A_469 : memref<!tpu.dma_semaphore, #tpu.memory_space<semaphore_mem>>) {add = true}
      %dma_wait3A_470 = arith.constant 4 : i32
      %dma_wait3A_471 = arith.constant 4 : i32
      %dma_wait3A_472 = arith.constant 0 : i32
      %dma_wait3A_473 = arith.constant 0 : i32
      %dma_wait3A_474 = tpu.memref_slice %arg9[%dma_wait3A_470, %dma_wait3A_472, %dma_wait3A_473] : memref<8x128x64xf32, #tpu.memory_space<vmem>> -> memref<1x128x64xf32, #tpu.memory_space<vmem>>
      %dma_wait3A_475 = tpu.memref_squeeze %dma_wait3A_474 : memref<1x128x64xf32, #tpu.memory_space<vmem>> -> memref<128x64xf32, #tpu.memory_space<vmem>>
      %dma_wait3A_476 = arith.constant 0 : i32
      %dma_wait3A_477 = tpu.memref_slice %arg7[%add3A_258, %dma_wait3A_476] : memref<80x128xi32, #tpu.memory_space<vmem>> -> memref<1x128xi32, #tpu.memory_space<vmem>>
      %dma_wait3A_478 = tpu.memref_squeeze %dma_wait3A_477 : memref<1x128xi32, #tpu.memory_space<vmem>> -> memref<128xi32, #tpu.memory_space<vmem>>
      %dma_wait3A_479 = arith.constant 0 : i32
      %dma_wait3A_480 = arith.constant 0 : i32
      %dma_wait3A_481 = tpu.memref_slice %arg2[%dma_wait3A_479, %dma_wait3A_480] : memref<10000x64xf32, #tpu.memory_space<hbm>> -> memref<10000x64xf32, #tpu.memory_space<hbm>>
      %dma_wait3A_482 = tpu.memref_slice %arg10[%dma_wait3A_471] : memref<8x!tpu.dma_semaphore, #tpu.memory_space<semaphore_mem>> -> memref<1x!tpu.dma_semaphore, #tpu.memory_space<semaphore_mem>>
      %dma_wait3A_483 = tpu.memref_squeeze %dma_wait3A_482 : memref<1x!tpu.dma_semaphore, #tpu.memory_space<semaphore_mem>> -> memref<!tpu.dma_semaphore, #tpu.memory_space<semaphore_mem>>
      tpu.wait_indirect_dma semaphore(%dma_wait3A_483 : memref<!tpu.dma_semaphore, #tpu.memory_space<semaphore_mem>>) src(%dma_wait3A_481 : memref<10000x64xf32, #tpu.memory_space<hbm>>) dst(%dma_wait3A_475 : memref<128x64xf32, #tpu.memory_space<vmem>>)
      %mul3A_484 = arith.constant 8 : i32
      %mul3A_485 = arith.muli %add3A_161, %mul3A_484 : i32
      %add3A_486 = arith.constant 4 : i32
      %add3A_487 = arith.addi %mul3A_485, %add3A_486 : i32
      %dma_start3A_488 = arith.constant 4 : i32
      %dma_start3A_489 = arith.constant 4 : i32
      %dma_start3A_490 = arith.constant 0 : i32
      %dma_start3A_491 = arith.constant 0 : i32
      %dma_start3A_492 = tpu.memref_slice %arg9[%dma_start3A_488, %dma_start3A_490, %dma_start3A_491] : memref<8x128x64xf32, #tpu.memory_space<vmem>> -> memref<1x128x64xf32, #tpu.memory_space<vmem>>
      %dma_start3A_493 = tpu.memref_squeeze %dma_start3A_492 : memref<1x128x64xf32, #tpu.memory_space<vmem>> -> memref<128x64xf32, #tpu.memory_space<vmem>>
      %dma_start3A_494 = arith.constant 0 : i32
      %dma_start3A_495 = tpu.memref_slice %arg8[%add3A_487, %dma_start3A_494] : memref<80x128xi32, #tpu.memory_space<vmem>> -> memref<1x128xi32, #tpu.memory_space<vmem>>
      %dma_start3A_496 = tpu.memref_squeeze %dma_start3A_495 : memref<1x128xi32, #tpu.memory_space<vmem>> -> memref<128xi32, #tpu.memory_space<vmem>>
      %dma_start3A_497 = arith.constant 0 : i32
      %dma_start3A_498 = arith.constant 0 : i32
      %dma_start3A_499 = tpu.memref_slice %arg12[%dma_start3A_497, %dma_start3A_498] : memref<10240x64xf32, #tpu.memory_space<vmem_shared>> -> memref<10240x64xf32, #tpu.memory_space<vmem_shared>>
      %dma_start3A_500 = tpu.memref_slice %arg11[%dma_start3A_489] : memref<8x!tpu.dma_semaphore, #tpu.memory_space<semaphore_mem>> -> memref<1x!tpu.dma_semaphore, #tpu.memory_space<semaphore_mem>>
      %dma_start3A_501 = tpu.memref_squeeze %dma_start3A_500 : memref<1x!tpu.dma_semaphore, #tpu.memory_space<semaphore_mem>> -> memref<!tpu.dma_semaphore, #tpu.memory_space<semaphore_mem>>
      tpu.enqueue_indirect_dma source(%dma_start3A_493 : memref<128x64xf32, #tpu.memory_space<vmem>>) target(%dma_start3A_499 : memref<10240x64xf32, #tpu.memory_space<vmem_shared>>) offsets(%dma_start3A_496 : memref<128xi32, #tpu.memory_space<vmem>>) semaphore(%dma_start3A_501 : memref<!tpu.dma_semaphore, #tpu.memory_space<semaphore_mem>>) {add = true}
      %dma_wait3A_502 = arith.constant 5 : i32
      %dma_wait3A_503 = arith.constant 5 : i32
      %dma_wait3A_504 = arith.constant 0 : i32
      %dma_wait3A_505 = arith.constant 0 : i32
      %dma_wait3A_506 = tpu.memref_slice %arg9[%dma_wait3A_502, %dma_wait3A_504, %dma_wait3A_505] : memref<8x128x64xf32, #tpu.memory_space<vmem>> -> memref<1x128x64xf32, #tpu.memory_space<vmem>>
      %dma_wait3A_507 = tpu.memref_squeeze %dma_wait3A_506 : memref<1x128x64xf32, #tpu.memory_space<vmem>> -> memref<128x64xf32, #tpu.memory_space<vmem>>
      %dma_wait3A_508 = arith.constant 0 : i32
      %dma_wait3A_509 = tpu.memref_slice %arg7[%add3A_281, %dma_wait3A_508] : memref<80x128xi32, #tpu.memory_space<vmem>> -> memref<1x128xi32, #tpu.memory_space<vmem>>
      %dma_wait3A_510 = tpu.memref_squeeze %dma_wait3A_509 : memref<1x128xi32, #tpu.memory_space<vmem>> -> memref<128xi32, #tpu.memory_space<vmem>>
      %dma_wait3A_511 = arith.constant 0 : i32
      %dma_wait3A_512 = arith.constant 0 : i32
      %dma_wait3A_513 = tpu.memref_slice %arg2[%dma_wait3A_511, %dma_wait3A_512] : memref<10000x64xf32, #tpu.memory_space<hbm>> -> memref<10000x64xf32, #tpu.memory_space<hbm>>
      %dma_wait3A_514 = tpu.memref_slice %arg10[%dma_wait3A_503] : memref<8x!tpu.dma_semaphore, #tpu.memory_space<semaphore_mem>> -> memref<1x!tpu.dma_semaphore, #tpu.memory_space<semaphore_mem>>
      %dma_wait3A_515 = tpu.memref_squeeze %dma_wait3A_514 : memref<1x!tpu.dma_semaphore, #tpu.memory_space<semaphore_mem>> -> memref<!tpu.dma_semaphore, #tpu.memory_space<semaphore_mem>>
      tpu.wait_indirect_dma semaphore(%dma_wait3A_515 : memref<!tpu.dma_semaphore, #tpu.memory_space<semaphore_mem>>) src(%dma_wait3A_513 : memref<10000x64xf32, #tpu.memory_space<hbm>>) dst(%dma_wait3A_507 : memref<128x64xf32, #tpu.memory_space<vmem>>)
      %mul3A_516 = arith.constant 8 : i32
      %mul3A_517 = arith.muli %add3A_161, %mul3A_516 : i32
      %add3A_518 = arith.constant 5 : i32
      %add3A_519 = arith.addi %mul3A_517, %add3A_518 : i32
      %dma_start3A_520 = arith.constant 5 : i32
      %dma_start3A_521 = arith.constant 5 : i32
      %dma_start3A_522 = arith.constant 0 : i32
      %dma_start3A_523 = arith.constant 0 : i32
      %dma_start3A_524 = tpu.memref_slice %arg9[%dma_start3A_520, %dma_start3A_522, %dma_start3A_523] : memref<8x128x64xf32, #tpu.memory_space<vmem>> -> memref<1x128x64xf32, #tpu.memory_space<vmem>>
      %dma_start3A_525 = tpu.memref_squeeze %dma_start3A_524 : memref<1x128x64xf32, #tpu.memory_space<vmem>> -> memref<128x64xf32, #tpu.memory_space<vmem>>
      %dma_start3A_526 = arith.constant 0 : i32
      %dma_start3A_527 = tpu.memref_slice %arg8[%add3A_519, %dma_start3A_526] : memref<80x128xi32, #tpu.memory_space<vmem>> -> memref<1x128xi32, #tpu.memory_space<vmem>>
      %dma_start3A_528 = tpu.memref_squeeze %dma_start3A_527 : memref<1x128xi32, #tpu.memory_space<vmem>> -> memref<128xi32, #tpu.memory_space<vmem>>
      %dma_start3A_529 = arith.constant 0 : i32
      %dma_start3A_530 = arith.constant 0 : i32
      %dma_start3A_531 = tpu.memref_slice %arg12[%dma_start3A_529, %dma_start3A_530] : memref<10240x64xf32, #tpu.memory_space<vmem_shared>> -> memref<10240x64xf32, #tpu.memory_space<vmem_shared>>
      %dma_start3A_532 = tpu.memref_slice %arg11[%dma_start3A_521] : memref<8x!tpu.dma_semaphore, #tpu.memory_space<semaphore_mem>> -> memref<1x!tpu.dma_semaphore, #tpu.memory_space<semaphore_mem>>
      %dma_start3A_533 = tpu.memref_squeeze %dma_start3A_532 : memref<1x!tpu.dma_semaphore, #tpu.memory_space<semaphore_mem>> -> memref<!tpu.dma_semaphore, #tpu.memory_space<semaphore_mem>>
      tpu.enqueue_indirect_dma source(%dma_start3A_525 : memref<128x64xf32, #tpu.memory_space<vmem>>) target(%dma_start3A_531 : memref<10240x64xf32, #tpu.memory_space<vmem_shared>>) offsets(%dma_start3A_528 : memref<128xi32, #tpu.memory_space<vmem>>) semaphore(%dma_start3A_533 : memref<!tpu.dma_semaphore, #tpu.memory_space<semaphore_mem>>) {add = true}
      %dma_wait3A_534 = arith.constant 6 : i32
      %dma_wait3A_535 = arith.constant 6 : i32
      %dma_wait3A_536 = arith.constant 0 : i32
      %dma_wait3A_537 = arith.constant 0 : i32
      %dma_wait3A_538 = tpu.memref_slice %arg9[%dma_wait3A_534, %dma_wait3A_536, %dma_wait3A_537] : memref<8x128x64xf32, #tpu.memory_space<vmem>> -> memref<1x128x64xf32, #tpu.memory_space<vmem>>
      %dma_wait3A_539 = tpu.memref_squeeze %dma_wait3A_538 : memref<1x128x64xf32, #tpu.memory_space<vmem>> -> memref<128x64xf32, #tpu.memory_space<vmem>>
      %dma_wait3A_540 = arith.constant 0 : i32
      %dma_wait3A_541 = tpu.memref_slice %arg7[%add3A_304, %dma_wait3A_540] : memref<80x128xi32, #tpu.memory_space<vmem>> -> memref<1x128xi32, #tpu.memory_space<vmem>>
      %dma_wait3A_542 = tpu.memref_squeeze %dma_wait3A_541 : memref<1x128xi32, #tpu.memory_space<vmem>> -> memref<128xi32, #tpu.memory_space<vmem>>
      %dma_wait3A_543 = arith.constant 0 : i32
      %dma_wait3A_544 = arith.constant 0 : i32
      %dma_wait3A_545 = tpu.memref_slice %arg2[%dma_wait3A_543, %dma_wait3A_544] : memref<10000x64xf32, #tpu.memory_space<hbm>> -> memref<10000x64xf32, #tpu.memory_space<hbm>>
      %dma_wait3A_546 = tpu.memref_slice %arg10[%dma_wait3A_535] : memref<8x!tpu.dma_semaphore, #tpu.memory_space<semaphore_mem>> -> memref<1x!tpu.dma_semaphore, #tpu.memory_space<semaphore_mem>>
      %dma_wait3A_547 = tpu.memref_squeeze %dma_wait3A_546 : memref<1x!tpu.dma_semaphore, #tpu.memory_space<semaphore_mem>> -> memref<!tpu.dma_semaphore, #tpu.memory_space<semaphore_mem>>
      tpu.wait_indirect_dma semaphore(%dma_wait3A_547 : memref<!tpu.dma_semaphore, #tpu.memory_space<semaphore_mem>>) src(%dma_wait3A_545 : memref<10000x64xf32, #tpu.memory_space<hbm>>) dst(%dma_wait3A_539 : memref<128x64xf32, #tpu.memory_space<vmem>>)
      %mul3A_548 = arith.constant 8 : i32
      %mul3A_549 = arith.muli %add3A_161, %mul3A_548 : i32
      %add3A_550 = arith.constant 6 : i32
      %add3A_551 = arith.addi %mul3A_549, %add3A_550 : i32
      %dma_start3A_552 = arith.constant 6 : i32
      %dma_start3A_553 = arith.constant 6 : i32
      %dma_start3A_554 = arith.constant 0 : i32
      %dma_start3A_555 = arith.constant 0 : i32
      %dma_start3A_556 = tpu.memref_slice %arg9[%dma_start3A_552, %dma_start3A_554, %dma_start3A_555] : memref<8x128x64xf32, #tpu.memory_space<vmem>> -> memref<1x128x64xf32, #tpu.memory_space<vmem>>
      %dma_start3A_557 = tpu.memref_squeeze %dma_start3A_556 : memref<1x128x64xf32, #tpu.memory_space<vmem>> -> memref<128x64xf32, #tpu.memory_space<vmem>>
      %dma_start3A_558 = arith.constant 0 : i32
      %dma_start3A_559 = tpu.memref_slice %arg8[%add3A_551, %dma_start3A_558] : memref<80x128xi32, #tpu.memory_space<vmem>> -> memref<1x128xi32, #tpu.memory_space<vmem>>
      %dma_start3A_560 = tpu.memref_squeeze %dma_start3A_559 : memref<1x128xi32, #tpu.memory_space<vmem>> -> memref<128xi32, #tpu.memory_space<vmem>>
      %dma_start3A_561 = arith.constant 0 : i32
      %dma_start3A_562 = arith.constant 0 : i32
      %dma_start3A_563 = tpu.memref_slice %arg12[%dma_start3A_561, %dma_start3A_562] : memref<10240x64xf32, #tpu.memory_space<vmem_shared>> -> memref<10240x64xf32, #tpu.memory_space<vmem_shared>>
      %dma_start3A_564 = tpu.memref_slice %arg11[%dma_start3A_553] : memref<8x!tpu.dma_semaphore, #tpu.memory_space<semaphore_mem>> -> memref<1x!tpu.dma_semaphore, #tpu.memory_space<semaphore_mem>>
      %dma_start3A_565 = tpu.memref_squeeze %dma_start3A_564 : memref<1x!tpu.dma_semaphore, #tpu.memory_space<semaphore_mem>> -> memref<!tpu.dma_semaphore, #tpu.memory_space<semaphore_mem>>
      tpu.enqueue_indirect_dma source(%dma_start3A_557 : memref<128x64xf32, #tpu.memory_space<vmem>>) target(%dma_start3A_563 : memref<10240x64xf32, #tpu.memory_space<vmem_shared>>) offsets(%dma_start3A_560 : memref<128xi32, #tpu.memory_space<vmem>>) semaphore(%dma_start3A_565 : memref<!tpu.dma_semaphore, #tpu.memory_space<semaphore_mem>>) {add = true}
      %dma_wait3A_566 = arith.constant 7 : i32
      %dma_wait3A_567 = arith.constant 7 : i32
      %dma_wait3A_568 = arith.constant 0 : i32
      %dma_wait3A_569 = arith.constant 0 : i32
      %dma_wait3A_570 = tpu.memref_slice %arg9[%dma_wait3A_566, %dma_wait3A_568, %dma_wait3A_569] : memref<8x128x64xf32, #tpu.memory_space<vmem>> -> memref<1x128x64xf32, #tpu.memory_space<vmem>>
      %dma_wait3A_571 = tpu.memref_squeeze %dma_wait3A_570 : memref<1x128x64xf32, #tpu.memory_space<vmem>> -> memref<128x64xf32, #tpu.memory_space<vmem>>
      %dma_wait3A_572 = arith.constant 0 : i32
      %dma_wait3A_573 = tpu.memref_slice %arg7[%add3A_327, %dma_wait3A_572] : memref<80x128xi32, #tpu.memory_space<vmem>> -> memref<1x128xi32, #tpu.memory_space<vmem>>
      %dma_wait3A_574 = tpu.memref_squeeze %dma_wait3A_573 : memref<1x128xi32, #tpu.memory_space<vmem>> -> memref<128xi32, #tpu.memory_space<vmem>>
      %dma_wait3A_575 = arith.constant 0 : i32
      %dma_wait3A_576 = arith.constant 0 : i32
      %dma_wait3A_577 = tpu.memref_slice %arg2[%dma_wait3A_575, %dma_wait3A_576] : memref<10000x64xf32, #tpu.memory_space<hbm>> -> memref<10000x64xf32, #tpu.memory_space<hbm>>
      %dma_wait3A_578 = tpu.memref_slice %arg10[%dma_wait3A_567] : memref<8x!tpu.dma_semaphore, #tpu.memory_space<semaphore_mem>> -> memref<1x!tpu.dma_semaphore, #tpu.memory_space<semaphore_mem>>
      %dma_wait3A_579 = tpu.memref_squeeze %dma_wait3A_578 : memref<1x!tpu.dma_semaphore, #tpu.memory_space<semaphore_mem>> -> memref<!tpu.dma_semaphore, #tpu.memory_space<semaphore_mem>>
      tpu.wait_indirect_dma semaphore(%dma_wait3A_579 : memref<!tpu.dma_semaphore, #tpu.memory_space<semaphore_mem>>) src(%dma_wait3A_577 : memref<10000x64xf32, #tpu.memory_space<hbm>>) dst(%dma_wait3A_571 : memref<128x64xf32, #tpu.memory_space<vmem>>)
      %mul3A_580 = arith.constant 8 : i32
      %mul3A_581 = arith.muli %add3A_161, %mul3A_580 : i32
      %add3A_582 = arith.constant 7 : i32
      %add3A_583 = arith.addi %mul3A_581, %add3A_582 : i32
      %dma_start3A_584 = arith.constant 7 : i32
      %dma_start3A_585 = arith.constant 7 : i32
      %dma_start3A_586 = arith.constant 0 : i32
      %dma_start3A_587 = arith.constant 0 : i32
      %dma_start3A_588 = tpu.memref_slice %arg9[%dma_start3A_584, %dma_start3A_586, %dma_start3A_587] : memref<8x128x64xf32, #tpu.memory_space<vmem>> -> memref<1x128x64xf32, #tpu.memory_space<vmem>>
      %dma_start3A_589 = tpu.memref_squeeze %dma_start3A_588 : memref<1x128x64xf32, #tpu.memory_space<vmem>> -> memref<128x64xf32, #tpu.memory_space<vmem>>
      %dma_start3A_590 = arith.constant 0 : i32
      %dma_start3A_591 = tpu.memref_slice %arg8[%add3A_583, %dma_start3A_590] : memref<80x128xi32, #tpu.memory_space<vmem>> -> memref<1x128xi32, #tpu.memory_space<vmem>>
      %dma_start3A_592 = tpu.memref_squeeze %dma_start3A_591 : memref<1x128xi32, #tpu.memory_space<vmem>> -> memref<128xi32, #tpu.memory_space<vmem>>
      %dma_start3A_593 = arith.constant 0 : i32
      %dma_start3A_594 = arith.constant 0 : i32
      %dma_start3A_595 = tpu.memref_slice %arg12[%dma_start3A_593, %dma_start3A_594] : memref<10240x64xf32, #tpu.memory_space<vmem_shared>> -> memref<10240x64xf32, #tpu.memory_space<vmem_shared>>
      %dma_start3A_596 = tpu.memref_slice %arg11[%dma_start3A_585] : memref<8x!tpu.dma_semaphore, #tpu.memory_space<semaphore_mem>> -> memref<1x!tpu.dma_semaphore, #tpu.memory_space<semaphore_mem>>
      %dma_start3A_597 = tpu.memref_squeeze %dma_start3A_596 : memref<1x!tpu.dma_semaphore, #tpu.memory_space<semaphore_mem>> -> memref<!tpu.dma_semaphore, #tpu.memory_space<semaphore_mem>>
      tpu.enqueue_indirect_dma source(%dma_start3A_589 : memref<128x64xf32, #tpu.memory_space<vmem>>) target(%dma_start3A_595 : memref<10240x64xf32, #tpu.memory_space<vmem_shared>>) offsets(%dma_start3A_592 : memref<128xi32, #tpu.memory_space<vmem>>) semaphore(%dma_start3A_597 : memref<!tpu.dma_semaphore, #tpu.memory_space<semaphore_mem>>) {add = true}
    }
    %scan3A_8 = arith.constant 10 : i32
    %dma_wait3A = arith.constant 0 : i32
    %dma_wait3A_9 = arith.constant 0 : i32
    %dma_wait3A_10 = arith.constant 0 : i32
    %dma_wait3A_11 = arith.constant 0 : i32
    %dma_wait3A_12 = tpu.memref_slice %arg9[%dma_wait3A, %dma_wait3A_10, %dma_wait3A_11] : memref<8x128x64xf32, #tpu.memory_space<vmem>> -> memref<1x128x64xf32, #tpu.memory_space<vmem>>
    %dma_wait3A_13 = tpu.memref_squeeze %dma_wait3A_12 : memref<1x128x64xf32, #tpu.memory_space<vmem>> -> memref<128x64xf32, #tpu.memory_space<vmem>>
    %dma_wait3A_14 = arith.constant 0 : i32
    %dma_wait3A_15 = arith.constant 0 : i32
    %dma_wait3A_16 = tpu.memref_slice %arg5[%dma_wait3A_14, %dma_wait3A_15] : memref<640x64xf32, #tpu.memory_space<hbm>> -> memref<128x64xf32, #tpu.memory_space<hbm>>
    %dma_wait3A_17 = tpu.memref_slice %arg11[%dma_wait3A_9] : memref<8x!tpu.dma_semaphore, #tpu.memory_space<semaphore_mem>> -> memref<1x!tpu.dma_semaphore, #tpu.memory_space<semaphore_mem>>
    %dma_wait3A_18 = tpu.memref_squeeze %dma_wait3A_17 : memref<1x!tpu.dma_semaphore, #tpu.memory_space<semaphore_mem>> -> memref<!tpu.dma_semaphore, #tpu.memory_space<semaphore_mem>>
    %dma_wait3A_19 = arith.constant 0 : i32
    %dma_wait3A_20 = arith.constant 0 : i32
    %dma_wait3A_21 = tpu.memref_slice %arg9[%dma_wait3A, %dma_wait3A_19, %dma_wait3A_20] : memref<8x128x64xf32, #tpu.memory_space<vmem>> -> memref<1x128x64xf32, #tpu.memory_space<vmem>>
    %dma_wait3A_22 = tpu.memref_squeeze %dma_wait3A_21 : memref<1x128x64xf32, #tpu.memory_space<vmem>> -> memref<128x64xf32, #tpu.memory_space<vmem>>
    %dma_wait3A_23 = arith.constant 0 : i32
    %dma_wait3A_24 = arith.constant 0 : i32
    %dma_wait3A_25 = tpu.memref_slice %arg5[%dma_wait3A_23, %dma_wait3A_24] : memref<640x64xf32, #tpu.memory_space<hbm>> -> memref<128x64xf32, #tpu.memory_space<hbm>>
    tpu.wait_dma2 semaphore(%dma_wait3A_18 : memref<!tpu.dma_semaphore, #tpu.memory_space<semaphore_mem>>) src(%dma_wait3A_25 : memref<128x64xf32, #tpu.memory_space<hbm>>) dst(%dma_wait3A_22 : memref<128x64xf32, #tpu.memory_space<vmem>>)
    %dma_wait3A_26 = arith.constant 1 : i32
    %dma_wait3A_27 = arith.constant 1 : i32
    %dma_wait3A_28 = arith.constant 0 : i32
    %dma_wait3A_29 = arith.constant 0 : i32
    %dma_wait3A_30 = tpu.memref_slice %arg9[%dma_wait3A_26, %dma_wait3A_28, %dma_wait3A_29] : memref<8x128x64xf32, #tpu.memory_space<vmem>> -> memref<1x128x64xf32, #tpu.memory_space<vmem>>
    %dma_wait3A_31 = tpu.memref_squeeze %dma_wait3A_30 : memref<1x128x64xf32, #tpu.memory_space<vmem>> -> memref<128x64xf32, #tpu.memory_space<vmem>>
    %dma_wait3A_32 = arith.constant 0 : i32
    %dma_wait3A_33 = arith.constant 0 : i32
    %dma_wait3A_34 = tpu.memref_slice %arg5[%dma_wait3A_32, %dma_wait3A_33] : memref<640x64xf32, #tpu.memory_space<hbm>> -> memref<128x64xf32, #tpu.memory_space<hbm>>
    %dma_wait3A_35 = tpu.memref_slice %arg11[%dma_wait3A_27] : memref<8x!tpu.dma_semaphore, #tpu.memory_space<semaphore_mem>> -> memref<1x!tpu.dma_semaphore, #tpu.memory_space<semaphore_mem>>
    %dma_wait3A_36 = tpu.memref_squeeze %dma_wait3A_35 : memref<1x!tpu.dma_semaphore, #tpu.memory_space<semaphore_mem>> -> memref<!tpu.dma_semaphore, #tpu.memory_space<semaphore_mem>>
    %dma_wait3A_37 = arith.constant 0 : i32
    %dma_wait3A_38 = arith.constant 0 : i32
    %dma_wait3A_39 = tpu.memref_slice %arg9[%dma_wait3A_26, %dma_wait3A_37, %dma_wait3A_38] : memref<8x128x64xf32, #tpu.memory_space<vmem>> -> memref<1x128x64xf32, #tpu.memory_space<vmem>>
    %dma_wait3A_40 = tpu.memref_squeeze %dma_wait3A_39 : memref<1x128x64xf32, #tpu.memory_space<vmem>> -> memref<128x64xf32, #tpu.memory_space<vmem>>
    %dma_wait3A_41 = arith.constant 0 : i32
    %dma_wait3A_42 = arith.constant 0 : i32
    %dma_wait3A_43 = tpu.memref_slice %arg5[%dma_wait3A_41, %dma_wait3A_42] : memref<640x64xf32, #tpu.memory_space<hbm>> -> memref<128x64xf32, #tpu.memory_space<hbm>>
    tpu.wait_dma2 semaphore(%dma_wait3A_36 : memref<!tpu.dma_semaphore, #tpu.memory_space<semaphore_mem>>) src(%dma_wait3A_43 : memref<128x64xf32, #tpu.memory_space<hbm>>) dst(%dma_wait3A_40 : memref<128x64xf32, #tpu.memory_space<vmem>>)
    %dma_wait3A_44 = arith.constant 2 : i32
    %dma_wait3A_45 = arith.constant 2 : i32
    %dma_wait3A_46 = arith.constant 0 : i32
    %dma_wait3A_47 = arith.constant 0 : i32
    %dma_wait3A_48 = tpu.memref_slice %arg9[%dma_wait3A_44, %dma_wait3A_46, %dma_wait3A_47] : memref<8x128x64xf32, #tpu.memory_space<vmem>> -> memref<1x128x64xf32, #tpu.memory_space<vmem>>
    %dma_wait3A_49 = tpu.memref_squeeze %dma_wait3A_48 : memref<1x128x64xf32, #tpu.memory_space<vmem>> -> memref<128x64xf32, #tpu.memory_space<vmem>>
    %dma_wait3A_50 = arith.constant 0 : i32
    %dma_wait3A_51 = arith.constant 0 : i32
    %dma_wait3A_52 = tpu.memref_slice %arg5[%dma_wait3A_50, %dma_wait3A_51] : memref<640x64xf32, #tpu.memory_space<hbm>> -> memref<128x64xf32, #tpu.memory_space<hbm>>
    %dma_wait3A_53 = tpu.memref_slice %arg11[%dma_wait3A_45] : memref<8x!tpu.dma_semaphore, #tpu.memory_space<semaphore_mem>> -> memref<1x!tpu.dma_semaphore, #tpu.memory_space<semaphore_mem>>
    %dma_wait3A_54 = tpu.memref_squeeze %dma_wait3A_53 : memref<1x!tpu.dma_semaphore, #tpu.memory_space<semaphore_mem>> -> memref<!tpu.dma_semaphore, #tpu.memory_space<semaphore_mem>>
    %dma_wait3A_55 = arith.constant 0 : i32
    %dma_wait3A_56 = arith.constant 0 : i32
    %dma_wait3A_57 = tpu.memref_slice %arg9[%dma_wait3A_44, %dma_wait3A_55, %dma_wait3A_56] : memref<8x128x64xf32, #tpu.memory_space<vmem>> -> memref<1x128x64xf32, #tpu.memory_space<vmem>>
    %dma_wait3A_58 = tpu.memref_squeeze %dma_wait3A_57 : memref<1x128x64xf32, #tpu.memory_space<vmem>> -> memref<128x64xf32, #tpu.memory_space<vmem>>
    %dma_wait3A_59 = arith.constant 0 : i32
    %dma_wait3A_60 = arith.constant 0 : i32
    %dma_wait3A_61 = tpu.memref_slice %arg5[%dma_wait3A_59, %dma_wait3A_60] : memref<640x64xf32, #tpu.memory_space<hbm>> -> memref<128x64xf32, #tpu.memory_space<hbm>>
    tpu.wait_dma2 semaphore(%dma_wait3A_54 : memref<!tpu.dma_semaphore, #tpu.memory_space<semaphore_mem>>) src(%dma_wait3A_61 : memref<128x64xf32, #tpu.memory_space<hbm>>) dst(%dma_wait3A_58 : memref<128x64xf32, #tpu.memory_space<vmem>>)
    %dma_wait3A_62 = arith.constant 3 : i32
    %dma_wait3A_63 = arith.constant 3 : i32
    %dma_wait3A_64 = arith.constant 0 : i32
    %dma_wait3A_65 = arith.constant 0 : i32
    %dma_wait3A_66 = tpu.memref_slice %arg9[%dma_wait3A_62, %dma_wait3A_64, %dma_wait3A_65] : memref<8x128x64xf32, #tpu.memory_space<vmem>> -> memref<1x128x64xf32, #tpu.memory_space<vmem>>
    %dma_wait3A_67 = tpu.memref_squeeze %dma_wait3A_66 : memref<1x128x64xf32, #tpu.memory_space<vmem>> -> memref<128x64xf32, #tpu.memory_space<vmem>>
    %dma_wait3A_68 = arith.constant 0 : i32
    %dma_wait3A_69 = arith.constant 0 : i32
    %dma_wait3A_70 = tpu.memref_slice %arg5[%dma_wait3A_68, %dma_wait3A_69] : memref<640x64xf32, #tpu.memory_space<hbm>> -> memref<128x64xf32, #tpu.memory_space<hbm>>
    %dma_wait3A_71 = tpu.memref_slice %arg11[%dma_wait3A_63] : memref<8x!tpu.dma_semaphore, #tpu.memory_space<semaphore_mem>> -> memref<1x!tpu.dma_semaphore, #tpu.memory_space<semaphore_mem>>
    %dma_wait3A_72 = tpu.memref_squeeze %dma_wait3A_71 : memref<1x!tpu.dma_semaphore, #tpu.memory_space<semaphore_mem>> -> memref<!tpu.dma_semaphore, #tpu.memory_space<semaphore_mem>>
    %dma_wait3A_73 = arith.constant 0 : i32
    %dma_wait3A_74 = arith.constant 0 : i32
    %dma_wait3A_75 = tpu.memref_slice %arg9[%dma_wait3A_62, %dma_wait3A_73, %dma_wait3A_74] : memref<8x128x64xf32, #tpu.memory_space<vmem>> -> memref<1x128x64xf32, #tpu.memory_space<vmem>>
    %dma_wait3A_76 = tpu.memref_squeeze %dma_wait3A_75 : memref<1x128x64xf32, #tpu.memory_space<vmem>> -> memref<128x64xf32, #tpu.memory_space<vmem>>
    %dma_wait3A_77 = arith.constant 0 : i32
    %dma_wait3A_78 = arith.constant 0 : i32
    %dma_wait3A_79 = tpu.memref_slice %arg5[%dma_wait3A_77, %dma_wait3A_78] : memref<640x64xf32, #tpu.memory_space<hbm>> -> memref<128x64xf32, #tpu.memory_space<hbm>>
    tpu.wait_dma2 semaphore(%dma_wait3A_72 : memref<!tpu.dma_semaphore, #tpu.memory_space<semaphore_mem>>) src(%dma_wait3A_79 : memref<128x64xf32, #tpu.memory_space<hbm>>) dst(%dma_wait3A_76 : memref<128x64xf32, #tpu.memory_space<vmem>>)
    %dma_wait3A_80 = arith.constant 4 : i32
    %dma_wait3A_81 = arith.constant 4 : i32
    %dma_wait3A_82 = arith.constant 0 : i32
    %dma_wait3A_83 = arith.constant 0 : i32
    %dma_wait3A_84 = tpu.memref_slice %arg9[%dma_wait3A_80, %dma_wait3A_82, %dma_wait3A_83] : memref<8x128x64xf32, #tpu.memory_space<vmem>> -> memref<1x128x64xf32, #tpu.memory_space<vmem>>
    %dma_wait3A_85 = tpu.memref_squeeze %dma_wait3A_84 : memref<1x128x64xf32, #tpu.memory_space<vmem>> -> memref<128x64xf32, #tpu.memory_space<vmem>>
    %dma_wait3A_86 = arith.constant 0 : i32
    %dma_wait3A_87 = arith.constant 0 : i32
    %dma_wait3A_88 = tpu.memref_slice %arg5[%dma_wait3A_86, %dma_wait3A_87] : memref<640x64xf32, #tpu.memory_space<hbm>> -> memref<128x64xf32, #tpu.memory_space<hbm>>
    %dma_wait3A_89 = tpu.memref_slice %arg11[%dma_wait3A_81] : memref<8x!tpu.dma_semaphore, #tpu.memory_space<semaphore_mem>> -> memref<1x!tpu.dma_semaphore, #tpu.memory_space<semaphore_mem>>
    %dma_wait3A_90 = tpu.memref_squeeze %dma_wait3A_89 : memref<1x!tpu.dma_semaphore, #tpu.memory_space<semaphore_mem>> -> memref<!tpu.dma_semaphore, #tpu.memory_space<semaphore_mem>>
    %dma_wait3A_91 = arith.constant 0 : i32
    %dma_wait3A_92 = arith.constant 0 : i32
    %dma_wait3A_93 = tpu.memref_slice %arg9[%dma_wait3A_80, %dma_wait3A_91, %dma_wait3A_92] : memref<8x128x64xf32, #tpu.memory_space<vmem>> -> memref<1x128x64xf32, #tpu.memory_space<vmem>>
    %dma_wait3A_94 = tpu.memref_squeeze %dma_wait3A_93 : memref<1x128x64xf32, #tpu.memory_space<vmem>> -> memref<128x64xf32, #tpu.memory_space<vmem>>
    %dma_wait3A_95 = arith.constant 0 : i32
    %dma_wait3A_96 = arith.constant 0 : i32
    %dma_wait3A_97 = tpu.memref_slice %arg5[%dma_wait3A_95, %dma_wait3A_96] : memref<640x64xf32, #tpu.memory_space<hbm>> -> memref<128x64xf32, #tpu.memory_space<hbm>>
    tpu.wait_dma2 semaphore(%dma_wait3A_90 : memref<!tpu.dma_semaphore, #tpu.memory_space<semaphore_mem>>) src(%dma_wait3A_97 : memref<128x64xf32, #tpu.memory_space<hbm>>) dst(%dma_wait3A_94 : memref<128x64xf32, #tpu.memory_space<vmem>>)
    %dma_wait3A_98 = arith.constant 5 : i32
    %dma_wait3A_99 = arith.constant 5 : i32
    %dma_wait3A_100 = arith.constant 0 : i32
    %dma_wait3A_101 = arith.constant 0 : i32
    %dma_wait3A_102 = tpu.memref_slice %arg9[%dma_wait3A_98, %dma_wait3A_100, %dma_wait3A_101] : memref<8x128x64xf32, #tpu.memory_space<vmem>> -> memref<1x128x64xf32, #tpu.memory_space<vmem>>
    %dma_wait3A_103 = tpu.memref_squeeze %dma_wait3A_102 : memref<1x128x64xf32, #tpu.memory_space<vmem>> -> memref<128x64xf32, #tpu.memory_space<vmem>>
    %dma_wait3A_104 = arith.constant 0 : i32
    %dma_wait3A_105 = arith.constant 0 : i32
    %dma_wait3A_106 = tpu.memref_slice %arg5[%dma_wait3A_104, %dma_wait3A_105] : memref<640x64xf32, #tpu.memory_space<hbm>> -> memref<128x64xf32, #tpu.memory_space<hbm>>
    %dma_wait3A_107 = tpu.memref_slice %arg11[%dma_wait3A_99] : memref<8x!tpu.dma_semaphore, #tpu.memory_space<semaphore_mem>> -> memref<1x!tpu.dma_semaphore, #tpu.memory_space<semaphore_mem>>
    %dma_wait3A_108 = tpu.memref_squeeze %dma_wait3A_107 : memref<1x!tpu.dma_semaphore, #tpu.memory_space<semaphore_mem>> -> memref<!tpu.dma_semaphore, #tpu.memory_space<semaphore_mem>>
    %dma_wait3A_109 = arith.constant 0 : i32
    %dma_wait3A_110 = arith.constant 0 : i32
    %dma_wait3A_111 = tpu.memref_slice %arg9[%dma_wait3A_98, %dma_wait3A_109, %dma_wait3A_110] : memref<8x128x64xf32, #tpu.memory_space<vmem>> -> memref<1x128x64xf32, #tpu.memory_space<vmem>>
    %dma_wait3A_112 = tpu.memref_squeeze %dma_wait3A_111 : memref<1x128x64xf32, #tpu.memory_space<vmem>> -> memref<128x64xf32, #tpu.memory_space<vmem>>
    %dma_wait3A_113 = arith.constant 0 : i32
    %dma_wait3A_114 = arith.constant 0 : i32
    %dma_wait3A_115 = tpu.memref_slice %arg5[%dma_wait3A_113, %dma_wait3A_114] : memref<640x64xf32, #tpu.memory_space<hbm>> -> memref<128x64xf32, #tpu.memory_space<hbm>>
    tpu.wait_dma2 semaphore(%dma_wait3A_108 : memref<!tpu.dma_semaphore, #tpu.memory_space<semaphore_mem>>) src(%dma_wait3A_115 : memref<128x64xf32, #tpu.memory_space<hbm>>) dst(%dma_wait3A_112 : memref<128x64xf32, #tpu.memory_space<vmem>>)
    %dma_wait3A_116 = arith.constant 6 : i32
    %dma_wait3A_117 = arith.constant 6 : i32
    %dma_wait3A_118 = arith.constant 0 : i32
    %dma_wait3A_119 = arith.constant 0 : i32
    %dma_wait3A_120 = tpu.memref_slice %arg9[%dma_wait3A_116, %dma_wait3A_118, %dma_wait3A_119] : memref<8x128x64xf32, #tpu.memory_space<vmem>> -> memref<1x128x64xf32, #tpu.memory_space<vmem>>
    %dma_wait3A_121 = tpu.memref_squeeze %dma_wait3A_120 : memref<1x128x64xf32, #tpu.memory_space<vmem>> -> memref<128x64xf32, #tpu.memory_space<vmem>>
    %dma_wait3A_122 = arith.constant 0 : i32
    %dma_wait3A_123 = arith.constant 0 : i32
    %dma_wait3A_124 = tpu.memref_slice %arg5[%dma_wait3A_122, %dma_wait3A_123] : memref<640x64xf32, #tpu.memory_space<hbm>> -> memref<128x64xf32, #tpu.memory_space<hbm>>
    %dma_wait3A_125 = tpu.memref_slice %arg11[%dma_wait3A_117] : memref<8x!tpu.dma_semaphore, #tpu.memory_space<semaphore_mem>> -> memref<1x!tpu.dma_semaphore, #tpu.memory_space<semaphore_mem>>
    %dma_wait3A_126 = tpu.memref_squeeze %dma_wait3A_125 : memref<1x!tpu.dma_semaphore, #tpu.memory_space<semaphore_mem>> -> memref<!tpu.dma_semaphore, #tpu.memory_space<semaphore_mem>>
    %dma_wait3A_127 = arith.constant 0 : i32
    %dma_wait3A_128 = arith.constant 0 : i32
    %dma_wait3A_129 = tpu.memref_slice %arg9[%dma_wait3A_116, %dma_wait3A_127, %dma_wait3A_128] : memref<8x128x64xf32, #tpu.memory_space<vmem>> -> memref<1x128x64xf32, #tpu.memory_space<vmem>>
    %dma_wait3A_130 = tpu.memref_squeeze %dma_wait3A_129 : memref<1x128x64xf32, #tpu.memory_space<vmem>> -> memref<128x64xf32, #tpu.memory_space<vmem>>
    %dma_wait3A_131 = arith.constant 0 : i32
    %dma_wait3A_132 = arith.constant 0 : i32
    %dma_wait3A_133 = tpu.memref_slice %arg5[%dma_wait3A_131, %dma_wait3A_132] : memref<640x64xf32, #tpu.memory_space<hbm>> -> memref<128x64xf32, #tpu.memory_space<hbm>>
    tpu.wait_dma2 semaphore(%dma_wait3A_126 : memref<!tpu.dma_semaphore, #tpu.memory_space<semaphore_mem>>) src(%dma_wait3A_133 : memref<128x64xf32, #tpu.memory_space<hbm>>) dst(%dma_wait3A_130 : memref<128x64xf32, #tpu.memory_space<vmem>>)
    %dma_wait3A_134 = arith.constant 7 : i32
    %dma_wait3A_135 = arith.constant 7 : i32
    %dma_wait3A_136 = arith.constant 0 : i32
    %dma_wait3A_137 = arith.constant 0 : i32
    %dma_wait3A_138 = tpu.memref_slice %arg9[%dma_wait3A_134, %dma_wait3A_136, %dma_wait3A_137] : memref<8x128x64xf32, #tpu.memory_space<vmem>> -> memref<1x128x64xf32, #tpu.memory_space<vmem>>
    %dma_wait3A_139 = tpu.memref_squeeze %dma_wait3A_138 : memref<1x128x64xf32, #tpu.memory_space<vmem>> -> memref<128x64xf32, #tpu.memory_space<vmem>>
    %dma_wait3A_140 = arith.constant 0 : i32
    %dma_wait3A_141 = arith.constant 0 : i32
    %dma_wait3A_142 = tpu.memref_slice %arg5[%dma_wait3A_140, %dma_wait3A_141] : memref<640x64xf32, #tpu.memory_space<hbm>> -> memref<128x64xf32, #tpu.memory_space<hbm>>
    %dma_wait3A_143 = tpu.memref_slice %arg11[%dma_wait3A_135] : memref<8x!tpu.dma_semaphore, #tpu.memory_space<semaphore_mem>> -> memref<1x!tpu.dma_semaphore, #tpu.memory_space<semaphore_mem>>
    %dma_wait3A_144 = tpu.memref_squeeze %dma_wait3A_143 : memref<1x!tpu.dma_semaphore, #tpu.memory_space<semaphore_mem>> -> memref<!tpu.dma_semaphore, #tpu.memory_space<semaphore_mem>>
    %dma_wait3A_145 = arith.constant 0 : i32
    %dma_wait3A_146 = arith.constant 0 : i32
    %dma_wait3A_147 = tpu.memref_slice %arg9[%dma_wait3A_134, %dma_wait3A_145, %dma_wait3A_146] : memref<8x128x64xf32, #tpu.memory_space<vmem>> -> memref<1x128x64xf32, #tpu.memory_space<vmem>>
    %dma_wait3A_148 = tpu.memref_squeeze %dma_wait3A_147 : memref<1x128x64xf32, #tpu.memory_space<vmem>> -> memref<128x64xf32, #tpu.memory_space<vmem>>
    %dma_wait3A_149 = arith.constant 0 : i32
    %dma_wait3A_150 = arith.constant 0 : i32
    %dma_wait3A_151 = tpu.memref_slice %arg5[%dma_wait3A_149, %dma_wait3A_150] : memref<640x64xf32, #tpu.memory_space<hbm>> -> memref<128x64xf32, #tpu.memory_space<hbm>>
    tpu.wait_dma2 semaphore(%dma_wait3A_144 : memref<!tpu.dma_semaphore, #tpu.memory_space<semaphore_mem>>) src(%dma_wait3A_151 : memref<128x64xf32, #tpu.memory_space<hbm>>) dst(%dma_wait3A_148 : memref<128x64xf32, #tpu.memory_space<vmem>>)
    %barrier3A_152 = arith.constant 0 : index
    tpu.barrier barrier_id(%barrier3A_152)
    %mul3A_153 = arith.constant 640 : i32
    %mul3A_154 = arith.muli %arg1, %mul3A_153 : i32
    %mul3A_155 = arith.constant 640 : i32
    %mul3A_156 = arith.muli %arg1, %mul3A_155 : i32
    "tpu.region"() ({
      %run_scoped3A = tpu.sem_alloc : memref<!tpu.dma_semaphore, #tpu.memory_space<semaphore_mem>>
      %dma_start3A = arith.constant 0 : i32
      %dma_start3A_157 = tpu.memref_slice %arg6[%arg0, %mul3A_156, %dma_start3A] : memref<2x10240x128xf32, #tpu.memory_space<hbm>> -> memref<1x640x64xf32, #tpu.memory_space<hbm>>
      %dma_start3A_158 = tpu.memref_squeeze %dma_start3A_157 : memref<1x640x64xf32, #tpu.memory_space<hbm>> -> memref<640x64xf32, #tpu.memory_space<hbm>>
      %dma_start3A_159 = arith.constant 0 : i32
      %dma_start3A_160 = tpu.memref_slice %arg12[%mul3A_154, %dma_start3A_159] : memref<10240x64xf32, #tpu.memory_space<vmem_shared>> -> memref<640x64xf32, #tpu.memory_space<vmem_shared>>
      tpu.enqueue_dma source(%dma_start3A_160 : memref<640x64xf32, #tpu.memory_space<vmem_shared>>) target(%dma_start3A_158 : memref<640x64xf32, #tpu.memory_space<hbm>>) target_semaphore(%run_scoped3A : memref<!tpu.dma_semaphore, #tpu.memory_space<semaphore_mem>>)
      %dma_wait3A_161 = arith.constant 0 : i32
      %dma_wait3A_162 = tpu.memref_slice %arg6[%arg0, %mul3A_156, %dma_wait3A_161] : memref<2x10240x128xf32, #tpu.memory_space<hbm>> -> memref<1x640x64xf32, #tpu.memory_space<hbm>>
      %dma_wait3A_163 = tpu.memref_squeeze %dma_wait3A_162 : memref<1x640x64xf32, #tpu.memory_space<hbm>> -> memref<640x64xf32, #tpu.memory_space<hbm>>
      %dma_wait3A_164 = arith.constant 0 : i32
      %dma_wait3A_165 = tpu.memref_slice %arg12[%mul3A_154, %dma_wait3A_164] : memref<10240x64xf32, #tpu.memory_space<vmem_shared>> -> memref<640x64xf32, #tpu.memory_space<vmem_shared>>
      tpu.wait_dma2 semaphore(%run_scoped3A : memref<!tpu.dma_semaphore, #tpu.memory_space<semaphore_mem>>) src(%dma_wait3A_165 : memref<640x64xf32, #tpu.memory_space<vmem_shared>>) dst(%dma_wait3A_163 : memref<640x64xf32, #tpu.memory_space<hbm>>)
      tpu.yield
    }) : () -> ()
    return
  }
}

#map = affine_map<(d0, d1) -> (0, 0)>
#map1 = affine_map<(d0, d1) -> (0, 0, 0)>
module attributes {stable_mosaic.version = 14 : i64} {
  func.func @_sc_agg_body(%arg0: i32, %arg1: i32, %arg2: memref<10000x64xf32, #tpu.memory_space<hbm>>, %arg3: memref<2560x128xi32, #tpu.memory_space<hbm>>, %arg4: memref<2560x128xi32, #tpu.memory_space<hbm>>, %arg5: memref<640x64xf32, #tpu.memory_space<hbm>>, %arg6: memref<2x10240x128xf32, #tpu.memory_space<hbm>>, %arg7: memref<80x128xi32, #tpu.memory_space<vmem>>, %arg8: memref<80x128xi32, #tpu.memory_space<vmem>>, %arg9: memref<8x128x64xf32, #tpu.memory_space<vmem>>, %arg10: memref<8x!tpu.dma_semaphore, #tpu.memory_space<semaphore_mem>>, %arg11: memref<8x!tpu.dma_semaphore, #tpu.memory_space<semaphore_mem>>, %arg12: memref<10240x64xf32, #tpu.memory_space<vmem_shared>>) attributes {dimension_semantics = [#tpu.dimension_semantics<core_parallel>, #tpu.dimension_semantics<subcore_parallel>], iteration_bounds = array<i64: 2, 16>, scalar_prefetch = 0 : i64, scratch_operands = 6 : i64, tpu.core_type = #tpu.core_type<sc_vector_subcore>, window_params = [{transform_indices = #map}, {transform_indices = #map}, {transform_indices = #map}, {transform_indices = #map}, {transform_indices = #map1}]} {
    %mul3A = arith.constant 640 : i32
    %mul3A_0 = arith.muli %arg1, %mul3A : i32
    "tpu.region"() ({
      %run_scoped3A = tpu.sem_alloc : memref<!tpu.dma_semaphore, #tpu.memory_space<semaphore_mem>>
      %dma_start3A = arith.constant 0 : i32
      %dma_start3A_157 = tpu.memref_slice %arg12[%mul3A_0, %dma_start3A] : memref<10240x64xf32, #tpu.memory_space<vmem_shared>> -> memref<640x64xf32, #tpu.memory_space<vmem_shared>>
      tpu.enqueue_dma source(%arg5 : memref<640x64xf32, #tpu.memory_space<hbm>>) target(%dma_start3A_157 : memref<640x64xf32, #tpu.memory_space<vmem_shared>>) target_semaphore(%run_scoped3A : memref<!tpu.dma_semaphore, #tpu.memory_space<semaphore_mem>>)
      %dma_wait3A_158 = arith.constant 0 : i32
      %dma_wait3A_159 = tpu.memref_slice %arg12[%mul3A_0, %dma_wait3A_158] : memref<10240x64xf32, #tpu.memory_space<vmem_shared>> -> memref<640x64xf32, #tpu.memory_space<vmem_shared>>
      tpu.wait_dma2 semaphore(%run_scoped3A : memref<!tpu.dma_semaphore, #tpu.memory_space<semaphore_mem>>) src(%arg5 : memref<640x64xf32, #tpu.memory_space<hbm>>) dst(%dma_wait3A_159 : memref<640x64xf32, #tpu.memory_space<vmem_shared>>)
      tpu.yield
    }) : () -> ()
    %mul3A_1 = arith.constant 16 : i32
    %mul3A_2 = arith.muli %arg0, %mul3A_1 : i32
    %add3A = arith.addi %mul3A_2, %arg1 : i32
    %mul3A_3 = arith.constant 80 : i32
    %mul3A_4 = arith.muli %add3A, %mul3A_3 : i32
    "tpu.region"() ({
      %run_scoped3A = tpu.sem_alloc : memref<!tpu.dma_semaphore, #tpu.memory_space<semaphore_mem>>
      %dma_start3A = arith.constant 0 : i32
      %dma_start3A_157 = tpu.memref_slice %arg3[%mul3A_4, %dma_start3A] : memref<2560x128xi32, #tpu.memory_space<hbm>> -> memref<80x128xi32, #tpu.memory_space<hbm>>
      %dma_start3A_158 = arith.constant 0 : i32
      %dma_start3A_159 = tpu.memref_slice %arg3[%mul3A_4, %dma_start3A_158] : memref<2560x128xi32, #tpu.memory_space<hbm>> -> memref<80x128xi32, #tpu.memory_space<hbm>>
      tpu.enqueue_dma source(%dma_start3A_159 : memref<80x128xi32, #tpu.memory_space<hbm>>) target(%arg7 : memref<80x128xi32, #tpu.memory_space<vmem>>) target_semaphore(%run_scoped3A : memref<!tpu.dma_semaphore, #tpu.memory_space<semaphore_mem>>)
      %dma_wait3A_160 = arith.constant 0 : i32
      %dma_wait3A_161 = tpu.memref_slice %arg3[%mul3A_4, %dma_wait3A_160] : memref<2560x128xi32, #tpu.memory_space<hbm>> -> memref<80x128xi32, #tpu.memory_space<hbm>>
      %dma_wait3A_162 = arith.constant 0 : i32
      %dma_wait3A_163 = tpu.memref_slice %arg3[%mul3A_4, %dma_wait3A_162] : memref<2560x128xi32, #tpu.memory_space<hbm>> -> memref<80x128xi32, #tpu.memory_space<hbm>>
      tpu.wait_dma2 semaphore(%run_scoped3A : memref<!tpu.dma_semaphore, #tpu.memory_space<semaphore_mem>>) src(%dma_wait3A_163 : memref<80x128xi32, #tpu.memory_space<hbm>>) dst(%arg7 : memref<80x128xi32, #tpu.memory_space<vmem>>)
      tpu.yield
    }) : () -> ()
    "tpu.region"() ({
      %run_scoped3A = tpu.sem_alloc : memref<!tpu.dma_semaphore, #tpu.memory_space<semaphore_mem>>
      %dma_start3A = arith.constant 0 : i32
      %dma_start3A_157 = tpu.memref_slice %arg4[%mul3A_4, %dma_start3A] : memref<2560x128xi32, #tpu.memory_space<hbm>> -> memref<80x128xi32, #tpu.memory_space<hbm>>
      %dma_start3A_158 = arith.constant 0 : i32
      %dma_start3A_159 = tpu.memref_slice %arg4[%mul3A_4, %dma_start3A_158] : memref<2560x128xi32, #tpu.memory_space<hbm>> -> memref<80x128xi32, #tpu.memory_space<hbm>>
      tpu.enqueue_dma source(%dma_start3A_159 : memref<80x128xi32, #tpu.memory_space<hbm>>) target(%arg8 : memref<80x128xi32, #tpu.memory_space<vmem>>) target_semaphore(%run_scoped3A : memref<!tpu.dma_semaphore, #tpu.memory_space<semaphore_mem>>)
      %dma_wait3A_160 = arith.constant 0 : i32
      %dma_wait3A_161 = tpu.memref_slice %arg4[%mul3A_4, %dma_wait3A_160] : memref<2560x128xi32, #tpu.memory_space<hbm>> -> memref<80x128xi32, #tpu.memory_space<hbm>>
      %dma_wait3A_162 = arith.constant 0 : i32
      %dma_wait3A_163 = tpu.memref_slice %arg4[%mul3A_4, %dma_wait3A_162] : memref<2560x128xi32, #tpu.memory_space<hbm>> -> memref<80x128xi32, #tpu.memory_space<hbm>>
      tpu.wait_dma2 semaphore(%run_scoped3A : memref<!tpu.dma_semaphore, #tpu.memory_space<semaphore_mem>>) src(%dma_wait3A_163 : memref<80x128xi32, #tpu.memory_space<hbm>>) dst(%arg8 : memref<80x128xi32, #tpu.memory_space<vmem>>)
      tpu.yield
    }) : () -> ()
    %barrier3A = arith.constant 0 : index
    tpu.barrier barrier_id(%barrier3A)
    %scan3A = arith.constant 0 : i32
    %scan3A_5 = arith.constant 10 : i32
    %scan3A_6 = arith.addi %scan3A, %scan3A_5 : i32
    %scan3A_7 = arith.constant 1 : i32
    scf.for %scan3A_157 = %scan3A to %scan3A_6 step %scan3A_7  : i32 {
      %mul3A_158 = arith.constant 1 : i32
      %mul3A_159 = arith.muli %scan3A_157, %mul3A_158 : i32
      %add3A_160 = arith.constant 0 : i32
      %add3A_161 = arith.addi %add3A_160, %mul3A_159 : i32
      %gt3A = arith.constant 0 : i32
      %gt3A_162 = arith.cmpi sgt, %add3A_161, %gt3A : i32
      %convert_element_type3A = arith.extui %gt3A_162 : i1 to i32
      %cond3A = arith.constant 0 : i32
      %cond3A_163 = arith.cmpi ne, %convert_element_type3A, %cond3A : i32
      scf.if %cond3A_163 {
        %dma_wait3A_598 = arith.constant 0 : i32
        %dma_wait3A_599 = arith.constant 0 : i32
        %dma_wait3A_600 = arith.constant 0 : i32
        %dma_wait3A_601 = arith.constant 0 : i32
        %dma_wait3A_602 = tpu.memref_slice %arg9[%dma_wait3A_598, %dma_wait3A_600, %dma_wait3A_601] : memref<8x128x64xf32, #tpu.memory_space<vmem>> -> memref<1x128x64xf32, #tpu.memory_space<vmem>>
        %dma_wait3A_603 = tpu.memref_squeeze %dma_wait3A_602 : memref<1x128x64xf32, #tpu.memory_space<vmem>> -> memref<128x64xf32, #tpu.memory_space<vmem>>
        %dma_wait3A_604 = arith.constant 0 : i32
        %dma_wait3A_605 = arith.constant 0 : i32
        %dma_wait3A_606 = tpu.memref_slice %arg5[%dma_wait3A_604, %dma_wait3A_605] : memref<640x64xf32, #tpu.memory_space<hbm>> -> memref<128x64xf32, #tpu.memory_space<hbm>>
        %dma_wait3A_607 = tpu.memref_slice %arg11[%dma_wait3A_599] : memref<8x!tpu.dma_semaphore, #tpu.memory_space<semaphore_mem>> -> memref<1x!tpu.dma_semaphore, #tpu.memory_space<semaphore_mem>>
        %dma_wait3A_608 = tpu.memref_squeeze %dma_wait3A_607 : memref<1x!tpu.dma_semaphore, #tpu.memory_space<semaphore_mem>> -> memref<!tpu.dma_semaphore, #tpu.memory_space<semaphore_mem>>
        %dma_wait3A_609 = arith.constant 0 : i32
        %dma_wait3A_610 = arith.constant 0 : i32
        %dma_wait3A_611 = tpu.memref_slice %arg9[%dma_wait3A_598, %dma_wait3A_609, %dma_wait3A_610] : memref<8x128x64xf32, #tpu.memory_space<vmem>> -> memref<1x128x64xf32, #tpu.memory_space<vmem>>
        %dma_wait3A_612 = tpu.memref_squeeze %dma_wait3A_611 : memref<1x128x64xf32, #tpu.memory_space<vmem>> -> memref<128x64xf32, #tpu.memory_space<vmem>>
        %dma_wait3A_613 = arith.constant 0 : i32
        %dma_wait3A_614 = arith.constant 0 : i32
        %dma_wait3A_615 = tpu.memref_slice %arg5[%dma_wait3A_613, %dma_wait3A_614] : memref<640x64xf32, #tpu.memory_space<hbm>> -> memref<128x64xf32, #tpu.memory_space<hbm>>
        tpu.wait_dma2 semaphore(%dma_wait3A_608 : memref<!tpu.dma_semaphore, #tpu.memory_space<semaphore_mem>>) src(%dma_wait3A_615 : memref<128x64xf32, #tpu.memory_space<hbm>>) dst(%dma_wait3A_612 : memref<128x64xf32, #tpu.memory_space<vmem>>)
      } else {
      }
      %mul3A_164 = arith.constant 8 : i32
      %mul3A_165 = arith.muli %add3A_161, %mul3A_164 : i32
      %add3A_166 = arith.constant 0 : i32
      %add3A_167 = arith.addi %mul3A_165, %add3A_166 : i32
      %dma_start3A = arith.constant 0 : i32
      %dma_start3A_168 = arith.constant 0 : i32
      %dma_start3A_169 = arith.constant 0 : i32
      %dma_start3A_170 = arith.constant 0 : i32
      %dma_start3A_171 = tpu.memref_slice %arg9[%dma_start3A, %dma_start3A_169, %dma_start3A_170] : memref<8x128x64xf32, #tpu.memory_space<vmem>> -> memref<1x128x64xf32, #tpu.memory_space<vmem>>
      %dma_start3A_172 = tpu.memref_squeeze %dma_start3A_171 : memref<1x128x64xf32, #tpu.memory_space<vmem>> -> memref<128x64xf32, #tpu.memory_space<vmem>>
      %dma_start3A_173 = arith.constant 0 : i32
      %dma_start3A_174 = tpu.memref_slice %arg7[%add3A_167, %dma_start3A_173] : memref<80x128xi32, #tpu.memory_space<vmem>> -> memref<1x128xi32, #tpu.memory_space<vmem>>
      %dma_start3A_175 = tpu.memref_squeeze %dma_start3A_174 : memref<1x128xi32, #tpu.memory_space<vmem>> -> memref<128xi32, #tpu.memory_space<vmem>>
      %dma_start3A_176 = arith.constant 0 : i32
      %dma_start3A_177 = arith.constant 0 : i32
      %dma_start3A_178 = tpu.memref_slice %arg2[%dma_start3A_176, %dma_start3A_177] : memref<10000x64xf32, #tpu.memory_space<hbm>> -> memref<10000x64xf32, #tpu.memory_space<hbm>>
      %dma_start3A_179 = tpu.memref_slice %arg10[%dma_start3A_168] : memref<8x!tpu.dma_semaphore, #tpu.memory_space<semaphore_mem>> -> memref<1x!tpu.dma_semaphore, #tpu.memory_space<semaphore_mem>>
      %dma_start3A_180 = tpu.memref_squeeze %dma_start3A_179 : memref<1x!tpu.dma_semaphore, #tpu.memory_space<semaphore_mem>> -> memref<!tpu.dma_semaphore, #tpu.memory_space<semaphore_mem>>
      tpu.enqueue_indirect_dma source(%dma_start3A_178 : memref<10000x64xf32, #tpu.memory_space<hbm>>) target(%dma_start3A_172 : memref<128x64xf32, #tpu.memory_space<vmem>>) offsets(%dma_start3A_175 : memref<128xi32, #tpu.memory_space<vmem>>) semaphore(%dma_start3A_180 : memref<!tpu.dma_semaphore, #tpu.memory_space<semaphore_mem>>)
      %gt3A_181 = arith.constant 0 : i32
      %gt3A_182 = arith.cmpi sgt, %add3A_161, %gt3A_181 : i32
      %convert_element_type3A_183 = arith.extui %gt3A_182 : i1 to i32
      %cond3A_184 = arith.constant 0 : i32
      %cond3A_185 = arith.cmpi ne, %convert_element_type3A_183, %cond3A_184 : i32
      scf.if %cond3A_185 {
        %dma_wait3A_598 = arith.constant 1 : i32
        %dma_wait3A_599 = arith.constant 1 : i32
        %dma_wait3A_600 = arith.constant 0 : i32
        %dma_wait3A_601 = arith.constant 0 : i32
        %dma_wait3A_602 = tpu.memref_slice %arg9[%dma_wait3A_598, %dma_wait3A_600, %dma_wait3A_601] : memref<8x128x64xf32, #tpu.memory_space<vmem>> -> memref<1x128x64xf32, #tpu.memory_space<vmem>>
        %dma_wait3A_603 = tpu.memref_squeeze %dma_wait3A_602 : memref<1x128x64xf32, #tpu.memory_space<vmem>> -> memref<128x64xf32, #tpu.memory_space<vmem>>
        %dma_wait3A_604 = arith.constant 0 : i32
        %dma_wait3A_605 = arith.constant 0 : i32
        %dma_wait3A_606 = tpu.memref_slice %arg5[%dma_wait3A_604, %dma_wait3A_605] : memref<640x64xf32, #tpu.memory_space<hbm>> -> memref<128x64xf32, #tpu.memory_space<hbm>>
        %dma_wait3A_607 = tpu.memref_slice %arg11[%dma_wait3A_599] : memref<8x!tpu.dma_semaphore, #tpu.memory_space<semaphore_mem>> -> memref<1x!tpu.dma_semaphore, #tpu.memory_space<semaphore_mem>>
        %dma_wait3A_608 = tpu.memref_squeeze %dma_wait3A_607 : memref<1x!tpu.dma_semaphore, #tpu.memory_space<semaphore_mem>> -> memref<!tpu.dma_semaphore, #tpu.memory_space<semaphore_mem>>
        %dma_wait3A_609 = arith.constant 0 : i32
        %dma_wait3A_610 = arith.constant 0 : i32
        %dma_wait3A_611 = tpu.memref_slice %arg9[%dma_wait3A_598, %dma_wait3A_609, %dma_wait3A_610] : memref<8x128x64xf32, #tpu.memory_space<vmem>> -> memref<1x128x64xf32, #tpu.memory_space<vmem>>
        %dma_wait3A_612 = tpu.memref_squeeze %dma_wait3A_611 : memref<1x128x64xf32, #tpu.memory_space<vmem>> -> memref<128x64xf32, #tpu.memory_space<vmem>>
        %dma_wait3A_613 = arith.constant 0 : i32
        %dma_wait3A_614 = arith.constant 0 : i32
        %dma_wait3A_615 = tpu.memref_slice %arg5[%dma_wait3A_613, %dma_wait3A_614] : memref<640x64xf32, #tpu.memory_space<hbm>> -> memref<128x64xf32, #tpu.memory_space<hbm>>
        tpu.wait_dma2 semaphore(%dma_wait3A_608 : memref<!tpu.dma_semaphore, #tpu.memory_space<semaphore_mem>>) src(%dma_wait3A_615 : memref<128x64xf32, #tpu.memory_space<hbm>>) dst(%dma_wait3A_612 : memref<128x64xf32, #tpu.memory_space<vmem>>)
      } else {
      }
      %mul3A_186 = arith.constant 8 : i32
      %mul3A_187 = arith.muli %add3A_161, %mul3A_186 : i32
      %add3A_188 = arith.constant 1 : i32
      %add3A_189 = arith.addi %mul3A_187, %add3A_188 : i32
      %dma_start3A_190 = arith.constant 1 : i32
      %dma_start3A_191 = arith.constant 1 : i32
      %dma_start3A_192 = arith.constant 0 : i32
      %dma_start3A_193 = arith.constant 0 : i32
      %dma_start3A_194 = tpu.memref_slice %arg9[%dma_start3A_190, %dma_start3A_192, %dma_start3A_193] : memref<8x128x64xf32, #tpu.memory_space<vmem>> -> memref<1x128x64xf32, #tpu.memory_space<vmem>>
      %dma_start3A_195 = tpu.memref_squeeze %dma_start3A_194 : memref<1x128x64xf32, #tpu.memory_space<vmem>> -> memref<128x64xf32, #tpu.memory_space<vmem>>
      %dma_start3A_196 = arith.constant 0 : i32
      %dma_start3A_197 = tpu.memref_slice %arg7[%add3A_189, %dma_start3A_196] : memref<80x128xi32, #tpu.memory_space<vmem>> -> memref<1x128xi32, #tpu.memory_space<vmem>>
      %dma_start3A_198 = tpu.memref_squeeze %dma_start3A_197 : memref<1x128xi32, #tpu.memory_space<vmem>> -> memref<128xi32, #tpu.memory_space<vmem>>
      %dma_start3A_199 = arith.constant 0 : i32
      %dma_start3A_200 = arith.constant 0 : i32
      %dma_start3A_201 = tpu.memref_slice %arg2[%dma_start3A_199, %dma_start3A_200] : memref<10000x64xf32, #tpu.memory_space<hbm>> -> memref<10000x64xf32, #tpu.memory_space<hbm>>
      %dma_start3A_202 = tpu.memref_slice %arg10[%dma_start3A_191] : memref<8x!tpu.dma_semaphore, #tpu.memory_space<semaphore_mem>> -> memref<1x!tpu.dma_semaphore, #tpu.memory_space<semaphore_mem>>
      %dma_start3A_203 = tpu.memref_squeeze %dma_start3A_202 : memref<1x!tpu.dma_semaphore, #tpu.memory_space<semaphore_mem>> -> memref<!tpu.dma_semaphore, #tpu.memory_space<semaphore_mem>>
      tpu.enqueue_indirect_dma source(%dma_start3A_201 : memref<10000x64xf32, #tpu.memory_space<hbm>>) target(%dma_start3A_195 : memref<128x64xf32, #tpu.memory_space<vmem>>) offsets(%dma_start3A_198 : memref<128xi32, #tpu.memory_space<vmem>>) semaphore(%dma_start3A_203 : memref<!tpu.dma_semaphore, #tpu.memory_space<semaphore_mem>>)
      %gt3A_204 = arith.constant 0 : i32
      %gt3A_205 = arith.cmpi sgt, %add3A_161, %gt3A_204 : i32
      %convert_element_type3A_206 = arith.extui %gt3A_205 : i1 to i32
      %cond3A_207 = arith.constant 0 : i32
      %cond3A_208 = arith.cmpi ne, %convert_element_type3A_206, %cond3A_207 : i32
      scf.if %cond3A_208 {
        %dma_wait3A_598 = arith.constant 2 : i32
        %dma_wait3A_599 = arith.constant 2 : i32
        %dma_wait3A_600 = arith.constant 0 : i32
        %dma_wait3A_601 = arith.constant 0 : i32
        %dma_wait3A_602 = tpu.memref_slice %arg9[%dma_wait3A_598, %dma_wait3A_600, %dma_wait3A_601] : memref<8x128x64xf32, #tpu.memory_space<vmem>> -> memref<1x128x64xf32, #tpu.memory_space<vmem>>
        %dma_wait3A_603 = tpu.memref_squeeze %dma_wait3A_602 : memref<1x128x64xf32, #tpu.memory_space<vmem>> -> memref<128x64xf32, #tpu.memory_space<vmem>>
        %dma_wait3A_604 = arith.constant 0 : i32
        %dma_wait3A_605 = arith.constant 0 : i32
        %dma_wait3A_606 = tpu.memref_slice %arg5[%dma_wait3A_604, %dma_wait3A_605] : memref<640x64xf32, #tpu.memory_space<hbm>> -> memref<128x64xf32, #tpu.memory_space<hbm>>
        %dma_wait3A_607 = tpu.memref_slice %arg11[%dma_wait3A_599] : memref<8x!tpu.dma_semaphore, #tpu.memory_space<semaphore_mem>> -> memref<1x!tpu.dma_semaphore, #tpu.memory_space<semaphore_mem>>
        %dma_wait3A_608 = tpu.memref_squeeze %dma_wait3A_607 : memref<1x!tpu.dma_semaphore, #tpu.memory_space<semaphore_mem>> -> memref<!tpu.dma_semaphore, #tpu.memory_space<semaphore_mem>>
        %dma_wait3A_609 = arith.constant 0 : i32
        %dma_wait3A_610 = arith.constant 0 : i32
        %dma_wait3A_611 = tpu.memref_slice %arg9[%dma_wait3A_598, %dma_wait3A_609, %dma_wait3A_610] : memref<8x128x64xf32, #tpu.memory_space<vmem>> -> memref<1x128x64xf32, #tpu.memory_space<vmem>>
        %dma_wait3A_612 = tpu.memref_squeeze %dma_wait3A_611 : memref<1x128x64xf32, #tpu.memory_space<vmem>> -> memref<128x64xf32, #tpu.memory_space<vmem>>
        %dma_wait3A_613 = arith.constant 0 : i32
        %dma_wait3A_614 = arith.constant 0 : i32
        %dma_wait3A_615 = tpu.memref_slice %arg5[%dma_wait3A_613, %dma_wait3A_614] : memref<640x64xf32, #tpu.memory_space<hbm>> -> memref<128x64xf32, #tpu.memory_space<hbm>>
        tpu.wait_dma2 semaphore(%dma_wait3A_608 : memref<!tpu.dma_semaphore, #tpu.memory_space<semaphore_mem>>) src(%dma_wait3A_615 : memref<128x64xf32, #tpu.memory_space<hbm>>) dst(%dma_wait3A_612 : memref<128x64xf32, #tpu.memory_space<vmem>>)
      } else {
      }
      %mul3A_209 = arith.constant 8 : i32
      %mul3A_210 = arith.muli %add3A_161, %mul3A_209 : i32
      %add3A_211 = arith.constant 2 : i32
      %add3A_212 = arith.addi %mul3A_210, %add3A_211 : i32
      %dma_start3A_213 = arith.constant 2 : i32
      %dma_start3A_214 = arith.constant 2 : i32
      %dma_start3A_215 = arith.constant 0 : i32
      %dma_start3A_216 = arith.constant 0 : i32
      %dma_start3A_217 = tpu.memref_slice %arg9[%dma_start3A_213, %dma_start3A_215, %dma_start3A_216] : memref<8x128x64xf32, #tpu.memory_space<vmem>> -> memref<1x128x64xf32, #tpu.memory_space<vmem>>
      %dma_start3A_218 = tpu.memref_squeeze %dma_start3A_217 : memref<1x128x64xf32, #tpu.memory_space<vmem>> -> memref<128x64xf32, #tpu.memory_space<vmem>>
      %dma_start3A_219 = arith.constant 0 : i32
      %dma_start3A_220 = tpu.memref_slice %arg7[%add3A_212, %dma_start3A_219] : memref<80x128xi32, #tpu.memory_space<vmem>> -> memref<1x128xi32, #tpu.memory_space<vmem>>
      %dma_start3A_221 = tpu.memref_squeeze %dma_start3A_220 : memref<1x128xi32, #tpu.memory_space<vmem>> -> memref<128xi32, #tpu.memory_space<vmem>>
      %dma_start3A_222 = arith.constant 0 : i32
      %dma_start3A_223 = arith.constant 0 : i32
      %dma_start3A_224 = tpu.memref_slice %arg2[%dma_start3A_222, %dma_start3A_223] : memref<10000x64xf32, #tpu.memory_space<hbm>> -> memref<10000x64xf32, #tpu.memory_space<hbm>>
      %dma_start3A_225 = tpu.memref_slice %arg10[%dma_start3A_214] : memref<8x!tpu.dma_semaphore, #tpu.memory_space<semaphore_mem>> -> memref<1x!tpu.dma_semaphore, #tpu.memory_space<semaphore_mem>>
      %dma_start3A_226 = tpu.memref_squeeze %dma_start3A_225 : memref<1x!tpu.dma_semaphore, #tpu.memory_space<semaphore_mem>> -> memref<!tpu.dma_semaphore, #tpu.memory_space<semaphore_mem>>
      tpu.enqueue_indirect_dma source(%dma_start3A_224 : memref<10000x64xf32, #tpu.memory_space<hbm>>) target(%dma_start3A_218 : memref<128x64xf32, #tpu.memory_space<vmem>>) offsets(%dma_start3A_221 : memref<128xi32, #tpu.memory_space<vmem>>) semaphore(%dma_start3A_226 : memref<!tpu.dma_semaphore, #tpu.memory_space<semaphore_mem>>)
      %gt3A_227 = arith.constant 0 : i32
      %gt3A_228 = arith.cmpi sgt, %add3A_161, %gt3A_227 : i32
      %convert_element_type3A_229 = arith.extui %gt3A_228 : i1 to i32
      %cond3A_230 = arith.constant 0 : i32
      %cond3A_231 = arith.cmpi ne, %convert_element_type3A_229, %cond3A_230 : i32
      scf.if %cond3A_231 {
        %dma_wait3A_598 = arith.constant 3 : i32
        %dma_wait3A_599 = arith.constant 3 : i32
        %dma_wait3A_600 = arith.constant 0 : i32
        %dma_wait3A_601 = arith.constant 0 : i32
        %dma_wait3A_602 = tpu.memref_slice %arg9[%dma_wait3A_598, %dma_wait3A_600, %dma_wait3A_601] : memref<8x128x64xf32, #tpu.memory_space<vmem>> -> memref<1x128x64xf32, #tpu.memory_space<vmem>>
        %dma_wait3A_603 = tpu.memref_squeeze %dma_wait3A_602 : memref<1x128x64xf32, #tpu.memory_space<vmem>> -> memref<128x64xf32, #tpu.memory_space<vmem>>
        %dma_wait3A_604 = arith.constant 0 : i32
        %dma_wait3A_605 = arith.constant 0 : i32
        %dma_wait3A_606 = tpu.memref_slice %arg5[%dma_wait3A_604, %dma_wait3A_605] : memref<640x64xf32, #tpu.memory_space<hbm>> -> memref<128x64xf32, #tpu.memory_space<hbm>>
        %dma_wait3A_607 = tpu.memref_slice %arg11[%dma_wait3A_599] : memref<8x!tpu.dma_semaphore, #tpu.memory_space<semaphore_mem>> -> memref<1x!tpu.dma_semaphore, #tpu.memory_space<semaphore_mem>>
        %dma_wait3A_608 = tpu.memref_squeeze %dma_wait3A_607 : memref<1x!tpu.dma_semaphore, #tpu.memory_space<semaphore_mem>> -> memref<!tpu.dma_semaphore, #tpu.memory_space<semaphore_mem>>
        %dma_wait3A_609 = arith.constant 0 : i32
        %dma_wait3A_610 = arith.constant 0 : i32
        %dma_wait3A_611 = tpu.memref_slice %arg9[%dma_wait3A_598, %dma_wait3A_609, %dma_wait3A_610] : memref<8x128x64xf32, #tpu.memory_space<vmem>> -> memref<1x128x64xf32, #tpu.memory_space<vmem>>
        %dma_wait3A_612 = tpu.memref_squeeze %dma_wait3A_611 : memref<1x128x64xf32, #tpu.memory_space<vmem>> -> memref<128x64xf32, #tpu.memory_space<vmem>>
        %dma_wait3A_613 = arith.constant 0 : i32
        %dma_wait3A_614 = arith.constant 0 : i32
        %dma_wait3A_615 = tpu.memref_slice %arg5[%dma_wait3A_613, %dma_wait3A_614] : memref<640x64xf32, #tpu.memory_space<hbm>> -> memref<128x64xf32, #tpu.memory_space<hbm>>
        tpu.wait_dma2 semaphore(%dma_wait3A_608 : memref<!tpu.dma_semaphore, #tpu.memory_space<semaphore_mem>>) src(%dma_wait3A_615 : memref<128x64xf32, #tpu.memory_space<hbm>>) dst(%dma_wait3A_612 : memref<128x64xf32, #tpu.memory_space<vmem>>)
      } else {
      }
      %mul3A_232 = arith.constant 8 : i32
      %mul3A_233 = arith.muli %add3A_161, %mul3A_232 : i32
      %add3A_234 = arith.constant 3 : i32
      %add3A_235 = arith.addi %mul3A_233, %add3A_234 : i32
      %dma_start3A_236 = arith.constant 3 : i32
      %dma_start3A_237 = arith.constant 3 : i32
      %dma_start3A_238 = arith.constant 0 : i32
      %dma_start3A_239 = arith.constant 0 : i32
      %dma_start3A_240 = tpu.memref_slice %arg9[%dma_start3A_236, %dma_start3A_238, %dma_start3A_239] : memref<8x128x64xf32, #tpu.memory_space<vmem>> -> memref<1x128x64xf32, #tpu.memory_space<vmem>>
      %dma_start3A_241 = tpu.memref_squeeze %dma_start3A_240 : memref<1x128x64xf32, #tpu.memory_space<vmem>> -> memref<128x64xf32, #tpu.memory_space<vmem>>
      %dma_start3A_242 = arith.constant 0 : i32
      %dma_start3A_243 = tpu.memref_slice %arg7[%add3A_235, %dma_start3A_242] : memref<80x128xi32, #tpu.memory_space<vmem>> -> memref<1x128xi32, #tpu.memory_space<vmem>>
      %dma_start3A_244 = tpu.memref_squeeze %dma_start3A_243 : memref<1x128xi32, #tpu.memory_space<vmem>> -> memref<128xi32, #tpu.memory_space<vmem>>
      %dma_start3A_245 = arith.constant 0 : i32
      %dma_start3A_246 = arith.constant 0 : i32
      %dma_start3A_247 = tpu.memref_slice %arg2[%dma_start3A_245, %dma_start3A_246] : memref<10000x64xf32, #tpu.memory_space<hbm>> -> memref<10000x64xf32, #tpu.memory_space<hbm>>
      %dma_start3A_248 = tpu.memref_slice %arg10[%dma_start3A_237] : memref<8x!tpu.dma_semaphore, #tpu.memory_space<semaphore_mem>> -> memref<1x!tpu.dma_semaphore, #tpu.memory_space<semaphore_mem>>
      %dma_start3A_249 = tpu.memref_squeeze %dma_start3A_248 : memref<1x!tpu.dma_semaphore, #tpu.memory_space<semaphore_mem>> -> memref<!tpu.dma_semaphore, #tpu.memory_space<semaphore_mem>>
      tpu.enqueue_indirect_dma source(%dma_start3A_247 : memref<10000x64xf32, #tpu.memory_space<hbm>>) target(%dma_start3A_241 : memref<128x64xf32, #tpu.memory_space<vmem>>) offsets(%dma_start3A_244 : memref<128xi32, #tpu.memory_space<vmem>>) semaphore(%dma_start3A_249 : memref<!tpu.dma_semaphore, #tpu.memory_space<semaphore_mem>>)
      %gt3A_250 = arith.constant 0 : i32
      %gt3A_251 = arith.cmpi sgt, %add3A_161, %gt3A_250 : i32
      %convert_element_type3A_252 = arith.extui %gt3A_251 : i1 to i32
      %cond3A_253 = arith.constant 0 : i32
      %cond3A_254 = arith.cmpi ne, %convert_element_type3A_252, %cond3A_253 : i32
      scf.if %cond3A_254 {
        %dma_wait3A_598 = arith.constant 4 : i32
        %dma_wait3A_599 = arith.constant 4 : i32
        %dma_wait3A_600 = arith.constant 0 : i32
        %dma_wait3A_601 = arith.constant 0 : i32
        %dma_wait3A_602 = tpu.memref_slice %arg9[%dma_wait3A_598, %dma_wait3A_600, %dma_wait3A_601] : memref<8x128x64xf32, #tpu.memory_space<vmem>> -> memref<1x128x64xf32, #tpu.memory_space<vmem>>
        %dma_wait3A_603 = tpu.memref_squeeze %dma_wait3A_602 : memref<1x128x64xf32, #tpu.memory_space<vmem>> -> memref<128x64xf32, #tpu.memory_space<vmem>>
        %dma_wait3A_604 = arith.constant 0 : i32
        %dma_wait3A_605 = arith.constant 0 : i32
        %dma_wait3A_606 = tpu.memref_slice %arg5[%dma_wait3A_604, %dma_wait3A_605] : memref<640x64xf32, #tpu.memory_space<hbm>> -> memref<128x64xf32, #tpu.memory_space<hbm>>
        %dma_wait3A_607 = tpu.memref_slice %arg11[%dma_wait3A_599] : memref<8x!tpu.dma_semaphore, #tpu.memory_space<semaphore_mem>> -> memref<1x!tpu.dma_semaphore, #tpu.memory_space<semaphore_mem>>
        %dma_wait3A_608 = tpu.memref_squeeze %dma_wait3A_607 : memref<1x!tpu.dma_semaphore, #tpu.memory_space<semaphore_mem>> -> memref<!tpu.dma_semaphore, #tpu.memory_space<semaphore_mem>>
        %dma_wait3A_609 = arith.constant 0 : i32
        %dma_wait3A_610 = arith.constant 0 : i32
        %dma_wait3A_611 = tpu.memref_slice %arg9[%dma_wait3A_598, %dma_wait3A_609, %dma_wait3A_610] : memref<8x128x64xf32, #tpu.memory_space<vmem>> -> memref<1x128x64xf32, #tpu.memory_space<vmem>>
        %dma_wait3A_612 = tpu.memref_squeeze %dma_wait3A_611 : memref<1x128x64xf32, #tpu.memory_space<vmem>> -> memref<128x64xf32, #tpu.memory_space<vmem>>
        %dma_wait3A_613 = arith.constant 0 : i32
        %dma_wait3A_614 = arith.constant 0 : i32
        %dma_wait3A_615 = tpu.memref_slice %arg5[%dma_wait3A_613, %dma_wait3A_614] : memref<640x64xf32, #tpu.memory_space<hbm>> -> memref<128x64xf32, #tpu.memory_space<hbm>>
        tpu.wait_dma2 semaphore(%dma_wait3A_608 : memref<!tpu.dma_semaphore, #tpu.memory_space<semaphore_mem>>) src(%dma_wait3A_615 : memref<128x64xf32, #tpu.memory_space<hbm>>) dst(%dma_wait3A_612 : memref<128x64xf32, #tpu.memory_space<vmem>>)
      } else {
      }
      %mul3A_255 = arith.constant 8 : i32
      %mul3A_256 = arith.muli %add3A_161, %mul3A_255 : i32
      %add3A_257 = arith.constant 4 : i32
      %add3A_258 = arith.addi %mul3A_256, %add3A_257 : i32
      %dma_start3A_259 = arith.constant 4 : i32
      %dma_start3A_260 = arith.constant 4 : i32
      %dma_start3A_261 = arith.constant 0 : i32
      %dma_start3A_262 = arith.constant 0 : i32
      %dma_start3A_263 = tpu.memref_slice %arg9[%dma_start3A_259, %dma_start3A_261, %dma_start3A_262] : memref<8x128x64xf32, #tpu.memory_space<vmem>> -> memref<1x128x64xf32, #tpu.memory_space<vmem>>
      %dma_start3A_264 = tpu.memref_squeeze %dma_start3A_263 : memref<1x128x64xf32, #tpu.memory_space<vmem>> -> memref<128x64xf32, #tpu.memory_space<vmem>>
      %dma_start3A_265 = arith.constant 0 : i32
      %dma_start3A_266 = tpu.memref_slice %arg7[%add3A_258, %dma_start3A_265] : memref<80x128xi32, #tpu.memory_space<vmem>> -> memref<1x128xi32, #tpu.memory_space<vmem>>
      %dma_start3A_267 = tpu.memref_squeeze %dma_start3A_266 : memref<1x128xi32, #tpu.memory_space<vmem>> -> memref<128xi32, #tpu.memory_space<vmem>>
      %dma_start3A_268 = arith.constant 0 : i32
      %dma_start3A_269 = arith.constant 0 : i32
      %dma_start3A_270 = tpu.memref_slice %arg2[%dma_start3A_268, %dma_start3A_269] : memref<10000x64xf32, #tpu.memory_space<hbm>> -> memref<10000x64xf32, #tpu.memory_space<hbm>>
      %dma_start3A_271 = tpu.memref_slice %arg10[%dma_start3A_260] : memref<8x!tpu.dma_semaphore, #tpu.memory_space<semaphore_mem>> -> memref<1x!tpu.dma_semaphore, #tpu.memory_space<semaphore_mem>>
      %dma_start3A_272 = tpu.memref_squeeze %dma_start3A_271 : memref<1x!tpu.dma_semaphore, #tpu.memory_space<semaphore_mem>> -> memref<!tpu.dma_semaphore, #tpu.memory_space<semaphore_mem>>
      tpu.enqueue_indirect_dma source(%dma_start3A_270 : memref<10000x64xf32, #tpu.memory_space<hbm>>) target(%dma_start3A_264 : memref<128x64xf32, #tpu.memory_space<vmem>>) offsets(%dma_start3A_267 : memref<128xi32, #tpu.memory_space<vmem>>) semaphore(%dma_start3A_272 : memref<!tpu.dma_semaphore, #tpu.memory_space<semaphore_mem>>)
      %gt3A_273 = arith.constant 0 : i32
      %gt3A_274 = arith.cmpi sgt, %add3A_161, %gt3A_273 : i32
      %convert_element_type3A_275 = arith.extui %gt3A_274 : i1 to i32
      %cond3A_276 = arith.constant 0 : i32
      %cond3A_277 = arith.cmpi ne, %convert_element_type3A_275, %cond3A_276 : i32
      scf.if %cond3A_277 {
        %dma_wait3A_598 = arith.constant 5 : i32
        %dma_wait3A_599 = arith.constant 5 : i32
        %dma_wait3A_600 = arith.constant 0 : i32
        %dma_wait3A_601 = arith.constant 0 : i32
        %dma_wait3A_602 = tpu.memref_slice %arg9[%dma_wait3A_598, %dma_wait3A_600, %dma_wait3A_601] : memref<8x128x64xf32, #tpu.memory_space<vmem>> -> memref<1x128x64xf32, #tpu.memory_space<vmem>>
        %dma_wait3A_603 = tpu.memref_squeeze %dma_wait3A_602 : memref<1x128x64xf32, #tpu.memory_space<vmem>> -> memref<128x64xf32, #tpu.memory_space<vmem>>
        %dma_wait3A_604 = arith.constant 0 : i32
        %dma_wait3A_605 = arith.constant 0 : i32
        %dma_wait3A_606 = tpu.memref_slice %arg5[%dma_wait3A_604, %dma_wait3A_605] : memref<640x64xf32, #tpu.memory_space<hbm>> -> memref<128x64xf32, #tpu.memory_space<hbm>>
        %dma_wait3A_607 = tpu.memref_slice %arg11[%dma_wait3A_599] : memref<8x!tpu.dma_semaphore, #tpu.memory_space<semaphore_mem>> -> memref<1x!tpu.dma_semaphore, #tpu.memory_space<semaphore_mem>>
        %dma_wait3A_608 = tpu.memref_squeeze %dma_wait3A_607 : memref<1x!tpu.dma_semaphore, #tpu.memory_space<semaphore_mem>> -> memref<!tpu.dma_semaphore, #tpu.memory_space<semaphore_mem>>
        %dma_wait3A_609 = arith.constant 0 : i32
        %dma_wait3A_610 = arith.constant 0 : i32
        %dma_wait3A_611 = tpu.memref_slice %arg9[%dma_wait3A_598, %dma_wait3A_609, %dma_wait3A_610] : memref<8x128x64xf32, #tpu.memory_space<vmem>> -> memref<1x128x64xf32, #tpu.memory_space<vmem>>
        %dma_wait3A_612 = tpu.memref_squeeze %dma_wait3A_611 : memref<1x128x64xf32, #tpu.memory_space<vmem>> -> memref<128x64xf32, #tpu.memory_space<vmem>>
        %dma_wait3A_613 = arith.constant 0 : i32
        %dma_wait3A_614 = arith.constant 0 : i32
        %dma_wait3A_615 = tpu.memref_slice %arg5[%dma_wait3A_613, %dma_wait3A_614] : memref<640x64xf32, #tpu.memory_space<hbm>> -> memref<128x64xf32, #tpu.memory_space<hbm>>
        tpu.wait_dma2 semaphore(%dma_wait3A_608 : memref<!tpu.dma_semaphore, #tpu.memory_space<semaphore_mem>>) src(%dma_wait3A_615 : memref<128x64xf32, #tpu.memory_space<hbm>>) dst(%dma_wait3A_612 : memref<128x64xf32, #tpu.memory_space<vmem>>)
      } else {
      }
      %mul3A_278 = arith.constant 8 : i32
      %mul3A_279 = arith.muli %add3A_161, %mul3A_278 : i32
      %add3A_280 = arith.constant 5 : i32
      %add3A_281 = arith.addi %mul3A_279, %add3A_280 : i32
      %dma_start3A_282 = arith.constant 5 : i32
      %dma_start3A_283 = arith.constant 5 : i32
      %dma_start3A_284 = arith.constant 0 : i32
      %dma_start3A_285 = arith.constant 0 : i32
      %dma_start3A_286 = tpu.memref_slice %arg9[%dma_start3A_282, %dma_start3A_284, %dma_start3A_285] : memref<8x128x64xf32, #tpu.memory_space<vmem>> -> memref<1x128x64xf32, #tpu.memory_space<vmem>>
      %dma_start3A_287 = tpu.memref_squeeze %dma_start3A_286 : memref<1x128x64xf32, #tpu.memory_space<vmem>> -> memref<128x64xf32, #tpu.memory_space<vmem>>
      %dma_start3A_288 = arith.constant 0 : i32
      %dma_start3A_289 = tpu.memref_slice %arg7[%add3A_281, %dma_start3A_288] : memref<80x128xi32, #tpu.memory_space<vmem>> -> memref<1x128xi32, #tpu.memory_space<vmem>>
      %dma_start3A_290 = tpu.memref_squeeze %dma_start3A_289 : memref<1x128xi32, #tpu.memory_space<vmem>> -> memref<128xi32, #tpu.memory_space<vmem>>
      %dma_start3A_291 = arith.constant 0 : i32
      %dma_start3A_292 = arith.constant 0 : i32
      %dma_start3A_293 = tpu.memref_slice %arg2[%dma_start3A_291, %dma_start3A_292] : memref<10000x64xf32, #tpu.memory_space<hbm>> -> memref<10000x64xf32, #tpu.memory_space<hbm>>
      %dma_start3A_294 = tpu.memref_slice %arg10[%dma_start3A_283] : memref<8x!tpu.dma_semaphore, #tpu.memory_space<semaphore_mem>> -> memref<1x!tpu.dma_semaphore, #tpu.memory_space<semaphore_mem>>
      %dma_start3A_295 = tpu.memref_squeeze %dma_start3A_294 : memref<1x!tpu.dma_semaphore, #tpu.memory_space<semaphore_mem>> -> memref<!tpu.dma_semaphore, #tpu.memory_space<semaphore_mem>>
      tpu.enqueue_indirect_dma source(%dma_start3A_293 : memref<10000x64xf32, #tpu.memory_space<hbm>>) target(%dma_start3A_287 : memref<128x64xf32, #tpu.memory_space<vmem>>) offsets(%dma_start3A_290 : memref<128xi32, #tpu.memory_space<vmem>>) semaphore(%dma_start3A_295 : memref<!tpu.dma_semaphore, #tpu.memory_space<semaphore_mem>>)
      %gt3A_296 = arith.constant 0 : i32
      %gt3A_297 = arith.cmpi sgt, %add3A_161, %gt3A_296 : i32
      %convert_element_type3A_298 = arith.extui %gt3A_297 : i1 to i32
      %cond3A_299 = arith.constant 0 : i32
      %cond3A_300 = arith.cmpi ne, %convert_element_type3A_298, %cond3A_299 : i32
      scf.if %cond3A_300 {
        %dma_wait3A_598 = arith.constant 6 : i32
        %dma_wait3A_599 = arith.constant 6 : i32
        %dma_wait3A_600 = arith.constant 0 : i32
        %dma_wait3A_601 = arith.constant 0 : i32
        %dma_wait3A_602 = tpu.memref_slice %arg9[%dma_wait3A_598, %dma_wait3A_600, %dma_wait3A_601] : memref<8x128x64xf32, #tpu.memory_space<vmem>> -> memref<1x128x64xf32, #tpu.memory_space<vmem>>
        %dma_wait3A_603 = tpu.memref_squeeze %dma_wait3A_602 : memref<1x128x64xf32, #tpu.memory_space<vmem>> -> memref<128x64xf32, #tpu.memory_space<vmem>>
        %dma_wait3A_604 = arith.constant 0 : i32
        %dma_wait3A_605 = arith.constant 0 : i32
        %dma_wait3A_606 = tpu.memref_slice %arg5[%dma_wait3A_604, %dma_wait3A_605] : memref<640x64xf32, #tpu.memory_space<hbm>> -> memref<128x64xf32, #tpu.memory_space<hbm>>
        %dma_wait3A_607 = tpu.memref_slice %arg11[%dma_wait3A_599] : memref<8x!tpu.dma_semaphore, #tpu.memory_space<semaphore_mem>> -> memref<1x!tpu.dma_semaphore, #tpu.memory_space<semaphore_mem>>
        %dma_wait3A_608 = tpu.memref_squeeze %dma_wait3A_607 : memref<1x!tpu.dma_semaphore, #tpu.memory_space<semaphore_mem>> -> memref<!tpu.dma_semaphore, #tpu.memory_space<semaphore_mem>>
        %dma_wait3A_609 = arith.constant 0 : i32
        %dma_wait3A_610 = arith.constant 0 : i32
        %dma_wait3A_611 = tpu.memref_slice %arg9[%dma_wait3A_598, %dma_wait3A_609, %dma_wait3A_610] : memref<8x128x64xf32, #tpu.memory_space<vmem>> -> memref<1x128x64xf32, #tpu.memory_space<vmem>>
        %dma_wait3A_612 = tpu.memref_squeeze %dma_wait3A_611 : memref<1x128x64xf32, #tpu.memory_space<vmem>> -> memref<128x64xf32, #tpu.memory_space<vmem>>
        %dma_wait3A_613 = arith.constant 0 : i32
        %dma_wait3A_614 = arith.constant 0 : i32
        %dma_wait3A_615 = tpu.memref_slice %arg5[%dma_wait3A_613, %dma_wait3A_614] : memref<640x64xf32, #tpu.memory_space<hbm>> -> memref<128x64xf32, #tpu.memory_space<hbm>>
        tpu.wait_dma2 semaphore(%dma_wait3A_608 : memref<!tpu.dma_semaphore, #tpu.memory_space<semaphore_mem>>) src(%dma_wait3A_615 : memref<128x64xf32, #tpu.memory_space<hbm>>) dst(%dma_wait3A_612 : memref<128x64xf32, #tpu.memory_space<vmem>>)
      } else {
      }
      %mul3A_301 = arith.constant 8 : i32
      %mul3A_302 = arith.muli %add3A_161, %mul3A_301 : i32
      %add3A_303 = arith.constant 6 : i32
      %add3A_304 = arith.addi %mul3A_302, %add3A_303 : i32
      %dma_start3A_305 = arith.constant 6 : i32
      %dma_start3A_306 = arith.constant 6 : i32
      %dma_start3A_307 = arith.constant 0 : i32
      %dma_start3A_308 = arith.constant 0 : i32
      %dma_start3A_309 = tpu.memref_slice %arg9[%dma_start3A_305, %dma_start3A_307, %dma_start3A_308] : memref<8x128x64xf32, #tpu.memory_space<vmem>> -> memref<1x128x64xf32, #tpu.memory_space<vmem>>
      %dma_start3A_310 = tpu.memref_squeeze %dma_start3A_309 : memref<1x128x64xf32, #tpu.memory_space<vmem>> -> memref<128x64xf32, #tpu.memory_space<vmem>>
      %dma_start3A_311 = arith.constant 0 : i32
      %dma_start3A_312 = tpu.memref_slice %arg7[%add3A_304, %dma_start3A_311] : memref<80x128xi32, #tpu.memory_space<vmem>> -> memref<1x128xi32, #tpu.memory_space<vmem>>
      %dma_start3A_313 = tpu.memref_squeeze %dma_start3A_312 : memref<1x128xi32, #tpu.memory_space<vmem>> -> memref<128xi32, #tpu.memory_space<vmem>>
      %dma_start3A_314 = arith.constant 0 : i32
      %dma_start3A_315 = arith.constant 0 : i32
      %dma_start3A_316 = tpu.memref_slice %arg2[%dma_start3A_314, %dma_start3A_315] : memref<10000x64xf32, #tpu.memory_space<hbm>> -> memref<10000x64xf32, #tpu.memory_space<hbm>>
      %dma_start3A_317 = tpu.memref_slice %arg10[%dma_start3A_306] : memref<8x!tpu.dma_semaphore, #tpu.memory_space<semaphore_mem>> -> memref<1x!tpu.dma_semaphore, #tpu.memory_space<semaphore_mem>>
      %dma_start3A_318 = tpu.memref_squeeze %dma_start3A_317 : memref<1x!tpu.dma_semaphore, #tpu.memory_space<semaphore_mem>> -> memref<!tpu.dma_semaphore, #tpu.memory_space<semaphore_mem>>
      tpu.enqueue_indirect_dma source(%dma_start3A_316 : memref<10000x64xf32, #tpu.memory_space<hbm>>) target(%dma_start3A_310 : memref<128x64xf32, #tpu.memory_space<vmem>>) offsets(%dma_start3A_313 : memref<128xi32, #tpu.memory_space<vmem>>) semaphore(%dma_start3A_318 : memref<!tpu.dma_semaphore, #tpu.memory_space<semaphore_mem>>)
      %gt3A_319 = arith.constant 0 : i32
      %gt3A_320 = arith.cmpi sgt, %add3A_161, %gt3A_319 : i32
      %convert_element_type3A_321 = arith.extui %gt3A_320 : i1 to i32
      %cond3A_322 = arith.constant 0 : i32
      %cond3A_323 = arith.cmpi ne, %convert_element_type3A_321, %cond3A_322 : i32
      scf.if %cond3A_323 {
        %dma_wait3A_598 = arith.constant 7 : i32
        %dma_wait3A_599 = arith.constant 7 : i32
        %dma_wait3A_600 = arith.constant 0 : i32
        %dma_wait3A_601 = arith.constant 0 : i32
        %dma_wait3A_602 = tpu.memref_slice %arg9[%dma_wait3A_598, %dma_wait3A_600, %dma_wait3A_601] : memref<8x128x64xf32, #tpu.memory_space<vmem>> -> memref<1x128x64xf32, #tpu.memory_space<vmem>>
        %dma_wait3A_603 = tpu.memref_squeeze %dma_wait3A_602 : memref<1x128x64xf32, #tpu.memory_space<vmem>> -> memref<128x64xf32, #tpu.memory_space<vmem>>
        %dma_wait3A_604 = arith.constant 0 : i32
        %dma_wait3A_605 = arith.constant 0 : i32
        %dma_wait3A_606 = tpu.memref_slice %arg5[%dma_wait3A_604, %dma_wait3A_605] : memref<640x64xf32, #tpu.memory_space<hbm>> -> memref<128x64xf32, #tpu.memory_space<hbm>>
        %dma_wait3A_607 = tpu.memref_slice %arg11[%dma_wait3A_599] : memref<8x!tpu.dma_semaphore, #tpu.memory_space<semaphore_mem>> -> memref<1x!tpu.dma_semaphore, #tpu.memory_space<semaphore_mem>>
        %dma_wait3A_608 = tpu.memref_squeeze %dma_wait3A_607 : memref<1x!tpu.dma_semaphore, #tpu.memory_space<semaphore_mem>> -> memref<!tpu.dma_semaphore, #tpu.memory_space<semaphore_mem>>
        %dma_wait3A_609 = arith.constant 0 : i32
        %dma_wait3A_610 = arith.constant 0 : i32
        %dma_wait3A_611 = tpu.memref_slice %arg9[%dma_wait3A_598, %dma_wait3A_609, %dma_wait3A_610] : memref<8x128x64xf32, #tpu.memory_space<vmem>> -> memref<1x128x64xf32, #tpu.memory_space<vmem>>
        %dma_wait3A_612 = tpu.memref_squeeze %dma_wait3A_611 : memref<1x128x64xf32, #tpu.memory_space<vmem>> -> memref<128x64xf32, #tpu.memory_space<vmem>>
        %dma_wait3A_613 = arith.constant 0 : i32
        %dma_wait3A_614 = arith.constant 0 : i32
        %dma_wait3A_615 = tpu.memref_slice %arg5[%dma_wait3A_613, %dma_wait3A_614] : memref<640x64xf32, #tpu.memory_space<hbm>> -> memref<128x64xf32, #tpu.memory_space<hbm>>
        tpu.wait_dma2 semaphore(%dma_wait3A_608 : memref<!tpu.dma_semaphore, #tpu.memory_space<semaphore_mem>>) src(%dma_wait3A_615 : memref<128x64xf32, #tpu.memory_space<hbm>>) dst(%dma_wait3A_612 : memref<128x64xf32, #tpu.memory_space<vmem>>)
      } else {
      }
      %mul3A_324 = arith.constant 8 : i32
      %mul3A_325 = arith.muli %add3A_161, %mul3A_324 : i32
      %add3A_326 = arith.constant 7 : i32
      %add3A_327 = arith.addi %mul3A_325, %add3A_326 : i32
      %dma_start3A_328 = arith.constant 7 : i32
      %dma_start3A_329 = arith.constant 7 : i32
      %dma_start3A_330 = arith.constant 0 : i32
      %dma_start3A_331 = arith.constant 0 : i32
      %dma_start3A_332 = tpu.memref_slice %arg9[%dma_start3A_328, %dma_start3A_330, %dma_start3A_331] : memref<8x128x64xf32, #tpu.memory_space<vmem>> -> memref<1x128x64xf32, #tpu.memory_space<vmem>>
      %dma_start3A_333 = tpu.memref_squeeze %dma_start3A_332 : memref<1x128x64xf32, #tpu.memory_space<vmem>> -> memref<128x64xf32, #tpu.memory_space<vmem>>
      %dma_start3A_334 = arith.constant 0 : i32
      %dma_start3A_335 = tpu.memref_slice %arg7[%add3A_327, %dma_start3A_334] : memref<80x128xi32, #tpu.memory_space<vmem>> -> memref<1x128xi32, #tpu.memory_space<vmem>>
      %dma_start3A_336 = tpu.memref_squeeze %dma_start3A_335 : memref<1x128xi32, #tpu.memory_space<vmem>> -> memref<128xi32, #tpu.memory_space<vmem>>
      %dma_start3A_337 = arith.constant 0 : i32
      %dma_start3A_338 = arith.constant 0 : i32
      %dma_start3A_339 = tpu.memref_slice %arg2[%dma_start3A_337, %dma_start3A_338] : memref<10000x64xf32, #tpu.memory_space<hbm>> -> memref<10000x64xf32, #tpu.memory_space<hbm>>
      %dma_start3A_340 = tpu.memref_slice %arg10[%dma_start3A_329] : memref<8x!tpu.dma_semaphore, #tpu.memory_space<semaphore_mem>> -> memref<1x!tpu.dma_semaphore, #tpu.memory_space<semaphore_mem>>
      %dma_start3A_341 = tpu.memref_squeeze %dma_start3A_340 : memref<1x!tpu.dma_semaphore, #tpu.memory_space<semaphore_mem>> -> memref<!tpu.dma_semaphore, #tpu.memory_space<semaphore_mem>>
      tpu.enqueue_indirect_dma source(%dma_start3A_339 : memref<10000x64xf32, #tpu.memory_space<hbm>>) target(%dma_start3A_333 : memref<128x64xf32, #tpu.memory_space<vmem>>) offsets(%dma_start3A_336 : memref<128xi32, #tpu.memory_space<vmem>>) semaphore(%dma_start3A_341 : memref<!tpu.dma_semaphore, #tpu.memory_space<semaphore_mem>>)
      %dma_wait3A_342 = arith.constant 0 : i32
      %dma_wait3A_343 = arith.constant 0 : i32
      %dma_wait3A_344 = arith.constant 0 : i32
      %dma_wait3A_345 = arith.constant 0 : i32
      %dma_wait3A_346 = tpu.memref_slice %arg9[%dma_wait3A_342, %dma_wait3A_344, %dma_wait3A_345] : memref<8x128x64xf32, #tpu.memory_space<vmem>> -> memref<1x128x64xf32, #tpu.memory_space<vmem>>
      %dma_wait3A_347 = tpu.memref_squeeze %dma_wait3A_346 : memref<1x128x64xf32, #tpu.memory_space<vmem>> -> memref<128x64xf32, #tpu.memory_space<vmem>>
      %dma_wait3A_348 = arith.constant 0 : i32
      %dma_wait3A_349 = tpu.memref_slice %arg7[%add3A_167, %dma_wait3A_348] : memref<80x128xi32, #tpu.memory_space<vmem>> -> memref<1x128xi32, #tpu.memory_space<vmem>>
      %dma_wait3A_350 = tpu.memref_squeeze %dma_wait3A_349 : memref<1x128xi32, #tpu.memory_space<vmem>> -> memref<128xi32, #tpu.memory_space<vmem>>
      %dma_wait3A_351 = arith.constant 0 : i32
      %dma_wait3A_352 = arith.constant 0 : i32
      %dma_wait3A_353 = tpu.memref_slice %arg2[%dma_wait3A_351, %dma_wait3A_352] : memref<10000x64xf32, #tpu.memory_space<hbm>> -> memref<10000x64xf32, #tpu.memory_space<hbm>>
      %dma_wait3A_354 = tpu.memref_slice %arg10[%dma_wait3A_343] : memref<8x!tpu.dma_semaphore, #tpu.memory_space<semaphore_mem>> -> memref<1x!tpu.dma_semaphore, #tpu.memory_space<semaphore_mem>>
      %dma_wait3A_355 = tpu.memref_squeeze %dma_wait3A_354 : memref<1x!tpu.dma_semaphore, #tpu.memory_space<semaphore_mem>> -> memref<!tpu.dma_semaphore, #tpu.memory_space<semaphore_mem>>
      tpu.wait_indirect_dma semaphore(%dma_wait3A_355 : memref<!tpu.dma_semaphore, #tpu.memory_space<semaphore_mem>>) src(%dma_wait3A_353 : memref<10000x64xf32, #tpu.memory_space<hbm>>) dst(%dma_wait3A_347 : memref<128x64xf32, #tpu.memory_space<vmem>>)
      %mul3A_356 = arith.constant 8 : i32
      %mul3A_357 = arith.muli %add3A_161, %mul3A_356 : i32
      %add3A_358 = arith.constant 0 : i32
      %add3A_359 = arith.addi %mul3A_357, %add3A_358 : i32
      %dma_start3A_360 = arith.constant 0 : i32
      %dma_start3A_361 = arith.constant 0 : i32
      %dma_start3A_362 = arith.constant 0 : i32
      %dma_start3A_363 = arith.constant 0 : i32
      %dma_start3A_364 = tpu.memref_slice %arg9[%dma_start3A_360, %dma_start3A_362, %dma_start3A_363] : memref<8x128x64xf32, #tpu.memory_space<vmem>> -> memref<1x128x64xf32, #tpu.memory_space<vmem>>
      %dma_start3A_365 = tpu.memref_squeeze %dma_start3A_364 : memref<1x128x64xf32, #tpu.memory_space<vmem>> -> memref<128x64xf32, #tpu.memory_space<vmem>>
      %dma_start3A_366 = arith.constant 0 : i32
      %dma_start3A_367 = tpu.memref_slice %arg8[%add3A_359, %dma_start3A_366] : memref<80x128xi32, #tpu.memory_space<vmem>> -> memref<1x128xi32, #tpu.memory_space<vmem>>
      %dma_start3A_368 = tpu.memref_squeeze %dma_start3A_367 : memref<1x128xi32, #tpu.memory_space<vmem>> -> memref<128xi32, #tpu.memory_space<vmem>>
      %dma_start3A_369 = arith.constant 0 : i32
      %dma_start3A_370 = arith.constant 0 : i32
      %dma_start3A_371 = tpu.memref_slice %arg12[%dma_start3A_369, %dma_start3A_370] : memref<10240x64xf32, #tpu.memory_space<vmem_shared>> -> memref<10240x64xf32, #tpu.memory_space<vmem_shared>>
      %dma_start3A_372 = tpu.memref_slice %arg11[%dma_start3A_361] : memref<8x!tpu.dma_semaphore, #tpu.memory_space<semaphore_mem>> -> memref<1x!tpu.dma_semaphore, #tpu.memory_space<semaphore_mem>>
      %dma_start3A_373 = tpu.memref_squeeze %dma_start3A_372 : memref<1x!tpu.dma_semaphore, #tpu.memory_space<semaphore_mem>> -> memref<!tpu.dma_semaphore, #tpu.memory_space<semaphore_mem>>
      tpu.enqueue_indirect_dma source(%dma_start3A_365 : memref<128x64xf32, #tpu.memory_space<vmem>>) target(%dma_start3A_371 : memref<10240x64xf32, #tpu.memory_space<vmem_shared>>) offsets(%dma_start3A_368 : memref<128xi32, #tpu.memory_space<vmem>>) semaphore(%dma_start3A_373 : memref<!tpu.dma_semaphore, #tpu.memory_space<semaphore_mem>>) {add = true}
      %dma_wait3A_374 = arith.constant 1 : i32
      %dma_wait3A_375 = arith.constant 1 : i32
      %dma_wait3A_376 = arith.constant 0 : i32
      %dma_wait3A_377 = arith.constant 0 : i32
      %dma_wait3A_378 = tpu.memref_slice %arg9[%dma_wait3A_374, %dma_wait3A_376, %dma_wait3A_377] : memref<8x128x64xf32, #tpu.memory_space<vmem>> -> memref<1x128x64xf32, #tpu.memory_space<vmem>>
      %dma_wait3A_379 = tpu.memref_squeeze %dma_wait3A_378 : memref<1x128x64xf32, #tpu.memory_space<vmem>> -> memref<128x64xf32, #tpu.memory_space<vmem>>
      %dma_wait3A_380 = arith.constant 0 : i32
      %dma_wait3A_381 = tpu.memref_slice %arg7[%add3A_189, %dma_wait3A_380] : memref<80x128xi32, #tpu.memory_space<vmem>> -> memref<1x128xi32, #tpu.memory_space<vmem>>
      %dma_wait3A_382 = tpu.memref_squeeze %dma_wait3A_381 : memref<1x128xi32, #tpu.memory_space<vmem>> -> memref<128xi32, #tpu.memory_space<vmem>>
      %dma_wait3A_383 = arith.constant 0 : i32
      %dma_wait3A_384 = arith.constant 0 : i32
      %dma_wait3A_385 = tpu.memref_slice %arg2[%dma_wait3A_383, %dma_wait3A_384] : memref<10000x64xf32, #tpu.memory_space<hbm>> -> memref<10000x64xf32, #tpu.memory_space<hbm>>
      %dma_wait3A_386 = tpu.memref_slice %arg10[%dma_wait3A_375] : memref<8x!tpu.dma_semaphore, #tpu.memory_space<semaphore_mem>> -> memref<1x!tpu.dma_semaphore, #tpu.memory_space<semaphore_mem>>
      %dma_wait3A_387 = tpu.memref_squeeze %dma_wait3A_386 : memref<1x!tpu.dma_semaphore, #tpu.memory_space<semaphore_mem>> -> memref<!tpu.dma_semaphore, #tpu.memory_space<semaphore_mem>>
      tpu.wait_indirect_dma semaphore(%dma_wait3A_387 : memref<!tpu.dma_semaphore, #tpu.memory_space<semaphore_mem>>) src(%dma_wait3A_385 : memref<10000x64xf32, #tpu.memory_space<hbm>>) dst(%dma_wait3A_379 : memref<128x64xf32, #tpu.memory_space<vmem>>)
      %mul3A_388 = arith.constant 8 : i32
      %mul3A_389 = arith.muli %add3A_161, %mul3A_388 : i32
      %add3A_390 = arith.constant 1 : i32
      %add3A_391 = arith.addi %mul3A_389, %add3A_390 : i32
      %dma_start3A_392 = arith.constant 1 : i32
      %dma_start3A_393 = arith.constant 1 : i32
      %dma_start3A_394 = arith.constant 0 : i32
      %dma_start3A_395 = arith.constant 0 : i32
      %dma_start3A_396 = tpu.memref_slice %arg9[%dma_start3A_392, %dma_start3A_394, %dma_start3A_395] : memref<8x128x64xf32, #tpu.memory_space<vmem>> -> memref<1x128x64xf32, #tpu.memory_space<vmem>>
      %dma_start3A_397 = tpu.memref_squeeze %dma_start3A_396 : memref<1x128x64xf32, #tpu.memory_space<vmem>> -> memref<128x64xf32, #tpu.memory_space<vmem>>
      %dma_start3A_398 = arith.constant 0 : i32
      %dma_start3A_399 = tpu.memref_slice %arg8[%add3A_391, %dma_start3A_398] : memref<80x128xi32, #tpu.memory_space<vmem>> -> memref<1x128xi32, #tpu.memory_space<vmem>>
      %dma_start3A_400 = tpu.memref_squeeze %dma_start3A_399 : memref<1x128xi32, #tpu.memory_space<vmem>> -> memref<128xi32, #tpu.memory_space<vmem>>
      %dma_start3A_401 = arith.constant 0 : i32
      %dma_start3A_402 = arith.constant 0 : i32
      %dma_start3A_403 = tpu.memref_slice %arg12[%dma_start3A_401, %dma_start3A_402] : memref<10240x64xf32, #tpu.memory_space<vmem_shared>> -> memref<10240x64xf32, #tpu.memory_space<vmem_shared>>
      %dma_start3A_404 = tpu.memref_slice %arg11[%dma_start3A_393] : memref<8x!tpu.dma_semaphore, #tpu.memory_space<semaphore_mem>> -> memref<1x!tpu.dma_semaphore, #tpu.memory_space<semaphore_mem>>
      %dma_start3A_405 = tpu.memref_squeeze %dma_start3A_404 : memref<1x!tpu.dma_semaphore, #tpu.memory_space<semaphore_mem>> -> memref<!tpu.dma_semaphore, #tpu.memory_space<semaphore_mem>>
      tpu.enqueue_indirect_dma source(%dma_start3A_397 : memref<128x64xf32, #tpu.memory_space<vmem>>) target(%dma_start3A_403 : memref<10240x64xf32, #tpu.memory_space<vmem_shared>>) offsets(%dma_start3A_400 : memref<128xi32, #tpu.memory_space<vmem>>) semaphore(%dma_start3A_405 : memref<!tpu.dma_semaphore, #tpu.memory_space<semaphore_mem>>) {add = true}
      %dma_wait3A_406 = arith.constant 2 : i32
      %dma_wait3A_407 = arith.constant 2 : i32
      %dma_wait3A_408 = arith.constant 0 : i32
      %dma_wait3A_409 = arith.constant 0 : i32
      %dma_wait3A_410 = tpu.memref_slice %arg9[%dma_wait3A_406, %dma_wait3A_408, %dma_wait3A_409] : memref<8x128x64xf32, #tpu.memory_space<vmem>> -> memref<1x128x64xf32, #tpu.memory_space<vmem>>
      %dma_wait3A_411 = tpu.memref_squeeze %dma_wait3A_410 : memref<1x128x64xf32, #tpu.memory_space<vmem>> -> memref<128x64xf32, #tpu.memory_space<vmem>>
      %dma_wait3A_412 = arith.constant 0 : i32
      %dma_wait3A_413 = tpu.memref_slice %arg7[%add3A_212, %dma_wait3A_412] : memref<80x128xi32, #tpu.memory_space<vmem>> -> memref<1x128xi32, #tpu.memory_space<vmem>>
      %dma_wait3A_414 = tpu.memref_squeeze %dma_wait3A_413 : memref<1x128xi32, #tpu.memory_space<vmem>> -> memref<128xi32, #tpu.memory_space<vmem>>
      %dma_wait3A_415 = arith.constant 0 : i32
      %dma_wait3A_416 = arith.constant 0 : i32
      %dma_wait3A_417 = tpu.memref_slice %arg2[%dma_wait3A_415, %dma_wait3A_416] : memref<10000x64xf32, #tpu.memory_space<hbm>> -> memref<10000x64xf32, #tpu.memory_space<hbm>>
      %dma_wait3A_418 = tpu.memref_slice %arg10[%dma_wait3A_407] : memref<8x!tpu.dma_semaphore, #tpu.memory_space<semaphore_mem>> -> memref<1x!tpu.dma_semaphore, #tpu.memory_space<semaphore_mem>>
      %dma_wait3A_419 = tpu.memref_squeeze %dma_wait3A_418 : memref<1x!tpu.dma_semaphore, #tpu.memory_space<semaphore_mem>> -> memref<!tpu.dma_semaphore, #tpu.memory_space<semaphore_mem>>
      tpu.wait_indirect_dma semaphore(%dma_wait3A_419 : memref<!tpu.dma_semaphore, #tpu.memory_space<semaphore_mem>>) src(%dma_wait3A_417 : memref<10000x64xf32, #tpu.memory_space<hbm>>) dst(%dma_wait3A_411 : memref<128x64xf32, #tpu.memory_space<vmem>>)
      %mul3A_420 = arith.constant 8 : i32
      %mul3A_421 = arith.muli %add3A_161, %mul3A_420 : i32
      %add3A_422 = arith.constant 2 : i32
      %add3A_423 = arith.addi %mul3A_421, %add3A_422 : i32
      %dma_start3A_424 = arith.constant 2 : i32
      %dma_start3A_425 = arith.constant 2 : i32
      %dma_start3A_426 = arith.constant 0 : i32
      %dma_start3A_427 = arith.constant 0 : i32
      %dma_start3A_428 = tpu.memref_slice %arg9[%dma_start3A_424, %dma_start3A_426, %dma_start3A_427] : memref<8x128x64xf32, #tpu.memory_space<vmem>> -> memref<1x128x64xf32, #tpu.memory_space<vmem>>
      %dma_start3A_429 = tpu.memref_squeeze %dma_start3A_428 : memref<1x128x64xf32, #tpu.memory_space<vmem>> -> memref<128x64xf32, #tpu.memory_space<vmem>>
      %dma_start3A_430 = arith.constant 0 : i32
      %dma_start3A_431 = tpu.memref_slice %arg8[%add3A_423, %dma_start3A_430] : memref<80x128xi32, #tpu.memory_space<vmem>> -> memref<1x128xi32, #tpu.memory_space<vmem>>
      %dma_start3A_432 = tpu.memref_squeeze %dma_start3A_431 : memref<1x128xi32, #tpu.memory_space<vmem>> -> memref<128xi32, #tpu.memory_space<vmem>>
      %dma_start3A_433 = arith.constant 0 : i32
      %dma_start3A_434 = arith.constant 0 : i32
      %dma_start3A_435 = tpu.memref_slice %arg12[%dma_start3A_433, %dma_start3A_434] : memref<10240x64xf32, #tpu.memory_space<vmem_shared>> -> memref<10240x64xf32, #tpu.memory_space<vmem_shared>>
      %dma_start3A_436 = tpu.memref_slice %arg11[%dma_start3A_425] : memref<8x!tpu.dma_semaphore, #tpu.memory_space<semaphore_mem>> -> memref<1x!tpu.dma_semaphore, #tpu.memory_space<semaphore_mem>>
      %dma_start3A_437 = tpu.memref_squeeze %dma_start3A_436 : memref<1x!tpu.dma_semaphore, #tpu.memory_space<semaphore_mem>> -> memref<!tpu.dma_semaphore, #tpu.memory_space<semaphore_mem>>
      tpu.enqueue_indirect_dma source(%dma_start3A_429 : memref<128x64xf32, #tpu.memory_space<vmem>>) target(%dma_start3A_435 : memref<10240x64xf32, #tpu.memory_space<vmem_shared>>) offsets(%dma_start3A_432 : memref<128xi32, #tpu.memory_space<vmem>>) semaphore(%dma_start3A_437 : memref<!tpu.dma_semaphore, #tpu.memory_space<semaphore_mem>>) {add = true}
      %dma_wait3A_438 = arith.constant 3 : i32
      %dma_wait3A_439 = arith.constant 3 : i32
      %dma_wait3A_440 = arith.constant 0 : i32
      %dma_wait3A_441 = arith.constant 0 : i32
      %dma_wait3A_442 = tpu.memref_slice %arg9[%dma_wait3A_438, %dma_wait3A_440, %dma_wait3A_441] : memref<8x128x64xf32, #tpu.memory_space<vmem>> -> memref<1x128x64xf32, #tpu.memory_space<vmem>>
      %dma_wait3A_443 = tpu.memref_squeeze %dma_wait3A_442 : memref<1x128x64xf32, #tpu.memory_space<vmem>> -> memref<128x64xf32, #tpu.memory_space<vmem>>
      %dma_wait3A_444 = arith.constant 0 : i32
      %dma_wait3A_445 = tpu.memref_slice %arg7[%add3A_235, %dma_wait3A_444] : memref<80x128xi32, #tpu.memory_space<vmem>> -> memref<1x128xi32, #tpu.memory_space<vmem>>
      %dma_wait3A_446 = tpu.memref_squeeze %dma_wait3A_445 : memref<1x128xi32, #tpu.memory_space<vmem>> -> memref<128xi32, #tpu.memory_space<vmem>>
      %dma_wait3A_447 = arith.constant 0 : i32
      %dma_wait3A_448 = arith.constant 0 : i32
      %dma_wait3A_449 = tpu.memref_slice %arg2[%dma_wait3A_447, %dma_wait3A_448] : memref<10000x64xf32, #tpu.memory_space<hbm>> -> memref<10000x64xf32, #tpu.memory_space<hbm>>
      %dma_wait3A_450 = tpu.memref_slice %arg10[%dma_wait3A_439] : memref<8x!tpu.dma_semaphore, #tpu.memory_space<semaphore_mem>> -> memref<1x!tpu.dma_semaphore, #tpu.memory_space<semaphore_mem>>
      %dma_wait3A_451 = tpu.memref_squeeze %dma_wait3A_450 : memref<1x!tpu.dma_semaphore, #tpu.memory_space<semaphore_mem>> -> memref<!tpu.dma_semaphore, #tpu.memory_space<semaphore_mem>>
      tpu.wait_indirect_dma semaphore(%dma_wait3A_451 : memref<!tpu.dma_semaphore, #tpu.memory_space<semaphore_mem>>) src(%dma_wait3A_449 : memref<10000x64xf32, #tpu.memory_space<hbm>>) dst(%dma_wait3A_443 : memref<128x64xf32, #tpu.memory_space<vmem>>)
      %mul3A_452 = arith.constant 8 : i32
      %mul3A_453 = arith.muli %add3A_161, %mul3A_452 : i32
      %add3A_454 = arith.constant 3 : i32
      %add3A_455 = arith.addi %mul3A_453, %add3A_454 : i32
      %dma_start3A_456 = arith.constant 3 : i32
      %dma_start3A_457 = arith.constant 3 : i32
      %dma_start3A_458 = arith.constant 0 : i32
      %dma_start3A_459 = arith.constant 0 : i32
      %dma_start3A_460 = tpu.memref_slice %arg9[%dma_start3A_456, %dma_start3A_458, %dma_start3A_459] : memref<8x128x64xf32, #tpu.memory_space<vmem>> -> memref<1x128x64xf32, #tpu.memory_space<vmem>>
      %dma_start3A_461 = tpu.memref_squeeze %dma_start3A_460 : memref<1x128x64xf32, #tpu.memory_space<vmem>> -> memref<128x64xf32, #tpu.memory_space<vmem>>
      %dma_start3A_462 = arith.constant 0 : i32
      %dma_start3A_463 = tpu.memref_slice %arg8[%add3A_455, %dma_start3A_462] : memref<80x128xi32, #tpu.memory_space<vmem>> -> memref<1x128xi32, #tpu.memory_space<vmem>>
      %dma_start3A_464 = tpu.memref_squeeze %dma_start3A_463 : memref<1x128xi32, #tpu.memory_space<vmem>> -> memref<128xi32, #tpu.memory_space<vmem>>
      %dma_start3A_465 = arith.constant 0 : i32
      %dma_start3A_466 = arith.constant 0 : i32
      %dma_start3A_467 = tpu.memref_slice %arg12[%dma_start3A_465, %dma_start3A_466] : memref<10240x64xf32, #tpu.memory_space<vmem_shared>> -> memref<10240x64xf32, #tpu.memory_space<vmem_shared>>
      %dma_start3A_468 = tpu.memref_slice %arg11[%dma_start3A_457] : memref<8x!tpu.dma_semaphore, #tpu.memory_space<semaphore_mem>> -> memref<1x!tpu.dma_semaphore, #tpu.memory_space<semaphore_mem>>
      %dma_start3A_469 = tpu.memref_squeeze %dma_start3A_468 : memref<1x!tpu.dma_semaphore, #tpu.memory_space<semaphore_mem>> -> memref<!tpu.dma_semaphore, #tpu.memory_space<semaphore_mem>>
      tpu.enqueue_indirect_dma source(%dma_start3A_461 : memref<128x64xf32, #tpu.memory_space<vmem>>) target(%dma_start3A_467 : memref<10240x64xf32, #tpu.memory_space<vmem_shared>>) offsets(%dma_start3A_464 : memref<128xi32, #tpu.memory_space<vmem>>) semaphore(%dma_start3A_469 : memref<!tpu.dma_semaphore, #tpu.memory_space<semaphore_mem>>) {add = true}
      %dma_wait3A_470 = arith.constant 4 : i32
      %dma_wait3A_471 = arith.constant 4 : i32
      %dma_wait3A_472 = arith.constant 0 : i32
      %dma_wait3A_473 = arith.constant 0 : i32
      %dma_wait3A_474 = tpu.memref_slice %arg9[%dma_wait3A_470, %dma_wait3A_472, %dma_wait3A_473] : memref<8x128x64xf32, #tpu.memory_space<vmem>> -> memref<1x128x64xf32, #tpu.memory_space<vmem>>
      %dma_wait3A_475 = tpu.memref_squeeze %dma_wait3A_474 : memref<1x128x64xf32, #tpu.memory_space<vmem>> -> memref<128x64xf32, #tpu.memory_space<vmem>>
      %dma_wait3A_476 = arith.constant 0 : i32
      %dma_wait3A_477 = tpu.memref_slice %arg7[%add3A_258, %dma_wait3A_476] : memref<80x128xi32, #tpu.memory_space<vmem>> -> memref<1x128xi32, #tpu.memory_space<vmem>>
      %dma_wait3A_478 = tpu.memref_squeeze %dma_wait3A_477 : memref<1x128xi32, #tpu.memory_space<vmem>> -> memref<128xi32, #tpu.memory_space<vmem>>
      %dma_wait3A_479 = arith.constant 0 : i32
      %dma_wait3A_480 = arith.constant 0 : i32
      %dma_wait3A_481 = tpu.memref_slice %arg2[%dma_wait3A_479, %dma_wait3A_480] : memref<10000x64xf32, #tpu.memory_space<hbm>> -> memref<10000x64xf32, #tpu.memory_space<hbm>>
      %dma_wait3A_482 = tpu.memref_slice %arg10[%dma_wait3A_471] : memref<8x!tpu.dma_semaphore, #tpu.memory_space<semaphore_mem>> -> memref<1x!tpu.dma_semaphore, #tpu.memory_space<semaphore_mem>>
      %dma_wait3A_483 = tpu.memref_squeeze %dma_wait3A_482 : memref<1x!tpu.dma_semaphore, #tpu.memory_space<semaphore_mem>> -> memref<!tpu.dma_semaphore, #tpu.memory_space<semaphore_mem>>
      tpu.wait_indirect_dma semaphore(%dma_wait3A_483 : memref<!tpu.dma_semaphore, #tpu.memory_space<semaphore_mem>>) src(%dma_wait3A_481 : memref<10000x64xf32, #tpu.memory_space<hbm>>) dst(%dma_wait3A_475 : memref<128x64xf32, #tpu.memory_space<vmem>>)
      %mul3A_484 = arith.constant 8 : i32
      %mul3A_485 = arith.muli %add3A_161, %mul3A_484 : i32
      %add3A_486 = arith.constant 4 : i32
      %add3A_487 = arith.addi %mul3A_485, %add3A_486 : i32
      %dma_start3A_488 = arith.constant 4 : i32
      %dma_start3A_489 = arith.constant 4 : i32
      %dma_start3A_490 = arith.constant 0 : i32
      %dma_start3A_491 = arith.constant 0 : i32
      %dma_start3A_492 = tpu.memref_slice %arg9[%dma_start3A_488, %dma_start3A_490, %dma_start3A_491] : memref<8x128x64xf32, #tpu.memory_space<vmem>> -> memref<1x128x64xf32, #tpu.memory_space<vmem>>
      %dma_start3A_493 = tpu.memref_squeeze %dma_start3A_492 : memref<1x128x64xf32, #tpu.memory_space<vmem>> -> memref<128x64xf32, #tpu.memory_space<vmem>>
      %dma_start3A_494 = arith.constant 0 : i32
      %dma_start3A_495 = tpu.memref_slice %arg8[%add3A_487, %dma_start3A_494] : memref<80x128xi32, #tpu.memory_space<vmem>> -> memref<1x128xi32, #tpu.memory_space<vmem>>
      %dma_start3A_496 = tpu.memref_squeeze %dma_start3A_495 : memref<1x128xi32, #tpu.memory_space<vmem>> -> memref<128xi32, #tpu.memory_space<vmem>>
      %dma_start3A_497 = arith.constant 0 : i32
      %dma_start3A_498 = arith.constant 0 : i32
      %dma_start3A_499 = tpu.memref_slice %arg12[%dma_start3A_497, %dma_start3A_498] : memref<10240x64xf32, #tpu.memory_space<vmem_shared>> -> memref<10240x64xf32, #tpu.memory_space<vmem_shared>>
      %dma_start3A_500 = tpu.memref_slice %arg11[%dma_start3A_489] : memref<8x!tpu.dma_semaphore, #tpu.memory_space<semaphore_mem>> -> memref<1x!tpu.dma_semaphore, #tpu.memory_space<semaphore_mem>>
      %dma_start3A_501 = tpu.memref_squeeze %dma_start3A_500 : memref<1x!tpu.dma_semaphore, #tpu.memory_space<semaphore_mem>> -> memref<!tpu.dma_semaphore, #tpu.memory_space<semaphore_mem>>
      tpu.enqueue_indirect_dma source(%dma_start3A_493 : memref<128x64xf32, #tpu.memory_space<vmem>>) target(%dma_start3A_499 : memref<10240x64xf32, #tpu.memory_space<vmem_shared>>) offsets(%dma_start3A_496 : memref<128xi32, #tpu.memory_space<vmem>>) semaphore(%dma_start3A_501 : memref<!tpu.dma_semaphore, #tpu.memory_space<semaphore_mem>>) {add = true}
      %dma_wait3A_502 = arith.constant 5 : i32
      %dma_wait3A_503 = arith.constant 5 : i32
      %dma_wait3A_504 = arith.constant 0 : i32
      %dma_wait3A_505 = arith.constant 0 : i32
      %dma_wait3A_506 = tpu.memref_slice %arg9[%dma_wait3A_502, %dma_wait3A_504, %dma_wait3A_505] : memref<8x128x64xf32, #tpu.memory_space<vmem>> -> memref<1x128x64xf32, #tpu.memory_space<vmem>>
      %dma_wait3A_507 = tpu.memref_squeeze %dma_wait3A_506 : memref<1x128x64xf32, #tpu.memory_space<vmem>> -> memref<128x64xf32, #tpu.memory_space<vmem>>
      %dma_wait3A_508 = arith.constant 0 : i32
      %dma_wait3A_509 = tpu.memref_slice %arg7[%add3A_281, %dma_wait3A_508] : memref<80x128xi32, #tpu.memory_space<vmem>> -> memref<1x128xi32, #tpu.memory_space<vmem>>
      %dma_wait3A_510 = tpu.memref_squeeze %dma_wait3A_509 : memref<1x128xi32, #tpu.memory_space<vmem>> -> memref<128xi32, #tpu.memory_space<vmem>>
      %dma_wait3A_511 = arith.constant 0 : i32
      %dma_wait3A_512 = arith.constant 0 : i32
      %dma_wait3A_513 = tpu.memref_slice %arg2[%dma_wait3A_511, %dma_wait3A_512] : memref<10000x64xf32, #tpu.memory_space<hbm>> -> memref<10000x64xf32, #tpu.memory_space<hbm>>
      %dma_wait3A_514 = tpu.memref_slice %arg10[%dma_wait3A_503] : memref<8x!tpu.dma_semaphore, #tpu.memory_space<semaphore_mem>> -> memref<1x!tpu.dma_semaphore, #tpu.memory_space<semaphore_mem>>
      %dma_wait3A_515 = tpu.memref_squeeze %dma_wait3A_514 : memref<1x!tpu.dma_semaphore, #tpu.memory_space<semaphore_mem>> -> memref<!tpu.dma_semaphore, #tpu.memory_space<semaphore_mem>>
      tpu.wait_indirect_dma semaphore(%dma_wait3A_515 : memref<!tpu.dma_semaphore, #tpu.memory_space<semaphore_mem>>) src(%dma_wait3A_513 : memref<10000x64xf32, #tpu.memory_space<hbm>>) dst(%dma_wait3A_507 : memref<128x64xf32, #tpu.memory_space<vmem>>)
      %mul3A_516 = arith.constant 8 : i32
      %mul3A_517 = arith.muli %add3A_161, %mul3A_516 : i32
      %add3A_518 = arith.constant 5 : i32
      %add3A_519 = arith.addi %mul3A_517, %add3A_518 : i32
      %dma_start3A_520 = arith.constant 5 : i32
      %dma_start3A_521 = arith.constant 5 : i32
      %dma_start3A_522 = arith.constant 0 : i32
      %dma_start3A_523 = arith.constant 0 : i32
      %dma_start3A_524 = tpu.memref_slice %arg9[%dma_start3A_520, %dma_start3A_522, %dma_start3A_523] : memref<8x128x64xf32, #tpu.memory_space<vmem>> -> memref<1x128x64xf32, #tpu.memory_space<vmem>>
      %dma_start3A_525 = tpu.memref_squeeze %dma_start3A_524 : memref<1x128x64xf32, #tpu.memory_space<vmem>> -> memref<128x64xf32, #tpu.memory_space<vmem>>
      %dma_start3A_526 = arith.constant 0 : i32
      %dma_start3A_527 = tpu.memref_slice %arg8[%add3A_519, %dma_start3A_526] : memref<80x128xi32, #tpu.memory_space<vmem>> -> memref<1x128xi32, #tpu.memory_space<vmem>>
      %dma_start3A_528 = tpu.memref_squeeze %dma_start3A_527 : memref<1x128xi32, #tpu.memory_space<vmem>> -> memref<128xi32, #tpu.memory_space<vmem>>
      %dma_start3A_529 = arith.constant 0 : i32
      %dma_start3A_530 = arith.constant 0 : i32
      %dma_start3A_531 = tpu.memref_slice %arg12[%dma_start3A_529, %dma_start3A_530] : memref<10240x64xf32, #tpu.memory_space<vmem_shared>> -> memref<10240x64xf32, #tpu.memory_space<vmem_shared>>
      %dma_start3A_532 = tpu.memref_slice %arg11[%dma_start3A_521] : memref<8x!tpu.dma_semaphore, #tpu.memory_space<semaphore_mem>> -> memref<1x!tpu.dma_semaphore, #tpu.memory_space<semaphore_mem>>
      %dma_start3A_533 = tpu.memref_squeeze %dma_start3A_532 : memref<1x!tpu.dma_semaphore, #tpu.memory_space<semaphore_mem>> -> memref<!tpu.dma_semaphore, #tpu.memory_space<semaphore_mem>>
      tpu.enqueue_indirect_dma source(%dma_start3A_525 : memref<128x64xf32, #tpu.memory_space<vmem>>) target(%dma_start3A_531 : memref<10240x64xf32, #tpu.memory_space<vmem_shared>>) offsets(%dma_start3A_528 : memref<128xi32, #tpu.memory_space<vmem>>) semaphore(%dma_start3A_533 : memref<!tpu.dma_semaphore, #tpu.memory_space<semaphore_mem>>) {add = true}
      %dma_wait3A_534 = arith.constant 6 : i32
      %dma_wait3A_535 = arith.constant 6 : i32
      %dma_wait3A_536 = arith.constant 0 : i32
      %dma_wait3A_537 = arith.constant 0 : i32
      %dma_wait3A_538 = tpu.memref_slice %arg9[%dma_wait3A_534, %dma_wait3A_536, %dma_wait3A_537] : memref<8x128x64xf32, #tpu.memory_space<vmem>> -> memref<1x128x64xf32, #tpu.memory_space<vmem>>
      %dma_wait3A_539 = tpu.memref_squeeze %dma_wait3A_538 : memref<1x128x64xf32, #tpu.memory_space<vmem>> -> memref<128x64xf32, #tpu.memory_space<vmem>>
      %dma_wait3A_540 = arith.constant 0 : i32
      %dma_wait3A_541 = tpu.memref_slice %arg7[%add3A_304, %dma_wait3A_540] : memref<80x128xi32, #tpu.memory_space<vmem>> -> memref<1x128xi32, #tpu.memory_space<vmem>>
      %dma_wait3A_542 = tpu.memref_squeeze %dma_wait3A_541 : memref<1x128xi32, #tpu.memory_space<vmem>> -> memref<128xi32, #tpu.memory_space<vmem>>
      %dma_wait3A_543 = arith.constant 0 : i32
      %dma_wait3A_544 = arith.constant 0 : i32
      %dma_wait3A_545 = tpu.memref_slice %arg2[%dma_wait3A_543, %dma_wait3A_544] : memref<10000x64xf32, #tpu.memory_space<hbm>> -> memref<10000x64xf32, #tpu.memory_space<hbm>>
      %dma_wait3A_546 = tpu.memref_slice %arg10[%dma_wait3A_535] : memref<8x!tpu.dma_semaphore, #tpu.memory_space<semaphore_mem>> -> memref<1x!tpu.dma_semaphore, #tpu.memory_space<semaphore_mem>>
      %dma_wait3A_547 = tpu.memref_squeeze %dma_wait3A_546 : memref<1x!tpu.dma_semaphore, #tpu.memory_space<semaphore_mem>> -> memref<!tpu.dma_semaphore, #tpu.memory_space<semaphore_mem>>
      tpu.wait_indirect_dma semaphore(%dma_wait3A_547 : memref<!tpu.dma_semaphore, #tpu.memory_space<semaphore_mem>>) src(%dma_wait3A_545 : memref<10000x64xf32, #tpu.memory_space<hbm>>) dst(%dma_wait3A_539 : memref<128x64xf32, #tpu.memory_space<vmem>>)
      %mul3A_548 = arith.constant 8 : i32
      %mul3A_549 = arith.muli %add3A_161, %mul3A_548 : i32
      %add3A_550 = arith.constant 6 : i32
      %add3A_551 = arith.addi %mul3A_549, %add3A_550 : i32
      %dma_start3A_552 = arith.constant 6 : i32
      %dma_start3A_553 = arith.constant 6 : i32
      %dma_start3A_554 = arith.constant 0 : i32
      %dma_start3A_555 = arith.constant 0 : i32
      %dma_start3A_556 = tpu.memref_slice %arg9[%dma_start3A_552, %dma_start3A_554, %dma_start3A_555] : memref<8x128x64xf32, #tpu.memory_space<vmem>> -> memref<1x128x64xf32, #tpu.memory_space<vmem>>
      %dma_start3A_557 = tpu.memref_squeeze %dma_start3A_556 : memref<1x128x64xf32, #tpu.memory_space<vmem>> -> memref<128x64xf32, #tpu.memory_space<vmem>>
      %dma_start3A_558 = arith.constant 0 : i32
      %dma_start3A_559 = tpu.memref_slice %arg8[%add3A_551, %dma_start3A_558] : memref<80x128xi32, #tpu.memory_space<vmem>> -> memref<1x128xi32, #tpu.memory_space<vmem>>
      %dma_start3A_560 = tpu.memref_squeeze %dma_start3A_559 : memref<1x128xi32, #tpu.memory_space<vmem>> -> memref<128xi32, #tpu.memory_space<vmem>>
      %dma_start3A_561 = arith.constant 0 : i32
      %dma_start3A_562 = arith.constant 0 : i32
      %dma_start3A_563 = tpu.memref_slice %arg12[%dma_start3A_561, %dma_start3A_562] : memref<10240x64xf32, #tpu.memory_space<vmem_shared>> -> memref<10240x64xf32, #tpu.memory_space<vmem_shared>>
      %dma_start3A_564 = tpu.memref_slice %arg11[%dma_start3A_553] : memref<8x!tpu.dma_semaphore, #tpu.memory_space<semaphore_mem>> -> memref<1x!tpu.dma_semaphore, #tpu.memory_space<semaphore_mem>>
      %dma_start3A_565 = tpu.memref_squeeze %dma_start3A_564 : memref<1x!tpu.dma_semaphore, #tpu.memory_space<semaphore_mem>> -> memref<!tpu.dma_semaphore, #tpu.memory_space<semaphore_mem>>
      tpu.enqueue_indirect_dma source(%dma_start3A_557 : memref<128x64xf32, #tpu.memory_space<vmem>>) target(%dma_start3A_563 : memref<10240x64xf32, #tpu.memory_space<vmem_shared>>) offsets(%dma_start3A_560 : memref<128xi32, #tpu.memory_space<vmem>>) semaphore(%dma_start3A_565 : memref<!tpu.dma_semaphore, #tpu.memory_space<semaphore_mem>>) {add = true}
      %dma_wait3A_566 = arith.constant 7 : i32
      %dma_wait3A_567 = arith.constant 7 : i32
      %dma_wait3A_568 = arith.constant 0 : i32
      %dma_wait3A_569 = arith.constant 0 : i32
      %dma_wait3A_570 = tpu.memref_slice %arg9[%dma_wait3A_566, %dma_wait3A_568, %dma_wait3A_569] : memref<8x128x64xf32, #tpu.memory_space<vmem>> -> memref<1x128x64xf32, #tpu.memory_space<vmem>>
      %dma_wait3A_571 = tpu.memref_squeeze %dma_wait3A_570 : memref<1x128x64xf32, #tpu.memory_space<vmem>> -> memref<128x64xf32, #tpu.memory_space<vmem>>
      %dma_wait3A_572 = arith.constant 0 : i32
      %dma_wait3A_573 = tpu.memref_slice %arg7[%add3A_327, %dma_wait3A_572] : memref<80x128xi32, #tpu.memory_space<vmem>> -> memref<1x128xi32, #tpu.memory_space<vmem>>
      %dma_wait3A_574 = tpu.memref_squeeze %dma_wait3A_573 : memref<1x128xi32, #tpu.memory_space<vmem>> -> memref<128xi32, #tpu.memory_space<vmem>>
      %dma_wait3A_575 = arith.constant 0 : i32
      %dma_wait3A_576 = arith.constant 0 : i32
      %dma_wait3A_577 = tpu.memref_slice %arg2[%dma_wait3A_575, %dma_wait3A_576] : memref<10000x64xf32, #tpu.memory_space<hbm>> -> memref<10000x64xf32, #tpu.memory_space<hbm>>
      %dma_wait3A_578 = tpu.memref_slice %arg10[%dma_wait3A_567] : memref<8x!tpu.dma_semaphore, #tpu.memory_space<semaphore_mem>> -> memref<1x!tpu.dma_semaphore, #tpu.memory_space<semaphore_mem>>
      %dma_wait3A_579 = tpu.memref_squeeze %dma_wait3A_578 : memref<1x!tpu.dma_semaphore, #tpu.memory_space<semaphore_mem>> -> memref<!tpu.dma_semaphore, #tpu.memory_space<semaphore_mem>>
      tpu.wait_indirect_dma semaphore(%dma_wait3A_579 : memref<!tpu.dma_semaphore, #tpu.memory_space<semaphore_mem>>) src(%dma_wait3A_577 : memref<10000x64xf32, #tpu.memory_space<hbm>>) dst(%dma_wait3A_571 : memref<128x64xf32, #tpu.memory_space<vmem>>)
      %mul3A_580 = arith.constant 8 : i32
      %mul3A_581 = arith.muli %add3A_161, %mul3A_580 : i32
      %add3A_582 = arith.constant 7 : i32
      %add3A_583 = arith.addi %mul3A_581, %add3A_582 : i32
      %dma_start3A_584 = arith.constant 7 : i32
      %dma_start3A_585 = arith.constant 7 : i32
      %dma_start3A_586 = arith.constant 0 : i32
      %dma_start3A_587 = arith.constant 0 : i32
      %dma_start3A_588 = tpu.memref_slice %arg9[%dma_start3A_584, %dma_start3A_586, %dma_start3A_587] : memref<8x128x64xf32, #tpu.memory_space<vmem>> -> memref<1x128x64xf32, #tpu.memory_space<vmem>>
      %dma_start3A_589 = tpu.memref_squeeze %dma_start3A_588 : memref<1x128x64xf32, #tpu.memory_space<vmem>> -> memref<128x64xf32, #tpu.memory_space<vmem>>
      %dma_start3A_590 = arith.constant 0 : i32
      %dma_start3A_591 = tpu.memref_slice %arg8[%add3A_583, %dma_start3A_590] : memref<80x128xi32, #tpu.memory_space<vmem>> -> memref<1x128xi32, #tpu.memory_space<vmem>>
      %dma_start3A_592 = tpu.memref_squeeze %dma_start3A_591 : memref<1x128xi32, #tpu.memory_space<vmem>> -> memref<128xi32, #tpu.memory_space<vmem>>
      %dma_start3A_593 = arith.constant 0 : i32
      %dma_start3A_594 = arith.constant 0 : i32
      %dma_start3A_595 = tpu.memref_slice %arg12[%dma_start3A_593, %dma_start3A_594] : memref<10240x64xf32, #tpu.memory_space<vmem_shared>> -> memref<10240x64xf32, #tpu.memory_space<vmem_shared>>
      %dma_start3A_596 = tpu.memref_slice %arg11[%dma_start3A_585] : memref<8x!tpu.dma_semaphore, #tpu.memory_space<semaphore_mem>> -> memref<1x!tpu.dma_semaphore, #tpu.memory_space<semaphore_mem>>
      %dma_start3A_597 = tpu.memref_squeeze %dma_start3A_596 : memref<1x!tpu.dma_semaphore, #tpu.memory_space<semaphore_mem>> -> memref<!tpu.dma_semaphore, #tpu.memory_space<semaphore_mem>>
      tpu.enqueue_indirect_dma source(%dma_start3A_589 : memref<128x64xf32, #tpu.memory_space<vmem>>) target(%dma_start3A_595 : memref<10240x64xf32, #tpu.memory_space<vmem_shared>>) offsets(%dma_start3A_592 : memref<128xi32, #tpu.memory_space<vmem>>) semaphore(%dma_start3A_597 : memref<!tpu.dma_semaphore, #tpu.memory_space<semaphore_mem>>) {add = true}
    }
    %scan3A_8 = arith.constant 10 : i32
    %dma_wait3A = arith.constant 0 : i32
    %dma_wait3A_9 = arith.constant 0 : i32
    %dma_wait3A_10 = arith.constant 0 : i32
    %dma_wait3A_11 = arith.constant 0 : i32
    %dma_wait3A_12 = tpu.memref_slice %arg9[%dma_wait3A, %dma_wait3A_10, %dma_wait3A_11] : memref<8x128x64xf32, #tpu.memory_space<vmem>> -> memref<1x128x64xf32, #tpu.memory_space<vmem>>
    %dma_wait3A_13 = tpu.memref_squeeze %dma_wait3A_12 : memref<1x128x64xf32, #tpu.memory_space<vmem>> -> memref<128x64xf32, #tpu.memory_space<vmem>>
    %dma_wait3A_14 = arith.constant 0 : i32
    %dma_wait3A_15 = arith.constant 0 : i32
    %dma_wait3A_16 = tpu.memref_slice %arg5[%dma_wait3A_14, %dma_wait3A_15] : memref<640x64xf32, #tpu.memory_space<hbm>> -> memref<128x64xf32, #tpu.memory_space<hbm>>
    %dma_wait3A_17 = tpu.memref_slice %arg11[%dma_wait3A_9] : memref<8x!tpu.dma_semaphore, #tpu.memory_space<semaphore_mem>> -> memref<1x!tpu.dma_semaphore, #tpu.memory_space<semaphore_mem>>
    %dma_wait3A_18 = tpu.memref_squeeze %dma_wait3A_17 : memref<1x!tpu.dma_semaphore, #tpu.memory_space<semaphore_mem>> -> memref<!tpu.dma_semaphore, #tpu.memory_space<semaphore_mem>>
    %dma_wait3A_19 = arith.constant 0 : i32
    %dma_wait3A_20 = arith.constant 0 : i32
    %dma_wait3A_21 = tpu.memref_slice %arg9[%dma_wait3A, %dma_wait3A_19, %dma_wait3A_20] : memref<8x128x64xf32, #tpu.memory_space<vmem>> -> memref<1x128x64xf32, #tpu.memory_space<vmem>>
    %dma_wait3A_22 = tpu.memref_squeeze %dma_wait3A_21 : memref<1x128x64xf32, #tpu.memory_space<vmem>> -> memref<128x64xf32, #tpu.memory_space<vmem>>
    %dma_wait3A_23 = arith.constant 0 : i32
    %dma_wait3A_24 = arith.constant 0 : i32
    %dma_wait3A_25 = tpu.memref_slice %arg5[%dma_wait3A_23, %dma_wait3A_24] : memref<640x64xf32, #tpu.memory_space<hbm>> -> memref<128x64xf32, #tpu.memory_space<hbm>>
    tpu.wait_dma2 semaphore(%dma_wait3A_18 : memref<!tpu.dma_semaphore, #tpu.memory_space<semaphore_mem>>) src(%dma_wait3A_25 : memref<128x64xf32, #tpu.memory_space<hbm>>) dst(%dma_wait3A_22 : memref<128x64xf32, #tpu.memory_space<vmem>>)
    %dma_wait3A_26 = arith.constant 1 : i32
    %dma_wait3A_27 = arith.constant 1 : i32
    %dma_wait3A_28 = arith.constant 0 : i32
    %dma_wait3A_29 = arith.constant 0 : i32
    %dma_wait3A_30 = tpu.memref_slice %arg9[%dma_wait3A_26, %dma_wait3A_28, %dma_wait3A_29] : memref<8x128x64xf32, #tpu.memory_space<vmem>> -> memref<1x128x64xf32, #tpu.memory_space<vmem>>
    %dma_wait3A_31 = tpu.memref_squeeze %dma_wait3A_30 : memref<1x128x64xf32, #tpu.memory_space<vmem>> -> memref<128x64xf32, #tpu.memory_space<vmem>>
    %dma_wait3A_32 = arith.constant 0 : i32
    %dma_wait3A_33 = arith.constant 0 : i32
    %dma_wait3A_34 = tpu.memref_slice %arg5[%dma_wait3A_32, %dma_wait3A_33] : memref<640x64xf32, #tpu.memory_space<hbm>> -> memref<128x64xf32, #tpu.memory_space<hbm>>
    %dma_wait3A_35 = tpu.memref_slice %arg11[%dma_wait3A_27] : memref<8x!tpu.dma_semaphore, #tpu.memory_space<semaphore_mem>> -> memref<1x!tpu.dma_semaphore, #tpu.memory_space<semaphore_mem>>
    %dma_wait3A_36 = tpu.memref_squeeze %dma_wait3A_35 : memref<1x!tpu.dma_semaphore, #tpu.memory_space<semaphore_mem>> -> memref<!tpu.dma_semaphore, #tpu.memory_space<semaphore_mem>>
    %dma_wait3A_37 = arith.constant 0 : i32
    %dma_wait3A_38 = arith.constant 0 : i32
    %dma_wait3A_39 = tpu.memref_slice %arg9[%dma_wait3A_26, %dma_wait3A_37, %dma_wait3A_38] : memref<8x128x64xf32, #tpu.memory_space<vmem>> -> memref<1x128x64xf32, #tpu.memory_space<vmem>>
    %dma_wait3A_40 = tpu.memref_squeeze %dma_wait3A_39 : memref<1x128x64xf32, #tpu.memory_space<vmem>> -> memref<128x64xf32, #tpu.memory_space<vmem>>
    %dma_wait3A_41 = arith.constant 0 : i32
    %dma_wait3A_42 = arith.constant 0 : i32
    %dma_wait3A_43 = tpu.memref_slice %arg5[%dma_wait3A_41, %dma_wait3A_42] : memref<640x64xf32, #tpu.memory_space<hbm>> -> memref<128x64xf32, #tpu.memory_space<hbm>>
    tpu.wait_dma2 semaphore(%dma_wait3A_36 : memref<!tpu.dma_semaphore, #tpu.memory_space<semaphore_mem>>) src(%dma_wait3A_43 : memref<128x64xf32, #tpu.memory_space<hbm>>) dst(%dma_wait3A_40 : memref<128x64xf32, #tpu.memory_space<vmem>>)
    %dma_wait3A_44 = arith.constant 2 : i32
    %dma_wait3A_45 = arith.constant 2 : i32
    %dma_wait3A_46 = arith.constant 0 : i32
    %dma_wait3A_47 = arith.constant 0 : i32
    %dma_wait3A_48 = tpu.memref_slice %arg9[%dma_wait3A_44, %dma_wait3A_46, %dma_wait3A_47] : memref<8x128x64xf32, #tpu.memory_space<vmem>> -> memref<1x128x64xf32, #tpu.memory_space<vmem>>
    %dma_wait3A_49 = tpu.memref_squeeze %dma_wait3A_48 : memref<1x128x64xf32, #tpu.memory_space<vmem>> -> memref<128x64xf32, #tpu.memory_space<vmem>>
    %dma_wait3A_50 = arith.constant 0 : i32
    %dma_wait3A_51 = arith.constant 0 : i32
    %dma_wait3A_52 = tpu.memref_slice %arg5[%dma_wait3A_50, %dma_wait3A_51] : memref<640x64xf32, #tpu.memory_space<hbm>> -> memref<128x64xf32, #tpu.memory_space<hbm>>
    %dma_wait3A_53 = tpu.memref_slice %arg11[%dma_wait3A_45] : memref<8x!tpu.dma_semaphore, #tpu.memory_space<semaphore_mem>> -> memref<1x!tpu.dma_semaphore, #tpu.memory_space<semaphore_mem>>
    %dma_wait3A_54 = tpu.memref_squeeze %dma_wait3A_53 : memref<1x!tpu.dma_semaphore, #tpu.memory_space<semaphore_mem>> -> memref<!tpu.dma_semaphore, #tpu.memory_space<semaphore_mem>>
    %dma_wait3A_55 = arith.constant 0 : i32
    %dma_wait3A_56 = arith.constant 0 : i32
    %dma_wait3A_57 = tpu.memref_slice %arg9[%dma_wait3A_44, %dma_wait3A_55, %dma_wait3A_56] : memref<8x128x64xf32, #tpu.memory_space<vmem>> -> memref<1x128x64xf32, #tpu.memory_space<vmem>>
    %dma_wait3A_58 = tpu.memref_squeeze %dma_wait3A_57 : memref<1x128x64xf32, #tpu.memory_space<vmem>> -> memref<128x64xf32, #tpu.memory_space<vmem>>
    %dma_wait3A_59 = arith.constant 0 : i32
    %dma_wait3A_60 = arith.constant 0 : i32
    %dma_wait3A_61 = tpu.memref_slice %arg5[%dma_wait3A_59, %dma_wait3A_60] : memref<640x64xf32, #tpu.memory_space<hbm>> -> memref<128x64xf32, #tpu.memory_space<hbm>>
    tpu.wait_dma2 semaphore(%dma_wait3A_54 : memref<!tpu.dma_semaphore, #tpu.memory_space<semaphore_mem>>) src(%dma_wait3A_61 : memref<128x64xf32, #tpu.memory_space<hbm>>) dst(%dma_wait3A_58 : memref<128x64xf32, #tpu.memory_space<vmem>>)
    %dma_wait3A_62 = arith.constant 3 : i32
    %dma_wait3A_63 = arith.constant 3 : i32
    %dma_wait3A_64 = arith.constant 0 : i32
    %dma_wait3A_65 = arith.constant 0 : i32
    %dma_wait3A_66 = tpu.memref_slice %arg9[%dma_wait3A_62, %dma_wait3A_64, %dma_wait3A_65] : memref<8x128x64xf32, #tpu.memory_space<vmem>> -> memref<1x128x64xf32, #tpu.memory_space<vmem>>
    %dma_wait3A_67 = tpu.memref_squeeze %dma_wait3A_66 : memref<1x128x64xf32, #tpu.memory_space<vmem>> -> memref<128x64xf32, #tpu.memory_space<vmem>>
    %dma_wait3A_68 = arith.constant 0 : i32
    %dma_wait3A_69 = arith.constant 0 : i32
    %dma_wait3A_70 = tpu.memref_slice %arg5[%dma_wait3A_68, %dma_wait3A_69] : memref<640x64xf32, #tpu.memory_space<hbm>> -> memref<128x64xf32, #tpu.memory_space<hbm>>
    %dma_wait3A_71 = tpu.memref_slice %arg11[%dma_wait3A_63] : memref<8x!tpu.dma_semaphore, #tpu.memory_space<semaphore_mem>> -> memref<1x!tpu.dma_semaphore, #tpu.memory_space<semaphore_mem>>
    %dma_wait3A_72 = tpu.memref_squeeze %dma_wait3A_71 : memref<1x!tpu.dma_semaphore, #tpu.memory_space<semaphore_mem>> -> memref<!tpu.dma_semaphore, #tpu.memory_space<semaphore_mem>>
    %dma_wait3A_73 = arith.constant 0 : i32
    %dma_wait3A_74 = arith.constant 0 : i32
    %dma_wait3A_75 = tpu.memref_slice %arg9[%dma_wait3A_62, %dma_wait3A_73, %dma_wait3A_74] : memref<8x128x64xf32, #tpu.memory_space<vmem>> -> memref<1x128x64xf32, #tpu.memory_space<vmem>>
    %dma_wait3A_76 = tpu.memref_squeeze %dma_wait3A_75 : memref<1x128x64xf32, #tpu.memory_space<vmem>> -> memref<128x64xf32, #tpu.memory_space<vmem>>
    %dma_wait3A_77 = arith.constant 0 : i32
    %dma_wait3A_78 = arith.constant 0 : i32
    %dma_wait3A_79 = tpu.memref_slice %arg5[%dma_wait3A_77, %dma_wait3A_78] : memref<640x64xf32, #tpu.memory_space<hbm>> -> memref<128x64xf32, #tpu.memory_space<hbm>>
    tpu.wait_dma2 semaphore(%dma_wait3A_72 : memref<!tpu.dma_semaphore, #tpu.memory_space<semaphore_mem>>) src(%dma_wait3A_79 : memref<128x64xf32, #tpu.memory_space<hbm>>) dst(%dma_wait3A_76 : memref<128x64xf32, #tpu.memory_space<vmem>>)
    %dma_wait3A_80 = arith.constant 4 : i32
    %dma_wait3A_81 = arith.constant 4 : i32
    %dma_wait3A_82 = arith.constant 0 : i32
    %dma_wait3A_83 = arith.constant 0 : i32
    %dma_wait3A_84 = tpu.memref_slice %arg9[%dma_wait3A_80, %dma_wait3A_82, %dma_wait3A_83] : memref<8x128x64xf32, #tpu.memory_space<vmem>> -> memref<1x128x64xf32, #tpu.memory_space<vmem>>
    %dma_wait3A_85 = tpu.memref_squeeze %dma_wait3A_84 : memref<1x128x64xf32, #tpu.memory_space<vmem>> -> memref<128x64xf32, #tpu.memory_space<vmem>>
    %dma_wait3A_86 = arith.constant 0 : i32
    %dma_wait3A_87 = arith.constant 0 : i32
    %dma_wait3A_88 = tpu.memref_slice %arg5[%dma_wait3A_86, %dma_wait3A_87] : memref<640x64xf32, #tpu.memory_space<hbm>> -> memref<128x64xf32, #tpu.memory_space<hbm>>
    %dma_wait3A_89 = tpu.memref_slice %arg11[%dma_wait3A_81] : memref<8x!tpu.dma_semaphore, #tpu.memory_space<semaphore_mem>> -> memref<1x!tpu.dma_semaphore, #tpu.memory_space<semaphore_mem>>
    %dma_wait3A_90 = tpu.memref_squeeze %dma_wait3A_89 : memref<1x!tpu.dma_semaphore, #tpu.memory_space<semaphore_mem>> -> memref<!tpu.dma_semaphore, #tpu.memory_space<semaphore_mem>>
    %dma_wait3A_91 = arith.constant 0 : i32
    %dma_wait3A_92 = arith.constant 0 : i32
    %dma_wait3A_93 = tpu.memref_slice %arg9[%dma_wait3A_80, %dma_wait3A_91, %dma_wait3A_92] : memref<8x128x64xf32, #tpu.memory_space<vmem>> -> memref<1x128x64xf32, #tpu.memory_space<vmem>>
    %dma_wait3A_94 = tpu.memref_squeeze %dma_wait3A_93 : memref<1x128x64xf32, #tpu.memory_space<vmem>> -> memref<128x64xf32, #tpu.memory_space<vmem>>
    %dma_wait3A_95 = arith.constant 0 : i32
    %dma_wait3A_96 = arith.constant 0 : i32
    %dma_wait3A_97 = tpu.memref_slice %arg5[%dma_wait3A_95, %dma_wait3A_96] : memref<640x64xf32, #tpu.memory_space<hbm>> -> memref<128x64xf32, #tpu.memory_space<hbm>>
    tpu.wait_dma2 semaphore(%dma_wait3A_90 : memref<!tpu.dma_semaphore, #tpu.memory_space<semaphore_mem>>) src(%dma_wait3A_97 : memref<128x64xf32, #tpu.memory_space<hbm>>) dst(%dma_wait3A_94 : memref<128x64xf32, #tpu.memory_space<vmem>>)
    %dma_wait3A_98 = arith.constant 5 : i32
    %dma_wait3A_99 = arith.constant 5 : i32
    %dma_wait3A_100 = arith.constant 0 : i32
    %dma_wait3A_101 = arith.constant 0 : i32
    %dma_wait3A_102 = tpu.memref_slice %arg9[%dma_wait3A_98, %dma_wait3A_100, %dma_wait3A_101] : memref<8x128x64xf32, #tpu.memory_space<vmem>> -> memref<1x128x64xf32, #tpu.memory_space<vmem>>
    %dma_wait3A_103 = tpu.memref_squeeze %dma_wait3A_102 : memref<1x128x64xf32, #tpu.memory_space<vmem>> -> memref<128x64xf32, #tpu.memory_space<vmem>>
    %dma_wait3A_104 = arith.constant 0 : i32
    %dma_wait3A_105 = arith.constant 0 : i32
    %dma_wait3A_106 = tpu.memref_slice %arg5[%dma_wait3A_104, %dma_wait3A_105] : memref<640x64xf32, #tpu.memory_space<hbm>> -> memref<128x64xf32, #tpu.memory_space<hbm>>
    %dma_wait3A_107 = tpu.memref_slice %arg11[%dma_wait3A_99] : memref<8x!tpu.dma_semaphore, #tpu.memory_space<semaphore_mem>> -> memref<1x!tpu.dma_semaphore, #tpu.memory_space<semaphore_mem>>
    %dma_wait3A_108 = tpu.memref_squeeze %dma_wait3A_107 : memref<1x!tpu.dma_semaphore, #tpu.memory_space<semaphore_mem>> -> memref<!tpu.dma_semaphore, #tpu.memory_space<semaphore_mem>>
    %dma_wait3A_109 = arith.constant 0 : i32
    %dma_wait3A_110 = arith.constant 0 : i32
    %dma_wait3A_111 = tpu.memref_slice %arg9[%dma_wait3A_98, %dma_wait3A_109, %dma_wait3A_110] : memref<8x128x64xf32, #tpu.memory_space<vmem>> -> memref<1x128x64xf32, #tpu.memory_space<vmem>>
    %dma_wait3A_112 = tpu.memref_squeeze %dma_wait3A_111 : memref<1x128x64xf32, #tpu.memory_space<vmem>> -> memref<128x64xf32, #tpu.memory_space<vmem>>
    %dma_wait3A_113 = arith.constant 0 : i32
    %dma_wait3A_114 = arith.constant 0 : i32
    %dma_wait3A_115 = tpu.memref_slice %arg5[%dma_wait3A_113, %dma_wait3A_114] : memref<640x64xf32, #tpu.memory_space<hbm>> -> memref<128x64xf32, #tpu.memory_space<hbm>>
    tpu.wait_dma2 semaphore(%dma_wait3A_108 : memref<!tpu.dma_semaphore, #tpu.memory_space<semaphore_mem>>) src(%dma_wait3A_115 : memref<128x64xf32, #tpu.memory_space<hbm>>) dst(%dma_wait3A_112 : memref<128x64xf32, #tpu.memory_space<vmem>>)
    %dma_wait3A_116 = arith.constant 6 : i32
    %dma_wait3A_117 = arith.constant 6 : i32
    %dma_wait3A_118 = arith.constant 0 : i32
    %dma_wait3A_119 = arith.constant 0 : i32
    %dma_wait3A_120 = tpu.memref_slice %arg9[%dma_wait3A_116, %dma_wait3A_118, %dma_wait3A_119] : memref<8x128x64xf32, #tpu.memory_space<vmem>> -> memref<1x128x64xf32, #tpu.memory_space<vmem>>
    %dma_wait3A_121 = tpu.memref_squeeze %dma_wait3A_120 : memref<1x128x64xf32, #tpu.memory_space<vmem>> -> memref<128x64xf32, #tpu.memory_space<vmem>>
    %dma_wait3A_122 = arith.constant 0 : i32
    %dma_wait3A_123 = arith.constant 0 : i32
    %dma_wait3A_124 = tpu.memref_slice %arg5[%dma_wait3A_122, %dma_wait3A_123] : memref<640x64xf32, #tpu.memory_space<hbm>> -> memref<128x64xf32, #tpu.memory_space<hbm>>
    %dma_wait3A_125 = tpu.memref_slice %arg11[%dma_wait3A_117] : memref<8x!tpu.dma_semaphore, #tpu.memory_space<semaphore_mem>> -> memref<1x!tpu.dma_semaphore, #tpu.memory_space<semaphore_mem>>
    %dma_wait3A_126 = tpu.memref_squeeze %dma_wait3A_125 : memref<1x!tpu.dma_semaphore, #tpu.memory_space<semaphore_mem>> -> memref<!tpu.dma_semaphore, #tpu.memory_space<semaphore_mem>>
    %dma_wait3A_127 = arith.constant 0 : i32
    %dma_wait3A_128 = arith.constant 0 : i32
    %dma_wait3A_129 = tpu.memref_slice %arg9[%dma_wait3A_116, %dma_wait3A_127, %dma_wait3A_128] : memref<8x128x64xf32, #tpu.memory_space<vmem>> -> memref<1x128x64xf32, #tpu.memory_space<vmem>>
    %dma_wait3A_130 = tpu.memref_squeeze %dma_wait3A_129 : memref<1x128x64xf32, #tpu.memory_space<vmem>> -> memref<128x64xf32, #tpu.memory_space<vmem>>
    %dma_wait3A_131 = arith.constant 0 : i32
    %dma_wait3A_132 = arith.constant 0 : i32
    %dma_wait3A_133 = tpu.memref_slice %arg5[%dma_wait3A_131, %dma_wait3A_132] : memref<640x64xf32, #tpu.memory_space<hbm>> -> memref<128x64xf32, #tpu.memory_space<hbm>>
    tpu.wait_dma2 semaphore(%dma_wait3A_126 : memref<!tpu.dma_semaphore, #tpu.memory_space<semaphore_mem>>) src(%dma_wait3A_133 : memref<128x64xf32, #tpu.memory_space<hbm>>) dst(%dma_wait3A_130 : memref<128x64xf32, #tpu.memory_space<vmem>>)
    %dma_wait3A_134 = arith.constant 7 : i32
    %dma_wait3A_135 = arith.constant 7 : i32
    %dma_wait3A_136 = arith.constant 0 : i32
    %dma_wait3A_137 = arith.constant 0 : i32
    %dma_wait3A_138 = tpu.memref_slice %arg9[%dma_wait3A_134, %dma_wait3A_136, %dma_wait3A_137] : memref<8x128x64xf32, #tpu.memory_space<vmem>> -> memref<1x128x64xf32, #tpu.memory_space<vmem>>
    %dma_wait3A_139 = tpu.memref_squeeze %dma_wait3A_138 : memref<1x128x64xf32, #tpu.memory_space<vmem>> -> memref<128x64xf32, #tpu.memory_space<vmem>>
    %dma_wait3A_140 = arith.constant 0 : i32
    %dma_wait3A_141 = arith.constant 0 : i32
    %dma_wait3A_142 = tpu.memref_slice %arg5[%dma_wait3A_140, %dma_wait3A_141] : memref<640x64xf32, #tpu.memory_space<hbm>> -> memref<128x64xf32, #tpu.memory_space<hbm>>
    %dma_wait3A_143 = tpu.memref_slice %arg11[%dma_wait3A_135] : memref<8x!tpu.dma_semaphore, #tpu.memory_space<semaphore_mem>> -> memref<1x!tpu.dma_semaphore, #tpu.memory_space<semaphore_mem>>
    %dma_wait3A_144 = tpu.memref_squeeze %dma_wait3A_143 : memref<1x!tpu.dma_semaphore, #tpu.memory_space<semaphore_mem>> -> memref<!tpu.dma_semaphore, #tpu.memory_space<semaphore_mem>>
    %dma_wait3A_145 = arith.constant 0 : i32
    %dma_wait3A_146 = arith.constant 0 : i32
    %dma_wait3A_147 = tpu.memref_slice %arg9[%dma_wait3A_134, %dma_wait3A_145, %dma_wait3A_146] : memref<8x128x64xf32, #tpu.memory_space<vmem>> -> memref<1x128x64xf32, #tpu.memory_space<vmem>>
    %dma_wait3A_148 = tpu.memref_squeeze %dma_wait3A_147 : memref<1x128x64xf32, #tpu.memory_space<vmem>> -> memref<128x64xf32, #tpu.memory_space<vmem>>
    %dma_wait3A_149 = arith.constant 0 : i32
    %dma_wait3A_150 = arith.constant 0 : i32
    %dma_wait3A_151 = tpu.memref_slice %arg5[%dma_wait3A_149, %dma_wait3A_150] : memref<640x64xf32, #tpu.memory_space<hbm>> -> memref<128x64xf32, #tpu.memory_space<hbm>>
    tpu.wait_dma2 semaphore(%dma_wait3A_144 : memref<!tpu.dma_semaphore, #tpu.memory_space<semaphore_mem>>) src(%dma_wait3A_151 : memref<128x64xf32, #tpu.memory_space<hbm>>) dst(%dma_wait3A_148 : memref<128x64xf32, #tpu.memory_space<vmem>>)
    %barrier3A_152 = arith.constant 0 : index
    tpu.barrier barrier_id(%barrier3A_152)
    %mul3A_153 = arith.constant 640 : i32
    %mul3A_154 = arith.muli %arg1, %mul3A_153 : i32
    %mul3A_155 = arith.constant 640 : i32
    %mul3A_156 = arith.muli %arg1, %mul3A_155 : i32
    "tpu.region"() ({
      %run_scoped3A = tpu.sem_alloc : memref<!tpu.dma_semaphore, #tpu.memory_space<semaphore_mem>>
      %dma_start3A = arith.constant 0 : i32
      %dma_start3A_157 = tpu.memref_slice %arg6[%arg0, %mul3A_156, %dma_start3A] : memref<2x10240x128xf32, #tpu.memory_space<hbm>> -> memref<1x640x64xf32, #tpu.memory_space<hbm>>
      %dma_start3A_158 = tpu.memref_squeeze %dma_start3A_157 : memref<1x640x64xf32, #tpu.memory_space<hbm>> -> memref<640x64xf32, #tpu.memory_space<hbm>>
      %dma_start3A_159 = arith.constant 0 : i32
      %dma_start3A_160 = tpu.memref_slice %arg12[%mul3A_154, %dma_start3A_159] : memref<10240x64xf32, #tpu.memory_space<vmem_shared>> -> memref<640x64xf32, #tpu.memory_space<vmem_shared>>
      tpu.enqueue_dma source(%dma_start3A_160 : memref<640x64xf32, #tpu.memory_space<vmem_shared>>) target(%dma_start3A_158 : memref<640x64xf32, #tpu.memory_space<hbm>>) target_semaphore(%run_scoped3A : memref<!tpu.dma_semaphore, #tpu.memory_space<semaphore_mem>>)
      %dma_wait3A_161 = arith.constant 0 : i32
      %dma_wait3A_162 = tpu.memref_slice %arg6[%arg0, %mul3A_156, %dma_wait3A_161] : memref<2x10240x128xf32, #tpu.memory_space<hbm>> -> memref<1x640x64xf32, #tpu.memory_space<hbm>>
      %dma_wait3A_163 = tpu.memref_squeeze %dma_wait3A_162 : memref<1x640x64xf32, #tpu.memory_space<hbm>> -> memref<640x64xf32, #tpu.memory_space<hbm>>
      %dma_wait3A_164 = arith.constant 0 : i32
      %dma_wait3A_165 = tpu.memref_slice %arg12[%mul3A_154, %dma_wait3A_164] : memref<10240x64xf32, #tpu.memory_space<vmem_shared>> -> memref<640x64xf32, #tpu.memory_space<vmem_shared>>
      tpu.wait_dma2 semaphore(%run_scoped3A : memref<!tpu.dma_semaphore, #tpu.memory_space<semaphore_mem>>) src(%dma_wait3A_165 : memref<640x64xf32, #tpu.memory_space<vmem_shared>>) dst(%dma_wait3A_163 : memref<640x64xf32, #tpu.memory_space<hbm>>)
      tpu.yield
    }) : () -> ()
    return
  }
}

#map = affine_map<(d0, d1) -> (0, 0)>
#map1 = affine_map<(d0, d1) -> (0, 0, 0)>
module attributes {stable_mosaic.version = 14 : i64} {
  func.func @_sc_agg_body(%arg0: i32, %arg1: i32, %arg2: memref<10000x64xf32, #tpu.memory_space<hbm>>, %arg3: memref<2560x128xi32, #tpu.memory_space<hbm>>, %arg4: memref<2560x128xi32, #tpu.memory_space<hbm>>, %arg5: memref<640x64xf32, #tpu.memory_space<hbm>>, %arg6: memref<2x10240x128xf32, #tpu.memory_space<hbm>>, %arg7: memref<80x128xi32, #tpu.memory_space<vmem>>, %arg8: memref<80x128xi32, #tpu.memory_space<vmem>>, %arg9: memref<8x128x64xf32, #tpu.memory_space<vmem>>, %arg10: memref<8x!tpu.dma_semaphore, #tpu.memory_space<semaphore_mem>>, %arg11: memref<8x!tpu.dma_semaphore, #tpu.memory_space<semaphore_mem>>, %arg12: memref<10240x64xf32, #tpu.memory_space<vmem_shared>>) attributes {dimension_semantics = [#tpu.dimension_semantics<core_parallel>, #tpu.dimension_semantics<subcore_parallel>], iteration_bounds = array<i64: 2, 16>, scalar_prefetch = 0 : i64, scratch_operands = 6 : i64, tpu.core_type = #tpu.core_type<sc_vector_subcore>, window_params = [{transform_indices = #map}, {transform_indices = #map}, {transform_indices = #map}, {transform_indices = #map}, {transform_indices = #map1}]} {
    %mul3A = arith.constant 640 : i32
    %mul3A_0 = arith.muli %arg1, %mul3A : i32
    "tpu.region"() ({
      %run_scoped3A = tpu.sem_alloc : memref<!tpu.dma_semaphore, #tpu.memory_space<semaphore_mem>>
      %dma_start3A = arith.constant 0 : i32
      %dma_start3A_157 = tpu.memref_slice %arg12[%mul3A_0, %dma_start3A] : memref<10240x64xf32, #tpu.memory_space<vmem_shared>> -> memref<640x64xf32, #tpu.memory_space<vmem_shared>>
      tpu.enqueue_dma source(%arg5 : memref<640x64xf32, #tpu.memory_space<hbm>>) target(%dma_start3A_157 : memref<640x64xf32, #tpu.memory_space<vmem_shared>>) target_semaphore(%run_scoped3A : memref<!tpu.dma_semaphore, #tpu.memory_space<semaphore_mem>>)
      %dma_wait3A_158 = arith.constant 0 : i32
      %dma_wait3A_159 = tpu.memref_slice %arg12[%mul3A_0, %dma_wait3A_158] : memref<10240x64xf32, #tpu.memory_space<vmem_shared>> -> memref<640x64xf32, #tpu.memory_space<vmem_shared>>
      tpu.wait_dma2 semaphore(%run_scoped3A : memref<!tpu.dma_semaphore, #tpu.memory_space<semaphore_mem>>) src(%arg5 : memref<640x64xf32, #tpu.memory_space<hbm>>) dst(%dma_wait3A_159 : memref<640x64xf32, #tpu.memory_space<vmem_shared>>)
      tpu.yield
    }) : () -> ()
    %mul3A_1 = arith.constant 16 : i32
    %mul3A_2 = arith.muli %arg0, %mul3A_1 : i32
    %add3A = arith.addi %mul3A_2, %arg1 : i32
    %mul3A_3 = arith.constant 80 : i32
    %mul3A_4 = arith.muli %add3A, %mul3A_3 : i32
    "tpu.region"() ({
      %run_scoped3A = tpu.sem_alloc : memref<!tpu.dma_semaphore, #tpu.memory_space<semaphore_mem>>
      %dma_start3A = arith.constant 0 : i32
      %dma_start3A_157 = tpu.memref_slice %arg3[%mul3A_4, %dma_start3A] : memref<2560x128xi32, #tpu.memory_space<hbm>> -> memref<80x128xi32, #tpu.memory_space<hbm>>
      %dma_start3A_158 = arith.constant 0 : i32
      %dma_start3A_159 = tpu.memref_slice %arg3[%mul3A_4, %dma_start3A_158] : memref<2560x128xi32, #tpu.memory_space<hbm>> -> memref<80x128xi32, #tpu.memory_space<hbm>>
      tpu.enqueue_dma source(%dma_start3A_159 : memref<80x128xi32, #tpu.memory_space<hbm>>) target(%arg7 : memref<80x128xi32, #tpu.memory_space<vmem>>) target_semaphore(%run_scoped3A : memref<!tpu.dma_semaphore, #tpu.memory_space<semaphore_mem>>)
      %dma_wait3A_160 = arith.constant 0 : i32
      %dma_wait3A_161 = tpu.memref_slice %arg3[%mul3A_4, %dma_wait3A_160] : memref<2560x128xi32, #tpu.memory_space<hbm>> -> memref<80x128xi32, #tpu.memory_space<hbm>>
      %dma_wait3A_162 = arith.constant 0 : i32
      %dma_wait3A_163 = tpu.memref_slice %arg3[%mul3A_4, %dma_wait3A_162] : memref<2560x128xi32, #tpu.memory_space<hbm>> -> memref<80x128xi32, #tpu.memory_space<hbm>>
      tpu.wait_dma2 semaphore(%run_scoped3A : memref<!tpu.dma_semaphore, #tpu.memory_space<semaphore_mem>>) src(%dma_wait3A_163 : memref<80x128xi32, #tpu.memory_space<hbm>>) dst(%arg7 : memref<80x128xi32, #tpu.memory_space<vmem>>)
      tpu.yield
    }) : () -> ()
    "tpu.region"() ({
      %run_scoped3A = tpu.sem_alloc : memref<!tpu.dma_semaphore, #tpu.memory_space<semaphore_mem>>
      %dma_start3A = arith.constant 0 : i32
      %dma_start3A_157 = tpu.memref_slice %arg4[%mul3A_4, %dma_start3A] : memref<2560x128xi32, #tpu.memory_space<hbm>> -> memref<80x128xi32, #tpu.memory_space<hbm>>
      %dma_start3A_158 = arith.constant 0 : i32
      %dma_start3A_159 = tpu.memref_slice %arg4[%mul3A_4, %dma_start3A_158] : memref<2560x128xi32, #tpu.memory_space<hbm>> -> memref<80x128xi32, #tpu.memory_space<hbm>>
      tpu.enqueue_dma source(%dma_start3A_159 : memref<80x128xi32, #tpu.memory_space<hbm>>) target(%arg8 : memref<80x128xi32, #tpu.memory_space<vmem>>) target_semaphore(%run_scoped3A : memref<!tpu.dma_semaphore, #tpu.memory_space<semaphore_mem>>)
      %dma_wait3A_160 = arith.constant 0 : i32
      %dma_wait3A_161 = tpu.memref_slice %arg4[%mul3A_4, %dma_wait3A_160] : memref<2560x128xi32, #tpu.memory_space<hbm>> -> memref<80x128xi32, #tpu.memory_space<hbm>>
      %dma_wait3A_162 = arith.constant 0 : i32
      %dma_wait3A_163 = tpu.memref_slice %arg4[%mul3A_4, %dma_wait3A_162] : memref<2560x128xi32, #tpu.memory_space<hbm>> -> memref<80x128xi32, #tpu.memory_space<hbm>>
      tpu.wait_dma2 semaphore(%run_scoped3A : memref<!tpu.dma_semaphore, #tpu.memory_space<semaphore_mem>>) src(%dma_wait3A_163 : memref<80x128xi32, #tpu.memory_space<hbm>>) dst(%arg8 : memref<80x128xi32, #tpu.memory_space<vmem>>)
      tpu.yield
    }) : () -> ()
    %barrier3A = arith.constant 0 : index
    tpu.barrier barrier_id(%barrier3A)
    %scan3A = arith.constant 0 : i32
    %scan3A_5 = arith.constant 10 : i32
    %scan3A_6 = arith.addi %scan3A, %scan3A_5 : i32
    %scan3A_7 = arith.constant 1 : i32
    scf.for %scan3A_157 = %scan3A to %scan3A_6 step %scan3A_7  : i32 {
      %mul3A_158 = arith.constant 1 : i32
      %mul3A_159 = arith.muli %scan3A_157, %mul3A_158 : i32
      %add3A_160 = arith.constant 0 : i32
      %add3A_161 = arith.addi %add3A_160, %mul3A_159 : i32
      %gt3A = arith.constant 0 : i32
      %gt3A_162 = arith.cmpi sgt, %add3A_161, %gt3A : i32
      %convert_element_type3A = arith.extui %gt3A_162 : i1 to i32
      %cond3A = arith.constant 0 : i32
      %cond3A_163 = arith.cmpi ne, %convert_element_type3A, %cond3A : i32
      scf.if %cond3A_163 {
        %dma_wait3A_598 = arith.constant 0 : i32
        %dma_wait3A_599 = arith.constant 0 : i32
        %dma_wait3A_600 = arith.constant 0 : i32
        %dma_wait3A_601 = arith.constant 0 : i32
        %dma_wait3A_602 = tpu.memref_slice %arg9[%dma_wait3A_598, %dma_wait3A_600, %dma_wait3A_601] : memref<8x128x64xf32, #tpu.memory_space<vmem>> -> memref<1x128x64xf32, #tpu.memory_space<vmem>>
        %dma_wait3A_603 = tpu.memref_squeeze %dma_wait3A_602 : memref<1x128x64xf32, #tpu.memory_space<vmem>> -> memref<128x64xf32, #tpu.memory_space<vmem>>
        %dma_wait3A_604 = arith.constant 0 : i32
        %dma_wait3A_605 = arith.constant 0 : i32
        %dma_wait3A_606 = tpu.memref_slice %arg5[%dma_wait3A_604, %dma_wait3A_605] : memref<640x64xf32, #tpu.memory_space<hbm>> -> memref<128x64xf32, #tpu.memory_space<hbm>>
        %dma_wait3A_607 = tpu.memref_slice %arg11[%dma_wait3A_599] : memref<8x!tpu.dma_semaphore, #tpu.memory_space<semaphore_mem>> -> memref<1x!tpu.dma_semaphore, #tpu.memory_space<semaphore_mem>>
        %dma_wait3A_608 = tpu.memref_squeeze %dma_wait3A_607 : memref<1x!tpu.dma_semaphore, #tpu.memory_space<semaphore_mem>> -> memref<!tpu.dma_semaphore, #tpu.memory_space<semaphore_mem>>
        %dma_wait3A_609 = arith.constant 0 : i32
        %dma_wait3A_610 = arith.constant 0 : i32
        %dma_wait3A_611 = tpu.memref_slice %arg9[%dma_wait3A_598, %dma_wait3A_609, %dma_wait3A_610] : memref<8x128x64xf32, #tpu.memory_space<vmem>> -> memref<1x128x64xf32, #tpu.memory_space<vmem>>
        %dma_wait3A_612 = tpu.memref_squeeze %dma_wait3A_611 : memref<1x128x64xf32, #tpu.memory_space<vmem>> -> memref<128x64xf32, #tpu.memory_space<vmem>>
        %dma_wait3A_613 = arith.constant 0 : i32
        %dma_wait3A_614 = arith.constant 0 : i32
        %dma_wait3A_615 = tpu.memref_slice %arg5[%dma_wait3A_613, %dma_wait3A_614] : memref<640x64xf32, #tpu.memory_space<hbm>> -> memref<128x64xf32, #tpu.memory_space<hbm>>
        tpu.wait_dma2 semaphore(%dma_wait3A_608 : memref<!tpu.dma_semaphore, #tpu.memory_space<semaphore_mem>>) src(%dma_wait3A_615 : memref<128x64xf32, #tpu.memory_space<hbm>>) dst(%dma_wait3A_612 : memref<128x64xf32, #tpu.memory_space<vmem>>)
      } else {
      }
      %mul3A_164 = arith.constant 8 : i32
      %mul3A_165 = arith.muli %add3A_161, %mul3A_164 : i32
      %add3A_166 = arith.constant 0 : i32
      %add3A_167 = arith.addi %mul3A_165, %add3A_166 : i32
      %dma_start3A = arith.constant 0 : i32
      %dma_start3A_168 = arith.constant 0 : i32
      %dma_start3A_169 = arith.constant 0 : i32
      %dma_start3A_170 = arith.constant 0 : i32
      %dma_start3A_171 = tpu.memref_slice %arg9[%dma_start3A, %dma_start3A_169, %dma_start3A_170] : memref<8x128x64xf32, #tpu.memory_space<vmem>> -> memref<1x128x64xf32, #tpu.memory_space<vmem>>
      %dma_start3A_172 = tpu.memref_squeeze %dma_start3A_171 : memref<1x128x64xf32, #tpu.memory_space<vmem>> -> memref<128x64xf32, #tpu.memory_space<vmem>>
      %dma_start3A_173 = arith.constant 0 : i32
      %dma_start3A_174 = tpu.memref_slice %arg7[%add3A_167, %dma_start3A_173] : memref<80x128xi32, #tpu.memory_space<vmem>> -> memref<1x128xi32, #tpu.memory_space<vmem>>
      %dma_start3A_175 = tpu.memref_squeeze %dma_start3A_174 : memref<1x128xi32, #tpu.memory_space<vmem>> -> memref<128xi32, #tpu.memory_space<vmem>>
      %dma_start3A_176 = arith.constant 0 : i32
      %dma_start3A_177 = arith.constant 0 : i32
      %dma_start3A_178 = tpu.memref_slice %arg2[%dma_start3A_176, %dma_start3A_177] : memref<10000x64xf32, #tpu.memory_space<hbm>> -> memref<10000x64xf32, #tpu.memory_space<hbm>>
      %dma_start3A_179 = tpu.memref_slice %arg10[%dma_start3A_168] : memref<8x!tpu.dma_semaphore, #tpu.memory_space<semaphore_mem>> -> memref<1x!tpu.dma_semaphore, #tpu.memory_space<semaphore_mem>>
      %dma_start3A_180 = tpu.memref_squeeze %dma_start3A_179 : memref<1x!tpu.dma_semaphore, #tpu.memory_space<semaphore_mem>> -> memref<!tpu.dma_semaphore, #tpu.memory_space<semaphore_mem>>
      tpu.enqueue_indirect_dma source(%dma_start3A_178 : memref<10000x64xf32, #tpu.memory_space<hbm>>) target(%dma_start3A_172 : memref<128x64xf32, #tpu.memory_space<vmem>>) offsets(%dma_start3A_175 : memref<128xi32, #tpu.memory_space<vmem>>) semaphore(%dma_start3A_180 : memref<!tpu.dma_semaphore, #tpu.memory_space<semaphore_mem>>)
      %gt3A_181 = arith.constant 0 : i32
      %gt3A_182 = arith.cmpi sgt, %add3A_161, %gt3A_181 : i32
      %convert_element_type3A_183 = arith.extui %gt3A_182 : i1 to i32
      %cond3A_184 = arith.constant 0 : i32
      %cond3A_185 = arith.cmpi ne, %convert_element_type3A_183, %cond3A_184 : i32
      scf.if %cond3A_185 {
        %dma_wait3A_598 = arith.constant 1 : i32
        %dma_wait3A_599 = arith.constant 1 : i32
        %dma_wait3A_600 = arith.constant 0 : i32
        %dma_wait3A_601 = arith.constant 0 : i32
        %dma_wait3A_602 = tpu.memref_slice %arg9[%dma_wait3A_598, %dma_wait3A_600, %dma_wait3A_601] : memref<8x128x64xf32, #tpu.memory_space<vmem>> -> memref<1x128x64xf32, #tpu.memory_space<vmem>>
        %dma_wait3A_603 = tpu.memref_squeeze %dma_wait3A_602 : memref<1x128x64xf32, #tpu.memory_space<vmem>> -> memref<128x64xf32, #tpu.memory_space<vmem>>
        %dma_wait3A_604 = arith.constant 0 : i32
        %dma_wait3A_605 = arith.constant 0 : i32
        %dma_wait3A_606 = tpu.memref_slice %arg5[%dma_wait3A_604, %dma_wait3A_605] : memref<640x64xf32, #tpu.memory_space<hbm>> -> memref<128x64xf32, #tpu.memory_space<hbm>>
        %dma_wait3A_607 = tpu.memref_slice %arg11[%dma_wait3A_599] : memref<8x!tpu.dma_semaphore, #tpu.memory_space<semaphore_mem>> -> memref<1x!tpu.dma_semaphore, #tpu.memory_space<semaphore_mem>>
        %dma_wait3A_608 = tpu.memref_squeeze %dma_wait3A_607 : memref<1x!tpu.dma_semaphore, #tpu.memory_space<semaphore_mem>> -> memref<!tpu.dma_semaphore, #tpu.memory_space<semaphore_mem>>
        %dma_wait3A_609 = arith.constant 0 : i32
        %dma_wait3A_610 = arith.constant 0 : i32
        %dma_wait3A_611 = tpu.memref_slice %arg9[%dma_wait3A_598, %dma_wait3A_609, %dma_wait3A_610] : memref<8x128x64xf32, #tpu.memory_space<vmem>> -> memref<1x128x64xf32, #tpu.memory_space<vmem>>
        %dma_wait3A_612 = tpu.memref_squeeze %dma_wait3A_611 : memref<1x128x64xf32, #tpu.memory_space<vmem>> -> memref<128x64xf32, #tpu.memory_space<vmem>>
        %dma_wait3A_613 = arith.constant 0 : i32
        %dma_wait3A_614 = arith.constant 0 : i32
        %dma_wait3A_615 = tpu.memref_slice %arg5[%dma_wait3A_613, %dma_wait3A_614] : memref<640x64xf32, #tpu.memory_space<hbm>> -> memref<128x64xf32, #tpu.memory_space<hbm>>
        tpu.wait_dma2 semaphore(%dma_wait3A_608 : memref<!tpu.dma_semaphore, #tpu.memory_space<semaphore_mem>>) src(%dma_wait3A_615 : memref<128x64xf32, #tpu.memory_space<hbm>>) dst(%dma_wait3A_612 : memref<128x64xf32, #tpu.memory_space<vmem>>)
      } else {
      }
      %mul3A_186 = arith.constant 8 : i32
      %mul3A_187 = arith.muli %add3A_161, %mul3A_186 : i32
      %add3A_188 = arith.constant 1 : i32
      %add3A_189 = arith.addi %mul3A_187, %add3A_188 : i32
      %dma_start3A_190 = arith.constant 1 : i32
      %dma_start3A_191 = arith.constant 1 : i32
      %dma_start3A_192 = arith.constant 0 : i32
      %dma_start3A_193 = arith.constant 0 : i32
      %dma_start3A_194 = tpu.memref_slice %arg9[%dma_start3A_190, %dma_start3A_192, %dma_start3A_193] : memref<8x128x64xf32, #tpu.memory_space<vmem>> -> memref<1x128x64xf32, #tpu.memory_space<vmem>>
      %dma_start3A_195 = tpu.memref_squeeze %dma_start3A_194 : memref<1x128x64xf32, #tpu.memory_space<vmem>> -> memref<128x64xf32, #tpu.memory_space<vmem>>
      %dma_start3A_196 = arith.constant 0 : i32
      %dma_start3A_197 = tpu.memref_slice %arg7[%add3A_189, %dma_start3A_196] : memref<80x128xi32, #tpu.memory_space<vmem>> -> memref<1x128xi32, #tpu.memory_space<vmem>>
      %dma_start3A_198 = tpu.memref_squeeze %dma_start3A_197 : memref<1x128xi32, #tpu.memory_space<vmem>> -> memref<128xi32, #tpu.memory_space<vmem>>
      %dma_start3A_199 = arith.constant 0 : i32
      %dma_start3A_200 = arith.constant 0 : i32
      %dma_start3A_201 = tpu.memref_slice %arg2[%dma_start3A_199, %dma_start3A_200] : memref<10000x64xf32, #tpu.memory_space<hbm>> -> memref<10000x64xf32, #tpu.memory_space<hbm>>
      %dma_start3A_202 = tpu.memref_slice %arg10[%dma_start3A_191] : memref<8x!tpu.dma_semaphore, #tpu.memory_space<semaphore_mem>> -> memref<1x!tpu.dma_semaphore, #tpu.memory_space<semaphore_mem>>
      %dma_start3A_203 = tpu.memref_squeeze %dma_start3A_202 : memref<1x!tpu.dma_semaphore, #tpu.memory_space<semaphore_mem>> -> memref<!tpu.dma_semaphore, #tpu.memory_space<semaphore_mem>>
      tpu.enqueue_indirect_dma source(%dma_start3A_201 : memref<10000x64xf32, #tpu.memory_space<hbm>>) target(%dma_start3A_195 : memref<128x64xf32, #tpu.memory_space<vmem>>) offsets(%dma_start3A_198 : memref<128xi32, #tpu.memory_space<vmem>>) semaphore(%dma_start3A_203 : memref<!tpu.dma_semaphore, #tpu.memory_space<semaphore_mem>>)
      %gt3A_204 = arith.constant 0 : i32
      %gt3A_205 = arith.cmpi sgt, %add3A_161, %gt3A_204 : i32
      %convert_element_type3A_206 = arith.extui %gt3A_205 : i1 to i32
      %cond3A_207 = arith.constant 0 : i32
      %cond3A_208 = arith.cmpi ne, %convert_element_type3A_206, %cond3A_207 : i32
      scf.if %cond3A_208 {
        %dma_wait3A_598 = arith.constant 2 : i32
        %dma_wait3A_599 = arith.constant 2 : i32
        %dma_wait3A_600 = arith.constant 0 : i32
        %dma_wait3A_601 = arith.constant 0 : i32
        %dma_wait3A_602 = tpu.memref_slice %arg9[%dma_wait3A_598, %dma_wait3A_600, %dma_wait3A_601] : memref<8x128x64xf32, #tpu.memory_space<vmem>> -> memref<1x128x64xf32, #tpu.memory_space<vmem>>
        %dma_wait3A_603 = tpu.memref_squeeze %dma_wait3A_602 : memref<1x128x64xf32, #tpu.memory_space<vmem>> -> memref<128x64xf32, #tpu.memory_space<vmem>>
        %dma_wait3A_604 = arith.constant 0 : i32
        %dma_wait3A_605 = arith.constant 0 : i32
        %dma_wait3A_606 = tpu.memref_slice %arg5[%dma_wait3A_604, %dma_wait3A_605] : memref<640x64xf32, #tpu.memory_space<hbm>> -> memref<128x64xf32, #tpu.memory_space<hbm>>
        %dma_wait3A_607 = tpu.memref_slice %arg11[%dma_wait3A_599] : memref<8x!tpu.dma_semaphore, #tpu.memory_space<semaphore_mem>> -> memref<1x!tpu.dma_semaphore, #tpu.memory_space<semaphore_mem>>
        %dma_wait3A_608 = tpu.memref_squeeze %dma_wait3A_607 : memref<1x!tpu.dma_semaphore, #tpu.memory_space<semaphore_mem>> -> memref<!tpu.dma_semaphore, #tpu.memory_space<semaphore_mem>>
        %dma_wait3A_609 = arith.constant 0 : i32
        %dma_wait3A_610 = arith.constant 0 : i32
        %dma_wait3A_611 = tpu.memref_slice %arg9[%dma_wait3A_598, %dma_wait3A_609, %dma_wait3A_610] : memref<8x128x64xf32, #tpu.memory_space<vmem>> -> memref<1x128x64xf32, #tpu.memory_space<vmem>>
        %dma_wait3A_612 = tpu.memref_squeeze %dma_wait3A_611 : memref<1x128x64xf32, #tpu.memory_space<vmem>> -> memref<128x64xf32, #tpu.memory_space<vmem>>
        %dma_wait3A_613 = arith.constant 0 : i32
        %dma_wait3A_614 = arith.constant 0 : i32
        %dma_wait3A_615 = tpu.memref_slice %arg5[%dma_wait3A_613, %dma_wait3A_614] : memref<640x64xf32, #tpu.memory_space<hbm>> -> memref<128x64xf32, #tpu.memory_space<hbm>>
        tpu.wait_dma2 semaphore(%dma_wait3A_608 : memref<!tpu.dma_semaphore, #tpu.memory_space<semaphore_mem>>) src(%dma_wait3A_615 : memref<128x64xf32, #tpu.memory_space<hbm>>) dst(%dma_wait3A_612 : memref<128x64xf32, #tpu.memory_space<vmem>>)
      } else {
      }
      %mul3A_209 = arith.constant 8 : i32
      %mul3A_210 = arith.muli %add3A_161, %mul3A_209 : i32
      %add3A_211 = arith.constant 2 : i32
      %add3A_212 = arith.addi %mul3A_210, %add3A_211 : i32
      %dma_start3A_213 = arith.constant 2 : i32
      %dma_start3A_214 = arith.constant 2 : i32
      %dma_start3A_215 = arith.constant 0 : i32
      %dma_start3A_216 = arith.constant 0 : i32
      %dma_start3A_217 = tpu.memref_slice %arg9[%dma_start3A_213, %dma_start3A_215, %dma_start3A_216] : memref<8x128x64xf32, #tpu.memory_space<vmem>> -> memref<1x128x64xf32, #tpu.memory_space<vmem>>
      %dma_start3A_218 = tpu.memref_squeeze %dma_start3A_217 : memref<1x128x64xf32, #tpu.memory_space<vmem>> -> memref<128x64xf32, #tpu.memory_space<vmem>>
      %dma_start3A_219 = arith.constant 0 : i32
      %dma_start3A_220 = tpu.memref_slice %arg7[%add3A_212, %dma_start3A_219] : memref<80x128xi32, #tpu.memory_space<vmem>> -> memref<1x128xi32, #tpu.memory_space<vmem>>
      %dma_start3A_221 = tpu.memref_squeeze %dma_start3A_220 : memref<1x128xi32, #tpu.memory_space<vmem>> -> memref<128xi32, #tpu.memory_space<vmem>>
      %dma_start3A_222 = arith.constant 0 : i32
      %dma_start3A_223 = arith.constant 0 : i32
      %dma_start3A_224 = tpu.memref_slice %arg2[%dma_start3A_222, %dma_start3A_223] : memref<10000x64xf32, #tpu.memory_space<hbm>> -> memref<10000x64xf32, #tpu.memory_space<hbm>>
      %dma_start3A_225 = tpu.memref_slice %arg10[%dma_start3A_214] : memref<8x!tpu.dma_semaphore, #tpu.memory_space<semaphore_mem>> -> memref<1x!tpu.dma_semaphore, #tpu.memory_space<semaphore_mem>>
      %dma_start3A_226 = tpu.memref_squeeze %dma_start3A_225 : memref<1x!tpu.dma_semaphore, #tpu.memory_space<semaphore_mem>> -> memref<!tpu.dma_semaphore, #tpu.memory_space<semaphore_mem>>
      tpu.enqueue_indirect_dma source(%dma_start3A_224 : memref<10000x64xf32, #tpu.memory_space<hbm>>) target(%dma_start3A_218 : memref<128x64xf32, #tpu.memory_space<vmem>>) offsets(%dma_start3A_221 : memref<128xi32, #tpu.memory_space<vmem>>) semaphore(%dma_start3A_226 : memref<!tpu.dma_semaphore, #tpu.memory_space<semaphore_mem>>)
      %gt3A_227 = arith.constant 0 : i32
      %gt3A_228 = arith.cmpi sgt, %add3A_161, %gt3A_227 : i32
      %convert_element_type3A_229 = arith.extui %gt3A_228 : i1 to i32
      %cond3A_230 = arith.constant 0 : i32
      %cond3A_231 = arith.cmpi ne, %convert_element_type3A_229, %cond3A_230 : i32
      scf.if %cond3A_231 {
        %dma_wait3A_598 = arith.constant 3 : i32
        %dma_wait3A_599 = arith.constant 3 : i32
        %dma_wait3A_600 = arith.constant 0 : i32
        %dma_wait3A_601 = arith.constant 0 : i32
        %dma_wait3A_602 = tpu.memref_slice %arg9[%dma_wait3A_598, %dma_wait3A_600, %dma_wait3A_601] : memref<8x128x64xf32, #tpu.memory_space<vmem>> -> memref<1x128x64xf32, #tpu.memory_space<vmem>>
        %dma_wait3A_603 = tpu.memref_squeeze %dma_wait3A_602 : memref<1x128x64xf32, #tpu.memory_space<vmem>> -> memref<128x64xf32, #tpu.memory_space<vmem>>
        %dma_wait3A_604 = arith.constant 0 : i32
        %dma_wait3A_605 = arith.constant 0 : i32
        %dma_wait3A_606 = tpu.memref_slice %arg5[%dma_wait3A_604, %dma_wait3A_605] : memref<640x64xf32, #tpu.memory_space<hbm>> -> memref<128x64xf32, #tpu.memory_space<hbm>>
        %dma_wait3A_607 = tpu.memref_slice %arg11[%dma_wait3A_599] : memref<8x!tpu.dma_semaphore, #tpu.memory_space<semaphore_mem>> -> memref<1x!tpu.dma_semaphore, #tpu.memory_space<semaphore_mem>>
        %dma_wait3A_608 = tpu.memref_squeeze %dma_wait3A_607 : memref<1x!tpu.dma_semaphore, #tpu.memory_space<semaphore_mem>> -> memref<!tpu.dma_semaphore, #tpu.memory_space<semaphore_mem>>
        %dma_wait3A_609 = arith.constant 0 : i32
        %dma_wait3A_610 = arith.constant 0 : i32
        %dma_wait3A_611 = tpu.memref_slice %arg9[%dma_wait3A_598, %dma_wait3A_609, %dma_wait3A_610] : memref<8x128x64xf32, #tpu.memory_space<vmem>> -> memref<1x128x64xf32, #tpu.memory_space<vmem>>
        %dma_wait3A_612 = tpu.memref_squeeze %dma_wait3A_611 : memref<1x128x64xf32, #tpu.memory_space<vmem>> -> memref<128x64xf32, #tpu.memory_space<vmem>>
        %dma_wait3A_613 = arith.constant 0 : i32
        %dma_wait3A_614 = arith.constant 0 : i32
        %dma_wait3A_615 = tpu.memref_slice %arg5[%dma_wait3A_613, %dma_wait3A_614] : memref<640x64xf32, #tpu.memory_space<hbm>> -> memref<128x64xf32, #tpu.memory_space<hbm>>
        tpu.wait_dma2 semaphore(%dma_wait3A_608 : memref<!tpu.dma_semaphore, #tpu.memory_space<semaphore_mem>>) src(%dma_wait3A_615 : memref<128x64xf32, #tpu.memory_space<hbm>>) dst(%dma_wait3A_612 : memref<128x64xf32, #tpu.memory_space<vmem>>)
      } else {
      }
      %mul3A_232 = arith.constant 8 : i32
      %mul3A_233 = arith.muli %add3A_161, %mul3A_232 : i32
      %add3A_234 = arith.constant 3 : i32
      %add3A_235 = arith.addi %mul3A_233, %add3A_234 : i32
      %dma_start3A_236 = arith.constant 3 : i32
      %dma_start3A_237 = arith.constant 3 : i32
      %dma_start3A_238 = arith.constant 0 : i32
      %dma_start3A_239 = arith.constant 0 : i32
      %dma_start3A_240 = tpu.memref_slice %arg9[%dma_start3A_236, %dma_start3A_238, %dma_start3A_239] : memref<8x128x64xf32, #tpu.memory_space<vmem>> -> memref<1x128x64xf32, #tpu.memory_space<vmem>>
      %dma_start3A_241 = tpu.memref_squeeze %dma_start3A_240 : memref<1x128x64xf32, #tpu.memory_space<vmem>> -> memref<128x64xf32, #tpu.memory_space<vmem>>
      %dma_start3A_242 = arith.constant 0 : i32
      %dma_start3A_243 = tpu.memref_slice %arg7[%add3A_235, %dma_start3A_242] : memref<80x128xi32, #tpu.memory_space<vmem>> -> memref<1x128xi32, #tpu.memory_space<vmem>>
      %dma_start3A_244 = tpu.memref_squeeze %dma_start3A_243 : memref<1x128xi32, #tpu.memory_space<vmem>> -> memref<128xi32, #tpu.memory_space<vmem>>
      %dma_start3A_245 = arith.constant 0 : i32
      %dma_start3A_246 = arith.constant 0 : i32
      %dma_start3A_247 = tpu.memref_slice %arg2[%dma_start3A_245, %dma_start3A_246] : memref<10000x64xf32, #tpu.memory_space<hbm>> -> memref<10000x64xf32, #tpu.memory_space<hbm>>
      %dma_start3A_248 = tpu.memref_slice %arg10[%dma_start3A_237] : memref<8x!tpu.dma_semaphore, #tpu.memory_space<semaphore_mem>> -> memref<1x!tpu.dma_semaphore, #tpu.memory_space<semaphore_mem>>
      %dma_start3A_249 = tpu.memref_squeeze %dma_start3A_248 : memref<1x!tpu.dma_semaphore, #tpu.memory_space<semaphore_mem>> -> memref<!tpu.dma_semaphore, #tpu.memory_space<semaphore_mem>>
      tpu.enqueue_indirect_dma source(%dma_start3A_247 : memref<10000x64xf32, #tpu.memory_space<hbm>>) target(%dma_start3A_241 : memref<128x64xf32, #tpu.memory_space<vmem>>) offsets(%dma_start3A_244 : memref<128xi32, #tpu.memory_space<vmem>>) semaphore(%dma_start3A_249 : memref<!tpu.dma_semaphore, #tpu.memory_space<semaphore_mem>>)
      %gt3A_250 = arith.constant 0 : i32
      %gt3A_251 = arith.cmpi sgt, %add3A_161, %gt3A_250 : i32
      %convert_element_type3A_252 = arith.extui %gt3A_251 : i1 to i32
      %cond3A_253 = arith.constant 0 : i32
      %cond3A_254 = arith.cmpi ne, %convert_element_type3A_252, %cond3A_253 : i32
      scf.if %cond3A_254 {
        %dma_wait3A_598 = arith.constant 4 : i32
        %dma_wait3A_599 = arith.constant 4 : i32
        %dma_wait3A_600 = arith.constant 0 : i32
        %dma_wait3A_601 = arith.constant 0 : i32
        %dma_wait3A_602 = tpu.memref_slice %arg9[%dma_wait3A_598, %dma_wait3A_600, %dma_wait3A_601] : memref<8x128x64xf32, #tpu.memory_space<vmem>> -> memref<1x128x64xf32, #tpu.memory_space<vmem>>
        %dma_wait3A_603 = tpu.memref_squeeze %dma_wait3A_602 : memref<1x128x64xf32, #tpu.memory_space<vmem>> -> memref<128x64xf32, #tpu.memory_space<vmem>>
        %dma_wait3A_604 = arith.constant 0 : i32
        %dma_wait3A_605 = arith.constant 0 : i32
        %dma_wait3A_606 = tpu.memref_slice %arg5[%dma_wait3A_604, %dma_wait3A_605] : memref<640x64xf32, #tpu.memory_space<hbm>> -> memref<128x64xf32, #tpu.memory_space<hbm>>
        %dma_wait3A_607 = tpu.memref_slice %arg11[%dma_wait3A_599] : memref<8x!tpu.dma_semaphore, #tpu.memory_space<semaphore_mem>> -> memref<1x!tpu.dma_semaphore, #tpu.memory_space<semaphore_mem>>
        %dma_wait3A_608 = tpu.memref_squeeze %dma_wait3A_607 : memref<1x!tpu.dma_semaphore, #tpu.memory_space<semaphore_mem>> -> memref<!tpu.dma_semaphore, #tpu.memory_space<semaphore_mem>>
        %dma_wait3A_609 = arith.constant 0 : i32
        %dma_wait3A_610 = arith.constant 0 : i32
        %dma_wait3A_611 = tpu.memref_slice %arg9[%dma_wait3A_598, %dma_wait3A_609, %dma_wait3A_610] : memref<8x128x64xf32, #tpu.memory_space<vmem>> -> memref<1x128x64xf32, #tpu.memory_space<vmem>>
        %dma_wait3A_612 = tpu.memref_squeeze %dma_wait3A_611 : memref<1x128x64xf32, #tpu.memory_space<vmem>> -> memref<128x64xf32, #tpu.memory_space<vmem>>
        %dma_wait3A_613 = arith.constant 0 : i32
        %dma_wait3A_614 = arith.constant 0 : i32
        %dma_wait3A_615 = tpu.memref_slice %arg5[%dma_wait3A_613, %dma_wait3A_614] : memref<640x64xf32, #tpu.memory_space<hbm>> -> memref<128x64xf32, #tpu.memory_space<hbm>>
        tpu.wait_dma2 semaphore(%dma_wait3A_608 : memref<!tpu.dma_semaphore, #tpu.memory_space<semaphore_mem>>) src(%dma_wait3A_615 : memref<128x64xf32, #tpu.memory_space<hbm>>) dst(%dma_wait3A_612 : memref<128x64xf32, #tpu.memory_space<vmem>>)
      } else {
      }
      %mul3A_255 = arith.constant 8 : i32
      %mul3A_256 = arith.muli %add3A_161, %mul3A_255 : i32
      %add3A_257 = arith.constant 4 : i32
      %add3A_258 = arith.addi %mul3A_256, %add3A_257 : i32
      %dma_start3A_259 = arith.constant 4 : i32
      %dma_start3A_260 = arith.constant 4 : i32
      %dma_start3A_261 = arith.constant 0 : i32
      %dma_start3A_262 = arith.constant 0 : i32
      %dma_start3A_263 = tpu.memref_slice %arg9[%dma_start3A_259, %dma_start3A_261, %dma_start3A_262] : memref<8x128x64xf32, #tpu.memory_space<vmem>> -> memref<1x128x64xf32, #tpu.memory_space<vmem>>
      %dma_start3A_264 = tpu.memref_squeeze %dma_start3A_263 : memref<1x128x64xf32, #tpu.memory_space<vmem>> -> memref<128x64xf32, #tpu.memory_space<vmem>>
      %dma_start3A_265 = arith.constant 0 : i32
      %dma_start3A_266 = tpu.memref_slice %arg7[%add3A_258, %dma_start3A_265] : memref<80x128xi32, #tpu.memory_space<vmem>> -> memref<1x128xi32, #tpu.memory_space<vmem>>
      %dma_start3A_267 = tpu.memref_squeeze %dma_start3A_266 : memref<1x128xi32, #tpu.memory_space<vmem>> -> memref<128xi32, #tpu.memory_space<vmem>>
      %dma_start3A_268 = arith.constant 0 : i32
      %dma_start3A_269 = arith.constant 0 : i32
      %dma_start3A_270 = tpu.memref_slice %arg2[%dma_start3A_268, %dma_start3A_269] : memref<10000x64xf32, #tpu.memory_space<hbm>> -> memref<10000x64xf32, #tpu.memory_space<hbm>>
      %dma_start3A_271 = tpu.memref_slice %arg10[%dma_start3A_260] : memref<8x!tpu.dma_semaphore, #tpu.memory_space<semaphore_mem>> -> memref<1x!tpu.dma_semaphore, #tpu.memory_space<semaphore_mem>>
      %dma_start3A_272 = tpu.memref_squeeze %dma_start3A_271 : memref<1x!tpu.dma_semaphore, #tpu.memory_space<semaphore_mem>> -> memref<!tpu.dma_semaphore, #tpu.memory_space<semaphore_mem>>
      tpu.enqueue_indirect_dma source(%dma_start3A_270 : memref<10000x64xf32, #tpu.memory_space<hbm>>) target(%dma_start3A_264 : memref<128x64xf32, #tpu.memory_space<vmem>>) offsets(%dma_start3A_267 : memref<128xi32, #tpu.memory_space<vmem>>) semaphore(%dma_start3A_272 : memref<!tpu.dma_semaphore, #tpu.memory_space<semaphore_mem>>)
      %gt3A_273 = arith.constant 0 : i32
      %gt3A_274 = arith.cmpi sgt, %add3A_161, %gt3A_273 : i32
      %convert_element_type3A_275 = arith.extui %gt3A_274 : i1 to i32
      %cond3A_276 = arith.constant 0 : i32
      %cond3A_277 = arith.cmpi ne, %convert_element_type3A_275, %cond3A_276 : i32
      scf.if %cond3A_277 {
        %dma_wait3A_598 = arith.constant 5 : i32
        %dma_wait3A_599 = arith.constant 5 : i32
        %dma_wait3A_600 = arith.constant 0 : i32
        %dma_wait3A_601 = arith.constant 0 : i32
        %dma_wait3A_602 = tpu.memref_slice %arg9[%dma_wait3A_598, %dma_wait3A_600, %dma_wait3A_601] : memref<8x128x64xf32, #tpu.memory_space<vmem>> -> memref<1x128x64xf32, #tpu.memory_space<vmem>>
        %dma_wait3A_603 = tpu.memref_squeeze %dma_wait3A_602 : memref<1x128x64xf32, #tpu.memory_space<vmem>> -> memref<128x64xf32, #tpu.memory_space<vmem>>
        %dma_wait3A_604 = arith.constant 0 : i32
        %dma_wait3A_605 = arith.constant 0 : i32
        %dma_wait3A_606 = tpu.memref_slice %arg5[%dma_wait3A_604, %dma_wait3A_605] : memref<640x64xf32, #tpu.memory_space<hbm>> -> memref<128x64xf32, #tpu.memory_space<hbm>>
        %dma_wait3A_607 = tpu.memref_slice %arg11[%dma_wait3A_599] : memref<8x!tpu.dma_semaphore, #tpu.memory_space<semaphore_mem>> -> memref<1x!tpu.dma_semaphore, #tpu.memory_space<semaphore_mem>>
        %dma_wait3A_608 = tpu.memref_squeeze %dma_wait3A_607 : memref<1x!tpu.dma_semaphore, #tpu.memory_space<semaphore_mem>> -> memref<!tpu.dma_semaphore, #tpu.memory_space<semaphore_mem>>
        %dma_wait3A_609 = arith.constant 0 : i32
        %dma_wait3A_610 = arith.constant 0 : i32
        %dma_wait3A_611 = tpu.memref_slice %arg9[%dma_wait3A_598, %dma_wait3A_609, %dma_wait3A_610] : memref<8x128x64xf32, #tpu.memory_space<vmem>> -> memref<1x128x64xf32, #tpu.memory_space<vmem>>
        %dma_wait3A_612 = tpu.memref_squeeze %dma_wait3A_611 : memref<1x128x64xf32, #tpu.memory_space<vmem>> -> memref<128x64xf32, #tpu.memory_space<vmem>>
        %dma_wait3A_613 = arith.constant 0 : i32
        %dma_wait3A_614 = arith.constant 0 : i32
        %dma_wait3A_615 = tpu.memref_slice %arg5[%dma_wait3A_613, %dma_wait3A_614] : memref<640x64xf32, #tpu.memory_space<hbm>> -> memref<128x64xf32, #tpu.memory_space<hbm>>
        tpu.wait_dma2 semaphore(%dma_wait3A_608 : memref<!tpu.dma_semaphore, #tpu.memory_space<semaphore_mem>>) src(%dma_wait3A_615 : memref<128x64xf32, #tpu.memory_space<hbm>>) dst(%dma_wait3A_612 : memref<128x64xf32, #tpu.memory_space<vmem>>)
      } else {
      }
      %mul3A_278 = arith.constant 8 : i32
      %mul3A_279 = arith.muli %add3A_161, %mul3A_278 : i32
      %add3A_280 = arith.constant 5 : i32
      %add3A_281 = arith.addi %mul3A_279, %add3A_280 : i32
      %dma_start3A_282 = arith.constant 5 : i32
      %dma_start3A_283 = arith.constant 5 : i32
      %dma_start3A_284 = arith.constant 0 : i32
      %dma_start3A_285 = arith.constant 0 : i32
      %dma_start3A_286 = tpu.memref_slice %arg9[%dma_start3A_282, %dma_start3A_284, %dma_start3A_285] : memref<8x128x64xf32, #tpu.memory_space<vmem>> -> memref<1x128x64xf32, #tpu.memory_space<vmem>>
      %dma_start3A_287 = tpu.memref_squeeze %dma_start3A_286 : memref<1x128x64xf32, #tpu.memory_space<vmem>> -> memref<128x64xf32, #tpu.memory_space<vmem>>
      %dma_start3A_288 = arith.constant 0 : i32
      %dma_start3A_289 = tpu.memref_slice %arg7[%add3A_281, %dma_start3A_288] : memref<80x128xi32, #tpu.memory_space<vmem>> -> memref<1x128xi32, #tpu.memory_space<vmem>>
      %dma_start3A_290 = tpu.memref_squeeze %dma_start3A_289 : memref<1x128xi32, #tpu.memory_space<vmem>> -> memref<128xi32, #tpu.memory_space<vmem>>
      %dma_start3A_291 = arith.constant 0 : i32
      %dma_start3A_292 = arith.constant 0 : i32
      %dma_start3A_293 = tpu.memref_slice %arg2[%dma_start3A_291, %dma_start3A_292] : memref<10000x64xf32, #tpu.memory_space<hbm>> -> memref<10000x64xf32, #tpu.memory_space<hbm>>
      %dma_start3A_294 = tpu.memref_slice %arg10[%dma_start3A_283] : memref<8x!tpu.dma_semaphore, #tpu.memory_space<semaphore_mem>> -> memref<1x!tpu.dma_semaphore, #tpu.memory_space<semaphore_mem>>
      %dma_start3A_295 = tpu.memref_squeeze %dma_start3A_294 : memref<1x!tpu.dma_semaphore, #tpu.memory_space<semaphore_mem>> -> memref<!tpu.dma_semaphore, #tpu.memory_space<semaphore_mem>>
      tpu.enqueue_indirect_dma source(%dma_start3A_293 : memref<10000x64xf32, #tpu.memory_space<hbm>>) target(%dma_start3A_287 : memref<128x64xf32, #tpu.memory_space<vmem>>) offsets(%dma_start3A_290 : memref<128xi32, #tpu.memory_space<vmem>>) semaphore(%dma_start3A_295 : memref<!tpu.dma_semaphore, #tpu.memory_space<semaphore_mem>>)
      %gt3A_296 = arith.constant 0 : i32
      %gt3A_297 = arith.cmpi sgt, %add3A_161, %gt3A_296 : i32
      %convert_element_type3A_298 = arith.extui %gt3A_297 : i1 to i32
      %cond3A_299 = arith.constant 0 : i32
      %cond3A_300 = arith.cmpi ne, %convert_element_type3A_298, %cond3A_299 : i32
      scf.if %cond3A_300 {
        %dma_wait3A_598 = arith.constant 6 : i32
        %dma_wait3A_599 = arith.constant 6 : i32
        %dma_wait3A_600 = arith.constant 0 : i32
        %dma_wait3A_601 = arith.constant 0 : i32
        %dma_wait3A_602 = tpu.memref_slice %arg9[%dma_wait3A_598, %dma_wait3A_600, %dma_wait3A_601] : memref<8x128x64xf32, #tpu.memory_space<vmem>> -> memref<1x128x64xf32, #tpu.memory_space<vmem>>
        %dma_wait3A_603 = tpu.memref_squeeze %dma_wait3A_602 : memref<1x128x64xf32, #tpu.memory_space<vmem>> -> memref<128x64xf32, #tpu.memory_space<vmem>>
        %dma_wait3A_604 = arith.constant 0 : i32
        %dma_wait3A_605 = arith.constant 0 : i32
        %dma_wait3A_606 = tpu.memref_slice %arg5[%dma_wait3A_604, %dma_wait3A_605] : memref<640x64xf32, #tpu.memory_space<hbm>> -> memref<128x64xf32, #tpu.memory_space<hbm>>
        %dma_wait3A_607 = tpu.memref_slice %arg11[%dma_wait3A_599] : memref<8x!tpu.dma_semaphore, #tpu.memory_space<semaphore_mem>> -> memref<1x!tpu.dma_semaphore, #tpu.memory_space<semaphore_mem>>
        %dma_wait3A_608 = tpu.memref_squeeze %dma_wait3A_607 : memref<1x!tpu.dma_semaphore, #tpu.memory_space<semaphore_mem>> -> memref<!tpu.dma_semaphore, #tpu.memory_space<semaphore_mem>>
        %dma_wait3A_609 = arith.constant 0 : i32
        %dma_wait3A_610 = arith.constant 0 : i32
        %dma_wait3A_611 = tpu.memref_slice %arg9[%dma_wait3A_598, %dma_wait3A_609, %dma_wait3A_610] : memref<8x128x64xf32, #tpu.memory_space<vmem>> -> memref<1x128x64xf32, #tpu.memory_space<vmem>>
        %dma_wait3A_612 = tpu.memref_squeeze %dma_wait3A_611 : memref<1x128x64xf32, #tpu.memory_space<vmem>> -> memref<128x64xf32, #tpu.memory_space<vmem>>
        %dma_wait3A_613 = arith.constant 0 : i32
        %dma_wait3A_614 = arith.constant 0 : i32
        %dma_wait3A_615 = tpu.memref_slice %arg5[%dma_wait3A_613, %dma_wait3A_614] : memref<640x64xf32, #tpu.memory_space<hbm>> -> memref<128x64xf32, #tpu.memory_space<hbm>>
        tpu.wait_dma2 semaphore(%dma_wait3A_608 : memref<!tpu.dma_semaphore, #tpu.memory_space<semaphore_mem>>) src(%dma_wait3A_615 : memref<128x64xf32, #tpu.memory_space<hbm>>) dst(%dma_wait3A_612 : memref<128x64xf32, #tpu.memory_space<vmem>>)
      } else {
      }
      %mul3A_301 = arith.constant 8 : i32
      %mul3A_302 = arith.muli %add3A_161, %mul3A_301 : i32
      %add3A_303 = arith.constant 6 : i32
      %add3A_304 = arith.addi %mul3A_302, %add3A_303 : i32
      %dma_start3A_305 = arith.constant 6 : i32
      %dma_start3A_306 = arith.constant 6 : i32
      %dma_start3A_307 = arith.constant 0 : i32
      %dma_start3A_308 = arith.constant 0 : i32
      %dma_start3A_309 = tpu.memref_slice %arg9[%dma_start3A_305, %dma_start3A_307, %dma_start3A_308] : memref<8x128x64xf32, #tpu.memory_space<vmem>> -> memref<1x128x64xf32, #tpu.memory_space<vmem>>
      %dma_start3A_310 = tpu.memref_squeeze %dma_start3A_309 : memref<1x128x64xf32, #tpu.memory_space<vmem>> -> memref<128x64xf32, #tpu.memory_space<vmem>>
      %dma_start3A_311 = arith.constant 0 : i32
      %dma_start3A_312 = tpu.memref_slice %arg7[%add3A_304, %dma_start3A_311] : memref<80x128xi32, #tpu.memory_space<vmem>> -> memref<1x128xi32, #tpu.memory_space<vmem>>
      %dma_start3A_313 = tpu.memref_squeeze %dma_start3A_312 : memref<1x128xi32, #tpu.memory_space<vmem>> -> memref<128xi32, #tpu.memory_space<vmem>>
      %dma_start3A_314 = arith.constant 0 : i32
      %dma_start3A_315 = arith.constant 0 : i32
      %dma_start3A_316 = tpu.memref_slice %arg2[%dma_start3A_314, %dma_start3A_315] : memref<10000x64xf32, #tpu.memory_space<hbm>> -> memref<10000x64xf32, #tpu.memory_space<hbm>>
      %dma_start3A_317 = tpu.memref_slice %arg10[%dma_start3A_306] : memref<8x!tpu.dma_semaphore, #tpu.memory_space<semaphore_mem>> -> memref<1x!tpu.dma_semaphore, #tpu.memory_space<semaphore_mem>>
      %dma_start3A_318 = tpu.memref_squeeze %dma_start3A_317 : memref<1x!tpu.dma_semaphore, #tpu.memory_space<semaphore_mem>> -> memref<!tpu.dma_semaphore, #tpu.memory_space<semaphore_mem>>
      tpu.enqueue_indirect_dma source(%dma_start3A_316 : memref<10000x64xf32, #tpu.memory_space<hbm>>) target(%dma_start3A_310 : memref<128x64xf32, #tpu.memory_space<vmem>>) offsets(%dma_start3A_313 : memref<128xi32, #tpu.memory_space<vmem>>) semaphore(%dma_start3A_318 : memref<!tpu.dma_semaphore, #tpu.memory_space<semaphore_mem>>)
      %gt3A_319 = arith.constant 0 : i32
      %gt3A_320 = arith.cmpi sgt, %add3A_161, %gt3A_319 : i32
      %convert_element_type3A_321 = arith.extui %gt3A_320 : i1 to i32
      %cond3A_322 = arith.constant 0 : i32
      %cond3A_323 = arith.cmpi ne, %convert_element_type3A_321, %cond3A_322 : i32
      scf.if %cond3A_323 {
        %dma_wait3A_598 = arith.constant 7 : i32
        %dma_wait3A_599 = arith.constant 7 : i32
        %dma_wait3A_600 = arith.constant 0 : i32
        %dma_wait3A_601 = arith.constant 0 : i32
        %dma_wait3A_602 = tpu.memref_slice %arg9[%dma_wait3A_598, %dma_wait3A_600, %dma_wait3A_601] : memref<8x128x64xf32, #tpu.memory_space<vmem>> -> memref<1x128x64xf32, #tpu.memory_space<vmem>>
        %dma_wait3A_603 = tpu.memref_squeeze %dma_wait3A_602 : memref<1x128x64xf32, #tpu.memory_space<vmem>> -> memref<128x64xf32, #tpu.memory_space<vmem>>
        %dma_wait3A_604 = arith.constant 0 : i32
        %dma_wait3A_605 = arith.constant 0 : i32
        %dma_wait3A_606 = tpu.memref_slice %arg5[%dma_wait3A_604, %dma_wait3A_605] : memref<640x64xf32, #tpu.memory_space<hbm>> -> memref<128x64xf32, #tpu.memory_space<hbm>>
        %dma_wait3A_607 = tpu.memref_slice %arg11[%dma_wait3A_599] : memref<8x!tpu.dma_semaphore, #tpu.memory_space<semaphore_mem>> -> memref<1x!tpu.dma_semaphore, #tpu.memory_space<semaphore_mem>>
        %dma_wait3A_608 = tpu.memref_squeeze %dma_wait3A_607 : memref<1x!tpu.dma_semaphore, #tpu.memory_space<semaphore_mem>> -> memref<!tpu.dma_semaphore, #tpu.memory_space<semaphore_mem>>
        %dma_wait3A_609 = arith.constant 0 : i32
        %dma_wait3A_610 = arith.constant 0 : i32
        %dma_wait3A_611 = tpu.memref_slice %arg9[%dma_wait3A_598, %dma_wait3A_609, %dma_wait3A_610] : memref<8x128x64xf32, #tpu.memory_space<vmem>> -> memref<1x128x64xf32, #tpu.memory_space<vmem>>
        %dma_wait3A_612 = tpu.memref_squeeze %dma_wait3A_611 : memref<1x128x64xf32, #tpu.memory_space<vmem>> -> memref<128x64xf32, #tpu.memory_space<vmem>>
        %dma_wait3A_613 = arith.constant 0 : i32
        %dma_wait3A_614 = arith.constant 0 : i32
        %dma_wait3A_615 = tpu.memref_slice %arg5[%dma_wait3A_613, %dma_wait3A_614] : memref<640x64xf32, #tpu.memory_space<hbm>> -> memref<128x64xf32, #tpu.memory_space<hbm>>
        tpu.wait_dma2 semaphore(%dma_wait3A_608 : memref<!tpu.dma_semaphore, #tpu.memory_space<semaphore_mem>>) src(%dma_wait3A_615 : memref<128x64xf32, #tpu.memory_space<hbm>>) dst(%dma_wait3A_612 : memref<128x64xf32, #tpu.memory_space<vmem>>)
      } else {
      }
      %mul3A_324 = arith.constant 8 : i32
      %mul3A_325 = arith.muli %add3A_161, %mul3A_324 : i32
      %add3A_326 = arith.constant 7 : i32
      %add3A_327 = arith.addi %mul3A_325, %add3A_326 : i32
      %dma_start3A_328 = arith.constant 7 : i32
      %dma_start3A_329 = arith.constant 7 : i32
      %dma_start3A_330 = arith.constant 0 : i32
      %dma_start3A_331 = arith.constant 0 : i32
      %dma_start3A_332 = tpu.memref_slice %arg9[%dma_start3A_328, %dma_start3A_330, %dma_start3A_331] : memref<8x128x64xf32, #tpu.memory_space<vmem>> -> memref<1x128x64xf32, #tpu.memory_space<vmem>>
      %dma_start3A_333 = tpu.memref_squeeze %dma_start3A_332 : memref<1x128x64xf32, #tpu.memory_space<vmem>> -> memref<128x64xf32, #tpu.memory_space<vmem>>
      %dma_start3A_334 = arith.constant 0 : i32
      %dma_start3A_335 = tpu.memref_slice %arg7[%add3A_327, %dma_start3A_334] : memref<80x128xi32, #tpu.memory_space<vmem>> -> memref<1x128xi32, #tpu.memory_space<vmem>>
      %dma_start3A_336 = tpu.memref_squeeze %dma_start3A_335 : memref<1x128xi32, #tpu.memory_space<vmem>> -> memref<128xi32, #tpu.memory_space<vmem>>
      %dma_start3A_337 = arith.constant 0 : i32
      %dma_start3A_338 = arith.constant 0 : i32
      %dma_start3A_339 = tpu.memref_slice %arg2[%dma_start3A_337, %dma_start3A_338] : memref<10000x64xf32, #tpu.memory_space<hbm>> -> memref<10000x64xf32, #tpu.memory_space<hbm>>
      %dma_start3A_340 = tpu.memref_slice %arg10[%dma_start3A_329] : memref<8x!tpu.dma_semaphore, #tpu.memory_space<semaphore_mem>> -> memref<1x!tpu.dma_semaphore, #tpu.memory_space<semaphore_mem>>
      %dma_start3A_341 = tpu.memref_squeeze %dma_start3A_340 : memref<1x!tpu.dma_semaphore, #tpu.memory_space<semaphore_mem>> -> memref<!tpu.dma_semaphore, #tpu.memory_space<semaphore_mem>>
      tpu.enqueue_indirect_dma source(%dma_start3A_339 : memref<10000x64xf32, #tpu.memory_space<hbm>>) target(%dma_start3A_333 : memref<128x64xf32, #tpu.memory_space<vmem>>) offsets(%dma_start3A_336 : memref<128xi32, #tpu.memory_space<vmem>>) semaphore(%dma_start3A_341 : memref<!tpu.dma_semaphore, #tpu.memory_space<semaphore_mem>>)
      %dma_wait3A_342 = arith.constant 0 : i32
      %dma_wait3A_343 = arith.constant 0 : i32
      %dma_wait3A_344 = arith.constant 0 : i32
      %dma_wait3A_345 = arith.constant 0 : i32
      %dma_wait3A_346 = tpu.memref_slice %arg9[%dma_wait3A_342, %dma_wait3A_344, %dma_wait3A_345] : memref<8x128x64xf32, #tpu.memory_space<vmem>> -> memref<1x128x64xf32, #tpu.memory_space<vmem>>
      %dma_wait3A_347 = tpu.memref_squeeze %dma_wait3A_346 : memref<1x128x64xf32, #tpu.memory_space<vmem>> -> memref<128x64xf32, #tpu.memory_space<vmem>>
      %dma_wait3A_348 = arith.constant 0 : i32
      %dma_wait3A_349 = tpu.memref_slice %arg7[%add3A_167, %dma_wait3A_348] : memref<80x128xi32, #tpu.memory_space<vmem>> -> memref<1x128xi32, #tpu.memory_space<vmem>>
      %dma_wait3A_350 = tpu.memref_squeeze %dma_wait3A_349 : memref<1x128xi32, #tpu.memory_space<vmem>> -> memref<128xi32, #tpu.memory_space<vmem>>
      %dma_wait3A_351 = arith.constant 0 : i32
      %dma_wait3A_352 = arith.constant 0 : i32
      %dma_wait3A_353 = tpu.memref_slice %arg2[%dma_wait3A_351, %dma_wait3A_352] : memref<10000x64xf32, #tpu.memory_space<hbm>> -> memref<10000x64xf32, #tpu.memory_space<hbm>>
      %dma_wait3A_354 = tpu.memref_slice %arg10[%dma_wait3A_343] : memref<8x!tpu.dma_semaphore, #tpu.memory_space<semaphore_mem>> -> memref<1x!tpu.dma_semaphore, #tpu.memory_space<semaphore_mem>>
      %dma_wait3A_355 = tpu.memref_squeeze %dma_wait3A_354 : memref<1x!tpu.dma_semaphore, #tpu.memory_space<semaphore_mem>> -> memref<!tpu.dma_semaphore, #tpu.memory_space<semaphore_mem>>
      tpu.wait_indirect_dma semaphore(%dma_wait3A_355 : memref<!tpu.dma_semaphore, #tpu.memory_space<semaphore_mem>>) src(%dma_wait3A_353 : memref<10000x64xf32, #tpu.memory_space<hbm>>) dst(%dma_wait3A_347 : memref<128x64xf32, #tpu.memory_space<vmem>>)
      %mul3A_356 = arith.constant 8 : i32
      %mul3A_357 = arith.muli %add3A_161, %mul3A_356 : i32
      %add3A_358 = arith.constant 0 : i32
      %add3A_359 = arith.addi %mul3A_357, %add3A_358 : i32
      %dma_start3A_360 = arith.constant 0 : i32
      %dma_start3A_361 = arith.constant 0 : i32
      %dma_start3A_362 = arith.constant 0 : i32
      %dma_start3A_363 = arith.constant 0 : i32
      %dma_start3A_364 = tpu.memref_slice %arg9[%dma_start3A_360, %dma_start3A_362, %dma_start3A_363] : memref<8x128x64xf32, #tpu.memory_space<vmem>> -> memref<1x128x64xf32, #tpu.memory_space<vmem>>
      %dma_start3A_365 = tpu.memref_squeeze %dma_start3A_364 : memref<1x128x64xf32, #tpu.memory_space<vmem>> -> memref<128x64xf32, #tpu.memory_space<vmem>>
      %dma_start3A_366 = arith.constant 0 : i32
      %dma_start3A_367 = tpu.memref_slice %arg8[%add3A_359, %dma_start3A_366] : memref<80x128xi32, #tpu.memory_space<vmem>> -> memref<1x128xi32, #tpu.memory_space<vmem>>
      %dma_start3A_368 = tpu.memref_squeeze %dma_start3A_367 : memref<1x128xi32, #tpu.memory_space<vmem>> -> memref<128xi32, #tpu.memory_space<vmem>>
      %dma_start3A_369 = arith.constant 0 : i32
      %dma_start3A_370 = arith.constant 0 : i32
      %dma_start3A_371 = tpu.memref_slice %arg12[%dma_start3A_369, %dma_start3A_370] : memref<10240x64xf32, #tpu.memory_space<vmem_shared>> -> memref<10240x64xf32, #tpu.memory_space<vmem_shared>>
      %dma_start3A_372 = tpu.memref_slice %arg11[%dma_start3A_361] : memref<8x!tpu.dma_semaphore, #tpu.memory_space<semaphore_mem>> -> memref<1x!tpu.dma_semaphore, #tpu.memory_space<semaphore_mem>>
      %dma_start3A_373 = tpu.memref_squeeze %dma_start3A_372 : memref<1x!tpu.dma_semaphore, #tpu.memory_space<semaphore_mem>> -> memref<!tpu.dma_semaphore, #tpu.memory_space<semaphore_mem>>
      tpu.enqueue_indirect_dma source(%dma_start3A_365 : memref<128x64xf32, #tpu.memory_space<vmem>>) target(%dma_start3A_371 : memref<10240x64xf32, #tpu.memory_space<vmem_shared>>) offsets(%dma_start3A_368 : memref<128xi32, #tpu.memory_space<vmem>>) semaphore(%dma_start3A_373 : memref<!tpu.dma_semaphore, #tpu.memory_space<semaphore_mem>>) {add = true}
      %dma_wait3A_374 = arith.constant 1 : i32
      %dma_wait3A_375 = arith.constant 1 : i32
      %dma_wait3A_376 = arith.constant 0 : i32
      %dma_wait3A_377 = arith.constant 0 : i32
      %dma_wait3A_378 = tpu.memref_slice %arg9[%dma_wait3A_374, %dma_wait3A_376, %dma_wait3A_377] : memref<8x128x64xf32, #tpu.memory_space<vmem>> -> memref<1x128x64xf32, #tpu.memory_space<vmem>>
      %dma_wait3A_379 = tpu.memref_squeeze %dma_wait3A_378 : memref<1x128x64xf32, #tpu.memory_space<vmem>> -> memref<128x64xf32, #tpu.memory_space<vmem>>
      %dma_wait3A_380 = arith.constant 0 : i32
      %dma_wait3A_381 = tpu.memref_slice %arg7[%add3A_189, %dma_wait3A_380] : memref<80x128xi32, #tpu.memory_space<vmem>> -> memref<1x128xi32, #tpu.memory_space<vmem>>
      %dma_wait3A_382 = tpu.memref_squeeze %dma_wait3A_381 : memref<1x128xi32, #tpu.memory_space<vmem>> -> memref<128xi32, #tpu.memory_space<vmem>>
      %dma_wait3A_383 = arith.constant 0 : i32
      %dma_wait3A_384 = arith.constant 0 : i32
      %dma_wait3A_385 = tpu.memref_slice %arg2[%dma_wait3A_383, %dma_wait3A_384] : memref<10000x64xf32, #tpu.memory_space<hbm>> -> memref<10000x64xf32, #tpu.memory_space<hbm>>
      %dma_wait3A_386 = tpu.memref_slice %arg10[%dma_wait3A_375] : memref<8x!tpu.dma_semaphore, #tpu.memory_space<semaphore_mem>> -> memref<1x!tpu.dma_semaphore, #tpu.memory_space<semaphore_mem>>
      %dma_wait3A_387 = tpu.memref_squeeze %dma_wait3A_386 : memref<1x!tpu.dma_semaphore, #tpu.memory_space<semaphore_mem>> -> memref<!tpu.dma_semaphore, #tpu.memory_space<semaphore_mem>>
      tpu.wait_indirect_dma semaphore(%dma_wait3A_387 : memref<!tpu.dma_semaphore, #tpu.memory_space<semaphore_mem>>) src(%dma_wait3A_385 : memref<10000x64xf32, #tpu.memory_space<hbm>>) dst(%dma_wait3A_379 : memref<128x64xf32, #tpu.memory_space<vmem>>)
      %mul3A_388 = arith.constant 8 : i32
      %mul3A_389 = arith.muli %add3A_161, %mul3A_388 : i32
      %add3A_390 = arith.constant 1 : i32
      %add3A_391 = arith.addi %mul3A_389, %add3A_390 : i32
      %dma_start3A_392 = arith.constant 1 : i32
      %dma_start3A_393 = arith.constant 1 : i32
      %dma_start3A_394 = arith.constant 0 : i32
      %dma_start3A_395 = arith.constant 0 : i32
      %dma_start3A_396 = tpu.memref_slice %arg9[%dma_start3A_392, %dma_start3A_394, %dma_start3A_395] : memref<8x128x64xf32, #tpu.memory_space<vmem>> -> memref<1x128x64xf32, #tpu.memory_space<vmem>>
      %dma_start3A_397 = tpu.memref_squeeze %dma_start3A_396 : memref<1x128x64xf32, #tpu.memory_space<vmem>> -> memref<128x64xf32, #tpu.memory_space<vmem>>
      %dma_start3A_398 = arith.constant 0 : i32
      %dma_start3A_399 = tpu.memref_slice %arg8[%add3A_391, %dma_start3A_398] : memref<80x128xi32, #tpu.memory_space<vmem>> -> memref<1x128xi32, #tpu.memory_space<vmem>>
      %dma_start3A_400 = tpu.memref_squeeze %dma_start3A_399 : memref<1x128xi32, #tpu.memory_space<vmem>> -> memref<128xi32, #tpu.memory_space<vmem>>
      %dma_start3A_401 = arith.constant 0 : i32
      %dma_start3A_402 = arith.constant 0 : i32
      %dma_start3A_403 = tpu.memref_slice %arg12[%dma_start3A_401, %dma_start3A_402] : memref<10240x64xf32, #tpu.memory_space<vmem_shared>> -> memref<10240x64xf32, #tpu.memory_space<vmem_shared>>
      %dma_start3A_404 = tpu.memref_slice %arg11[%dma_start3A_393] : memref<8x!tpu.dma_semaphore, #tpu.memory_space<semaphore_mem>> -> memref<1x!tpu.dma_semaphore, #tpu.memory_space<semaphore_mem>>
      %dma_start3A_405 = tpu.memref_squeeze %dma_start3A_404 : memref<1x!tpu.dma_semaphore, #tpu.memory_space<semaphore_mem>> -> memref<!tpu.dma_semaphore, #tpu.memory_space<semaphore_mem>>
      tpu.enqueue_indirect_dma source(%dma_start3A_397 : memref<128x64xf32, #tpu.memory_space<vmem>>) target(%dma_start3A_403 : memref<10240x64xf32, #tpu.memory_space<vmem_shared>>) offsets(%dma_start3A_400 : memref<128xi32, #tpu.memory_space<vmem>>) semaphore(%dma_start3A_405 : memref<!tpu.dma_semaphore, #tpu.memory_space<semaphore_mem>>) {add = true}
      %dma_wait3A_406 = arith.constant 2 : i32
      %dma_wait3A_407 = arith.constant 2 : i32
      %dma_wait3A_408 = arith.constant 0 : i32
      %dma_wait3A_409 = arith.constant 0 : i32
      %dma_wait3A_410 = tpu.memref_slice %arg9[%dma_wait3A_406, %dma_wait3A_408, %dma_wait3A_409] : memref<8x128x64xf32, #tpu.memory_space<vmem>> -> memref<1x128x64xf32, #tpu.memory_space<vmem>>
      %dma_wait3A_411 = tpu.memref_squeeze %dma_wait3A_410 : memref<1x128x64xf32, #tpu.memory_space<vmem>> -> memref<128x64xf32, #tpu.memory_space<vmem>>
      %dma_wait3A_412 = arith.constant 0 : i32
      %dma_wait3A_413 = tpu.memref_slice %arg7[%add3A_212, %dma_wait3A_412] : memref<80x128xi32, #tpu.memory_space<vmem>> -> memref<1x128xi32, #tpu.memory_space<vmem>>
      %dma_wait3A_414 = tpu.memref_squeeze %dma_wait3A_413 : memref<1x128xi32, #tpu.memory_space<vmem>> -> memref<128xi32, #tpu.memory_space<vmem>>
      %dma_wait3A_415 = arith.constant 0 : i32
      %dma_wait3A_416 = arith.constant 0 : i32
      %dma_wait3A_417 = tpu.memref_slice %arg2[%dma_wait3A_415, %dma_wait3A_416] : memref<10000x64xf32, #tpu.memory_space<hbm>> -> memref<10000x64xf32, #tpu.memory_space<hbm>>
      %dma_wait3A_418 = tpu.memref_slice %arg10[%dma_wait3A_407] : memref<8x!tpu.dma_semaphore, #tpu.memory_space<semaphore_mem>> -> memref<1x!tpu.dma_semaphore, #tpu.memory_space<semaphore_mem>>
      %dma_wait3A_419 = tpu.memref_squeeze %dma_wait3A_418 : memref<1x!tpu.dma_semaphore, #tpu.memory_space<semaphore_mem>> -> memref<!tpu.dma_semaphore, #tpu.memory_space<semaphore_mem>>
      tpu.wait_indirect_dma semaphore(%dma_wait3A_419 : memref<!tpu.dma_semaphore, #tpu.memory_space<semaphore_mem>>) src(%dma_wait3A_417 : memref<10000x64xf32, #tpu.memory_space<hbm>>) dst(%dma_wait3A_411 : memref<128x64xf32, #tpu.memory_space<vmem>>)
      %mul3A_420 = arith.constant 8 : i32
      %mul3A_421 = arith.muli %add3A_161, %mul3A_420 : i32
      %add3A_422 = arith.constant 2 : i32
      %add3A_423 = arith.addi %mul3A_421, %add3A_422 : i32
      %dma_start3A_424 = arith.constant 2 : i32
      %dma_start3A_425 = arith.constant 2 : i32
      %dma_start3A_426 = arith.constant 0 : i32
      %dma_start3A_427 = arith.constant 0 : i32
      %dma_start3A_428 = tpu.memref_slice %arg9[%dma_start3A_424, %dma_start3A_426, %dma_start3A_427] : memref<8x128x64xf32, #tpu.memory_space<vmem>> -> memref<1x128x64xf32, #tpu.memory_space<vmem>>
      %dma_start3A_429 = tpu.memref_squeeze %dma_start3A_428 : memref<1x128x64xf32, #tpu.memory_space<vmem>> -> memref<128x64xf32, #tpu.memory_space<vmem>>
      %dma_start3A_430 = arith.constant 0 : i32
      %dma_start3A_431 = tpu.memref_slice %arg8[%add3A_423, %dma_start3A_430] : memref<80x128xi32, #tpu.memory_space<vmem>> -> memref<1x128xi32, #tpu.memory_space<vmem>>
      %dma_start3A_432 = tpu.memref_squeeze %dma_start3A_431 : memref<1x128xi32, #tpu.memory_space<vmem>> -> memref<128xi32, #tpu.memory_space<vmem>>
      %dma_start3A_433 = arith.constant 0 : i32
      %dma_start3A_434 = arith.constant 0 : i32
      %dma_start3A_435 = tpu.memref_slice %arg12[%dma_start3A_433, %dma_start3A_434] : memref<10240x64xf32, #tpu.memory_space<vmem_shared>> -> memref<10240x64xf32, #tpu.memory_space<vmem_shared>>
      %dma_start3A_436 = tpu.memref_slice %arg11[%dma_start3A_425] : memref<8x!tpu.dma_semaphore, #tpu.memory_space<semaphore_mem>> -> memref<1x!tpu.dma_semaphore, #tpu.memory_space<semaphore_mem>>
      %dma_start3A_437 = tpu.memref_squeeze %dma_start3A_436 : memref<1x!tpu.dma_semaphore, #tpu.memory_space<semaphore_mem>> -> memref<!tpu.dma_semaphore, #tpu.memory_space<semaphore_mem>>
      tpu.enqueue_indirect_dma source(%dma_start3A_429 : memref<128x64xf32, #tpu.memory_space<vmem>>) target(%dma_start3A_435 : memref<10240x64xf32, #tpu.memory_space<vmem_shared>>) offsets(%dma_start3A_432 : memref<128xi32, #tpu.memory_space<vmem>>) semaphore(%dma_start3A_437 : memref<!tpu.dma_semaphore, #tpu.memory_space<semaphore_mem>>) {add = true}
      %dma_wait3A_438 = arith.constant 3 : i32
      %dma_wait3A_439 = arith.constant 3 : i32
      %dma_wait3A_440 = arith.constant 0 : i32
      %dma_wait3A_441 = arith.constant 0 : i32
      %dma_wait3A_442 = tpu.memref_slice %arg9[%dma_wait3A_438, %dma_wait3A_440, %dma_wait3A_441] : memref<8x128x64xf32, #tpu.memory_space<vmem>> -> memref<1x128x64xf32, #tpu.memory_space<vmem>>
      %dma_wait3A_443 = tpu.memref_squeeze %dma_wait3A_442 : memref<1x128x64xf32, #tpu.memory_space<vmem>> -> memref<128x64xf32, #tpu.memory_space<vmem>>
      %dma_wait3A_444 = arith.constant 0 : i32
      %dma_wait3A_445 = tpu.memref_slice %arg7[%add3A_235, %dma_wait3A_444] : memref<80x128xi32, #tpu.memory_space<vmem>> -> memref<1x128xi32, #tpu.memory_space<vmem>>
      %dma_wait3A_446 = tpu.memref_squeeze %dma_wait3A_445 : memref<1x128xi32, #tpu.memory_space<vmem>> -> memref<128xi32, #tpu.memory_space<vmem>>
      %dma_wait3A_447 = arith.constant 0 : i32
      %dma_wait3A_448 = arith.constant 0 : i32
      %dma_wait3A_449 = tpu.memref_slice %arg2[%dma_wait3A_447, %dma_wait3A_448] : memref<10000x64xf32, #tpu.memory_space<hbm>> -> memref<10000x64xf32, #tpu.memory_space<hbm>>
      %dma_wait3A_450 = tpu.memref_slice %arg10[%dma_wait3A_439] : memref<8x!tpu.dma_semaphore, #tpu.memory_space<semaphore_mem>> -> memref<1x!tpu.dma_semaphore, #tpu.memory_space<semaphore_mem>>
      %dma_wait3A_451 = tpu.memref_squeeze %dma_wait3A_450 : memref<1x!tpu.dma_semaphore, #tpu.memory_space<semaphore_mem>> -> memref<!tpu.dma_semaphore, #tpu.memory_space<semaphore_mem>>
      tpu.wait_indirect_dma semaphore(%dma_wait3A_451 : memref<!tpu.dma_semaphore, #tpu.memory_space<semaphore_mem>>) src(%dma_wait3A_449 : memref<10000x64xf32, #tpu.memory_space<hbm>>) dst(%dma_wait3A_443 : memref<128x64xf32, #tpu.memory_space<vmem>>)
      %mul3A_452 = arith.constant 8 : i32
      %mul3A_453 = arith.muli %add3A_161, %mul3A_452 : i32
      %add3A_454 = arith.constant 3 : i32
      %add3A_455 = arith.addi %mul3A_453, %add3A_454 : i32
      %dma_start3A_456 = arith.constant 3 : i32
      %dma_start3A_457 = arith.constant 3 : i32
      %dma_start3A_458 = arith.constant 0 : i32
      %dma_start3A_459 = arith.constant 0 : i32
      %dma_start3A_460 = tpu.memref_slice %arg9[%dma_start3A_456, %dma_start3A_458, %dma_start3A_459] : memref<8x128x64xf32, #tpu.memory_space<vmem>> -> memref<1x128x64xf32, #tpu.memory_space<vmem>>
      %dma_start3A_461 = tpu.memref_squeeze %dma_start3A_460 : memref<1x128x64xf32, #tpu.memory_space<vmem>> -> memref<128x64xf32, #tpu.memory_space<vmem>>
      %dma_start3A_462 = arith.constant 0 : i32
      %dma_start3A_463 = tpu.memref_slice %arg8[%add3A_455, %dma_start3A_462] : memref<80x128xi32, #tpu.memory_space<vmem>> -> memref<1x128xi32, #tpu.memory_space<vmem>>
      %dma_start3A_464 = tpu.memref_squeeze %dma_start3A_463 : memref<1x128xi32, #tpu.memory_space<vmem>> -> memref<128xi32, #tpu.memory_space<vmem>>
      %dma_start3A_465 = arith.constant 0 : i32
      %dma_start3A_466 = arith.constant 0 : i32
      %dma_start3A_467 = tpu.memref_slice %arg12[%dma_start3A_465, %dma_start3A_466] : memref<10240x64xf32, #tpu.memory_space<vmem_shared>> -> memref<10240x64xf32, #tpu.memory_space<vmem_shared>>
      %dma_start3A_468 = tpu.memref_slice %arg11[%dma_start3A_457] : memref<8x!tpu.dma_semaphore, #tpu.memory_space<semaphore_mem>> -> memref<1x!tpu.dma_semaphore, #tpu.memory_space<semaphore_mem>>
      %dma_start3A_469 = tpu.memref_squeeze %dma_start3A_468 : memref<1x!tpu.dma_semaphore, #tpu.memory_space<semaphore_mem>> -> memref<!tpu.dma_semaphore, #tpu.memory_space<semaphore_mem>>
      tpu.enqueue_indirect_dma source(%dma_start3A_461 : memref<128x64xf32, #tpu.memory_space<vmem>>) target(%dma_start3A_467 : memref<10240x64xf32, #tpu.memory_space<vmem_shared>>) offsets(%dma_start3A_464 : memref<128xi32, #tpu.memory_space<vmem>>) semaphore(%dma_start3A_469 : memref<!tpu.dma_semaphore, #tpu.memory_space<semaphore_mem>>) {add = true}
      %dma_wait3A_470 = arith.constant 4 : i32
      %dma_wait3A_471 = arith.constant 4 : i32
      %dma_wait3A_472 = arith.constant 0 : i32
      %dma_wait3A_473 = arith.constant 0 : i32
      %dma_wait3A_474 = tpu.memref_slice %arg9[%dma_wait3A_470, %dma_wait3A_472, %dma_wait3A_473] : memref<8x128x64xf32, #tpu.memory_space<vmem>> -> memref<1x128x64xf32, #tpu.memory_space<vmem>>
      %dma_wait3A_475 = tpu.memref_squeeze %dma_wait3A_474 : memref<1x128x64xf32, #tpu.memory_space<vmem>> -> memref<128x64xf32, #tpu.memory_space<vmem>>
      %dma_wait3A_476 = arith.constant 0 : i32
      %dma_wait3A_477 = tpu.memref_slice %arg7[%add3A_258, %dma_wait3A_476] : memref<80x128xi32, #tpu.memory_space<vmem>> -> memref<1x128xi32, #tpu.memory_space<vmem>>
      %dma_wait3A_478 = tpu.memref_squeeze %dma_wait3A_477 : memref<1x128xi32, #tpu.memory_space<vmem>> -> memref<128xi32, #tpu.memory_space<vmem>>
      %dma_wait3A_479 = arith.constant 0 : i32
      %dma_wait3A_480 = arith.constant 0 : i32
      %dma_wait3A_481 = tpu.memref_slice %arg2[%dma_wait3A_479, %dma_wait3A_480] : memref<10000x64xf32, #tpu.memory_space<hbm>> -> memref<10000x64xf32, #tpu.memory_space<hbm>>
      %dma_wait3A_482 = tpu.memref_slice %arg10[%dma_wait3A_471] : memref<8x!tpu.dma_semaphore, #tpu.memory_space<semaphore_mem>> -> memref<1x!tpu.dma_semaphore, #tpu.memory_space<semaphore_mem>>
      %dma_wait3A_483 = tpu.memref_squeeze %dma_wait3A_482 : memref<1x!tpu.dma_semaphore, #tpu.memory_space<semaphore_mem>> -> memref<!tpu.dma_semaphore, #tpu.memory_space<semaphore_mem>>
      tpu.wait_indirect_dma semaphore(%dma_wait3A_483 : memref<!tpu.dma_semaphore, #tpu.memory_space<semaphore_mem>>) src(%dma_wait3A_481 : memref<10000x64xf32, #tpu.memory_space<hbm>>) dst(%dma_wait3A_475 : memref<128x64xf32, #tpu.memory_space<vmem>>)
      %mul3A_484 = arith.constant 8 : i32
      %mul3A_485 = arith.muli %add3A_161, %mul3A_484 : i32
      %add3A_486 = arith.constant 4 : i32
      %add3A_487 = arith.addi %mul3A_485, %add3A_486 : i32
      %dma_start3A_488 = arith.constant 4 : i32
      %dma_start3A_489 = arith.constant 4 : i32
      %dma_start3A_490 = arith.constant 0 : i32
      %dma_start3A_491 = arith.constant 0 : i32
      %dma_start3A_492 = tpu.memref_slice %arg9[%dma_start3A_488, %dma_start3A_490, %dma_start3A_491] : memref<8x128x64xf32, #tpu.memory_space<vmem>> -> memref<1x128x64xf32, #tpu.memory_space<vmem>>
      %dma_start3A_493 = tpu.memref_squeeze %dma_start3A_492 : memref<1x128x64xf32, #tpu.memory_space<vmem>> -> memref<128x64xf32, #tpu.memory_space<vmem>>
      %dma_start3A_494 = arith.constant 0 : i32
      %dma_start3A_495 = tpu.memref_slice %arg8[%add3A_487, %dma_start3A_494] : memref<80x128xi32, #tpu.memory_space<vmem>> -> memref<1x128xi32, #tpu.memory_space<vmem>>
      %dma_start3A_496 = tpu.memref_squeeze %dma_start3A_495 : memref<1x128xi32, #tpu.memory_space<vmem>> -> memref<128xi32, #tpu.memory_space<vmem>>
      %dma_start3A_497 = arith.constant 0 : i32
      %dma_start3A_498 = arith.constant 0 : i32
      %dma_start3A_499 = tpu.memref_slice %arg12[%dma_start3A_497, %dma_start3A_498] : memref<10240x64xf32, #tpu.memory_space<vmem_shared>> -> memref<10240x64xf32, #tpu.memory_space<vmem_shared>>
      %dma_start3A_500 = tpu.memref_slice %arg11[%dma_start3A_489] : memref<8x!tpu.dma_semaphore, #tpu.memory_space<semaphore_mem>> -> memref<1x!tpu.dma_semaphore, #tpu.memory_space<semaphore_mem>>
      %dma_start3A_501 = tpu.memref_squeeze %dma_start3A_500 : memref<1x!tpu.dma_semaphore, #tpu.memory_space<semaphore_mem>> -> memref<!tpu.dma_semaphore, #tpu.memory_space<semaphore_mem>>
      tpu.enqueue_indirect_dma source(%dma_start3A_493 : memref<128x64xf32, #tpu.memory_space<vmem>>) target(%dma_start3A_499 : memref<10240x64xf32, #tpu.memory_space<vmem_shared>>) offsets(%dma_start3A_496 : memref<128xi32, #tpu.memory_space<vmem>>) semaphore(%dma_start3A_501 : memref<!tpu.dma_semaphore, #tpu.memory_space<semaphore_mem>>) {add = true}
      %dma_wait3A_502 = arith.constant 5 : i32
      %dma_wait3A_503 = arith.constant 5 : i32
      %dma_wait3A_504 = arith.constant 0 : i32
      %dma_wait3A_505 = arith.constant 0 : i32
      %dma_wait3A_506 = tpu.memref_slice %arg9[%dma_wait3A_502, %dma_wait3A_504, %dma_wait3A_505] : memref<8x128x64xf32, #tpu.memory_space<vmem>> -> memref<1x128x64xf32, #tpu.memory_space<vmem>>
      %dma_wait3A_507 = tpu.memref_squeeze %dma_wait3A_506 : memref<1x128x64xf32, #tpu.memory_space<vmem>> -> memref<128x64xf32, #tpu.memory_space<vmem>>
      %dma_wait3A_508 = arith.constant 0 : i32
      %dma_wait3A_509 = tpu.memref_slice %arg7[%add3A_281, %dma_wait3A_508] : memref<80x128xi32, #tpu.memory_space<vmem>> -> memref<1x128xi32, #tpu.memory_space<vmem>>
      %dma_wait3A_510 = tpu.memref_squeeze %dma_wait3A_509 : memref<1x128xi32, #tpu.memory_space<vmem>> -> memref<128xi32, #tpu.memory_space<vmem>>
      %dma_wait3A_511 = arith.constant 0 : i32
      %dma_wait3A_512 = arith.constant 0 : i32
      %dma_wait3A_513 = tpu.memref_slice %arg2[%dma_wait3A_511, %dma_wait3A_512] : memref<10000x64xf32, #tpu.memory_space<hbm>> -> memref<10000x64xf32, #tpu.memory_space<hbm>>
      %dma_wait3A_514 = tpu.memref_slice %arg10[%dma_wait3A_503] : memref<8x!tpu.dma_semaphore, #tpu.memory_space<semaphore_mem>> -> memref<1x!tpu.dma_semaphore, #tpu.memory_space<semaphore_mem>>
      %dma_wait3A_515 = tpu.memref_squeeze %dma_wait3A_514 : memref<1x!tpu.dma_semaphore, #tpu.memory_space<semaphore_mem>> -> memref<!tpu.dma_semaphore, #tpu.memory_space<semaphore_mem>>
      tpu.wait_indirect_dma semaphore(%dma_wait3A_515 : memref<!tpu.dma_semaphore, #tpu.memory_space<semaphore_mem>>) src(%dma_wait3A_513 : memref<10000x64xf32, #tpu.memory_space<hbm>>) dst(%dma_wait3A_507 : memref<128x64xf32, #tpu.memory_space<vmem>>)
      %mul3A_516 = arith.constant 8 : i32
      %mul3A_517 = arith.muli %add3A_161, %mul3A_516 : i32
      %add3A_518 = arith.constant 5 : i32
      %add3A_519 = arith.addi %mul3A_517, %add3A_518 : i32
      %dma_start3A_520 = arith.constant 5 : i32
      %dma_start3A_521 = arith.constant 5 : i32
      %dma_start3A_522 = arith.constant 0 : i32
      %dma_start3A_523 = arith.constant 0 : i32
      %dma_start3A_524 = tpu.memref_slice %arg9[%dma_start3A_520, %dma_start3A_522, %dma_start3A_523] : memref<8x128x64xf32, #tpu.memory_space<vmem>> -> memref<1x128x64xf32, #tpu.memory_space<vmem>>
      %dma_start3A_525 = tpu.memref_squeeze %dma_start3A_524 : memref<1x128x64xf32, #tpu.memory_space<vmem>> -> memref<128x64xf32, #tpu.memory_space<vmem>>
      %dma_start3A_526 = arith.constant 0 : i32
      %dma_start3A_527 = tpu.memref_slice %arg8[%add3A_519, %dma_start3A_526] : memref<80x128xi32, #tpu.memory_space<vmem>> -> memref<1x128xi32, #tpu.memory_space<vmem>>
      %dma_start3A_528 = tpu.memref_squeeze %dma_start3A_527 : memref<1x128xi32, #tpu.memory_space<vmem>> -> memref<128xi32, #tpu.memory_space<vmem>>
      %dma_start3A_529 = arith.constant 0 : i32
      %dma_start3A_530 = arith.constant 0 : i32
      %dma_start3A_531 = tpu.memref_slice %arg12[%dma_start3A_529, %dma_start3A_530] : memref<10240x64xf32, #tpu.memory_space<vmem_shared>> -> memref<10240x64xf32, #tpu.memory_space<vmem_shared>>
      %dma_start3A_532 = tpu.memref_slice %arg11[%dma_start3A_521] : memref<8x!tpu.dma_semaphore, #tpu.memory_space<semaphore_mem>> -> memref<1x!tpu.dma_semaphore, #tpu.memory_space<semaphore_mem>>
      %dma_start3A_533 = tpu.memref_squeeze %dma_start3A_532 : memref<1x!tpu.dma_semaphore, #tpu.memory_space<semaphore_mem>> -> memref<!tpu.dma_semaphore, #tpu.memory_space<semaphore_mem>>
      tpu.enqueue_indirect_dma source(%dma_start3A_525 : memref<128x64xf32, #tpu.memory_space<vmem>>) target(%dma_start3A_531 : memref<10240x64xf32, #tpu.memory_space<vmem_shared>>) offsets(%dma_start3A_528 : memref<128xi32, #tpu.memory_space<vmem>>) semaphore(%dma_start3A_533 : memref<!tpu.dma_semaphore, #tpu.memory_space<semaphore_mem>>) {add = true}
      %dma_wait3A_534 = arith.constant 6 : i32
      %dma_wait3A_535 = arith.constant 6 : i32
      %dma_wait3A_536 = arith.constant 0 : i32
      %dma_wait3A_537 = arith.constant 0 : i32
      %dma_wait3A_538 = tpu.memref_slice %arg9[%dma_wait3A_534, %dma_wait3A_536, %dma_wait3A_537] : memref<8x128x64xf32, #tpu.memory_space<vmem>> -> memref<1x128x64xf32, #tpu.memory_space<vmem>>
      %dma_wait3A_539 = tpu.memref_squeeze %dma_wait3A_538 : memref<1x128x64xf32, #tpu.memory_space<vmem>> -> memref<128x64xf32, #tpu.memory_space<vmem>>
      %dma_wait3A_540 = arith.constant 0 : i32
      %dma_wait3A_541 = tpu.memref_slice %arg7[%add3A_304, %dma_wait3A_540] : memref<80x128xi32, #tpu.memory_space<vmem>> -> memref<1x128xi32, #tpu.memory_space<vmem>>
      %dma_wait3A_542 = tpu.memref_squeeze %dma_wait3A_541 : memref<1x128xi32, #tpu.memory_space<vmem>> -> memref<128xi32, #tpu.memory_space<vmem>>
      %dma_wait3A_543 = arith.constant 0 : i32
      %dma_wait3A_544 = arith.constant 0 : i32
      %dma_wait3A_545 = tpu.memref_slice %arg2[%dma_wait3A_543, %dma_wait3A_544] : memref<10000x64xf32, #tpu.memory_space<hbm>> -> memref<10000x64xf32, #tpu.memory_space<hbm>>
      %dma_wait3A_546 = tpu.memref_slice %arg10[%dma_wait3A_535] : memref<8x!tpu.dma_semaphore, #tpu.memory_space<semaphore_mem>> -> memref<1x!tpu.dma_semaphore, #tpu.memory_space<semaphore_mem>>
      %dma_wait3A_547 = tpu.memref_squeeze %dma_wait3A_546 : memref<1x!tpu.dma_semaphore, #tpu.memory_space<semaphore_mem>> -> memref<!tpu.dma_semaphore, #tpu.memory_space<semaphore_mem>>
      tpu.wait_indirect_dma semaphore(%dma_wait3A_547 : memref<!tpu.dma_semaphore, #tpu.memory_space<semaphore_mem>>) src(%dma_wait3A_545 : memref<10000x64xf32, #tpu.memory_space<hbm>>) dst(%dma_wait3A_539 : memref<128x64xf32, #tpu.memory_space<vmem>>)
      %mul3A_548 = arith.constant 8 : i32
      %mul3A_549 = arith.muli %add3A_161, %mul3A_548 : i32
      %add3A_550 = arith.constant 6 : i32
      %add3A_551 = arith.addi %mul3A_549, %add3A_550 : i32
      %dma_start3A_552 = arith.constant 6 : i32
      %dma_start3A_553 = arith.constant 6 : i32
      %dma_start3A_554 = arith.constant 0 : i32
      %dma_start3A_555 = arith.constant 0 : i32
      %dma_start3A_556 = tpu.memref_slice %arg9[%dma_start3A_552, %dma_start3A_554, %dma_start3A_555] : memref<8x128x64xf32, #tpu.memory_space<vmem>> -> memref<1x128x64xf32, #tpu.memory_space<vmem>>
      %dma_start3A_557 = tpu.memref_squeeze %dma_start3A_556 : memref<1x128x64xf32, #tpu.memory_space<vmem>> -> memref<128x64xf32, #tpu.memory_space<vmem>>
      %dma_start3A_558 = arith.constant 0 : i32
      %dma_start3A_559 = tpu.memref_slice %arg8[%add3A_551, %dma_start3A_558] : memref<80x128xi32, #tpu.memory_space<vmem>> -> memref<1x128xi32, #tpu.memory_space<vmem>>
      %dma_start3A_560 = tpu.memref_squeeze %dma_start3A_559 : memref<1x128xi32, #tpu.memory_space<vmem>> -> memref<128xi32, #tpu.memory_space<vmem>>
      %dma_start3A_561 = arith.constant 0 : i32
      %dma_start3A_562 = arith.constant 0 : i32
      %dma_start3A_563 = tpu.memref_slice %arg12[%dma_start3A_561, %dma_start3A_562] : memref<10240x64xf32, #tpu.memory_space<vmem_shared>> -> memref<10240x64xf32, #tpu.memory_space<vmem_shared>>
      %dma_start3A_564 = tpu.memref_slice %arg11[%dma_start3A_553] : memref<8x!tpu.dma_semaphore, #tpu.memory_space<semaphore_mem>> -> memref<1x!tpu.dma_semaphore, #tpu.memory_space<semaphore_mem>>
      %dma_start3A_565 = tpu.memref_squeeze %dma_start3A_564 : memref<1x!tpu.dma_semaphore, #tpu.memory_space<semaphore_mem>> -> memref<!tpu.dma_semaphore, #tpu.memory_space<semaphore_mem>>
      tpu.enqueue_indirect_dma source(%dma_start3A_557 : memref<128x64xf32, #tpu.memory_space<vmem>>) target(%dma_start3A_563 : memref<10240x64xf32, #tpu.memory_space<vmem_shared>>) offsets(%dma_start3A_560 : memref<128xi32, #tpu.memory_space<vmem>>) semaphore(%dma_start3A_565 : memref<!tpu.dma_semaphore, #tpu.memory_space<semaphore_mem>>) {add = true}
      %dma_wait3A_566 = arith.constant 7 : i32
      %dma_wait3A_567 = arith.constant 7 : i32
      %dma_wait3A_568 = arith.constant 0 : i32
      %dma_wait3A_569 = arith.constant 0 : i32
      %dma_wait3A_570 = tpu.memref_slice %arg9[%dma_wait3A_566, %dma_wait3A_568, %dma_wait3A_569] : memref<8x128x64xf32, #tpu.memory_space<vmem>> -> memref<1x128x64xf32, #tpu.memory_space<vmem>>
      %dma_wait3A_571 = tpu.memref_squeeze %dma_wait3A_570 : memref<1x128x64xf32, #tpu.memory_space<vmem>> -> memref<128x64xf32, #tpu.memory_space<vmem>>
      %dma_wait3A_572 = arith.constant 0 : i32
      %dma_wait3A_573 = tpu.memref_slice %arg7[%add3A_327, %dma_wait3A_572] : memref<80x128xi32, #tpu.memory_space<vmem>> -> memref<1x128xi32, #tpu.memory_space<vmem>>
      %dma_wait3A_574 = tpu.memref_squeeze %dma_wait3A_573 : memref<1x128xi32, #tpu.memory_space<vmem>> -> memref<128xi32, #tpu.memory_space<vmem>>
      %dma_wait3A_575 = arith.constant 0 : i32
      %dma_wait3A_576 = arith.constant 0 : i32
      %dma_wait3A_577 = tpu.memref_slice %arg2[%dma_wait3A_575, %dma_wait3A_576] : memref<10000x64xf32, #tpu.memory_space<hbm>> -> memref<10000x64xf32, #tpu.memory_space<hbm>>
      %dma_wait3A_578 = tpu.memref_slice %arg10[%dma_wait3A_567] : memref<8x!tpu.dma_semaphore, #tpu.memory_space<semaphore_mem>> -> memref<1x!tpu.dma_semaphore, #tpu.memory_space<semaphore_mem>>
      %dma_wait3A_579 = tpu.memref_squeeze %dma_wait3A_578 : memref<1x!tpu.dma_semaphore, #tpu.memory_space<semaphore_mem>> -> memref<!tpu.dma_semaphore, #tpu.memory_space<semaphore_mem>>
      tpu.wait_indirect_dma semaphore(%dma_wait3A_579 : memref<!tpu.dma_semaphore, #tpu.memory_space<semaphore_mem>>) src(%dma_wait3A_577 : memref<10000x64xf32, #tpu.memory_space<hbm>>) dst(%dma_wait3A_571 : memref<128x64xf32, #tpu.memory_space<vmem>>)
      %mul3A_580 = arith.constant 8 : i32
      %mul3A_581 = arith.muli %add3A_161, %mul3A_580 : i32
      %add3A_582 = arith.constant 7 : i32
      %add3A_583 = arith.addi %mul3A_581, %add3A_582 : i32
      %dma_start3A_584 = arith.constant 7 : i32
      %dma_start3A_585 = arith.constant 7 : i32
      %dma_start3A_586 = arith.constant 0 : i32
      %dma_start3A_587 = arith.constant 0 : i32
      %dma_start3A_588 = tpu.memref_slice %arg9[%dma_start3A_584, %dma_start3A_586, %dma_start3A_587] : memref<8x128x64xf32, #tpu.memory_space<vmem>> -> memref<1x128x64xf32, #tpu.memory_space<vmem>>
      %dma_start3A_589 = tpu.memref_squeeze %dma_start3A_588 : memref<1x128x64xf32, #tpu.memory_space<vmem>> -> memref<128x64xf32, #tpu.memory_space<vmem>>
      %dma_start3A_590 = arith.constant 0 : i32
      %dma_start3A_591 = tpu.memref_slice %arg8[%add3A_583, %dma_start3A_590] : memref<80x128xi32, #tpu.memory_space<vmem>> -> memref<1x128xi32, #tpu.memory_space<vmem>>
      %dma_start3A_592 = tpu.memref_squeeze %dma_start3A_591 : memref<1x128xi32, #tpu.memory_space<vmem>> -> memref<128xi32, #tpu.memory_space<vmem>>
      %dma_start3A_593 = arith.constant 0 : i32
      %dma_start3A_594 = arith.constant 0 : i32
      %dma_start3A_595 = tpu.memref_slice %arg12[%dma_start3A_593, %dma_start3A_594] : memref<10240x64xf32, #tpu.memory_space<vmem_shared>> -> memref<10240x64xf32, #tpu.memory_space<vmem_shared>>
      %dma_start3A_596 = tpu.memref_slice %arg11[%dma_start3A_585] : memref<8x!tpu.dma_semaphore, #tpu.memory_space<semaphore_mem>> -> memref<1x!tpu.dma_semaphore, #tpu.memory_space<semaphore_mem>>
      %dma_start3A_597 = tpu.memref_squeeze %dma_start3A_596 : memref<1x!tpu.dma_semaphore, #tpu.memory_space<semaphore_mem>> -> memref<!tpu.dma_semaphore, #tpu.memory_space<semaphore_mem>>
      tpu.enqueue_indirect_dma source(%dma_start3A_589 : memref<128x64xf32, #tpu.memory_space<vmem>>) target(%dma_start3A_595 : memref<10240x64xf32, #tpu.memory_space<vmem_shared>>) offsets(%dma_start3A_592 : memref<128xi32, #tpu.memory_space<vmem>>) semaphore(%dma_start3A_597 : memref<!tpu.dma_semaphore, #tpu.memory_space<semaphore_mem>>) {add = true}
    }
    %scan3A_8 = arith.constant 10 : i32
    %dma_wait3A = arith.constant 0 : i32
    %dma_wait3A_9 = arith.constant 0 : i32
    %dma_wait3A_10 = arith.constant 0 : i32
    %dma_wait3A_11 = arith.constant 0 : i32
    %dma_wait3A_12 = tpu.memref_slice %arg9[%dma_wait3A, %dma_wait3A_10, %dma_wait3A_11] : memref<8x128x64xf32, #tpu.memory_space<vmem>> -> memref<1x128x64xf32, #tpu.memory_space<vmem>>
    %dma_wait3A_13 = tpu.memref_squeeze %dma_wait3A_12 : memref<1x128x64xf32, #tpu.memory_space<vmem>> -> memref<128x64xf32, #tpu.memory_space<vmem>>
    %dma_wait3A_14 = arith.constant 0 : i32
    %dma_wait3A_15 = arith.constant 0 : i32
    %dma_wait3A_16 = tpu.memref_slice %arg5[%dma_wait3A_14, %dma_wait3A_15] : memref<640x64xf32, #tpu.memory_space<hbm>> -> memref<128x64xf32, #tpu.memory_space<hbm>>
    %dma_wait3A_17 = tpu.memref_slice %arg11[%dma_wait3A_9] : memref<8x!tpu.dma_semaphore, #tpu.memory_space<semaphore_mem>> -> memref<1x!tpu.dma_semaphore, #tpu.memory_space<semaphore_mem>>
    %dma_wait3A_18 = tpu.memref_squeeze %dma_wait3A_17 : memref<1x!tpu.dma_semaphore, #tpu.memory_space<semaphore_mem>> -> memref<!tpu.dma_semaphore, #tpu.memory_space<semaphore_mem>>
    %dma_wait3A_19 = arith.constant 0 : i32
    %dma_wait3A_20 = arith.constant 0 : i32
    %dma_wait3A_21 = tpu.memref_slice %arg9[%dma_wait3A, %dma_wait3A_19, %dma_wait3A_20] : memref<8x128x64xf32, #tpu.memory_space<vmem>> -> memref<1x128x64xf32, #tpu.memory_space<vmem>>
    %dma_wait3A_22 = tpu.memref_squeeze %dma_wait3A_21 : memref<1x128x64xf32, #tpu.memory_space<vmem>> -> memref<128x64xf32, #tpu.memory_space<vmem>>
    %dma_wait3A_23 = arith.constant 0 : i32
    %dma_wait3A_24 = arith.constant 0 : i32
    %dma_wait3A_25 = tpu.memref_slice %arg5[%dma_wait3A_23, %dma_wait3A_24] : memref<640x64xf32, #tpu.memory_space<hbm>> -> memref<128x64xf32, #tpu.memory_space<hbm>>
    tpu.wait_dma2 semaphore(%dma_wait3A_18 : memref<!tpu.dma_semaphore, #tpu.memory_space<semaphore_mem>>) src(%dma_wait3A_25 : memref<128x64xf32, #tpu.memory_space<hbm>>) dst(%dma_wait3A_22 : memref<128x64xf32, #tpu.memory_space<vmem>>)
    %dma_wait3A_26 = arith.constant 1 : i32
    %dma_wait3A_27 = arith.constant 1 : i32
    %dma_wait3A_28 = arith.constant 0 : i32
    %dma_wait3A_29 = arith.constant 0 : i32
    %dma_wait3A_30 = tpu.memref_slice %arg9[%dma_wait3A_26, %dma_wait3A_28, %dma_wait3A_29] : memref<8x128x64xf32, #tpu.memory_space<vmem>> -> memref<1x128x64xf32, #tpu.memory_space<vmem>>
    %dma_wait3A_31 = tpu.memref_squeeze %dma_wait3A_30 : memref<1x128x64xf32, #tpu.memory_space<vmem>> -> memref<128x64xf32, #tpu.memory_space<vmem>>
    %dma_wait3A_32 = arith.constant 0 : i32
    %dma_wait3A_33 = arith.constant 0 : i32
    %dma_wait3A_34 = tpu.memref_slice %arg5[%dma_wait3A_32, %dma_wait3A_33] : memref<640x64xf32, #tpu.memory_space<hbm>> -> memref<128x64xf32, #tpu.memory_space<hbm>>
    %dma_wait3A_35 = tpu.memref_slice %arg11[%dma_wait3A_27] : memref<8x!tpu.dma_semaphore, #tpu.memory_space<semaphore_mem>> -> memref<1x!tpu.dma_semaphore, #tpu.memory_space<semaphore_mem>>
    %dma_wait3A_36 = tpu.memref_squeeze %dma_wait3A_35 : memref<1x!tpu.dma_semaphore, #tpu.memory_space<semaphore_mem>> -> memref<!tpu.dma_semaphore, #tpu.memory_space<semaphore_mem>>
    %dma_wait3A_37 = arith.constant 0 : i32
    %dma_wait3A_38 = arith.constant 0 : i32
    %dma_wait3A_39 = tpu.memref_slice %arg9[%dma_wait3A_26, %dma_wait3A_37, %dma_wait3A_38] : memref<8x128x64xf32, #tpu.memory_space<vmem>> -> memref<1x128x64xf32, #tpu.memory_space<vmem>>
    %dma_wait3A_40 = tpu.memref_squeeze %dma_wait3A_39 : memref<1x128x64xf32, #tpu.memory_space<vmem>> -> memref<128x64xf32, #tpu.memory_space<vmem>>
    %dma_wait3A_41 = arith.constant 0 : i32
    %dma_wait3A_42 = arith.constant 0 : i32
    %dma_wait3A_43 = tpu.memref_slice %arg5[%dma_wait3A_41, %dma_wait3A_42] : memref<640x64xf32, #tpu.memory_space<hbm>> -> memref<128x64xf32, #tpu.memory_space<hbm>>
    tpu.wait_dma2 semaphore(%dma_wait3A_36 : memref<!tpu.dma_semaphore, #tpu.memory_space<semaphore_mem>>) src(%dma_wait3A_43 : memref<128x64xf32, #tpu.memory_space<hbm>>) dst(%dma_wait3A_40 : memref<128x64xf32, #tpu.memory_space<vmem>>)
    %dma_wait3A_44 = arith.constant 2 : i32
    %dma_wait3A_45 = arith.constant 2 : i32
    %dma_wait3A_46 = arith.constant 0 : i32
    %dma_wait3A_47 = arith.constant 0 : i32
    %dma_wait3A_48 = tpu.memref_slice %arg9[%dma_wait3A_44, %dma_wait3A_46, %dma_wait3A_47] : memref<8x128x64xf32, #tpu.memory_space<vmem>> -> memref<1x128x64xf32, #tpu.memory_space<vmem>>
    %dma_wait3A_49 = tpu.memref_squeeze %dma_wait3A_48 : memref<1x128x64xf32, #tpu.memory_space<vmem>> -> memref<128x64xf32, #tpu.memory_space<vmem>>
    %dma_wait3A_50 = arith.constant 0 : i32
    %dma_wait3A_51 = arith.constant 0 : i32
    %dma_wait3A_52 = tpu.memref_slice %arg5[%dma_wait3A_50, %dma_wait3A_51] : memref<640x64xf32, #tpu.memory_space<hbm>> -> memref<128x64xf32, #tpu.memory_space<hbm>>
    %dma_wait3A_53 = tpu.memref_slice %arg11[%dma_wait3A_45] : memref<8x!tpu.dma_semaphore, #tpu.memory_space<semaphore_mem>> -> memref<1x!tpu.dma_semaphore, #tpu.memory_space<semaphore_mem>>
    %dma_wait3A_54 = tpu.memref_squeeze %dma_wait3A_53 : memref<1x!tpu.dma_semaphore, #tpu.memory_space<semaphore_mem>> -> memref<!tpu.dma_semaphore, #tpu.memory_space<semaphore_mem>>
    %dma_wait3A_55 = arith.constant 0 : i32
    %dma_wait3A_56 = arith.constant 0 : i32
    %dma_wait3A_57 = tpu.memref_slice %arg9[%dma_wait3A_44, %dma_wait3A_55, %dma_wait3A_56] : memref<8x128x64xf32, #tpu.memory_space<vmem>> -> memref<1x128x64xf32, #tpu.memory_space<vmem>>
    %dma_wait3A_58 = tpu.memref_squeeze %dma_wait3A_57 : memref<1x128x64xf32, #tpu.memory_space<vmem>> -> memref<128x64xf32, #tpu.memory_space<vmem>>
    %dma_wait3A_59 = arith.constant 0 : i32
    %dma_wait3A_60 = arith.constant 0 : i32
    %dma_wait3A_61 = tpu.memref_slice %arg5[%dma_wait3A_59, %dma_wait3A_60] : memref<640x64xf32, #tpu.memory_space<hbm>> -> memref<128x64xf32, #tpu.memory_space<hbm>>
    tpu.wait_dma2 semaphore(%dma_wait3A_54 : memref<!tpu.dma_semaphore, #tpu.memory_space<semaphore_mem>>) src(%dma_wait3A_61 : memref<128x64xf32, #tpu.memory_space<hbm>>) dst(%dma_wait3A_58 : memref<128x64xf32, #tpu.memory_space<vmem>>)
    %dma_wait3A_62 = arith.constant 3 : i32
    %dma_wait3A_63 = arith.constant 3 : i32
    %dma_wait3A_64 = arith.constant 0 : i32
    %dma_wait3A_65 = arith.constant 0 : i32
    %dma_wait3A_66 = tpu.memref_slice %arg9[%dma_wait3A_62, %dma_wait3A_64, %dma_wait3A_65] : memref<8x128x64xf32, #tpu.memory_space<vmem>> -> memref<1x128x64xf32, #tpu.memory_space<vmem>>
    %dma_wait3A_67 = tpu.memref_squeeze %dma_wait3A_66 : memref<1x128x64xf32, #tpu.memory_space<vmem>> -> memref<128x64xf32, #tpu.memory_space<vmem>>
    %dma_wait3A_68 = arith.constant 0 : i32
    %dma_wait3A_69 = arith.constant 0 : i32
    %dma_wait3A_70 = tpu.memref_slice %arg5[%dma_wait3A_68, %dma_wait3A_69] : memref<640x64xf32, #tpu.memory_space<hbm>> -> memref<128x64xf32, #tpu.memory_space<hbm>>
    %dma_wait3A_71 = tpu.memref_slice %arg11[%dma_wait3A_63] : memref<8x!tpu.dma_semaphore, #tpu.memory_space<semaphore_mem>> -> memref<1x!tpu.dma_semaphore, #tpu.memory_space<semaphore_mem>>
    %dma_wait3A_72 = tpu.memref_squeeze %dma_wait3A_71 : memref<1x!tpu.dma_semaphore, #tpu.memory_space<semaphore_mem>> -> memref<!tpu.dma_semaphore, #tpu.memory_space<semaphore_mem>>
    %dma_wait3A_73 = arith.constant 0 : i32
    %dma_wait3A_74 = arith.constant 0 : i32
    %dma_wait3A_75 = tpu.memref_slice %arg9[%dma_wait3A_62, %dma_wait3A_73, %dma_wait3A_74] : memref<8x128x64xf32, #tpu.memory_space<vmem>> -> memref<1x128x64xf32, #tpu.memory_space<vmem>>
    %dma_wait3A_76 = tpu.memref_squeeze %dma_wait3A_75 : memref<1x128x64xf32, #tpu.memory_space<vmem>> -> memref<128x64xf32, #tpu.memory_space<vmem>>
    %dma_wait3A_77 = arith.constant 0 : i32
    %dma_wait3A_78 = arith.constant 0 : i32
    %dma_wait3A_79 = tpu.memref_slice %arg5[%dma_wait3A_77, %dma_wait3A_78] : memref<640x64xf32, #tpu.memory_space<hbm>> -> memref<128x64xf32, #tpu.memory_space<hbm>>
    tpu.wait_dma2 semaphore(%dma_wait3A_72 : memref<!tpu.dma_semaphore, #tpu.memory_space<semaphore_mem>>) src(%dma_wait3A_79 : memref<128x64xf32, #tpu.memory_space<hbm>>) dst(%dma_wait3A_76 : memref<128x64xf32, #tpu.memory_space<vmem>>)
    %dma_wait3A_80 = arith.constant 4 : i32
    %dma_wait3A_81 = arith.constant 4 : i32
    %dma_wait3A_82 = arith.constant 0 : i32
    %dma_wait3A_83 = arith.constant 0 : i32
    %dma_wait3A_84 = tpu.memref_slice %arg9[%dma_wait3A_80, %dma_wait3A_82, %dma_wait3A_83] : memref<8x128x64xf32, #tpu.memory_space<vmem>> -> memref<1x128x64xf32, #tpu.memory_space<vmem>>
    %dma_wait3A_85 = tpu.memref_squeeze %dma_wait3A_84 : memref<1x128x64xf32, #tpu.memory_space<vmem>> -> memref<128x64xf32, #tpu.memory_space<vmem>>
    %dma_wait3A_86 = arith.constant 0 : i32
    %dma_wait3A_87 = arith.constant 0 : i32
    %dma_wait3A_88 = tpu.memref_slice %arg5[%dma_wait3A_86, %dma_wait3A_87] : memref<640x64xf32, #tpu.memory_space<hbm>> -> memref<128x64xf32, #tpu.memory_space<hbm>>
    %dma_wait3A_89 = tpu.memref_slice %arg11[%dma_wait3A_81] : memref<8x!tpu.dma_semaphore, #tpu.memory_space<semaphore_mem>> -> memref<1x!tpu.dma_semaphore, #tpu.memory_space<semaphore_mem>>
    %dma_wait3A_90 = tpu.memref_squeeze %dma_wait3A_89 : memref<1x!tpu.dma_semaphore, #tpu.memory_space<semaphore_mem>> -> memref<!tpu.dma_semaphore, #tpu.memory_space<semaphore_mem>>
    %dma_wait3A_91 = arith.constant 0 : i32
    %dma_wait3A_92 = arith.constant 0 : i32
    %dma_wait3A_93 = tpu.memref_slice %arg9[%dma_wait3A_80, %dma_wait3A_91, %dma_wait3A_92] : memref<8x128x64xf32, #tpu.memory_space<vmem>> -> memref<1x128x64xf32, #tpu.memory_space<vmem>>
    %dma_wait3A_94 = tpu.memref_squeeze %dma_wait3A_93 : memref<1x128x64xf32, #tpu.memory_space<vmem>> -> memref<128x64xf32, #tpu.memory_space<vmem>>
    %dma_wait3A_95 = arith.constant 0 : i32
    %dma_wait3A_96 = arith.constant 0 : i32
    %dma_wait3A_97 = tpu.memref_slice %arg5[%dma_wait3A_95, %dma_wait3A_96] : memref<640x64xf32, #tpu.memory_space<hbm>> -> memref<128x64xf32, #tpu.memory_space<hbm>>
    tpu.wait_dma2 semaphore(%dma_wait3A_90 : memref<!tpu.dma_semaphore, #tpu.memory_space<semaphore_mem>>) src(%dma_wait3A_97 : memref<128x64xf32, #tpu.memory_space<hbm>>) dst(%dma_wait3A_94 : memref<128x64xf32, #tpu.memory_space<vmem>>)
    %dma_wait3A_98 = arith.constant 5 : i32
    %dma_wait3A_99 = arith.constant 5 : i32
    %dma_wait3A_100 = arith.constant 0 : i32
    %dma_wait3A_101 = arith.constant 0 : i32
    %dma_wait3A_102 = tpu.memref_slice %arg9[%dma_wait3A_98, %dma_wait3A_100, %dma_wait3A_101] : memref<8x128x64xf32, #tpu.memory_space<vmem>> -> memref<1x128x64xf32, #tpu.memory_space<vmem>>
    %dma_wait3A_103 = tpu.memref_squeeze %dma_wait3A_102 : memref<1x128x64xf32, #tpu.memory_space<vmem>> -> memref<128x64xf32, #tpu.memory_space<vmem>>
    %dma_wait3A_104 = arith.constant 0 : i32
    %dma_wait3A_105 = arith.constant 0 : i32
    %dma_wait3A_106 = tpu.memref_slice %arg5[%dma_wait3A_104, %dma_wait3A_105] : memref<640x64xf32, #tpu.memory_space<hbm>> -> memref<128x64xf32, #tpu.memory_space<hbm>>
    %dma_wait3A_107 = tpu.memref_slice %arg11[%dma_wait3A_99] : memref<8x!tpu.dma_semaphore, #tpu.memory_space<semaphore_mem>> -> memref<1x!tpu.dma_semaphore, #tpu.memory_space<semaphore_mem>>
    %dma_wait3A_108 = tpu.memref_squeeze %dma_wait3A_107 : memref<1x!tpu.dma_semaphore, #tpu.memory_space<semaphore_mem>> -> memref<!tpu.dma_semaphore, #tpu.memory_space<semaphore_mem>>
    %dma_wait3A_109 = arith.constant 0 : i32
    %dma_wait3A_110 = arith.constant 0 : i32
    %dma_wait3A_111 = tpu.memref_slice %arg9[%dma_wait3A_98, %dma_wait3A_109, %dma_wait3A_110] : memref<8x128x64xf32, #tpu.memory_space<vmem>> -> memref<1x128x64xf32, #tpu.memory_space<vmem>>
    %dma_wait3A_112 = tpu.memref_squeeze %dma_wait3A_111 : memref<1x128x64xf32, #tpu.memory_space<vmem>> -> memref<128x64xf32, #tpu.memory_space<vmem>>
    %dma_wait3A_113 = arith.constant 0 : i32
    %dma_wait3A_114 = arith.constant 0 : i32
    %dma_wait3A_115 = tpu.memref_slice %arg5[%dma_wait3A_113, %dma_wait3A_114] : memref<640x64xf32, #tpu.memory_space<hbm>> -> memref<128x64xf32, #tpu.memory_space<hbm>>
    tpu.wait_dma2 semaphore(%dma_wait3A_108 : memref<!tpu.dma_semaphore, #tpu.memory_space<semaphore_mem>>) src(%dma_wait3A_115 : memref<128x64xf32, #tpu.memory_space<hbm>>) dst(%dma_wait3A_112 : memref<128x64xf32, #tpu.memory_space<vmem>>)
    %dma_wait3A_116 = arith.constant 6 : i32
    %dma_wait3A_117 = arith.constant 6 : i32
    %dma_wait3A_118 = arith.constant 0 : i32
    %dma_wait3A_119 = arith.constant 0 : i32
    %dma_wait3A_120 = tpu.memref_slice %arg9[%dma_wait3A_116, %dma_wait3A_118, %dma_wait3A_119] : memref<8x128x64xf32, #tpu.memory_space<vmem>> -> memref<1x128x64xf32, #tpu.memory_space<vmem>>
    %dma_wait3A_121 = tpu.memref_squeeze %dma_wait3A_120 : memref<1x128x64xf32, #tpu.memory_space<vmem>> -> memref<128x64xf32, #tpu.memory_space<vmem>>
    %dma_wait3A_122 = arith.constant 0 : i32
    %dma_wait3A_123 = arith.constant 0 : i32
    %dma_wait3A_124 = tpu.memref_slice %arg5[%dma_wait3A_122, %dma_wait3A_123] : memref<640x64xf32, #tpu.memory_space<hbm>> -> memref<128x64xf32, #tpu.memory_space<hbm>>
    %dma_wait3A_125 = tpu.memref_slice %arg11[%dma_wait3A_117] : memref<8x!tpu.dma_semaphore, #tpu.memory_space<semaphore_mem>> -> memref<1x!tpu.dma_semaphore, #tpu.memory_space<semaphore_mem>>
    %dma_wait3A_126 = tpu.memref_squeeze %dma_wait3A_125 : memref<1x!tpu.dma_semaphore, #tpu.memory_space<semaphore_mem>> -> memref<!tpu.dma_semaphore, #tpu.memory_space<semaphore_mem>>
    %dma_wait3A_127 = arith.constant 0 : i32
    %dma_wait3A_128 = arith.constant 0 : i32
    %dma_wait3A_129 = tpu.memref_slice %arg9[%dma_wait3A_116, %dma_wait3A_127, %dma_wait3A_128] : memref<8x128x64xf32, #tpu.memory_space<vmem>> -> memref<1x128x64xf32, #tpu.memory_space<vmem>>
    %dma_wait3A_130 = tpu.memref_squeeze %dma_wait3A_129 : memref<1x128x64xf32, #tpu.memory_space<vmem>> -> memref<128x64xf32, #tpu.memory_space<vmem>>
    %dma_wait3A_131 = arith.constant 0 : i32
    %dma_wait3A_132 = arith.constant 0 : i32
    %dma_wait3A_133 = tpu.memref_slice %arg5[%dma_wait3A_131, %dma_wait3A_132] : memref<640x64xf32, #tpu.memory_space<hbm>> -> memref<128x64xf32, #tpu.memory_space<hbm>>
    tpu.wait_dma2 semaphore(%dma_wait3A_126 : memref<!tpu.dma_semaphore, #tpu.memory_space<semaphore_mem>>) src(%dma_wait3A_133 : memref<128x64xf32, #tpu.memory_space<hbm>>) dst(%dma_wait3A_130 : memref<128x64xf32, #tpu.memory_space<vmem>>)
    %dma_wait3A_134 = arith.constant 7 : i32
    %dma_wait3A_135 = arith.constant 7 : i32
    %dma_wait3A_136 = arith.constant 0 : i32
    %dma_wait3A_137 = arith.constant 0 : i32
    %dma_wait3A_138 = tpu.memref_slice %arg9[%dma_wait3A_134, %dma_wait3A_136, %dma_wait3A_137] : memref<8x128x64xf32, #tpu.memory_space<vmem>> -> memref<1x128x64xf32, #tpu.memory_space<vmem>>
    %dma_wait3A_139 = tpu.memref_squeeze %dma_wait3A_138 : memref<1x128x64xf32, #tpu.memory_space<vmem>> -> memref<128x64xf32, #tpu.memory_space<vmem>>
    %dma_wait3A_140 = arith.constant 0 : i32
    %dma_wait3A_141 = arith.constant 0 : i32
    %dma_wait3A_142 = tpu.memref_slice %arg5[%dma_wait3A_140, %dma_wait3A_141] : memref<640x64xf32, #tpu.memory_space<hbm>> -> memref<128x64xf32, #tpu.memory_space<hbm>>
    %dma_wait3A_143 = tpu.memref_slice %arg11[%dma_wait3A_135] : memref<8x!tpu.dma_semaphore, #tpu.memory_space<semaphore_mem>> -> memref<1x!tpu.dma_semaphore, #tpu.memory_space<semaphore_mem>>
    %dma_wait3A_144 = tpu.memref_squeeze %dma_wait3A_143 : memref<1x!tpu.dma_semaphore, #tpu.memory_space<semaphore_mem>> -> memref<!tpu.dma_semaphore, #tpu.memory_space<semaphore_mem>>
    %dma_wait3A_145 = arith.constant 0 : i32
    %dma_wait3A_146 = arith.constant 0 : i32
    %dma_wait3A_147 = tpu.memref_slice %arg9[%dma_wait3A_134, %dma_wait3A_145, %dma_wait3A_146] : memref<8x128x64xf32, #tpu.memory_space<vmem>> -> memref<1x128x64xf32, #tpu.memory_space<vmem>>
    %dma_wait3A_148 = tpu.memref_squeeze %dma_wait3A_147 : memref<1x128x64xf32, #tpu.memory_space<vmem>> -> memref<128x64xf32, #tpu.memory_space<vmem>>
    %dma_wait3A_149 = arith.constant 0 : i32
    %dma_wait3A_150 = arith.constant 0 : i32
    %dma_wait3A_151 = tpu.memref_slice %arg5[%dma_wait3A_149, %dma_wait3A_150] : memref<640x64xf32, #tpu.memory_space<hbm>> -> memref<128x64xf32, #tpu.memory_space<hbm>>
    tpu.wait_dma2 semaphore(%dma_wait3A_144 : memref<!tpu.dma_semaphore, #tpu.memory_space<semaphore_mem>>) src(%dma_wait3A_151 : memref<128x64xf32, #tpu.memory_space<hbm>>) dst(%dma_wait3A_148 : memref<128x64xf32, #tpu.memory_space<vmem>>)
    %barrier3A_152 = arith.constant 0 : index
    tpu.barrier barrier_id(%barrier3A_152)
    %mul3A_153 = arith.constant 640 : i32
    %mul3A_154 = arith.muli %arg1, %mul3A_153 : i32
    %mul3A_155 = arith.constant 640 : i32
    %mul3A_156 = arith.muli %arg1, %mul3A_155 : i32
    "tpu.region"() ({
      %run_scoped3A = tpu.sem_alloc : memref<!tpu.dma_semaphore, #tpu.memory_space<semaphore_mem>>
      %dma_start3A = arith.constant 0 : i32
      %dma_start3A_157 = tpu.memref_slice %arg6[%arg0, %mul3A_156, %dma_start3A] : memref<2x10240x128xf32, #tpu.memory_space<hbm>> -> memref<1x640x64xf32, #tpu.memory_space<hbm>>
      %dma_start3A_158 = tpu.memref_squeeze %dma_start3A_157 : memref<1x640x64xf32, #tpu.memory_space<hbm>> -> memref<640x64xf32, #tpu.memory_space<hbm>>
      %dma_start3A_159 = arith.constant 0 : i32
      %dma_start3A_160 = tpu.memref_slice %arg12[%mul3A_154, %dma_start3A_159] : memref<10240x64xf32, #tpu.memory_space<vmem_shared>> -> memref<640x64xf32, #tpu.memory_space<vmem_shared>>
      tpu.enqueue_dma source(%dma_start3A_160 : memref<640x64xf32, #tpu.memory_space<vmem_shared>>) target(%dma_start3A_158 : memref<640x64xf32, #tpu.memory_space<hbm>>) target_semaphore(%run_scoped3A : memref<!tpu.dma_semaphore, #tpu.memory_space<semaphore_mem>>)
      %dma_wait3A_161 = arith.constant 0 : i32
      %dma_wait3A_162 = tpu.memref_slice %arg6[%arg0, %mul3A_156, %dma_wait3A_161] : memref<2x10240x128xf32, #tpu.memory_space<hbm>> -> memref<1x640x64xf32, #tpu.memory_space<hbm>>
      %dma_wait3A_163 = tpu.memref_squeeze %dma_wait3A_162 : memref<1x640x64xf32, #tpu.memory_space<hbm>> -> memref<640x64xf32, #tpu.memory_space<hbm>>
      %dma_wait3A_164 = arith.constant 0 : i32
      %dma_wait3A_165 = tpu.memref_slice %arg12[%mul3A_154, %dma_wait3A_164] : memref<10240x64xf32, #tpu.memory_space<vmem_shared>> -> memref<640x64xf32, #tpu.memory_space<vmem_shared>>
      tpu.wait_dma2 semaphore(%run_scoped3A : memref<!tpu.dma_semaphore, #tpu.memory_space<semaphore_mem>>) src(%dma_wait3A_165 : memref<640x64xf32, #tpu.memory_space<vmem_shared>>) dst(%dma_wait3A_163 : memref<640x64xf32, #tpu.memory_space<hbm>>)
      tpu.yield
    }) : () -> ()
    return
  }
}

module attributes {stable_mosaic.version = 14 : i64} {
  func.func @_proj_body(%arg0: memref<10000x128xf32, #tpu.memory_space<vmem>>, %arg1: memref<128x64xf32, #tpu.memory_space<vmem>>, %arg2: memref<10000x64xf32, #tpu.memory_space<vmem>>) attributes {dimension_semantics = [], scalar_prefetch = 0 : i64, scratch_operands = 0 : i64, tpu.core_type = #tpu.core_type<tc>} {
    %get3A = arith.constant 0 : index
    %get3A_0 = arith.constant 0 : index
    %get3A_1 = vector.load %arg0[%get3A, %get3A_0] : memref<10000x128xf32, #tpu.memory_space<vmem>>, vector<10000x128xf32>
    %get3A_2 = arith.constant 0 : index
    %get3A_3 = arith.constant 0 : index
    %get3A_4 = vector.load %arg1[%get3A_2, %get3A_3] : memref<128x64xf32, #tpu.memory_space<vmem>>, vector<128x64xf32>
    %dot_general3A = arith.constant dense<0.000000e+00> : vector<10000x64xf32>
    %dot_general3A_5 = tpu.matmul %get3A_1, %get3A_4, %dot_general3A {dimension_numbers = #tpu.dot_dimension_numbers<[1], [0], [0], [1], [0, 0, 1, 1], [], []>, transpose_lhs_hint = false} : vector<10000x128xf32>, vector<128x64xf32>, vector<10000x64xf32> -> vector<10000x64xf32>
    %swap3A = arith.constant 0 : index
    %swap3A_6 = arith.constant 0 : index
    %swap3A_7 = vector.load %arg2[%swap3A, %swap3A_6] : memref<10000x64xf32, #tpu.memory_space<vmem>>, vector<10000x64xf32>
    tpu.vector_store %arg2[%swap3A, %swap3A_6], %dot_general3A_5 {strides = array<i32>} : memref<10000x64xf32, #tpu.memory_space<vmem>>, vector<10000x64xf32>,
    return
  }
}

module attributes {stable_mosaic.version = 14 : i64} {
  func.func @_layer_next_body(%arg0: memref<10000x64xf32, #tpu.memory_space<vmem>>, %arg1: memref<2x10240x128xf32, #tpu.memory_space<vmem>>, %arg2: memref<1x1xf32, #tpu.memory_space<vmem>>, %arg3: memref<1x64xf32, #tpu.memory_space<vmem>>, %arg4: memref<64x64xf32, #tpu.memory_space<vmem>>, %arg5: memref<1x64xf32, #tpu.memory_space<vmem>>, %arg6: memref<1x64xf32, #tpu.memory_space<vmem>>, %arg7: memref<1x64xf32, #tpu.memory_space<vmem>>, %arg8: memref<64x64xf32, #tpu.memory_space<vmem>>, %arg9: memref<10000x64xf32, #tpu.memory_space<vmem>>, %arg10: memref<10000x64xf32, #tpu.memory_space<vmem>>) attributes {dimension_semantics = [], scalar_prefetch = 0 : i64, scratch_operands = 0 : i64, tpu.core_type = #tpu.core_type<tc>} {
    %get3A = arith.constant 0 : index
    %get3A_0 = arith.constant 0 : index
    %get3A_1 = arith.constant 0 : index
    %get3A_2 = vector.load %arg1[%get3A, %get3A_0, %get3A_1] : memref<2x10240x128xf32, #tpu.memory_space<vmem>>, vector<1x10000x64xf32>
    %get3A_3 = vector.shape_cast %get3A_2 : vector<1x10000x64xf32> to vector<10000x64xf32>
    %get3A_4 = arith.constant 1 : index
    %get3A_5 = arith.constant 0 : index
    %get3A_6 = arith.constant 0 : index
    %get3A_7 = vector.load %arg1[%get3A_4, %get3A_5, %get3A_6] : memref<2x10240x128xf32, #tpu.memory_space<vmem>>, vector<1x10000x64xf32>
    %get3A_8 = vector.shape_cast %get3A_7 : vector<1x10000x64xf32> to vector<10000x64xf32>
    %add3A = arith.addf %get3A_3, %get3A_8 : vector<10000x64xf32>
    %get3A_9 = arith.constant 0 : index
    %get3A_10 = arith.constant 0 : index
    %get3A_11 = vector.load %arg2[%get3A_9, %get3A_10] : memref<1x1xf32, #tpu.memory_space<vmem>>, vector<1x1xf32>
    %get3A_12 = vector.extract %get3A_11[0, 0] : f32 from vector<1x1xf32>
    %add3A_13 = arith.constant 1.000000e+00 : f32
    %add3A_14 = arith.addf %add3A_13, %get3A_12 : f32
    %get3A_15 = arith.constant 0 : index
    %get3A_16 = arith.constant 0 : index
    %get3A_17 = vector.load %arg0[%get3A_15, %get3A_16] : memref<10000x64xf32, #tpu.memory_space<vmem>>, vector<10000x64xf32>
    %mul3A = vector.broadcast %add3A_14 : f32 to vector<10000x64xf32>
    %mul3A_18 = arith.mulf %mul3A, %get3A_17 : vector<10000x64xf32>
    %add3A_19 = arith.addf %mul3A_18, %add3A : vector<10000x64xf32>
    %get3A_20 = arith.constant 0 : index
    %get3A_21 = arith.constant 0 : index
    %get3A_22 = vector.load %arg3[%get3A_20, %get3A_21] : memref<1x64xf32, #tpu.memory_space<vmem>>, vector<1x64xf32>
    %get3A_23 = vector.shape_cast %get3A_22 : vector<1x64xf32> to vector<64xf32>
    %broadcast_in_dim3A = vector.shape_cast %get3A_23 : vector<64xf32> to vector<1x64xf32>
    %add3A_24 = vector.broadcast %broadcast_in_dim3A : vector<1x64xf32> to vector<10000x64xf32>
    %add3A_25 = arith.addf %add3A_19, %add3A_24 : vector<10000x64xf32>
    %max3A = arith.constant 0.000000e+00 : f32
    %max3A_26 = vector.broadcast %max3A : f32 to vector<10000x64xf32>
    %max3A_27 = arith.maximumf %add3A_25, %max3A_26 : vector<10000x64xf32>
    %get3A_28 = arith.constant 0 : index
    %get3A_29 = arith.constant 0 : index
    %get3A_30 = vector.load %arg4[%get3A_28, %get3A_29] : memref<64x64xf32, #tpu.memory_space<vmem>>, vector<64x64xf32>
    %dot_general3A = arith.constant dense<0.000000e+00> : vector<10000x64xf32>
    %dot_general3A_31 = tpu.matmul %max3A_27, %get3A_30, %dot_general3A {dimension_numbers = #tpu.dot_dimension_numbers<[1], [0], [0], [1], [0, 0, 1, 1], [], []>, transpose_lhs_hint = false} : vector<10000x64xf32>, vector<64x64xf32>, vector<10000x64xf32> -> vector<10000x64xf32>
    %get3A_32 = arith.constant 0 : index
    %get3A_33 = arith.constant 0 : index
    %get3A_34 = vector.load %arg5[%get3A_32, %get3A_33] : memref<1x64xf32, #tpu.memory_space<vmem>>, vector<1x64xf32>
    %get3A_35 = vector.shape_cast %get3A_34 : vector<1x64xf32> to vector<64xf32>
    %broadcast_in_dim3A_36 = vector.shape_cast %get3A_35 : vector<64xf32> to vector<1x64xf32>
    %add3A_37 = vector.broadcast %broadcast_in_dim3A_36 : vector<1x64xf32> to vector<10000x64xf32>
    %add3A_38 = arith.addf %dot_general3A_31, %add3A_37 : vector<10000x64xf32>
    %max3A_39 = arith.constant 0.000000e+00 : f32
    %max3A_40 = vector.broadcast %max3A_39 : f32 to vector<10000x64xf32>
    %max3A_41 = arith.maximumf %add3A_38, %max3A_40 : vector<10000x64xf32>
    %reduce_sum3A = arith.constant dense<0.000000e+00> : vector<64xf32>
    %reduce_sum3A_42 = vector.multi_reduction <add>, %max3A_41, %reduce_sum3A [0] : vector<10000x64xf32> to vector<64xf32>
    %broadcast_in_dim3A_43 = vector.shape_cast %reduce_sum3A_42 : vector<64xf32> to vector<1x64xf32>
    %div3A = arith.constant 1.000000e+04 : f32
    %div3A_44 = vector.broadcast %div3A : f32 to vector<1x64xf32>
    %div3A_45 = arith.divf %broadcast_in_dim3A_43, %div3A_44 : vector<1x64xf32>
    %sub3A = vector.broadcast %div3A_45 : vector<1x64xf32> to vector<10000x64xf32>
    %sub3A_46 = arith.subf %max3A_41, %sub3A : vector<10000x64xf32>
    %mul3A_47 = arith.mulf %sub3A_46, %sub3A_46 : vector<10000x64xf32>
    %reduce_sum3A_48 = arith.constant dense<0.000000e+00> : vector<64xf32>
    %reduce_sum3A_49 = vector.multi_reduction <add>, %mul3A_47, %reduce_sum3A_48 [0] : vector<10000x64xf32> to vector<64xf32>
    %broadcast_in_dim3A_50 = vector.shape_cast %reduce_sum3A_49 : vector<64xf32> to vector<1x64xf32>
    %div3A_51 = arith.constant 1.000000e+04 : f32
    %div3A_52 = vector.broadcast %div3A_51 : f32 to vector<1x64xf32>
    %div3A_53 = arith.divf %broadcast_in_dim3A_50, %div3A_52 : vector<1x64xf32>
    %add3A_54 = arith.constant 9.99999974E-6 : f32
    %add3A_55 = vector.broadcast %add3A_54 : f32 to vector<1x64xf32>
    %add3A_56 = arith.addf %div3A_53, %add3A_55 : vector<1x64xf32>
    %rsqrt3A = math.rsqrt %add3A_56 : vector<1x64xf32>
    %mul3A_57 = vector.broadcast %rsqrt3A : vector<1x64xf32> to vector<10000x64xf32>
    %mul3A_58 = arith.mulf %sub3A_46, %mul3A_57 : vector<10000x64xf32>
    %get3A_59 = arith.constant 0 : index
    %get3A_60 = arith.constant 0 : index
    %get3A_61 = vector.load %arg6[%get3A_59, %get3A_60] : memref<1x64xf32, #tpu.memory_space<vmem>>, vector<1x64xf32>
    %get3A_62 = vector.shape_cast %get3A_61 : vector<1x64xf32> to vector<64xf32>
    %broadcast_in_dim3A_63 = vector.shape_cast %get3A_62 : vector<64xf32> to vector<1x64xf32>
    %mul3A_64 = vector.broadcast %broadcast_in_dim3A_63 : vector<1x64xf32> to vector<10000x64xf32>
    %mul3A_65 = arith.mulf %mul3A_58, %mul3A_64 : vector<10000x64xf32>
    %get3A_66 = arith.constant 0 : index
    %get3A_67 = arith.constant 0 : index
    %get3A_68 = vector.load %arg7[%get3A_66, %get3A_67] : memref<1x64xf32, #tpu.memory_space<vmem>>, vector<1x64xf32>
    %get3A_69 = vector.shape_cast %get3A_68 : vector<1x64xf32> to vector<64xf32>
    %broadcast_in_dim3A_70 = vector.shape_cast %get3A_69 : vector<64xf32> to vector<1x64xf32>
    %add3A_71 = vector.broadcast %broadcast_in_dim3A_70 : vector<1x64xf32> to vector<10000x64xf32>
    %add3A_72 = arith.addf %mul3A_65, %add3A_71 : vector<10000x64xf32>
    %swap3A = arith.constant 0 : index
    %swap3A_73 = arith.constant 0 : index
    %swap3A_74 = vector.load %arg9[%swap3A, %swap3A_73] : memref<10000x64xf32, #tpu.memory_space<vmem>>, vector<10000x64xf32>
    tpu.vector_store %arg9[%swap3A, %swap3A_73], %add3A_72 {strides = array<i32>} : memref<10000x64xf32, #tpu.memory_space<vmem>>, vector<10000x64xf32>,
    %get3A_75 = arith.constant 0 : index
    %get3A_76 = arith.constant 0 : index
    %get3A_77 = vector.load %arg8[%get3A_75, %get3A_76] : memref<64x64xf32, #tpu.memory_space<vmem>>, vector<64x64xf32>
    %dot_general3A_78 = arith.constant dense<0.000000e+00> : vector<10000x64xf32>
    %dot_general3A_79 = tpu.matmul %add3A_72, %get3A_77, %dot_general3A_78 {dimension_numbers = #tpu.dot_dimension_numbers<[1], [0], [0], [1], [0, 0, 1, 1], [], []>, transpose_lhs_hint = false} : vector<10000x64xf32>, vector<64x64xf32>, vector<10000x64xf32> -> vector<10000x64xf32>
    %swap3A_80 = arith.constant 0 : index
    %swap3A_81 = arith.constant 0 : index
    %swap3A_82 = vector.load %arg10[%swap3A_80, %swap3A_81] : memref<10000x64xf32, #tpu.memory_space<vmem>>, vector<10000x64xf32>
    tpu.vector_store %arg10[%swap3A_80, %swap3A_81], %dot_general3A_79 {strides = array<i32>} : memref<10000x64xf32, #tpu.memory_space<vmem>>, vector<10000x64xf32>,
    return
  }
}

module attributes {stable_mosaic.version = 14 : i64} {
  func.func @_pool_body(%arg0: memref<10000x64xf32, #tpu.memory_space<vmem>>, %arg1: memref<1x10000xi32, #tpu.memory_space<vmem>>, %arg2: memref<64x64xf32, #tpu.memory_space<vmem>>, %arg3: memref<64x1xf32, #tpu.memory_space<vmem>>) attributes {dimension_semantics = [], scalar_prefetch = 0 : i64, scratch_operands = 0 : i64, tpu.core_type = #tpu.core_type<tc>} {
    %get3A = arith.constant 0 : index
    %get3A_0 = arith.constant 0 : index
    %get3A_1 = vector.load %arg1[%get3A, %get3A_0] : memref<1x10000xi32, #tpu.memory_space<vmem>>, vector<1x10000xi32>
    %get3A_2 = vector.shape_cast %get3A_1 : vector<1x10000xi32> to vector<10000xi32>
    %iota3A = tpu.iota {dimensions = array<i32: 0>} : vector<64x10000xi32>
    %broadcast_in_dim3A = vector.shape_cast %get3A_2 : vector<10000xi32> to vector<1x10000xi32>
    %eq3A = vector.broadcast %broadcast_in_dim3A : vector<1x10000xi32> to vector<64x10000xi32>
    %eq3A_3 = arith.cmpi eq, %iota3A, %eq3A : vector<64x10000xi32>
    %convert_element_type3A = arith.extui %eq3A_3 : vector<64x10000xi1> to vector<64x10000xi32>
    %convert_element_type3A_4 = arith.sitofp %convert_element_type3A : vector<64x10000xi32> to vector<64x10000xf32>
    %get3A_5 = arith.constant 0 : index
    %get3A_6 = arith.constant 0 : index
    %get3A_7 = vector.load %arg0[%get3A_5, %get3A_6] : memref<10000x64xf32, #tpu.memory_space<vmem>>, vector<10000x64xf32>
    %dot_general3A = arith.constant dense<0.000000e+00> : vector<64x64xf32>
    %dot_general3A_8 = tpu.matmul %convert_element_type3A_4, %get3A_7, %dot_general3A {dimension_numbers = #tpu.dot_dimension_numbers<[1], [0], [0], [1], [0, 0, 1, 1], [], []>, transpose_lhs_hint = false} : vector<64x10000xf32>, vector<10000x64xf32>, vector<64x64xf32> -> vector<64x64xf32>
    %swap3A = arith.constant 0 : index
    %swap3A_9 = arith.constant 0 : index
    %swap3A_10 = vector.load %arg2[%swap3A, %swap3A_9] : memref<64x64xf32, #tpu.memory_space<vmem>>, vector<64x64xf32>
    tpu.vector_store %arg2[%swap3A, %swap3A_9], %dot_general3A_8 {strides = array<i32>} : memref<64x64xf32, #tpu.memory_space<vmem>>, vector<64x64xf32>,
    %reduce_sum3A = arith.constant dense<0.000000e+00> : vector<64xf32>
    %reduce_sum3A_11 = vector.multi_reduction <add>, %convert_element_type3A_4, %reduce_sum3A [1] : vector<64x10000xf32> to vector<64xf32>
    %broadcast_in_dim3A_12 = vector.shape_cast %reduce_sum3A_11 : vector<64xf32> to vector<64x1xf32>
    %swap3A_13 = arith.constant 0 : index
    %swap3A_14 = arith.constant 0 : index
    %swap3A_15 = vector.load %arg3[%swap3A_13, %swap3A_14] : memref<64x1xf32, #tpu.memory_space<vmem>>, vector<64x1xf32>
    tpu.vector_store %arg3[%swap3A_13, %swap3A_14], %broadcast_in_dim3A_12 {strides = array<i32>} : memref<64x1xf32, #tpu.memory_space<vmem>>, vector<64x1xf32>,
    return
  }
}

module attributes {stable_mosaic.version = 14 : i64} {
  func.func @_pool_body(%arg0: memref<10000x64xf32, #tpu.memory_space<vmem>>, %arg1: memref<1x10000xi32, #tpu.memory_space<vmem>>, %arg2: memref<64x64xf32, #tpu.memory_space<vmem>>, %arg3: memref<64x1xf32, #tpu.memory_space<vmem>>) attributes {dimension_semantics = [], scalar_prefetch = 0 : i64, scratch_operands = 0 : i64, tpu.core_type = #tpu.core_type<tc>} {
    %get3A = arith.constant 0 : index
    %get3A_0 = arith.constant 0 : index
    %get3A_1 = vector.load %arg1[%get3A, %get3A_0] : memref<1x10000xi32, #tpu.memory_space<vmem>>, vector<1x10000xi32>
    %get3A_2 = vector.shape_cast %get3A_1 : vector<1x10000xi32> to vector<10000xi32>
    %iota3A = tpu.iota {dimensions = array<i32: 0>} : vector<64x10000xi32>
    %broadcast_in_dim3A = vector.shape_cast %get3A_2 : vector<10000xi32> to vector<1x10000xi32>
    %eq3A = vector.broadcast %broadcast_in_dim3A : vector<1x10000xi32> to vector<64x10000xi32>
    %eq3A_3 = arith.cmpi eq, %iota3A, %eq3A : vector<64x10000xi32>
    %convert_element_type3A = arith.extui %eq3A_3 : vector<64x10000xi1> to vector<64x10000xi32>
    %convert_element_type3A_4 = arith.sitofp %convert_element_type3A : vector<64x10000xi32> to vector<64x10000xf32>
    %get3A_5 = arith.constant 0 : index
    %get3A_6 = arith.constant 0 : index
    %get3A_7 = vector.load %arg0[%get3A_5, %get3A_6] : memref<10000x64xf32, #tpu.memory_space<vmem>>, vector<10000x64xf32>
    %dot_general3A = arith.constant dense<0.000000e+00> : vector<64x64xf32>
    %dot_general3A_8 = tpu.matmul %convert_element_type3A_4, %get3A_7, %dot_general3A {dimension_numbers = #tpu.dot_dimension_numbers<[1], [0], [0], [1], [0, 0, 1, 1], [], []>, transpose_lhs_hint = false} : vector<64x10000xf32>, vector<10000x64xf32>, vector<64x64xf32> -> vector<64x64xf32>
    %swap3A = arith.constant 0 : index
    %swap3A_9 = arith.constant 0 : index
    %swap3A_10 = vector.load %arg2[%swap3A, %swap3A_9] : memref<64x64xf32, #tpu.memory_space<vmem>>, vector<64x64xf32>
    tpu.vector_store %arg2[%swap3A, %swap3A_9], %dot_general3A_8 {strides = array<i32>} : memref<64x64xf32, #tpu.memory_space<vmem>>, vector<64x64xf32>,
    %reduce_sum3A = arith.constant dense<0.000000e+00> : vector<64xf32>
    %reduce_sum3A_11 = vector.multi_reduction <add>, %convert_element_type3A_4, %reduce_sum3A [1] : vector<64x10000xf32> to vector<64xf32>
    %broadcast_in_dim3A_12 = vector.shape_cast %reduce_sum3A_11 : vector<64xf32> to vector<64x1xf32>
    %swap3A_13 = arith.constant 0 : index
    %swap3A_14 = arith.constant 0 : index
    %swap3A_15 = vector.load %arg3[%swap3A_13, %swap3A_14] : memref<64x1xf32, #tpu.memory_space<vmem>>, vector<64x1xf32>
    tpu.vector_store %arg3[%swap3A_13, %swap3A_14], %broadcast_in_dim3A_12 {strides = array<i32>} : memref<64x1xf32, #tpu.memory_space<vmem>>, vector<64x1xf32>,
    return
  }
}

module attributes {stable_mosaic.version = 14 : i64} {
  func.func @_head_body(%arg0: memref<64x64xf32, #tpu.memory_space<vmem>>, %arg1: memref<64x64xf32, #tpu.memory_space<vmem>>, %arg2: memref<64x1xf32, #tpu.memory_space<vmem>>, %arg3: memref<10000x64xf32, #tpu.memory_space<vmem>>, %arg4: memref<2x10240x128xf32, #tpu.memory_space<vmem>>, %arg5: memref<1x1xf32, #tpu.memory_space<vmem>>, %arg6: memref<1x64xf32, #tpu.memory_space<vmem>>, %arg7: memref<64x64xf32, #tpu.memory_space<vmem>>, %arg8: memref<1x64xf32, #tpu.memory_space<vmem>>, %arg9: memref<1x64xf32, #tpu.memory_space<vmem>>, %arg10: memref<1x64xf32, #tpu.memory_space<vmem>>, %arg11: memref<1x10000xi32, #tpu.memory_space<vmem>>, %arg12: memref<192x128xf32, #tpu.memory_space<vmem>>, %arg13: memref<1x128xf32, #tpu.memory_space<vmem>>, %arg14: memref<128x64xf32, #tpu.memory_space<vmem>>, %arg15: memref<1x64xf32, #tpu.memory_space<vmem>>, %arg16: memref<64x64xf32, #tpu.memory_space<vmem>>, %arg17: memref<1x64xf32, #tpu.memory_space<vmem>>, %arg18: memref<64x16xf32, #tpu.memory_space<vmem>>, %arg19: memref<1x16xf32, #tpu.memory_space<vmem>>, %arg20: memref<64x16xf32, #tpu.memory_space<vmem>>) attributes {dimension_semantics = [], scalar_prefetch = 0 : i64, scratch_operands = 0 : i64, tpu.core_type = #tpu.core_type<tc>} {
    %get3A = arith.constant 0 : index
    %get3A_0 = arith.constant 0 : index
    %get3A_1 = arith.constant 0 : index
    %get3A_2 = vector.load %arg4[%get3A, %get3A_0, %get3A_1] : memref<2x10240x128xf32, #tpu.memory_space<vmem>>, vector<1x10000x64xf32>
    %get3A_3 = vector.shape_cast %get3A_2 : vector<1x10000x64xf32> to vector<10000x64xf32>
    %get3A_4 = arith.constant 1 : index
    %get3A_5 = arith.constant 0 : index
    %get3A_6 = arith.constant 0 : index
    %get3A_7 = vector.load %arg4[%get3A_4, %get3A_5, %get3A_6] : memref<2x10240x128xf32, #tpu.memory_space<vmem>>, vector<1x10000x64xf32>
    %get3A_8 = vector.shape_cast %get3A_7 : vector<1x10000x64xf32> to vector<10000x64xf32>
    %add3A = arith.addf %get3A_3, %get3A_8 : vector<10000x64xf32>
    %get3A_9 = arith.constant 0 : index
    %get3A_10 = arith.constant 0 : index
    %get3A_11 = vector.load %arg5[%get3A_9, %get3A_10] : memref<1x1xf32, #tpu.memory_space<vmem>>, vector<1x1xf32>
    %get3A_12 = vector.extract %get3A_11[0, 0] : f32 from vector<1x1xf32>
    %add3A_13 = arith.constant 1.000000e+00 : f32
    %add3A_14 = arith.addf %add3A_13, %get3A_12 : f32
    %get3A_15 = arith.constant 0 : index
    %get3A_16 = arith.constant 0 : index
    %get3A_17 = vector.load %arg3[%get3A_15, %get3A_16] : memref<10000x64xf32, #tpu.memory_space<vmem>>, vector<10000x64xf32>
    %mul3A = vector.broadcast %add3A_14 : f32 to vector<10000x64xf32>
    %mul3A_18 = arith.mulf %mul3A, %get3A_17 : vector<10000x64xf32>
    %add3A_19 = arith.addf %mul3A_18, %add3A : vector<10000x64xf32>
    %get3A_20 = arith.constant 0 : index
    %get3A_21 = arith.constant 0 : index
    %get3A_22 = vector.load %arg6[%get3A_20, %get3A_21] : memref<1x64xf32, #tpu.memory_space<vmem>>, vector<1x64xf32>
    %get3A_23 = vector.shape_cast %get3A_22 : vector<1x64xf32> to vector<64xf32>
    %broadcast_in_dim3A = vector.shape_cast %get3A_23 : vector<64xf32> to vector<1x64xf32>
    %add3A_24 = vector.broadcast %broadcast_in_dim3A : vector<1x64xf32> to vector<10000x64xf32>
    %add3A_25 = arith.addf %add3A_19, %add3A_24 : vector<10000x64xf32>
    %max3A = arith.constant 0.000000e+00 : f32
    %max3A_26 = vector.broadcast %max3A : f32 to vector<10000x64xf32>
    %max3A_27 = arith.maximumf %add3A_25, %max3A_26 : vector<10000x64xf32>
    %get3A_28 = arith.constant 0 : index
    %get3A_29 = arith.constant 0 : index
    %get3A_30 = vector.load %arg7[%get3A_28, %get3A_29] : memref<64x64xf32, #tpu.memory_space<vmem>>, vector<64x64xf32>
    %dot_general3A = arith.constant dense<0.000000e+00> : vector<10000x64xf32>
    %dot_general3A_31 = tpu.matmul %max3A_27, %get3A_30, %dot_general3A {dimension_numbers = #tpu.dot_dimension_numbers<[1], [0], [0], [1], [0, 0, 1, 1], [], []>, transpose_lhs_hint = false} : vector<10000x64xf32>, vector<64x64xf32>, vector<10000x64xf32> -> vector<10000x64xf32>
    %get3A_32 = arith.constant 0 : index
    %get3A_33 = arith.constant 0 : index
    %get3A_34 = vector.load %arg8[%get3A_32, %get3A_33] : memref<1x64xf32, #tpu.memory_space<vmem>>, vector<1x64xf32>
    %get3A_35 = vector.shape_cast %get3A_34 : vector<1x64xf32> to vector<64xf32>
    %broadcast_in_dim3A_36 = vector.shape_cast %get3A_35 : vector<64xf32> to vector<1x64xf32>
    %add3A_37 = vector.broadcast %broadcast_in_dim3A_36 : vector<1x64xf32> to vector<10000x64xf32>
    %add3A_38 = arith.addf %dot_general3A_31, %add3A_37 : vector<10000x64xf32>
    %max3A_39 = arith.constant 0.000000e+00 : f32
    %max3A_40 = vector.broadcast %max3A_39 : f32 to vector<10000x64xf32>
    %max3A_41 = arith.maximumf %add3A_38, %max3A_40 : vector<10000x64xf32>
    %reduce_sum3A = arith.constant dense<0.000000e+00> : vector<64xf32>
    %reduce_sum3A_42 = vector.multi_reduction <add>, %max3A_41, %reduce_sum3A [0] : vector<10000x64xf32> to vector<64xf32>
    %broadcast_in_dim3A_43 = vector.shape_cast %reduce_sum3A_42 : vector<64xf32> to vector<1x64xf32>
    %div3A = arith.constant 1.000000e+04 : f32
    %div3A_44 = vector.broadcast %div3A : f32 to vector<1x64xf32>
    %div3A_45 = arith.divf %broadcast_in_dim3A_43, %div3A_44 : vector<1x64xf32>
    %sub3A = vector.broadcast %div3A_45 : vector<1x64xf32> to vector<10000x64xf32>
    %sub3A_46 = arith.subf %max3A_41, %sub3A : vector<10000x64xf32>
    %mul3A_47 = arith.mulf %sub3A_46, %sub3A_46 : vector<10000x64xf32>
    %reduce_sum3A_48 = arith.constant dense<0.000000e+00> : vector<64xf32>
    %reduce_sum3A_49 = vector.multi_reduction <add>, %mul3A_47, %reduce_sum3A_48 [0] : vector<10000x64xf32> to vector<64xf32>
    %broadcast_in_dim3A_50 = vector.shape_cast %reduce_sum3A_49 : vector<64xf32> to vector<1x64xf32>
    %div3A_51 = arith.constant 1.000000e+04 : f32
    %div3A_52 = vector.broadcast %div3A_51 : f32 to vector<1x64xf32>
    %div3A_53 = arith.divf %broadcast_in_dim3A_50, %div3A_52 : vector<1x64xf32>
    %add3A_54 = arith.constant 9.99999974E-6 : f32
    %add3A_55 = vector.broadcast %add3A_54 : f32 to vector<1x64xf32>
    %add3A_56 = arith.addf %div3A_53, %add3A_55 : vector<1x64xf32>
    %rsqrt3A = math.rsqrt %add3A_56 : vector<1x64xf32>
    %mul3A_57 = vector.broadcast %rsqrt3A : vector<1x64xf32> to vector<10000x64xf32>
    %mul3A_58 = arith.mulf %sub3A_46, %mul3A_57 : vector<10000x64xf32>
    %get3A_59 = arith.constant 0 : index
    %get3A_60 = arith.constant 0 : index
    %get3A_61 = vector.load %arg9[%get3A_59, %get3A_60] : memref<1x64xf32, #tpu.memory_space<vmem>>, vector<1x64xf32>
    %get3A_62 = vector.shape_cast %get3A_61 : vector<1x64xf32> to vector<64xf32>
    %broadcast_in_dim3A_63 = vector.shape_cast %get3A_62 : vector<64xf32> to vector<1x64xf32>
    %mul3A_64 = vector.broadcast %broadcast_in_dim3A_63 : vector<1x64xf32> to vector<10000x64xf32>
    %mul3A_65 = arith.mulf %mul3A_58, %mul3A_64 : vector<10000x64xf32>
    %get3A_66 = arith.constant 0 : index
    %get3A_67 = arith.constant 0 : index
    %get3A_68 = vector.load %arg10[%get3A_66, %get3A_67] : memref<1x64xf32, #tpu.memory_space<vmem>>, vector<1x64xf32>
    %get3A_69 = vector.shape_cast %get3A_68 : vector<1x64xf32> to vector<64xf32>
    %broadcast_in_dim3A_70 = vector.shape_cast %get3A_69 : vector<64xf32> to vector<1x64xf32>
    %add3A_71 = vector.broadcast %broadcast_in_dim3A_70 : vector<1x64xf32> to vector<10000x64xf32>
    %add3A_72 = arith.addf %mul3A_65, %add3A_71 : vector<10000x64xf32>
    %get3A_73 = arith.constant 0 : index
    %get3A_74 = arith.constant 0 : index
    %get3A_75 = vector.load %arg11[%get3A_73, %get3A_74] : memref<1x10000xi32, #tpu.memory_space<vmem>>, vector<1x10000xi32>
    %get3A_76 = vector.shape_cast %get3A_75 : vector<1x10000xi32> to vector<10000xi32>
    %iota3A = tpu.iota {dimensions = array<i32: 0>} : vector<64x10000xi32>
    %broadcast_in_dim3A_77 = vector.shape_cast %get3A_76 : vector<10000xi32> to vector<1x10000xi32>
    %eq3A = vector.broadcast %broadcast_in_dim3A_77 : vector<1x10000xi32> to vector<64x10000xi32>
    %eq3A_78 = arith.cmpi eq, %iota3A, %eq3A : vector<64x10000xi32>
    %convert_element_type3A = arith.extui %eq3A_78 : vector<64x10000xi1> to vector<64x10000xi32>
    %convert_element_type3A_79 = arith.sitofp %convert_element_type3A : vector<64x10000xi32> to vector<64x10000xf32>
    %get3A_80 = arith.constant 0 : index
    %get3A_81 = arith.constant 0 : index
    %get3A_82 = vector.load %arg0[%get3A_80, %get3A_81] : memref<64x64xf32, #tpu.memory_space<vmem>>, vector<64x64xf32>
    %get3A_83 = arith.constant 0 : index
    %get3A_84 = arith.constant 0 : index
    %get3A_85 = vector.load %arg1[%get3A_83, %get3A_84] : memref<64x64xf32, #tpu.memory_space<vmem>>, vector<64x64xf32>
    %dot_general3A_86 = arith.constant dense<0.000000e+00> : vector<64x64xf32>
    %dot_general3A_87 = tpu.matmul %convert_element_type3A_79, %add3A_72, %dot_general3A_86 {dimension_numbers = #tpu.dot_dimension_numbers<[1], [0], [0], [1], [0, 0, 1, 1], [], []>, transpose_lhs_hint = false} : vector<64x10000xf32>, vector<10000x64xf32>, vector<64x64xf32> -> vector<64x64xf32>
    %get3A_88 = arith.constant 0 : index
    %get3A_89 = arith.constant 0 : index
    %get3A_90 = vector.load %arg2[%get3A_88, %get3A_89] : memref<64x1xf32, #tpu.memory_space<vmem>>, vector<64x1xf32>
    %max3A_91 = arith.constant 1.000000e+00 : f32
    %max3A_92 = vector.broadcast %max3A_91 : f32 to vector<64x1xf32>
    %max3A_93 = arith.maximumf %get3A_90, %max3A_92 : vector<64x1xf32>
    %div3A_94 = arith.constant 1.000000e+00 : f32
    %div3A_95 = vector.broadcast %div3A_94 : f32 to vector<64x1xf32>
    %div3A_96 = arith.divf %div3A_95, %max3A_93 : vector<64x1xf32>
    %mul3A_97 = vector.broadcast %div3A_96 : vector<64x1xf32> to vector<64x64xf32>
    %mul3A_98 = arith.mulf %get3A_82, %mul3A_97 : vector<64x64xf32>
    %get3A_99 = arith.constant 0 : index
    %get3A_100 = arith.constant 0 : index
    %get3A_101 = vector.load %arg12[%get3A_99, %get3A_100] : memref<192x128xf32, #tpu.memory_space<vmem>>, vector<64x128xf32>
    %dot_general3A_102 = arith.constant dense<0.000000e+00> : vector<64x128xf32>
    %dot_general3A_103 = tpu.matmul %mul3A_98, %get3A_101, %dot_general3A_102 {dimension_numbers = #tpu.dot_dimension_numbers<[1], [0], [0], [1], [0, 0, 1, 1], [], []>, transpose_lhs_hint = false} : vector<64x64xf32>, vector<64x128xf32>, vector<64x128xf32> -> vector<64x128xf32>
    %mul3A_104 = vector.broadcast %div3A_96 : vector<64x1xf32> to vector<64x64xf32>
    %mul3A_105 = arith.mulf %get3A_85, %mul3A_104 : vector<64x64xf32>
    %get3A_106 = arith.constant 64 : index
    %get3A_107 = arith.constant 0 : index
    %get3A_108 = vector.load %arg12[%get3A_106, %get3A_107] : memref<192x128xf32, #tpu.memory_space<vmem>>, vector<64x128xf32>
    %dot_general3A_109 = arith.constant dense<0.000000e+00> : vector<64x128xf32>
    %dot_general3A_110 = tpu.matmul %mul3A_105, %get3A_108, %dot_general3A_109 {dimension_numbers = #tpu.dot_dimension_numbers<[1], [0], [0], [1], [0, 0, 1, 1], [], []>, transpose_lhs_hint = false} : vector<64x64xf32>, vector<64x128xf32>, vector<64x128xf32> -> vector<64x128xf32>
    %add3A_111 = arith.addf %dot_general3A_103, %dot_general3A_110 : vector<64x128xf32>
    %mul3A_112 = vector.broadcast %div3A_96 : vector<64x1xf32> to vector<64x64xf32>
    %mul3A_113 = arith.mulf %dot_general3A_87, %mul3A_112 : vector<64x64xf32>
    %get3A_114 = arith.constant 128 : index
    %get3A_115 = arith.constant 0 : index
    %get3A_116 = vector.load %arg12[%get3A_114, %get3A_115] : memref<192x128xf32, #tpu.memory_space<vmem>>, vector<64x128xf32>
    %dot_general3A_117 = arith.constant dense<0.000000e+00> : vector<64x128xf32>
    %dot_general3A_118 = tpu.matmul %mul3A_113, %get3A_116, %dot_general3A_117 {dimension_numbers = #tpu.dot_dimension_numbers<[1], [0], [0], [1], [0, 0, 1, 1], [], []>, transpose_lhs_hint = false} : vector<64x64xf32>, vector<64x128xf32>, vector<64x128xf32> -> vector<64x128xf32>
    %add3A_119 = arith.addf %add3A_111, %dot_general3A_118 : vector<64x128xf32>
    %get3A_120 = arith.constant 0 : index
    %get3A_121 = arith.constant 0 : index
    %get3A_122 = vector.load %arg13[%get3A_120, %get3A_121] : memref<1x128xf32, #tpu.memory_space<vmem>>, vector<1x128xf32>
    %get3A_123 = vector.shape_cast %get3A_122 : vector<1x128xf32> to vector<128xf32>
    %broadcast_in_dim3A_124 = vector.shape_cast %get3A_123 : vector<128xf32> to vector<1x128xf32>
    %add3A_125 = vector.broadcast %broadcast_in_dim3A_124 : vector<1x128xf32> to vector<64x128xf32>
    %add3A_126 = arith.addf %add3A_119, %add3A_125 : vector<64x128xf32>
    %max3A_127 = arith.constant 0.000000e+00 : f32
    %max3A_128 = vector.broadcast %max3A_127 : f32 to vector<64x128xf32>
    %max3A_129 = arith.maximumf %add3A_126, %max3A_128 : vector<64x128xf32>
    %get3A_130 = arith.constant 0 : index
    %get3A_131 = arith.constant 0 : index
    %get3A_132 = vector.load %arg14[%get3A_130, %get3A_131] : memref<128x64xf32, #tpu.memory_space<vmem>>, vector<128x64xf32>
    %dot_general3A_133 = arith.constant dense<0.000000e+00> : vector<64x64xf32>
    %dot_general3A_134 = tpu.matmul %max3A_129, %get3A_132, %dot_general3A_133 {dimension_numbers = #tpu.dot_dimension_numbers<[1], [0], [0], [1], [0, 0, 1, 1], [], []>, transpose_lhs_hint = false} : vector<64x128xf32>, vector<128x64xf32>, vector<64x64xf32> -> vector<64x64xf32>
    %get3A_135 = arith.constant 0 : index
    %get3A_136 = arith.constant 0 : index
    %get3A_137 = vector.load %arg15[%get3A_135, %get3A_136] : memref<1x64xf32, #tpu.memory_space<vmem>>, vector<1x64xf32>
    %get3A_138 = vector.shape_cast %get3A_137 : vector<1x64xf32> to vector<64xf32>
    %broadcast_in_dim3A_139 = vector.shape_cast %get3A_138 : vector<64xf32> to vector<1x64xf32>
    %add3A_140 = vector.broadcast %broadcast_in_dim3A_139 : vector<1x64xf32> to vector<64x64xf32>
    %add3A_141 = arith.addf %dot_general3A_134, %add3A_140 : vector<64x64xf32>
    %max3A_142 = arith.constant 0.000000e+00 : f32
    %max3A_143 = vector.broadcast %max3A_142 : f32 to vector<64x64xf32>
    %max3A_144 = arith.maximumf %add3A_141, %max3A_143 : vector<64x64xf32>
    %get3A_145 = arith.constant 0 : index
    %get3A_146 = arith.constant 0 : index
    %get3A_147 = vector.load %arg16[%get3A_145, %get3A_146] : memref<64x64xf32, #tpu.memory_space<vmem>>, vector<64x64xf32>
    %dot_general3A_148 = arith.constant dense<0.000000e+00> : vector<64x64xf32>
    %dot_general3A_149 = tpu.matmul %max3A_144, %get3A_147, %dot_general3A_148 {dimension_numbers = #tpu.dot_dimension_numbers<[1], [0], [0], [1], [0, 0, 1, 1], [], []>, transpose_lhs_hint = false} : vector<64x64xf32>, vector<64x64xf32>, vector<64x64xf32> -> vector<64x64xf32>
    %get3A_150 = arith.constant 0 : index
    %get3A_151 = arith.constant 0 : index
    %get3A_152 = vector.load %arg17[%get3A_150, %get3A_151] : memref<1x64xf32, #tpu.memory_space<vmem>>, vector<1x64xf32>
    %get3A_153 = vector.shape_cast %get3A_152 : vector<1x64xf32> to vector<64xf32>
    %broadcast_in_dim3A_154 = vector.shape_cast %get3A_153 : vector<64xf32> to vector<1x64xf32>
    %add3A_155 = vector.broadcast %broadcast_in_dim3A_154 : vector<1x64xf32> to vector<64x64xf32>
    %add3A_156 = arith.addf %dot_general3A_149, %add3A_155 : vector<64x64xf32>
    %max3A_157 = arith.constant 0.000000e+00 : f32
    %max3A_158 = vector.broadcast %max3A_157 : f32 to vector<64x64xf32>
    %max3A_159 = arith.maximumf %add3A_156, %max3A_158 : vector<64x64xf32>
    %get3A_160 = arith.constant 0 : index
    %get3A_161 = arith.constant 0 : index
    %get3A_162 = vector.load %arg18[%get3A_160, %get3A_161] : memref<64x16xf32, #tpu.memory_space<vmem>>, vector<64x16xf32>
    %dot_general3A_163 = arith.constant dense<0.000000e+00> : vector<64x16xf32>
    %dot_general3A_164 = tpu.matmul %max3A_159, %get3A_162, %dot_general3A_163 {dimension_numbers = #tpu.dot_dimension_numbers<[1], [0], [0], [1], [0, 0, 1, 1], [], []>, transpose_lhs_hint = false} : vector<64x64xf32>, vector<64x16xf32>, vector<64x16xf32> -> vector<64x16xf32>
    %get3A_165 = arith.constant 0 : index
    %get3A_166 = arith.constant 0 : index
    %get3A_167 = vector.load %arg19[%get3A_165, %get3A_166] : memref<1x16xf32, #tpu.memory_space<vmem>>, vector<1x16xf32>
    %get3A_168 = vector.shape_cast %get3A_167 : vector<1x16xf32> to vector<16xf32>
    %broadcast_in_dim3A_169 = vector.shape_cast %get3A_168 : vector<16xf32> to vector<1x16xf32>
    %add3A_170 = vector.broadcast %broadcast_in_dim3A_169 : vector<1x16xf32> to vector<64x16xf32>
    %add3A_171 = arith.addf %dot_general3A_164, %add3A_170 : vector<64x16xf32>
    %reduce_max3A = arith.constant dense<0xFF800000> : vector<64xf32>
    %reduce_max3A_172 = vector.multi_reduction <maximumf>, %add3A_171, %reduce_max3A [1] : vector<64x16xf32> to vector<64xf32>
    %broadcast_in_dim3A_173 = vector.shape_cast %reduce_max3A_172 : vector<64xf32> to vector<64x1xf32>
    %sub3A_174 = vector.broadcast %broadcast_in_dim3A_173 : vector<64x1xf32> to vector<64x16xf32>
    %sub3A_175 = arith.subf %add3A_171, %sub3A_174 : vector<64x16xf32>
    %exp3A = math.exp %sub3A_175 : vector<64x16xf32>
    %reduce_sum3A_176 = arith.constant dense<0.000000e+00> : vector<64xf32>
    %reduce_sum3A_177 = vector.multi_reduction <add>, %exp3A, %reduce_sum3A_176 [1] : vector<64x16xf32> to vector<64xf32>
    %broadcast_in_dim3A_178 = vector.shape_cast %reduce_sum3A_177 : vector<64xf32> to vector<64x1xf32>
    %log3A = math.log %broadcast_in_dim3A_178 : vector<64x1xf32>
    %sub3A_179 = vector.broadcast %log3A : vector<64x1xf32> to vector<64x16xf32>
    %sub3A_180 = arith.subf %sub3A_175, %sub3A_179 : vector<64x16xf32>
    %swap3A = arith.constant 0 : index
    %swap3A_181 = arith.constant 0 : index
    %swap3A_182 = vector.load %arg20[%swap3A, %swap3A_181] : memref<64x16xf32, #tpu.memory_space<vmem>>, vector<64x16xf32>
    tpu.vector_store %arg20[%swap3A, %swap3A_181], %sub3A_180 {strides = array<i32>} : memref<64x16xf32, #tpu.memory_space<vmem>>, vector<64x16xf32>,
    return
  }
}

</mosaic_0001>

<sc_bundles>
// kernel: kernel.11.cloned.1.call-start
scs
__scs_entry_jumppad:
0x0: {  	(pc) =	sbr.rel $0x88, $3  }
0x1: {  	(tag) =	ssettag $0x0;
	lr =	simm.s32 $0x1  }
0x2: {  	[smem:$0x3F81] =	sst lr;
	_ =	strace $0xD0000000  }
0x3: {  	_ = 	snop  }
0x4: {  	_ = 	snop  }
0x5: {  	_ = 	snop  }
0x6: {  	_ = 	snop  }
0x7: {  	_ = 	snop  }
__scs_overlays_trampoline_lowered:
0x8: {  	[smem:$0x3F90] =	sst s0  }
0x9: {  	[smem:$0x3F91] =	sst s1  }
0xa: {  	[smem:$0x3F92] =	sst s2  }
0xb: {  	[smem:$0x3F93] =	sst s3  }
0xc: {  	[smem:$0x3F94] =	sst s4  }
0xd: {  	[smem:$0x3F95] =	sst s5  }
0xe: {  	[smem:$0x3F96] =	sst s6  }
0xf: {  	[smem:$0x3F97] =	sst s7  }
0x10: {  	[smem:$0x3F98] =	sst s8  }
0x11: {  	[smem:$0x3F99] =	sst s9;
	s0 =	simm.s32 @!p0 $0x0  }
0x12: {  	s1 =	sld [smem:$0x3F7F];
	s0 =	simm.s32 @p0 $0x1  }
0x13: {  	[smem:$0x3F9A] =	sst s0;
	s0 =	simm.s32 @!p1 $0x0  }
0x14: {  	s2 =	sld [smem:$0x3F7E];
	s0 =	simm.s32 @p1 $0x1  }
0x15: {  	[smem:$0x3F9B] =	sst s0;
	s0 =	simm.s32 @!p2 $0x0  }
0x16: {  	s3 =	sld [smem:$0x3FDB];
	s0 =	simm.s32 @p2 $0x1  }
0x17: {  	s4 =	simm.s32 $0x1BF5;
	[smem:$0x3F9D] =	sst s0  }
0x18: {  	s0 =	sld [smem:$0x3F80];
	_ =	swait.ge [sflag:s4], $0x0  }
0x19: {  	s7 =	sld [smem:$0x3F81]  }
0x1a: {  	s8 =	sadd.s32 $0xFFFFE003, lr  }
0x1b: {  	s9 =	sadd.s32 $0xFFFFFEF7, lr;
	s5 =	simm.s32 $0xFFFFFFFF;
	p2 =	slt.u32 s8, $0xFFFFF086  }
0x1c: {  	p1 =	slt.u32 s9, $0xF7A;
	s5 =	simm.s32 @!p2 $0x0  }
0x1d: {  	s5 =	simm.s32 @p1 $0x1;
	p0 =	seq.s32 s7, s2  }
0x1e: {  	s7 =	smul.u32 @!p0 $0xF7A, s2;
	p2 =	seq.s32 @!p0 s5, $0x0  }
0x1f: {  	s9 =	smul.u32 $0xF7A, s1;
	s8 =	simm.s32 @!p0 $0x1BF5;
	p2 =	por !p2, p0  }
0x20: {  	[sflag:s8] =	ssyncset.s32 @!p0 $0xFFFFF086;
	s6 =	sadd.s32 @!p0 s3, s7;
	s7 =	simm.s32 @!p0 $0x108  }
0x21: {  	s3 =	sadd.s32 s3, s9;
	s6 =	sadd.s32 @!p0 $0x88, s6;
	s7 =	simm.s32 @p2 $0x1082  }
0x22: {  	[simem:s7], [sflag:s8] =	dma.local @!p0 [hbm:s6], $0xF7A  }
0x23: {  	s9 =	sor.u32 $0xD0000000, s2;
	s6 =	simm.s32 $0x108;
	_ =	swait.ge @!p0 [sflag:s8], $0x0  }
0x24: {  	s3 =	sadd.s32 $0x88, s3;
	s6 =	simm.s32 @!p1 $0x1082;
	[sflag:s4] =	ssyncset.s32 $0xFFFFF086  }
0x25: {  	[simem:s6], [sflag:s4] =	dma.local [hbm:s3], $0xF7A  }
0x26: {  	[smem:$0x3F81] =	sst s1;
	(tag) =	ssettag s2;
	_ =	strace s9  }
0x27: {  	s1 =	sld [smem:$0x3F91]  }
0x28: {  	s2 =	sld [smem:$0x3F92]  }
0x29: {  	s4 =	sld [smem:$0x3F94]  }
0x2a: {  	p0 =	seq.s32 s5, $0x0;
	s5 =	sld [smem:$0x3F95]  }
0x2b: {  	s6 =	sld [smem:$0x3F96]  }
0x2c: {  	s7 =	sld [smem:$0x3F97]  }
0x2d: {  	s3 =	simm.s32 $0x108;
	s8 =	sld [smem:$0x3F98]  }
0x2e: {  	s3 =	simm.s32 @!p0 $0x1082;
	s9 =	sld [smem:$0x3F99]  }
0x2f: {  	lr =	sadd.s32 s0, s3;
	s0 =	sld [smem:$0x3F90]  }
0x30: {  	s3 =	sld [smem:$0x3F93]  }
0x31: {  	[smem:$0x3F9C] =	sst s10  }
0x32: {  	s10 =	sld [smem:$0x3F9A];
	_ =	sdelay $0x3  }
0x33: {  	p0 =	seq.s32 s10, $0x1;
	s10 =	sld [smem:$0x3F9C];
	_ =	sdelay $0x3  }
0x34: {  	[smem:$0x3F9C] =	sst s10  }
0x35: {  	s10 =	sld [smem:$0x3F9B];
	_ =	sdelay $0x3  }
0x36: {  	p1 =	seq.s32 s10, $0x1;
	s10 =	sld [smem:$0x3F9C];
	_ =	sdelay $0x3  }
0x37: {  	[smem:$0x3F9C] =	sst s10  }
0x38: {  	s10 =	sld [smem:$0x3F9D]  }
0x39: {  	_ = 	snop;
	(pc) =	sbr.ind lr, $3  }
0x3a: {  	_ = 	snop  }
0x3b: {  	_ = 	snop  }
0x3c: {  	p2 =	seq.s32 s10, $0x1;
	s10 =	sld [smem:$0x3F9C]  }
0x3d: {  	_ =	shalt  }
0x3e: {  	_ =	shalt  }
0x3f: {  	_ =	shalt  }
0x40: {  	_ =	shalt  }
0x41: {  	_ =	shalt  }
0x42: {  	_ =	shalt  }
0x43: {  	_ =	shalt  }
0x44: {  	_ =	shalt  }
0x45: {  	_ =	shalt  }
0x46: {  	_ =	shalt  }
0x47: {  	_ =	shalt  }
0x48: {  	_ =	shalt  }
0x49: {  	_ =	shalt  }
0x4a: {  	_ =	shalt  }
0x4b: {  	_ =	shalt  }
0x4c: {  	_ =	shalt  }
0x4d: {  	_ =	shalt  }
0x4e: {  	_ =	shalt  }
0x4f: {  	_ =	shalt  }
0x50: {  	_ =	shalt  }
0x51: {  	_ =	shalt  }
0x52: {  	_ =	shalt  }
0x53: {  	_ =	shalt  }
0x54: {  	_ =	shalt  }
0x55: {  	_ =	shalt  }
0x56: {  	_ =	shalt  }
0x57: {  	_ =	shalt  }
0x58: {  	_ =	shalt  }
0x59: {  	_ =	shalt  }
0x5a: {  	_ =	shalt  }
0x5b: {  	_ =	shalt  }
0x5c: {  	_ =	shalt  }
0x5d: {  	_ =	shalt  }
0x5e: {  	_ =	shalt  }
0x5f: {  	_ =	shalt  }
0x60: {  	_ =	shalt  }
0x61: {  	_ =	shalt  }
0x62: {  	_ =	shalt  }
0x63: {  	_ =	shalt  }
0x64: {  	_ =	shalt  }
0x65: {  	_ =	shalt  }
0x66: {  	_ =	shalt  }
0x67: {  	_ =	shalt  }
0x68: {  	_ =	shalt  }
0x69: {  	_ =	shalt  }
0x6a: {  	_ =	shalt  }
0x6b: {  	_ =	shalt  }
0x6c: {  	_ =	shalt  }
0x6d: {  	_ =	shalt  }
0x6e: {  	_ =	shalt  }
0x6f: {  	_ =	shalt  }
0x70: {  	_ =	shalt  }
0x71: {  	_ =	shalt  }
0x72: {  	_ =	shalt  }
0x73: {  	_ =	shalt  }
0x74: {  	_ =	shalt  }
0x75: {  	_ =	shalt  }
0x76: {  	_ =	shalt  }
0x77: {  	_ =	shalt  }
0x78: {  	_ =	shalt  }
0x79: {  	_ =	shalt  }
0x7a: {  	_ =	shalt  }
0x7b: {  	_ =	shalt  }
0x7c: {  	_ =	shalt  }
0x7d: {  	_ =	shalt  }
0x7e: {  	_ =	shalt  }
0x7f: {  	_ =	shalt  }
0x80: {  	_ =	shalt  }
0x81: {  	_ =	shalt  }
0x82: {  	_ =	shalt  }
0x83: {  	_ =	shalt  }
0x84: {  	_ =	shalt  }
0x85: {  	_ =	shalt  }
0x86: {  	_ =	shalt  }
0x87: {  	_ =	shalt  }
.Lfunc_end0:
.L_simem_size_0:
called_computation_lowered:
.L_overlay_start_0:
0x88: {  	s2 =	sld [smem:$0x3FD9]  }
0x89: {  	s3 =	sld [smem:$0x3FFE];
	_ =	sdelay $0x1  }
0x8a: {  	s1 =	srdreg.scid  }
0x8b: {  	s0 =	sand.u32 $0x1, s1  }
0x8c: {  	s16 =	sshll.u32 s0, $0xA;
	s2 =	sadd.s32 s3, s2  }
0x8d: {  	s2 =	sadd.s32 s2, s16  }
0x8e: {  	[smem:$0x3FA8] =	sst s2  }
0x8f: {  	_ = 	snop  }
0x90: {  	(tm) =	ssettm $0x1  }
0x91: {  	s17 =	sld [smem:$0x3FFB];
	_ =	sdelay $0x3  }
0x92: {  	_ =	strace s17  }
0x93: {  	s2 =	sld [smem:$0x3FFC];
	_ =	sdelay $0x3  }
0x94: {  	_ =	strace s2  }
0x95: {  	s2 =	sld [smem:$0x3FFD];
	_ =	sdelay $0x3  }
0x96: {  	_ =	strace s2  }
0x97: {  	_ =	strace $0x8FFFFFFF  }
0x98: {  	s18 =	sld [smem:$0x3FDB];
	_ =	sdelay $0x1  }
0x99: {  	s19 =	simm.s32 $_scs_section_size  }
0x9a: {  	s4 =	simm.s32 $_size__tile_overlayer_lowered;
	s5 =	simm.s32 $_tile_overlayer_lowered  }
0x9b: {  	s22 =	simm.s32 $0x1BFF;
	s21 =	sshll.u32 s5, $0x1;
	s2 =	sadd.s32 s19, s18  }
0x9c: {  	s6 =	simm.s32 $0x0;
	s20 =	sshll.u32 s4, $0x1;
	s4 =	sadd.s32 s21, s2  }
0x9d: {  	[timem:s6], [sflag:s22] =	dma.local [hbm:s4], s20  }
0x9e: {  	_ =	swait.ge [sflag:s22], s20  }
0x9f: {  	s3 =	ssub.s32 $0x0, s20;
	[sflag:s22] =	ssyncset.done $0x0  }
0xa0: {  	[sflag:s22] =	ssyncadd.s32 s3;
	_ =	sdelay $0x1  }
0xa1: {  	s23 =	simm.s32 $0x1B8B  }
0xa2: {  	_ =	swait.ge [sflag:s23], $0x1  }
0xa3: {  	[sflag:s23] =	ssyncset.done $0x0  }
0xa4: {  	s25 =	simm.s32 $0x1B8E;
	s24 =	sld [smem:$0x3FFE];
	[sflag:s23] =	ssyncadd.s32 $0xFFFFFFFF  }
0xa5: {  	s26 =	simm.s32 $execute0_lowered;
	[smem:$0x3FD2] =	sst s25  }
0xa6: {  	s4 =	sshll.u32 s26, $0x1;
	_ =	strace $0x80000046;
	[dreg:$0x1] =	wrdreg $0xFFFFFFFF  }
0xa7: {  	s28 =	simm.s32 $_size_execute0_lowered;
	s2 =	sadd.s32 s2, s4;
	[dreg:$0x0] =	wrdreg $0x0  }
0xa8: {  	s4 =	sshll.u32 s28, $0x1;
	[dreg:$0x2] =	wrdreg s2  }
0xa9: {  	[dreg:$0x3] =	wrdreg s4  }
0xaa: {  	[dreg:$0x4] =	wrdreg $0xC0  }
0xab: {  	_ =	task [dreg:s6], $0x5FFFF  }
0xac: {  	[dreg:$0x1] =	wrdreg $0xFFFFFFFF  }
0xad: {  	[dreg:$0x0] =	wrdreg $0x60  }
0xae: {  	[dreg:$0x2] =	wrdreg s24  }
0xaf: {  	[dreg:$0x3] =	wrdreg $0x150000  }
0xb0: {  	[dreg:$0x4] =	wrdreg $0x9  }
0xb1: {  	_ =	task.clear_ibuf [dreg:s6], $0x5FFFF;
	_ =	strace $0x90000046  }
0xb2: {  	s29 =	simm.s32 $0x9;
	_ =	strace $0x80000048  }
0xb3: {  	_ =	swait.ge [sflag:s29], $0x1  }
0xb4: {  	[sflag:s29] =	ssyncadd.s32 $0xFFFFFFFF  }
0xb5: {  	_ =	strace $0x90000048  }
0xb6: {  	_ =	sfence  }
0xb7: {  	s30 =	sld [smem:$0x0];
	_ =	sdelay $0x2  }
0xb8: {  	s31 =	sshll.u32 s1, $0xD;
	s1 =	sshrl.u32 s1, $0x2  }
0xb9: {  	s3 =	sand.u32 $0x4000, s31;
	s1 =	sadd.s32 s1, s30  }
0xba: {  	s0 =	sor.u32 s3, s0;
	s1 =	sshll.u32 s1, $0x11  }
0xbb: {  	s0 =	sor.u32 s1, s0  }
0xbc: {  	s0 =	sadd.s32 $0x8F2B, s0  }
0xbd: {  	[sflag:s0] =	ssyncadd.remote.s32 $0x1  }
0xbe: {  	_ =	sfence.sel $0xFFFF  }
0xbf: {  	[dreg:$0x0] =	wrdreg $0xFFFFFFFF;
	(pc) =	sbr.abs _section_cstart, $3  }
0xc0: {  	[dreg:$0x1] =	wrdreg $0xFFFFFFFF  }
0xc1: {  	_ =	task.clear_ibuf [dreg:s6], $0x2FFFF;
	_ =	strace $0x9FFFFFFF  }
0xc2: {  	(tm) =	ssettm $0x7FFFFFFF  }
0xc3: {  	_ =	shalt  }
tec
execute0_lowered:
.L_overlay_start_1:
0x0: {  	(tag) =	ssettag $0x1  }
0x1: {  	s0 =	srdreg.scid;
	s3 =	rddreg [dreg:$0x0]  }
0x2: {  	s7 =	stileid.u32;
	s2 =	rddreg [dreg:$0x1]  }
0x3: {  	s4 =	simm.s32 $0x0;
	s12 =	simm.s32 $0x11;
	s14 =	simm.s32 $0x80  }
0x4: {  	s15 =	simm.s32 $0x13000;
	s24 =	simm.s32 $0x5000;
	s16 =	simm.s32 $0x1  }
0x5: {  	s25 =	simm.s32 $0x7000;
	[smem:$0x7FF] =	sst s4;
	s8 =	sadd.s32 $0x2C400, s3  }
0x6: {  	s17 =	simm.s32 $0x2;
	_ =	strace $0x80000047;
	[dreg:$0xa] =	wrdreg s8  }
0x7: {  	s26 =	simm.s32 $0x9000;
	s28 =	simm.s32 $0xB000;
	[dreg:$0x3] =	wrdreg s24  }
0x8: {  	s29 =	simm.s32 $0xD000;
	s30 =	simm.s32 $0xF000;
	[dreg:$0x4] =	wrdreg s25  }
0x9: {  	s31 =	simm.s32 $0x11000;
	s0 =	sand.u32 $0x1, s0;
	[dreg:$0x5] =	wrdreg s26  }
0xa: {  	s6 =	smul.u32 $0x14000, s7;
	s4 =	sadd.s32 $0x4A00, s3;
	[dreg:$0x6] =	wrdreg s28  }
0xb: {  	s18 =	smul.u32 $0x28000, s7;
	s21 =	sshll.u32 s7, $0x6;
	[dreg:$0x7] =	wrdreg s29  }
0xc: {  	s1 =	sshll.u32 s0, $0x4;
	s5 =	smul.u32 $0x140000, s0;
	[dreg:$0x8] =	wrdreg s30  }
0xd: {  	s0 =	ssub.s32 $0x2, s0;
	[dreg:$0x9] =	wrdreg s31;
	s1 =	sor.u32 s7, s1  }
0xe: {  	s19 =	sshrl.u32 s0, $0x1;
	s20 =	sshrl.u32 s18, $0x2;
	s18 =	simm.s32 $0x3  }
0xf: {  	s1 =	smul.u32 $0x500, s1;
	s5 =	sadd.s32 s6, s5;
	s0 =	ssub.s32 s0, s19  }
0x10: {  	s6 =	sor.u32 $0x1C11, s21;
	s19 =	simm.s32 $0x4;
	s21 =	simm.s32 $0x6  }
0x11: {  	s5 =	sshrl.u32 s5, $0x3;
	s0 =	smax.u32 s0, $0x1;
	s1 =	sadd.s32 s1, s3  }
0x12: {  	s3 =	sadd.s32 s5, s3;
	[dreg:$0xe] =	wrdreg s0;
	s22 =	sadd.s32 $0x18400, s1  }
0x13: {  	s5 =	sadd.s32 s20, s2;
	s1 =	sadd.s32 $0x22400, s1;
	[dreg:$0xb] =	wrdreg s22  }
0x14: {  	s20 =	simm.s32 $0x5;
	s23 =	sadd.s32 $0x2D800, s3;
	[dreg:$0xc] =	wrdreg s1  }
0x15: {  	s0 =	simm.s32 $0x0;
	s11 =	sshrl.u32 s5, $0x3;
	[dreg:$0xd] =	wrdreg s23  }
0x16: {  	s22 =	simm.s32 $0x7;
	s23 =	simm.s32 $0x8;
	s1 =	simm.s32 $0x10  }
.LBB2_1:
0x17: {  	s3 =	rddreg [dreg:$0xa]  }
0x18: {  	[spmem:s11], [sflag:s6] =	dma.local [hbm:s3], $0x1400  }
0x19: {  	_ =	swait.ge [sflag:s12], $0x1400  }
0x1a: {  	[sflag:s12] =	ssyncset.done $0x0  }
0x1b: {  	s8 =	simm.s32 $0x0;
	s5 =	rddreg [dreg:$0xb];
	[sflag:s12] =	ssyncadd.s32 $0xFFFFEC00  }
0x1c: {  	[tilespmem:s8], [sflag:$0x11] =	stream.linear.gather [hbm4b:s5+s8], $0x2800, $0x38;
	[tilespmem:$0x1F000] =	vst v63  }
0x1d: {  	_ =	swait.ge [sflag:s12], $0x2800  }
0x1e: {  	[sflag:s12] =	ssyncset.done $0x0  }
0x1f: {  	s7 =	simm.s32 $0x2800;
	s9 =	rddreg [dreg:$0xc];
	[sflag:s12] =	ssyncadd.s32 $0xFFFFD800  }
0x20: {  	[tilespmem:s7], [sflag:$0x11] =	stream.linear.gather [hbm4b:s9+s8], $0x2800, $0x38;
	[tilespmem:$0x1F000] =	vst v63  }
0x21: {  	_ =	swait.ge [sflag:s12], $0x2800  }
0x22: {  	[sflag:s12] =	ssyncset.done $0x0  }
0x23: {  	p0 =	por $0x0, $0x0;
	[sflag:s12] =	ssyncadd.s32 $0xFFFFD800  }
0x24: {  	s3 =	simm.s32 @p0 $0x9;
	[bflag:$0x0] =	sbarrier.arrive $0xFFFF  }
0x25: {  	_ =	swait.ge @p0 [sflag:s3], $0x2000  }
0x26: {  	s5 =	simm.s32 @p0 $0x0;
	s7 =	simm.s32 @p0 $0x80;
	[sflag:s3] =	ssyncset.done @p0 $0x0  }
0x27: {  	s8 =	simm.s32 @p0 $0xA;
	[sflag:s3] =	ssyncadd.s32 @p0 $0xFFFFE000;
	s3 =	simm.s32 @p0 $0x5000  }
0x28: {  	[tilespmem:s3], [sflag:$0x1] =	stream.indirect.gather @p0 [hbm4b:s4+s7], $0x40, s5, s7, $0xb8;
	[tilespmem:$0x1F000] =	vst v63  }
0x29: {  	_ =	swait.ge @p0 [sflag:s8], $0x2000  }
0x2a: {  	s3 =	simm.s32 @p0 $0x80;
	[sflag:s8] =	ssyncset.done @p0 $0x0  }
0x2b: {  	s5 =	simm.s32 @p0 $0x7000;
	[sflag:s8] =	ssyncadd.s32 @p0 $0xFFFFE000;
	s8 =	simm.s32 @p0 $0xB  }
0x2c: {  	[tilespmem:s5], [sflag:$0x2] =	stream.indirect.gather @p0 [hbm4b:s4+s7], $0x40, s3, s7, $0xb8;
	[tilespmem:$0x1F000] =	vst v63  }
0x2d: {  	_ =	swait.ge @p0 [sflag:s8], $0x2000  }
0x2e: {  	s3 =	simm.s32 @p0 $0x100;
	[sflag:s8] =	ssyncset.done @p0 $0x0  }
0x2f: {  	s5 =	simm.s32 @p0 $0x9000;
	[sflag:s8] =	ssyncadd.s32 @p0 $0xFFFFE000;
	s8 =	simm.s32 @p0 $0xC  }
0x30: {  	[tilespmem:s5], [sflag:$0x3] =	stream.indirect.gather @p0 [hbm4b:s4+s7], $0x40, s3, s7, $0xb8;
	[tilespmem:$0x1F000] =	vst v63  }
0x31: {  	_ =	swait.ge @p0 [sflag:s8], $0x2000  }
0x32: {  	s3 =	simm.s32 @p0 $0x180;
	[sflag:s8] =	ssyncset.done @p0 $0x0  }
0x33: {  	s5 =	simm.s32 @p0 $0xB000;
	[sflag:s8] =	ssyncadd.s32 @p0 $0xFFFFE000;
	s8 =	simm.s32 @p0 $0xD  }
0x34: {  	[tilespmem:s5], [sflag:$0x4] =	stream.indirect.gather @p0 [hbm4b:s4+s7], $0x40, s3, s7, $0xb8;
	[tilespmem:$0x1F000] =	vst v63  }
0x35: {  	_ =	swait.ge @p0 [sflag:s8], $0x2000  }
0x36: {  	s3 =	simm.s32 @p0 $0x200;
	[sflag:s8] =	ssyncset.done @p0 $0x0  }
0x37: {  	s5 =	simm.s32 @p0 $0xD000;
	[sflag:s8] =	ssyncadd.s32 @p0 $0xFFFFE000;
	s8 =	simm.s32 @p0 $0xE  }
0x38: {  	[tilespmem:s5], [sflag:$0x5] =	stream.indirect.gather @p0 [hbm4b:s4+s7], $0x40, s3, s7, $0xb8;
	[tilespmem:$0x1F000] =	vst v63  }
0x39: {  	_ =	swait.ge @p0 [sflag:s8], $0x2000  }
0x3a: {  	s3 =	simm.s32 @p0 $0x280;
	[sflag:s8] =	ssyncset.done @p0 $0x0  }
0x3b: {  	s5 =	simm.s32 @p0 $0xF000;
	[sflag:s8] =	ssyncadd.s32 @p0 $0xFFFFE000;
	s8 =	simm.s32 @p0 $0xF  }
0x3c: {  	[tilespmem:s5], [sflag:$0x6] =	stream.indirect.gather @p0 [hbm4b:s4+s7], $0x40, s3, s7, $0xb8;
	[tilespmem:$0x1F000] =	vst v63  }
0x3d: {  	_ =	swait.ge @p0 [sflag:s8], $0x2000  }
0x3e: {  	s3 =	simm.s32 $0x300;
	[sflag:s8] =	ssyncset.done @p0 $0x0  }
0x3f: {  	s5 =	simm.s32 @p0 $0x11000;
	[sflag:s8] =	ssyncadd.s32 @p0 $0xFFFFE000;
	s8 =	simm.s32 @p0 $0x10  }
0x40: {  	[tilespmem:s5], [sflag:$0x7] =	stream.indirect.gather @p0 [hbm4b:s4+s7], $0x40, s3, s7, $0xb8;
	[tilespmem:$0x1F000] =	vst v63  }
0x41: {  	_ =	swait.ge @p0 [sflag:s8], $0x2000  }
0x42: {  	s5 =	simm.s32 @!p0 $0x80;
	[sflag:s8] =	ssyncset.done @p0 $0x0  }
0x43: {  	s3 =	simm.s32 @!p0 $0x0;
	s7 =	simm.s32 @!p0 $0x5000;
	[sflag:s8] =	ssyncadd.s32 @p0 $0xFFFFE000  }
0x44: {  	[tilespmem:s7], [sflag:$0x1] =	stream.indirect.gather @!p0 [hbm4b:s4+s5], $0x40, s3, s5, $0xb8;
	[tilespmem:$0x1F000] =	vst v63  }
0x45: {  	s3 =	simm.s32 @!p0 $0x7000  }
0x46: {  	[tilespmem:s3], [sflag:$0x2] =	stream.indirect.gather @!p0 [hbm4b:s4+s5], $0x40, s5, s5, $0xb8;
	[tilespmem:$0x1F000] =	vst v63  }
0x47: {  	s7 =	simm.s32 @!p0 $0x9000;
	s3 =	simm.s32 @!p0 $0x100  }
0x48: {  	[tilespmem:s7], [sflag:$0x3] =	stream.indirect.gather @!p0 [hbm4b:s4+s5], $0x40, s3, s5, $0xb8;
	[tilespmem:$0x1F000] =	vst v63  }
0x49: {  	s3 =	simm.s32 @!p0 $0x180;
	s7 =	simm.s32 @!p0 $0xB000  }
0x4a: {  	[tilespmem:s7], [sflag:$0x4] =	stream.indirect.gather @!p0 [hbm4b:s4+s5], $0x40, s3, s5, $0xb8;
	[tilespmem:$0x1F000] =	vst v63  }
0x4b: {  	s3 =	simm.s32 @!p0 $0x200;
	s7 =	simm.s32 @!p0 $0xD000  }
0x4c: {  	[tilespmem:s7], [sflag:$0x5] =	stream.indirect.gather @!p0 [hbm4b:s4+s5], $0x40, s3, s5, $0xb8;
	[tilespmem:$0x1F000] =	vst v63  }
0x4d: {  	s8 =	simm.s32 @!p0 $0xF000;
	s3 =	simm.s32 @p0 $0x0;
	s7 =	simm.s32 @!p0 $0x280  }
0x4e: {  	[tilespmem:s8], [sflag:$0x6] =	stream.indirect.gather @!p0 [hbm4b:s4+s5], $0x40, s7, s5, $0xb8;
	[tilespmem:$0x1F000] =	vst v63  }
0x4f: {  	s3 =	simm.s32 @!p0 $0x0;
	s7 =	simm.s32 @!p0 $0x300;
	s8 =	simm.s32 @!p0 $0x11000  }
0x50: {  	[tilespmem:s8], [sflag:$0x7] =	stream.indirect.gather @!p0 [hbm4b:s4+s5], $0x40, s7, s5, $0xb8;
	[tilespmem:$0x1F000] =	vst v63  }
0x51: {  	s10 =	sor.u32 $0x380, s3  }
0x52: {  	[tilespmem:s15], [sflag:$0x8] =	stream.indirect.gather [hbm4b:s4+s14], $0x40, s10, s14, $0xb8;
	[tilespmem:$0x1F000] =	vst v63  }
0x53: {  	_ =	swait.ge [sflag:s16], $0x2000  }
0x54: {  	[sflag:s16] =	ssyncset.done $0x0  }
0x55: {  	s24 =	sadd.s32 $0x2800, s3;
	s13 =	rddreg [dreg:$0x3];
	[sflag:s16] =	ssyncadd.s32 $0xFFFFE000  }
0x56: {  	[spmem:s2] =	stream.indirect.scatter.add.f32 [tilespmem:s13], [sflag:$0x9], $0x40, s24, s14, $0xb8;
	[tilespmem:$0x1F000] =	vst v63  }
0x57: {  	s5 =	simm.s32 @p0 $0x80;
	_ =	swait.ge [sflag:s17], $0x2000  }
0x58: {  	s5 =	simm.s32 @!p0 $0x80;
	[sflag:s17] =	ssyncset.done $0x0  }
0x59: {  	s5 =	sadd.s32 $0x2800, s5;
	s25 =	rddreg [dreg:$0x4];
	[sflag:s17] =	ssyncadd.s32 $0xFFFFE000  }
0x5a: {  	[spmem:s2] =	stream.indirect.scatter.add.f32 [tilespmem:s25], [sflag:$0xA], $0x40, s5, s14, $0xb8;
	[tilespmem:$0x1F000] =	vst v63  }
0x5b: {  	s5 =	simm.s32 @p0 $0x100;
	_ =	swait.ge [sflag:s18], $0x2000  }
0x5c: {  	s5 =	simm.s32 @!p0 $0x100;
	[sflag:s18] =	ssyncset.done $0x0  }
0x5d: {  	s26 =	rddreg [dreg:$0x5];
	s5 =	sadd.s32 $0x2800, s5;
	[sflag:s18] =	ssyncadd.s32 $0xFFFFE000  }
0x5e: {  	[spmem:s2] =	stream.indirect.scatter.add.f32 [tilespmem:s26], [sflag:$0xB], $0x40, s5, s14, $0xb8;
	[tilespmem:$0x1F000] =	vst v63  }
0x5f: {  	s5 =	simm.s32 @p0 $0x180;
	_ =	swait.ge [sflag:s19], $0x2000  }
0x60: {  	s5 =	simm.s32 @!p0 $0x180;
	[sflag:s19] =	ssyncset.done $0x0  }
0x61: {  	s28 =	rddreg [dreg:$0x6];
	s5 =	sadd.s32 $0x2800, s5;
	[sflag:s19] =	ssyncadd.s32 $0xFFFFE000  }
0x62: {  	[spmem:s2] =	stream.indirect.scatter.add.f32 [tilespmem:s28], [sflag:$0xC], $0x40, s5, s14, $0xb8;
	[tilespmem:$0x1F000] =	vst v63  }
0x63: {  	s5 =	simm.s32 @p0 $0x200;
	_ =	swait.ge [sflag:s20], $0x2000  }
0x64: {  	s5 =	simm.s32 @!p0 $0x200;
	[sflag:s20] =	ssyncset.done $0x0  }
0x65: {  	s29 =	rddreg [dreg:$0x7];
	s5 =	sadd.s32 $0x2800, s5;
	[sflag:s20] =	ssyncadd.s32 $0xFFFFE000  }
0x66: {  	[spmem:s2] =	stream.indirect.scatter.add.f32 [tilespmem:s29], [sflag:$0xD], $0x40, s5, s14, $0xb8;
	[tilespmem:$0x1F000] =	vst v63  }
0x67: {  	s5 =	simm.s32 @p0 $0x280;
	_ =	swait.ge [sflag:s21], $0x2000  }
0x68: {  	s5 =	simm.s32 @!p0 $0x280;
	[sflag:s21] =	ssyncset.done $0x0  }
0x69: {  	s30 =	rddreg [dreg:$0x8];
	s5 =	sadd.s32 $0x2800, s5;
	[sflag:s21] =	ssyncadd.s32 $0xFFFFE000  }
0x6a: {  	[spmem:s2] =	stream.indirect.scatter.add.f32 [tilespmem:s30], [sflag:$0xE], $0x40, s5, s14, $0xb8;
	[tilespmem:$0x1F000] =	vst v63  }
0x6b: {  	s8 =	sadd.s32 $0x2B80, s3;
	s5 =	simm.s32 $0x300;
	_ =	swait.ge [sflag:s22], $0x2000  }
0x6c: {  	s3 =	simm.s32 $0x700;
	s5 =	simm.s32 @!p0 $0x300;
	[sflag:s22] =	ssyncset.done $0x0  }
0x6d: {  	s31 =	rddreg [dreg:$0x9];
	s5 =	sadd.s32 $0x2800, s5;
	[sflag:s22] =	ssyncadd.s32 $0xFFFFE000  }
0x6e: {  	[spmem:s2] =	stream.indirect.scatter.add.f32 [tilespmem:s31], [sflag:$0xF], $0x40, s5, s14, $0xb8;
	[tilespmem:$0x1F000] =	vst v63  }
0x6f: {  	s13 =	simm.s32 $0x700;
	p0 =	por $0x1, $0x1;
	s5 =	simm.s32 $0xB00  }
.LBB2_2:
0x70: {  	_ =	swait.ge [sflag:s23], $0x2000  }
0x71: {  	[sflag:s23] =	ssyncset.done $0x0  }
0x72: {  	s24 =	simm.s32 @p0 $0x9;
	[sflag:s23] =	ssyncadd.s32 $0xFFFFE000  }
0x73: {  	[spmem:s2] =	stream.indirect.scatter.add.f32 [tilespmem:s15], [sflag:$0x10], $0x40, s8, s14, $0xb8;
	[tilespmem:$0x1F000] =	vst v63  }
0x74: {  	_ =	swait.ge @p0 [sflag:s24], $0x2000  }
0x75: {  	s28 =	simm.s32 @p0 $0x80;
	s25 =	simm.s32 @p0 $0xA;
	[sflag:s24] =	ssyncset.done @p0 $0x0  }
0x76: {  	s8 =	sadd.s32 @p0 $0xFFFFFD00, s3;
	[sflag:s24] =	ssyncadd.s32 @p0 $0xFFFFE000;
	s24 =	simm.s32 @p0 $0x5000  }
0x77: {  	[tilespmem:s24], [sflag:$0x1] =	stream.indirect.gather @p0 [hbm4b:s4+s28], $0x40, s8, s28, $0xb8;
	[tilespmem:$0x1F000] =	vst v63  }
0x78: {  	_ =	swait.ge @p0 [sflag:s25], $0x2000  }
0x79: {  	s29 =	simm.s32 @p0 $0x7000;
	[sflag:s25] =	ssyncset.done @p0 $0x0  }
0x7a: {  	s30 =	simm.s32 @p0 $0xB;
	s8 =	sadd.s32 @p0 $0xFFFFFD80, s3;
	[sflag:s25] =	ssyncadd.s32 @p0 $0xFFFFE000  }
0x7b: {  	[tilespmem:s29], [sflag:$0x2] =	stream.indirect.gather @p0 [hbm4b:s4+s28], $0x40, s8, s28, $0xb8;
	[tilespmem:$0x1F000] =	vst v63  }
0x7c: {  	_ =	swait.ge @p0 [sflag:s30], $0x2000  }
0x7d: {  	s31 =	simm.s32 @p0 $0x9000;
	[sflag:s30] =	ssyncset.done @p0 $0x0  }
0x7e: {  	s29 =	sadd.s32 @p0 $0xFFFFFE00, s3;
	[sflag:s30] =	ssyncadd.s32 @p0 $0xFFFFE000;
	s30 =	simm.s32 @p0 $0xC  }
0x7f: {  	[tilespmem:s31], [sflag:$0x3] =	stream.indirect.gather @p0 [hbm4b:s4+s28], $0x40, s29, s28, $0xb8;
	[tilespmem:$0x1F000] =	vst v63  }
0x80: {  	_ =	swait.ge @p0 [sflag:s30], $0x2000  }
0x81: {  	s29 =	sadd.s32 @p0 $0xFFFFFE80, s3;
	[sflag:s30] =	ssyncset.done @p0 $0x0  }
0x82: {  	s31 =	simm.s32 @p0 $0xB000;
	[sflag:s30] =	ssyncadd.s32 @p0 $0xFFFFE000;
	s30 =	simm.s32 @p0 $0xD  }
0x83: {  	[tilespmem:s31], [sflag:$0x4] =	stream.indirect.gather @p0 [hbm4b:s4+s28], $0x40, s29, s28, $0xb8;
	[tilespmem:$0x1F000] =	vst v63  }
0x84: {  	_ =	swait.ge @p0 [sflag:s30], $0x2000  }
0x85: {  	s29 =	sadd.s32 @p0 $0xFFFFFF00, s3;
	[sflag:s30] =	ssyncset.done @p0 $0x0  }
0x86: {  	s31 =	simm.s32 @p0 $0xD000;
	[sflag:s30] =	ssyncadd.s32 @p0 $0xFFFFE000;
	s30 =	simm.s32 @p0 $0xE  }
0x87: {  	[tilespmem:s31], [sflag:$0x5] =	stream.indirect.gather @p0 [hbm4b:s4+s28], $0x40, s29, s28, $0xb8;
	[tilespmem:$0x1F000] =	vst v63  }
0x88: {  	_ =	swait.ge @p0 [sflag:s30], $0x2000  }
0x89: {  	s29 =	sadd.s32 @p0 $0xFFFFFF80, s3;
	[sflag:s30] =	ssyncset.done @p0 $0x0  }
0x8a: {  	s31 =	simm.s32 @p0 $0xF000;
	[sflag:s30] =	ssyncadd.s32 @p0 $0xFFFFE000;
	s30 =	simm.s32 @p0 $0xF  }
0x8b: {  	[tilespmem:s31], [sflag:$0x6] =	stream.indirect.gather @p0 [hbm4b:s4+s28], $0x40, s29, s28, $0xb8;
	[tilespmem:$0x1F000] =	vst v63  }
0x8c: {  	_ =	swait.ge @p0 [sflag:s30], $0x2000  }
0x8d: {  	[sflag:s30] =	ssyncset.done @p0 $0x0  }
0x8e: {  	s29 =	simm.s32 @p0 $0x11000;
	s31 =	simm.s32 @p0 $0x10;
	[sflag:s30] =	ssyncadd.s32 @p0 $0xFFFFE000  }
0x8f: {  	[tilespmem:s29], [sflag:$0x7] =	stream.indirect.gather @p0 [hbm4b:s4+s28], $0x40, s3, s28, $0xb8;
	[tilespmem:$0x1F000] =	vst v63  }
0x90: {  	_ =	swait.ge @p0 [sflag:s31], $0x2000  }
0x91: {  	s30 =	simm.s32 @!p0 $0x5000;
	[sflag:s31] =	ssyncset.done @p0 $0x0  }
0x92: {  	s28 =	simm.s32 @!p0 $0x80;
	s29 =	simm.s32 @!p0 $0x0;
	[sflag:s31] =	ssyncadd.s32 @p0 $0xFFFFE000  }
0x93: {  	[tilespmem:s30], [sflag:$0x1] =	stream.indirect.gather @!p0 [hbm4b:s4+s28], $0x40, s29, s28, $0xb8;
	[tilespmem:$0x1F000] =	vst v63  }
0x94: {  	s29 =	simm.s32 @!p0 $0x7000  }
0x95: {  	[tilespmem:s29], [sflag:$0x2] =	stream.indirect.gather @!p0 [hbm4b:s4+s28], $0x40, s28, s28, $0xb8;
	[tilespmem:$0x1F000] =	vst v63  }
0x96: {  	s30 =	simm.s32 @!p0 $0x9000;
	s29 =	simm.s32 @!p0 $0x100  }
0x97: {  	[tilespmem:s30], [sflag:$0x3] =	stream.indirect.gather @!p0 [hbm4b:s4+s28], $0x40, s29, s28, $0xb8;
	[tilespmem:$0x1F000] =	vst v63  }
0x98: {  	s29 =	simm.s32 @!p0 $0x180;
	s30 =	simm.s32 @!p0 $0xB000  }
0x99: {  	[tilespmem:s30], [sflag:$0x4] =	stream.indirect.gather @!p0 [hbm4b:s4+s28], $0x40, s29, s28, $0xb8;
	[tilespmem:$0x1F000] =	vst v63  }
0x9a: {  	s29 =	simm.s32 @!p0 $0x200;
	s30 =	simm.s32 @!p0 $0xD000  }
0x9b: {  	[tilespmem:s30], [sflag:$0x5] =	stream.indirect.gather @!p0 [hbm4b:s4+s28], $0x40, s29, s28, $0xb8;
	[tilespmem:$0x1F000] =	vst v63  }
0x9c: {  	s7 =	sadd.s32 @p0 $0xFFFFFD00, s13;
	s29 =	simm.s32 @!p0 $0x280;
	s30 =	simm.s32 @!p0 $0xF000  }
0x9d: {  	[tilespmem:s30], [sflag:$0x6] =	stream.indirect.gather @!p0 [hbm4b:s4+s28], $0x40, s29, s28, $0xb8;
	[tilespmem:$0x1F000] =	vst v63  }
0x9e: {  	s7 =	simm.s32 @!p0 $0x0;
	s29 =	simm.s32 @!p0 $0x300;
	s30 =	simm.s32 @!p0 $0x11000  }
0x9f: {  	[tilespmem:s30], [sflag:$0x7] =	stream.indirect.gather @!p0 [hbm4b:s4+s28], $0x40, s29, s28, $0xb8;
	[tilespmem:$0x1F000] =	vst v63  }
0xa0: {  	s29 =	sor.u32 $0x380, s7  }
0xa1: {  	[tilespmem:s15], [sflag:$0x8] =	stream.indirect.gather [hbm4b:s4+s14], $0x40, s29, s14, $0xb8;
	[tilespmem:$0x1F000] =	vst v63  }
0xa2: {  	_ =	swait.ge [sflag:s16], $0x2000  }
0xa3: {  	[sflag:s16] =	ssyncset.done $0x0  }
0xa4: {  	s31 =	sadd.s32 $0x2800, s7;
	s30 =	rddreg [dreg:$0x3];
	[sflag:s16] =	ssyncadd.s32 $0xFFFFE000  }
0xa5: {  	[spmem:s2] =	stream.indirect.scatter.add.f32 [tilespmem:s30], [sflag:$0x9], $0x40, s31, s14, $0xb8;
	[tilespmem:$0x1F000] =	vst v63  }
0xa6: {  	s26 =	sadd.s32 @p0 $0xFFFFFD80, s13;
	_ =	swait.ge [sflag:s17], $0x2000  }
0xa7: {  	s26 =	simm.s32 @!p0 $0x80;
	[sflag:s17] =	ssyncset.done $0x0  }
0xa8: {  	s26 =	sadd.s32 $0x2800, s26;
	s29 =	rddreg [dreg:$0x4];
	[sflag:s17] =	ssyncadd.s32 $0xFFFFE000  }
0xa9: {  	[spmem:s2] =	stream.indirect.scatter.add.f32 [tilespmem:s29], [sflag:$0xA], $0x40, s26, s14, $0xb8;
	[tilespmem:$0x1F000] =	vst v63  }
0xaa: {  	s9 =	sadd.s32 @p0 $0xFFFFFE00, s13;
	_ =	swait.ge [sflag:s18], $0x2000  }
0xab: {  	s10 =	sadd.s32 @p0 $0xFFFFFE80, s13;
	s9 =	simm.s32 @!p0 $0x100;
	[sflag:s18] =	ssyncset.done $0x0  }
0xac: {  	s9 =	sadd.s32 $0x2800, s9;
	s30 =	rddreg [dreg:$0x5];
	[sflag:s18] =	ssyncadd.s32 $0xFFFFE000  }
0xad: {  	[spmem:s2] =	stream.indirect.scatter.add.f32 [tilespmem:s30], [sflag:$0xB], $0x40, s9, s14, $0xb8;
	[tilespmem:$0x1F000] =	vst v63  }
0xae: {  	s10 =	simm.s32 @!p0 $0x180;
	_ =	swait.ge [sflag:s19], $0x2000  }
0xaf: {  	s10 =	sadd.s32 $0x2800, s10;
	[sflag:s19] =	ssyncset.done $0x0  }
0xb0: {  	s24 =	sadd.s32 @p0 $0xFFFFFF00, s13;
	s31 =	rddreg [dreg:$0x6];
	[sflag:s19] =	ssyncadd.s32 $0xFFFFE000  }
0xb1: {  	[spmem:s2] =	stream.indirect.scatter.add.f32 [tilespmem:s31], [sflag:$0xC], $0x40, s10, s14, $0xb8;
	[tilespmem:$0x1F000] =	vst v63  }
0xb2: {  	s24 =	simm.s32 @!p0 $0x200;
	_ =	swait.ge [sflag:s20], $0x2000  }
0xb3: {  	s25 =	sadd.s32 @p0 $0xFFFFFF80, s13;
	s8 =	smov.u32 s13;
	[sflag:s20] =	ssyncset.done $0x0  }
0xb4: {  	s26 =	sadd.s32 $0x2800, s24;
	s10 =	rddreg [dreg:$0x7];
	[sflag:s20] =	ssyncadd.s32 $0xFFFFE000  }
0xb5: {  	[spmem:s2] =	stream.indirect.scatter.add.f32 [tilespmem:s10], [sflag:$0xD], $0x40, s26, s14, $0xb8;
	[tilespmem:$0x1F000] =	vst v63  }
0xb6: {  	s13 =	smov.u32 s5;
	s5 =	sadd.s32 $0x400, s5;
	_ =	swait.ge [sflag:s21], $0x2000  }
0xb7: {  	s25 =	simm.s32 @!p0 $0x280;
	p1 =	sne.s32 s5, $0x2B00;
	[sflag:s21] =	ssyncset.done $0x0  }
0xb8: {  	s29 =	sadd.s32 $0x2800, s25;
	s28 =	rddreg [dreg:$0x8];
	[sflag:s21] =	ssyncadd.s32 $0xFFFFE000  }
0xb9: {  	[spmem:s2] =	stream.indirect.scatter.add.f32 [tilespmem:s28], [sflag:$0xE], $0x40, s29, s14, $0xb8;
	[tilespmem:$0x1F000] =	vst v63  }
.Ltmp0:
0xba: {  	_ = 	snop;
	(pc) =	sbr.rel @p1 .LBB2_2-.Ltmp0, $4  }
0xbb: {  	s8 =	simm.s32 @!p0 $0x300;
	s3 =	sadd.s32 $0x400, s3;
	_ =	swait.ge [sflag:s22], $0x2000  }
0xbc: {  	p0 =	sne.s32 s13, $0x300;
	s31 =	sadd.s32 $0x2800, s8;
	[sflag:s22] =	ssyncset.done $0x0  }
0xbd: {  	s8 =	sadd.s32 $0x2B80, s7;
	s30 =	rddreg [dreg:$0x9];
	[sflag:s22] =	ssyncadd.s32 $0xFFFFE000  }
0xbe: {  	[spmem:s2] =	stream.indirect.scatter.add.f32 [tilespmem:s30], [sflag:$0xF], $0x40, s31, s14, $0xb8;
	[tilespmem:$0x1F000] =	vst v63  }
0xbf: {  	_ =	swait.ge [sflag:s23], $0x2000  }
0xc0: {  	[sflag:s23] =	ssyncset.done $0x0  }
0xc1: {  	s5 =	simm.s32 @p0 $0x9;
	[sflag:s23] =	ssyncadd.s32 $0xFFFFE000  }
0xc2: {  	[spmem:s2] =	stream.indirect.scatter.add.f32 [tilespmem:s15], [sflag:$0x10], $0x40, s8, s14, $0xb8;
	[tilespmem:$0x1F000] =	vst v63  }
0xc3: {  	_ =	swait.ge @p0 [sflag:s5], $0x2000  }
0xc4: {  	s7 =	sadd.s32 @p0 $0xFFFFFD00, s3;
	[sflag:s5] =	ssyncset.done @p0 $0x0  }
0xc5: {  	s8 =	simm.s32 @p0 $0x80;
	[sflag:s5] =	ssyncadd.s32 @p0 $0xFFFFE000;
	s5 =	simm.s32 @p0 $0x5000  }
0xc6: {  	[tilespmem:s5], [sflag:$0x1] =	stream.indirect.gather @p0 [hbm4b:s4+s8], $0x40, s7, s8, $0xb8;
	[tilespmem:$0x1F000] =	vst v63  }
0xc7: {  	s5 =	simm.s32 @p0 $0xA  }
0xc8: {  	_ =	swait.ge @p0 [sflag:s5], $0x2000  }
0xc9: {  	[sflag:s5] =	ssyncset.done @p0 $0x0  }
0xca: {  	s7 =	sadd.s32 @p0 $0xFFFFFD80, s3;
	[sflag:s5] =	ssyncadd.s32 @p0 $0xFFFFE000;
	s5 =	simm.s32 @p0 $0x7000  }
0xcb: {  	[tilespmem:s5], [sflag:$0x2] =	stream.indirect.gather @p0 [hbm4b:s4+s8], $0x40, s7, s8, $0xb8;
	[tilespmem:$0x1F000] =	vst v63  }
0xcc: {  	s5 =	simm.s32 @p0 $0xB  }
0xcd: {  	_ =	swait.ge @p0 [sflag:s5], $0x2000  }
0xce: {  	[sflag:s5] =	ssyncset.done @p0 $0x0  }
0xcf: {  	s7 =	sadd.s32 @p0 $0xFFFFFE00, s3;
	[sflag:s5] =	ssyncadd.s32 @p0 $0xFFFFE000;
	s5 =	simm.s32 @p0 $0x9000  }
0xd0: {  	[tilespmem:s5], [sflag:$0x3] =	stream.indirect.gather @p0 [hbm4b:s4+s8], $0x40, s7, s8, $0xb8;
	[tilespmem:$0x1F000] =	vst v63  }
0xd1: {  	s5 =	simm.s32 @p0 $0xC  }
0xd2: {  	_ =	swait.ge @p0 [sflag:s5], $0x2000  }
0xd3: {  	[sflag:s5] =	ssyncset.done @p0 $0x0  }
0xd4: {  	s7 =	sadd.s32 @p0 $0xFFFFFE80, s3;
	[sflag:s5] =	ssyncadd.s32 @p0 $0xFFFFE000;
	s5 =	simm.s32 @p0 $0xB000  }
0xd5: {  	[tilespmem:s5], [sflag:$0x4] =	stream.indirect.gather @p0 [hbm4b:s4+s8], $0x40, s7, s8, $0xb8;
	[tilespmem:$0x1F000] =	vst v63  }
0xd6: {  	s5 =	simm.s32 @p0 $0xD  }
0xd7: {  	_ =	swait.ge @p0 [sflag:s5], $0x2000  }
0xd8: {  	[sflag:s5] =	ssyncset.done @p0 $0x0  }
0xd9: {  	s7 =	sadd.s32 @p0 $0xFFFFFF00, s3;
	[sflag:s5] =	ssyncadd.s32 @p0 $0xFFFFE000;
	s5 =	simm.s32 @p0 $0xD000  }
0xda: {  	[tilespmem:s5], [sflag:$0x5] =	stream.indirect.gather @p0 [hbm4b:s4+s8], $0x40, s7, s8, $0xb8;
	[tilespmem:$0x1F000] =	vst v63  }
0xdb: {  	s5 =	simm.s32 @p0 $0xE  }
0xdc: {  	_ =	swait.ge @p0 [sflag:s5], $0x2000  }
0xdd: {  	[sflag:s5] =	ssyncset.done @p0 $0x0  }
0xde: {  	s7 =	sadd.s32 @p0 $0xFFFFFF80, s3;
	[sflag:s5] =	ssyncadd.s32 @p0 $0xFFFFE000;
	s5 =	simm.s32 @p0 $0xF000  }
0xdf: {  	[tilespmem:s5], [sflag:$0x6] =	stream.indirect.gather @p0 [hbm4b:s4+s8], $0x40, s7, s8, $0xb8;
	[tilespmem:$0x1F000] =	vst v63  }
0xe0: {  	s5 =	simm.s32 @p0 $0xF  }
0xe1: {  	_ =	swait.ge @p0 [sflag:s5], $0x2000  }
0xe2: {  	[sflag:s5] =	ssyncset.done @p0 $0x0  }
0xe3: {  	[sflag:s5] =	ssyncadd.s32 @p0 $0xFFFFE000;
	s5 =	simm.s32 @p0 $0x11000  }
0xe4: {  	[tilespmem:s5], [sflag:$0x7] =	stream.indirect.gather @p0 [hbm4b:s4+s8], $0x40, s3, s8, $0xb8;
	[tilespmem:$0x1F000] =	vst v63  }
0xe5: {  	s3 =	simm.s32 @p0 $0x10  }
0xe6: {  	_ =	swait.ge @p0 [sflag:s3], $0x2000  }
0xe7: {  	s7 =	simm.s32 @!p0 $0x0;
	[sflag:s3] =	ssyncset.done @p0 $0x0  }
0xe8: {  	s5 =	simm.s32 @!p0 $0x80;
	[sflag:s3] =	ssyncadd.s32 @p0 $0xFFFFE000;
	s3 =	simm.s32 @!p0 $0x5000  }
0xe9: {  	[tilespmem:s3], [sflag:$0x1] =	stream.indirect.gather @!p0 [hbm4b:s4+s5], $0x40, s7, s5, $0xb8;
	[tilespmem:$0x1F000] =	vst v63  }
0xea: {  	s3 =	simm.s32 @!p0 $0x7000  }
0xeb: {  	[tilespmem:s3], [sflag:$0x2] =	stream.indirect.gather @!p0 [hbm4b:s4+s5], $0x40, s5, s5, $0xb8;
	[tilespmem:$0x1F000] =	vst v63  }
0xec: {  	s7 =	simm.s32 @!p0 $0x9000;
	s3 =	simm.s32 @!p0 $0x100  }
0xed: {  	[tilespmem:s7], [sflag:$0x3] =	stream.indirect.gather @!p0 [hbm4b:s4+s5], $0x40, s3, s5, $0xb8;
	[tilespmem:$0x1F000] =	vst v63  }
0xee: {  	s3 =	simm.s32 @!p0 $0x180;
	s7 =	simm.s32 @!p0 $0xB000  }
0xef: {  	[tilespmem:s7], [sflag:$0x4] =	stream.indirect.gather @!p0 [hbm4b:s4+s5], $0x40, s3, s5, $0xb8;
	[tilespmem:$0x1F000] =	vst v63  }
0xf0: {  	s3 =	simm.s32 @!p0 $0x200;
	s7 =	simm.s32 @!p0 $0xD000  }
0xf1: {  	[tilespmem:s7], [sflag:$0x5] =	stream.indirect.gather @!p0 [hbm4b:s4+s5], $0x40, s3, s5, $0xb8;
	[tilespmem:$0x1F000] =	vst v63  }
0xf2: {  	s3 =	simm.s32 @!p0 $0x280;
	s7 =	simm.s32 @!p0 $0xF000  }
0xf3: {  	[tilespmem:s7], [sflag:$0x6] =	stream.indirect.gather @!p0 [hbm4b:s4+s5], $0x40, s3, s5, $0xb8;
	[tilespmem:$0x1F000] =	vst v63  }
0xf4: {  	s3 =	simm.s32 @!p0 $0x300;
	s7 =	simm.s32 @!p0 $0x11000  }
0xf5: {  	[tilespmem:s7], [sflag:$0x7] =	stream.indirect.gather @!p0 [hbm4b:s4+s5], $0x40, s3, s5, $0xb8;
	[tilespmem:$0x1F000] =	vst v63  }
0xf6: {  	s3 =	sadd.s32 @p0 $0xFFFFFD00, s13  }
0xf7: {  	s3 =	simm.s32 @!p0 $0x0  }
0xf8: {  	s10 =	sor.u32 $0x380, s3  }
0xf9: {  	[tilespmem:s15], [sflag:$0x8] =	stream.indirect.gather [hbm4b:s4+s14], $0x40, s10, s14, $0xb8;
	[tilespmem:$0x1F000] =	vst v63  }
0xfa: {  	_ =	swait.ge [sflag:s16], $0x2000  }
0xfb: {  	[sflag:s16] =	ssyncset.done $0x0  }
0xfc: {  	s25 =	sadd.s32 $0x2800, s3;
	s24 =	rddreg [dreg:$0x3];
	[sflag:s16] =	ssyncadd.s32 $0xFFFFE000  }
0xfd: {  	[spmem:s2] =	stream.indirect.scatter.add.f32 [tilespmem:s24], [sflag:$0x9], $0x40, s25, s14, $0xb8;
	[tilespmem:$0x1F000] =	vst v63  }
0xfe: {  	s5 =	sadd.s32 @p0 $0xFFFFFD80, s13;
	_ =	swait.ge [sflag:s17], $0x2000  }
0xff: {  	s5 =	simm.s32 @!p0 $0x80;
	[sflag:s17] =	ssyncset.done $0x0  }
0x100: {  	s5 =	sadd.s32 $0x2800, s5;
	s26 =	rddreg [dreg:$0x4];
	[sflag:s17] =	ssyncadd.s32 $0xFFFFE000  }
0x101: {  	[spmem:s2] =	stream.indirect.scatter.add.f32 [tilespmem:s26], [sflag:$0xA], $0x40, s5, s14, $0xb8;
	[tilespmem:$0x1F000] =	vst v63  }
0x102: {  	s5 =	sadd.s32 @p0 $0xFFFFFE00, s13;
	_ =	swait.ge [sflag:s18], $0x2000  }
0x103: {  	s5 =	simm.s32 @!p0 $0x100;
	[sflag:s18] =	ssyncset.done $0x0  }
0x104: {  	s28 =	rddreg [dreg:$0x5];
	s5 =	sadd.s32 $0x2800, s5;
	[sflag:s18] =	ssyncadd.s32 $0xFFFFE000  }
0x105: {  	[spmem:s2] =	stream.indirect.scatter.add.f32 [tilespmem:s28], [sflag:$0xB], $0x40, s5, s14, $0xb8;
	[tilespmem:$0x1F000] =	vst v63  }
0x106: {  	s5 =	sadd.s32 @p0 $0xFFFFFE80, s13;
	_ =	swait.ge [sflag:s19], $0x2000  }
0x107: {  	s5 =	simm.s32 @!p0 $0x180;
	[sflag:s19] =	ssyncset.done $0x0  }
0x108: {  	s29 =	rddreg [dreg:$0x6];
	s5 =	sadd.s32 $0x2800, s5;
	[sflag:s19] =	ssyncadd.s32 $0xFFFFE000  }
0x109: {  	[spmem:s2] =	stream.indirect.scatter.add.f32 [tilespmem:s29], [sflag:$0xC], $0x40, s5, s14, $0xb8;
	[tilespmem:$0x1F000] =	vst v63  }
0x10a: {  	s5 =	sadd.s32 @p0 $0xFFFFFF00, s13;
	_ =	swait.ge [sflag:s20], $0x2000  }
0x10b: {  	s5 =	simm.s32 @!p0 $0x200;
	[sflag:s20] =	ssyncset.done $0x0  }
0x10c: {  	s30 =	rddreg [dreg:$0x7];
	s5 =	sadd.s32 $0x2800, s5;
	[sflag:s20] =	ssyncadd.s32 $0xFFFFE000  }
0x10d: {  	[spmem:s2] =	stream.indirect.scatter.add.f32 [tilespmem:s30], [sflag:$0xD], $0x40, s5, s14, $0xb8;
	[tilespmem:$0x1F000] =	vst v63  }
0x10e: {  	s5 =	sadd.s32 @p0 $0xFFFFFF80, s13;
	_ =	swait.ge [sflag:s21], $0x2000  }
0x10f: {  	s5 =	simm.s32 @!p0 $0x280;
	[sflag:s21] =	ssyncset.done $0x0  }
0x110: {  	s31 =	rddreg [dreg:$0x8];
	s5 =	sadd.s32 $0x2800, s5;
	[sflag:s21] =	ssyncadd.s32 $0xFFFFE000  }
0x111: {  	[spmem:s2] =	stream.indirect.scatter.add.f32 [tilespmem:s31], [sflag:$0xE], $0x40, s5, s14, $0xb8;
	[tilespmem:$0x1F000] =	vst v63  }
0x112: {  	_ =	swait.ge [sflag:s22], $0x2000  }
0x113: {  	s13 =	simm.s32 @!p0 $0x300;
	[sflag:s22] =	ssyncset.done $0x0  }
0x114: {  	s9 =	sadd.s32 $0x2800, s13;
	s8 =	rddreg [dreg:$0x9];
	[sflag:s22] =	ssyncadd.s32 $0xFFFFE000  }
0x115: {  	[spmem:s2] =	stream.indirect.scatter.add.f32 [tilespmem:s8], [sflag:$0xF], $0x40, s9, s14, $0xb8;
	[tilespmem:$0x1F000] =	vst v63  }
0x116: {  	_ =	swait.ge [sflag:s23], $0x2000  }
0x117: {  	[sflag:s23] =	ssyncset.done $0x0  }
0x118: {  	s3 =	sadd.s32 $0x2B80, s3;
	s10 =	simm.s32 $0x9;
	[sflag:s23] =	ssyncadd.s32 $0xFFFFE000  }
0x119: {  	[spmem:s2] =	stream.indirect.scatter.add.f32 [tilespmem:s15], [sflag:$0x10], $0x40, s3, s14, $0xb8;
	[tilespmem:$0x1F000] =	vst v63  }
0x11a: {  	_ =	swait.ge [sflag:s10], $0x2000  }
0x11b: {  	[sflag:s10] =	ssyncset.done $0x0  }
0x11c: {  	s13 =	simm.s32 $0xA;
	[sflag:s10] =	ssyncadd.s32 $0xFFFFE000  }
0x11d: {  	_ =	swait.ge [sflag:s13], $0x2000  }
0x11e: {  	[sflag:s13] =	ssyncset.done $0x0  }
0x11f: {  	s24 =	simm.s32 $0xB;
	[sflag:s13] =	ssyncadd.s32 $0xFFFFE000  }
0x120: {  	_ =	swait.ge [sflag:s24], $0x2000  }
0x121: {  	[sflag:s24] =	ssyncset.done $0x0  }
0x122: {  	s25 =	simm.s32 $0xC;
	[sflag:s24] =	ssyncadd.s32 $0xFFFFE000  }
0x123: {  	_ =	swait.ge [sflag:s25], $0x2000  }
0x124: {  	[sflag:s25] =	ssyncset.done $0x0  }
0x125: {  	s26 =	simm.s32 $0xD;
	[sflag:s25] =	ssyncadd.s32 $0xFFFFE000  }
0x126: {  	_ =	swait.ge [sflag:s26], $0x2000  }
0x127: {  	[sflag:s26] =	ssyncset.done $0x0  }
0x128: {  	s28 =	simm.s32 $0xE;
	[sflag:s26] =	ssyncadd.s32 $0xFFFFE000  }
0x129: {  	_ =	swait.ge [sflag:s28], $0x2000  }
0x12a: {  	[sflag:s28] =	ssyncset.done $0x0  }
0x12b: {  	s29 =	simm.s32 $0xF;
	[sflag:s28] =	ssyncadd.s32 $0xFFFFE000  }
0x12c: {  	_ =	swait.ge [sflag:s29], $0x2000  }
0x12d: {  	[sflag:s29] =	ssyncset.done $0x0  }
0x12e: {  	[sflag:s29] =	ssyncadd.s32 $0xFFFFE000  }
0x12f: {  	_ =	swait.ge [sflag:s1], $0x2000  }
0x130: {  	[sflag:s1] =	ssyncset.done $0x0  }
0x131: {  	[sflag:s1] =	ssyncadd.s32 $0xFFFFE000  }
0x132: {  	[bflag:$0x0] =	sbarrier.arrive $0xFFFF  }
0x133: {  	s30 =	rddreg [dreg:$0xd]  }
0x134: {  	[hbm:s30@s1], [sflag:s6] =	dma.strided [spmem:s11@s23], $0x1400, s16, $0x8   }
0x135: {  	_ =	swait.ge [sflag:s12], $0x1400  }
0x136: {  	s0 =	sadd.s32 $0x1, s0;
	s31 =	rddreg [dreg:$0xe]  }
0x137: {  	p0 =	sne.s32 s0, s31  }
.Ltmp1:
0x138: {  	_ = 	snop;
	(pc) =	sbr.rel @p0 .LBB2_1-.Ltmp1, $3  }
0x139: {  	_ =	sdelay $0x1  }
0x13a: {  	[sflag:s12] =	ssyncset.done $0x0  }
0x13b: {  	[sflag:s12] =	ssyncadd.s32 $0xFFFFEC00  }
0x13c: {  	_ =	sfence.sel $0x180000  }
0x13d: {  	[bflag:$0x0] =	sbarrier.arrive $0xFFFF  }
0x13e: {  	_ =	strace $0x90000047  }
0x13f: {  	s0 =	stileid.u32;
	[bflag:$0x2] =	sbarrier.arrive $0xFFFF  }
0x140: {  	p0 =	sne.s32 s0, $0x0;
	s0 =	rddreg [dreg:$0x2]  }
0x141: {  	s0 =	sadd.s32 @!p0 $0x100000, s0  }
0x142: {  	[sflag:s0] =	ssyncadd.tile.s32 @!p0 $0x1;
	_ =	shalt  }
.Lfunc_end2:
_tile_overlayer_lowered:
.L_overlay_start_2:
0x143: {  	(tag) =	ssettag $0x2  }
0x144: {  	s0 =	rddreg [dreg:$0x0];
	s2 =	stileid.u32  }
0x145: {  	s1 =	rddreg [dreg:$0x1];
	p0 =	sne.s32 s2, $0x0  }
0x146: {  	s3 =	rddreg [dreg:$0x2];
	[bflag:$0x3] =	sbarrier.arrive $0xFFFF;
	s2 =	simm.s32 @!p0 $0x1C11  }
0x147: {  	[timem:s3], [sflag:s2] =	dma.local @!p0 [hbm:s0], s1  }
0x148: {  	s0 =	simm.s32 @!p0 $0x11  }
0x149: {  	_ =	swait.ge @!p0 [sflag:s0], s1  }
0x14a: {  	s1 =	ssub.s32 @!p0 $0x0, s1;
	[sflag:s0] =	ssyncset.done @!p0 $0x0  }
0x14b: {  	[sflag:s0] =	ssyncadd.s32 @!p0 s1  }
0x14c: {  	[bflag:$0x3] =	sbarrier.arrive $0xFFFF  }
0x14d: {  	_ =	shalt  }

// kernel: kernel.14.cloned.1.call-start
scs
__scs_entry_jumppad:
0x0: {  	(pc) =	sbr.rel $0x88, $3  }
0x1: {  	(tag) =	ssettag $0x0;
	lr =	simm.s32 $0x1  }
0x2: {  	[smem:$0x3F81] =	sst lr;
	_ =	strace $0xD0000000  }
0x3: {  	_ = 	snop  }
0x4: {  	_ = 	snop  }
0x5: {  	_ = 	snop  }
0x6: {  	_ = 	snop  }
0x7: {  	_ = 	snop  }
__scs_overlays_trampoline_lowered:
0x8: {  	[smem:$0x3F90] =	sst s0  }
0x9: {  	[smem:$0x3F91] =	sst s1  }
0xa: {  	[smem:$0x3F92] =	sst s2  }
0xb: {  	[smem:$0x3F93] =	sst s3  }
0xc: {  	[smem:$0x3F94] =	sst s4  }
0xd: {  	[smem:$0x3F95] =	sst s5  }
0xe: {  	[smem:$0x3F96] =	sst s6  }
0xf: {  	[smem:$0x3F97] =	sst s7  }
0x10: {  	[smem:$0x3F98] =	sst s8  }
0x11: {  	[smem:$0x3F99] =	sst s9;
	s0 =	simm.s32 @!p0 $0x0  }
0x12: {  	s1 =	sld [smem:$0x3F7F];
	s0 =	simm.s32 @p0 $0x1  }
0x13: {  	[smem:$0x3F9A] =	sst s0;
	s0 =	simm.s32 @!p1 $0x0  }
0x14: {  	s2 =	sld [smem:$0x3F7E];
	s0 =	simm.s32 @p1 $0x1  }
0x15: {  	[smem:$0x3F9B] =	sst s0;
	s0 =	simm.s32 @!p2 $0x0  }
0x16: {  	s3 =	sld [smem:$0x3FDB];
	s0 =	simm.s32 @p2 $0x1  }
0x17: {  	s4 =	simm.s32 $0x1BF5;
	[smem:$0x3F9D] =	sst s0  }
0x18: {  	s0 =	sld [smem:$0x3F80];
	_ =	swait.ge [sflag:s4], $0x0  }
0x19: {  	s7 =	sld [smem:$0x3F81]  }
0x1a: {  	s8 =	sadd.s32 $0xFFFFE003, lr  }
0x1b: {  	s9 =	sadd.s32 $0xFFFFFEF7, lr;
	s5 =	simm.s32 $0xFFFFFFFF;
	p2 =	slt.u32 s8, $0xFFFFF086  }
0x1c: {  	p1 =	slt.u32 s9, $0xF7A;
	s5 =	simm.s32 @!p2 $0x0  }
0x1d: {  	s5 =	simm.s32 @p1 $0x1;
	p0 =	seq.s32 s7, s2  }
0x1e: {  	s7 =	smul.u32 @!p0 $0xF7A, s2;
	p2 =	seq.s32 @!p0 s5, $0x0  }
0x1f: {  	s9 =	smul.u32 $0xF7A, s1;
	s8 =	simm.s32 @!p0 $0x1BF5;
	p2 =	por !p2, p0  }
0x20: {  	[sflag:s8] =	ssyncset.s32 @!p0 $0xFFFFF086;
	s6 =	sadd.s32 @!p0 s3, s7;
	s7 =	simm.s32 @!p0 $0x108  }
0x21: {  	s3 =	sadd.s32 s3, s9;
	s6 =	sadd.s32 @!p0 $0x88, s6;
	s7 =	simm.s32 @p2 $0x1082  }
0x22: {  	[simem:s7], [sflag:s8] =	dma.local @!p0 [hbm:s6], $0xF7A  }
0x23: {  	s9 =	sor.u32 $0xD0000000, s2;
	s6 =	simm.s32 $0x108;
	_ =	swait.ge @!p0 [sflag:s8], $0x0  }
0x24: {  	s3 =	sadd.s32 $0x88, s3;
	s6 =	simm.s32 @!p1 $0x1082;
	[sflag:s4] =	ssyncset.s32 $0xFFFFF086  }
0x25: {  	[simem:s6], [sflag:s4] =	dma.local [hbm:s3], $0xF7A  }
0x26: {  	[smem:$0x3F81] =	sst s1;
	(tag) =	ssettag s2;
	_ =	strace s9  }
0x27: {  	s1 =	sld [smem:$0x3F91]  }
0x28: {  	s2 =	sld [smem:$0x3F92]  }
0x29: {  	s4 =	sld [smem:$0x3F94]  }
0x2a: {  	p0 =	seq.s32 s5, $0x0;
	s5 =	sld [smem:$0x3F95]  }
0x2b: {  	s6 =	sld [smem:$0x3F96]  }
0x2c: {  	s7 =	sld [smem:$0x3F97]  }
0x2d: {  	s3 =	simm.s32 $0x108;
	s8 =	sld [smem:$0x3F98]  }
0x2e: {  	s3 =	simm.s32 @!p0 $0x1082;
	s9 =	sld [smem:$0x3F99]  }
0x2f: {  	lr =	sadd.s32 s0, s3;
	s0 =	sld [smem:$0x3F90]  }
0x30: {  	s3 =	sld [smem:$0x3F93]  }
0x31: {  	[smem:$0x3F9C] =	sst s10  }
0x32: {  	s10 =	sld [smem:$0x3F9A];
	_ =	sdelay $0x3  }
0x33: {  	p0 =	seq.s32 s10, $0x1;
	s10 =	sld [smem:$0x3F9C];
	_ =	sdelay $0x3  }
0x34: {  	[smem:$0x3F9C] =	sst s10  }
0x35: {  	s10 =	sld [smem:$0x3F9B];
	_ =	sdelay $0x3  }
0x36: {  	p1 =	seq.s32 s10, $0x1;
	s10 =	sld [smem:$0x3F9C];
	_ =	sdelay $0x3  }
0x37: {  	[smem:$0x3F9C] =	sst s10  }
0x38: {  	s10 =	sld [smem:$0x3F9D]  }
0x39: {  	_ = 	snop;
	(pc) =	sbr.ind lr, $3  }
0x3a: {  	_ = 	snop  }
0x3b: {  	_ = 	snop  }
0x3c: {  	p2 =	seq.s32 s10, $0x1;
	s10 =	sld [smem:$0x3F9C]  }
0x3d: {  	_ =	shalt  }
0x3e: {  	_ =	shalt  }
0x3f: {  	_ =	shalt  }
0x40: {  	_ =	shalt  }
0x41: {  	_ =	shalt  }
0x42: {  	_ =	shalt  }
0x43: {  	_ =	shalt  }
0x44: {  	_ =	shalt  }
0x45: {  	_ =	shalt  }
0x46: {  	_ =	shalt  }
0x47: {  	_ =	shalt  }
0x48: {  	_ =	shalt  }
0x49: {  	_ =	shalt  }
0x4a: {  	_ =	shalt  }
0x4b: {  	_ =	shalt  }
0x4c: {  	_ =	shalt  }
0x4d: {  	_ =	shalt  }
0x4e: {  	_ =	shalt  }
0x4f: {  	_ =	shalt  }
0x50: {  	_ =	shalt  }
0x51: {  	_ =	shalt  }
0x52: {  	_ =	shalt  }
0x53: {  	_ =	shalt  }
0x54: {  	_ =	shalt  }
0x55: {  	_ =	shalt  }
0x56: {  	_ =	shalt  }
0x57: {  	_ =	shalt  }
0x58: {  	_ =	shalt  }
0x59: {  	_ =	shalt  }
0x5a: {  	_ =	shalt  }
0x5b: {  	_ =	shalt  }
0x5c: {  	_ =	shalt  }
0x5d: {  	_ =	shalt  }
0x5e: {  	_ =	shalt  }
0x5f: {  	_ =	shalt  }
0x60: {  	_ =	shalt  }
0x61: {  	_ =	shalt  }
0x62: {  	_ =	shalt  }
0x63: {  	_ =	shalt  }
0x64: {  	_ =	shalt  }
0x65: {  	_ =	shalt  }
0x66: {  	_ =	shalt  }
0x67: {  	_ =	shalt  }
0x68: {  	_ =	shalt  }
0x69: {  	_ =	shalt  }
0x6a: {  	_ =	shalt  }
0x6b: {  	_ =	shalt  }
0x6c: {  	_ =	shalt  }
0x6d: {  	_ =	shalt  }
0x6e: {  	_ =	shalt  }
0x6f: {  	_ =	shalt  }
0x70: {  	_ =	shalt  }
0x71: {  	_ =	shalt  }
0x72: {  	_ =	shalt  }
0x73: {  	_ =	shalt  }
0x74: {  	_ =	shalt  }
0x75: {  	_ =	shalt  }
0x76: {  	_ =	shalt  }
0x77: {  	_ =	shalt  }
0x78: {  	_ =	shalt  }
0x79: {  	_ =	shalt  }
0x7a: {  	_ =	shalt  }
0x7b: {  	_ =	shalt  }
0x7c: {  	_ =	shalt  }
0x7d: {  	_ =	shalt  }
0x7e: {  	_ =	shalt  }
0x7f: {  	_ =	shalt  }
0x80: {  	_ =	shalt  }
0x81: {  	_ =	shalt  }
0x82: {  	_ =	shalt  }
0x83: {  	_ =	shalt  }
0x84: {  	_ =	shalt  }
0x85: {  	_ =	shalt  }
0x86: {  	_ =	shalt  }
0x87: {  	_ =	shalt  }
.Lfunc_end0:
.L_simem_size_0:
called_computation.1_lowered:
.L_overlay_start_0:
0x88: {  	s2 =	sld [smem:$0x3FD9]  }
0x89: {  	s3 =	sld [smem:$0x3FFE];
	_ =	sdelay $0x1  }
0x8a: {  	s1 =	srdreg.scid  }
0x8b: {  	s0 =	sand.u32 $0x1, s1  }
0x8c: {  	s16 =	sshll.u32 s0, $0xA;
	s2 =	sadd.s32 s3, s2  }
0x8d: {  	s2 =	sadd.s32 s2, s16  }
0x8e: {  	[smem:$0x3FA8] =	sst s2  }
0x8f: {  	_ = 	snop  }
0x90: {  	(tm) =	ssettm $0x1  }
0x91: {  	s17 =	sld [smem:$0x3FFB];
	_ =	sdelay $0x3  }
0x92: {  	_ =	strace s17  }
0x93: {  	s2 =	sld [smem:$0x3FFC];
	_ =	sdelay $0x3  }
0x94: {  	_ =	strace s2  }
0x95: {  	s2 =	sld [smem:$0x3FFD];
	_ =	sdelay $0x3  }
0x96: {  	_ =	strace s2  }
0x97: {  	_ =	strace $0x8FFFFFFF  }
0x98: {  	s18 =	sld [smem:$0x3FDB];
	_ =	sdelay $0x1  }
0x99: {  	s19 =	simm.s32 $_scs_section_size  }
0x9a: {  	s4 =	simm.s32 $_size__tile_overlayer_lowered;
	s5 =	simm.s32 $_tile_overlayer_lowered  }
0x9b: {  	s22 =	simm.s32 $0x1BFF;
	s21 =	sshll.u32 s5, $0x1;
	s2 =	sadd.s32 s19, s18  }
0x9c: {  	s6 =	simm.s32 $0x0;
	s20 =	sshll.u32 s4, $0x1;
	s4 =	sadd.s32 s21, s2  }
0x9d: {  	[timem:s6], [sflag:s22] =	dma.local [hbm:s4], s20  }
0x9e: {  	_ =	swait.ge [sflag:s22], s20  }
0x9f: {  	s3 =	ssub.s32 $0x0, s20;
	[sflag:s22] =	ssyncset.done $0x0  }
0xa0: {  	[sflag:s22] =	ssyncadd.s32 s3;
	_ =	sdelay $0x1  }
0xa1: {  	s23 =	simm.s32 $0x1B8B  }
0xa2: {  	_ =	swait.ge [sflag:s23], $0x1  }
0xa3: {  	[sflag:s23] =	ssyncset.done $0x0  }
0xa4: {  	s25 =	simm.s32 $0x1B8E;
	s24 =	sld [smem:$0x3FFE];
	[sflag:s23] =	ssyncadd.s32 $0xFFFFFFFF  }
0xa5: {  	s26 =	simm.s32 $execute0_lowered;
	[smem:$0x3FD2] =	sst s25  }
0xa6: {  	s4 =	sshll.u32 s26, $0x1;
	_ =	strace $0x80000049;
	[dreg:$0x1] =	wrdreg $0xFFFFFFFF  }
0xa7: {  	s28 =	simm.s32 $_size_execute0_lowered;
	s2 =	sadd.s32 s2, s4;
	[dreg:$0x0] =	wrdreg $0x0  }
0xa8: {  	s4 =	sshll.u32 s28, $0x1;
	[dreg:$0x2] =	wrdreg s2  }
0xa9: {  	[dreg:$0x3] =	wrdreg s4  }
0xaa: {  	[dreg:$0x4] =	wrdreg $0xC0  }
0xab: {  	_ =	task [dreg:s6], $0x5FFFF  }
0xac: {  	[dreg:$0x1] =	wrdreg $0xFFFFFFFF  }
0xad: {  	[dreg:$0x0] =	wrdreg $0x60  }
0xae: {  	[dreg:$0x2] =	wrdreg s24  }
0xaf: {  	[dreg:$0x3] =	wrdreg $0x150000  }
0xb0: {  	[dreg:$0x4] =	wrdreg $0x9  }
0xb1: {  	_ =	task.clear_ibuf [dreg:s6], $0x5FFFF;
	_ =	strace $0x90000049  }
0xb2: {  	s29 =	simm.s32 $0x9;
	_ =	strace $0x8000004B  }
0xb3: {  	_ =	swait.ge [sflag:s29], $0x1  }
0xb4: {  	[sflag:s29] =	ssyncadd.s32 $0xFFFFFFFF  }
0xb5: {  	_ =	strace $0x9000004B  }
0xb6: {  	_ =	sfence  }
0xb7: {  	s30 =	sld [smem:$0x0];
	_ =	sdelay $0x2  }
0xb8: {  	s31 =	sshll.u32 s1, $0xD;
	s1 =	sshrl.u32 s1, $0x2  }
0xb9: {  	s3 =	sand.u32 $0x4000, s31;
	s1 =	sadd.s32 s1, s30  }
0xba: {  	s0 =	sor.u32 s3, s0;
	s1 =	sshll.u32 s1, $0x11  }
0xbb: {  	s0 =	sor.u32 s1, s0  }
0xbc: {  	s0 =	sadd.s32 $0x8F2B, s0  }
0xbd: {  	[sflag:s0] =	ssyncadd.remote.s32 $0x1  }
0xbe: {  	_ =	sfence.sel $0xFFFF  }
0xbf: {  	[dreg:$0x0] =	wrdreg $0xFFFFFFFF;
	(pc) =	sbr.abs _section_cstart, $3  }
0xc0: {  	[dreg:$0x1] =	wrdreg $0xFFFFFFFF  }
0xc1: {  	_ =	task.clear_ibuf [dreg:s6], $0x2FFFF;
	_ =	strace $0x9FFFFFFF  }
0xc2: {  	(tm) =	ssettm $0x7FFFFFFF  }
0xc3: {  	_ =	shalt  }
tec
execute0_lowered:
.L_overlay_start_1:
0x0: {  	(tag) =	ssettag $0x1  }
0x1: {  	s0 =	srdreg.scid;
	s3 =	rddreg [dreg:$0x0]  }
0x2: {  	s7 =	stileid.u32;
	s2 =	rddreg [dreg:$0x1]  }
0x3: {  	s4 =	simm.s32 $0x0;
	s12 =	simm.s32 $0x11;
	s14 =	simm.s32 $0x80  }
0x4: {  	s15 =	simm.s32 $0x13000;
	s24 =	simm.s32 $0x5000;
	s16 =	simm.s32 $0x1  }
0x5: {  	s25 =	simm.s32 $0x7000;
	[smem:$0x7FF] =	sst s4;
	s8 =	sadd.s32 $0x2C400, s3  }
0x6: {  	s17 =	simm.s32 $0x2;
	_ =	strace $0x8000004A;
	[dreg:$0xa] =	wrdreg s8  }
0x7: {  	s26 =	simm.s32 $0x9000;
	s28 =	simm.s32 $0xB000;
	[dreg:$0x3] =	wrdreg s24  }
0x8: {  	s29 =	simm.s32 $0xD000;
	s30 =	simm.s32 $0xF000;
	[dreg:$0x4] =	wrdreg s25  }
0x9: {  	s31 =	simm.s32 $0x11000;
	s0 =	sand.u32 $0x1, s0;
	[dreg:$0x5] =	wrdreg s26  }
0xa: {  	s6 =	smul.u32 $0x14000, s7;
	s4 =	sadd.s32 $0x4A00, s3;
	[dreg:$0x6] =	wrdreg s28  }
0xb: {  	s18 =	smul.u32 $0x28000, s7;
	s21 =	sshll.u32 s7, $0x6;
	[dreg:$0x7] =	wrdreg s29  }
0xc: {  	s1 =	sshll.u32 s0, $0x4;
	s5 =	smul.u32 $0x140000, s0;
	[dreg:$0x8] =	wrdreg s30  }
0xd: {  	s0 =	ssub.s32 $0x2, s0;
	[dreg:$0x9] =	wrdreg s31;
	s1 =	sor.u32 s7, s1  }
0xe: {  	s19 =	sshrl.u32 s0, $0x1;
	s20 =	sshrl.u32 s18, $0x2;
	s18 =	simm.s32 $0x3  }
0xf: {  	s1 =	smul.u32 $0x500, s1;
	s5 =	sadd.s32 s6, s5;
	s0 =	ssub.s32 s0, s19  }
0x10: {  	s6 =	sor.u32 $0x1C11, s21;
	s19 =	simm.s32 $0x4;
	s21 =	simm.s32 $0x6  }
0x11: {  	s5 =	sshrl.u32 s5, $0x3;
	s0 =	smax.u32 s0, $0x1;
	s1 =	sadd.s32 s1, s3  }
0x12: {  	s3 =	sadd.s32 s5, s3;
	[dreg:$0xe] =	wrdreg s0;
	s22 =	sadd.s32 $0x18400, s1  }
0x13: {  	s5 =	sadd.s32 s20, s2;
	s1 =	sadd.s32 $0x22400, s1;
	[dreg:$0xb] =	wrdreg s22  }
0x14: {  	s20 =	simm.s32 $0x5;
	s23 =	sadd.s32 $0x2D800, s3;
	[dreg:$0xc] =	wrdreg s1  }
0x15: {  	s0 =	simm.s32 $0x0;
	s11 =	sshrl.u32 s5, $0x3;
	[dreg:$0xd] =	wrdreg s23  }
0x16: {  	s22 =	simm.s32 $0x7;
	s23 =	simm.s32 $0x8;
	s1 =	simm.s32 $0x10  }
.LBB2_1:
0x17: {  	s3 =	rddreg [dreg:$0xa]  }
0x18: {  	[spmem:s11], [sflag:s6] =	dma.local [hbm:s3], $0x1400  }
0x19: {  	_ =	swait.ge [sflag:s12], $0x1400  }
0x1a: {  	[sflag:s12] =	ssyncset.done $0x0  }
0x1b: {  	s8 =	simm.s32 $0x0;
	s5 =	rddreg [dreg:$0xb];
	[sflag:s12] =	ssyncadd.s32 $0xFFFFEC00  }
0x1c: {  	[tilespmem:s8], [sflag:$0x11] =	stream.linear.gather [hbm4b:s5+s8], $0x2800, $0x38;
	[tilespmem:$0x1F000] =	vst v63  }
0x1d: {  	_ =	swait.ge [sflag:s12], $0x2800  }
0x1e: {  	[sflag:s12] =	ssyncset.done $0x0  }
0x1f: {  	s7 =	simm.s32 $0x2800;
	s9 =	rddreg [dreg:$0xc];
	[sflag:s12] =	ssyncadd.s32 $0xFFFFD800  }
0x20: {  	[tilespmem:s7], [sflag:$0x11] =	stream.linear.gather [hbm4b:s9+s8], $0x2800, $0x38;
	[tilespmem:$0x1F000] =	vst v63  }
0x21: {  	_ =	swait.ge [sflag:s12], $0x2800  }
0x22: {  	[sflag:s12] =	ssyncset.done $0x0  }
0x23: {  	p0 =	por $0x0, $0x0;
	[sflag:s12] =	ssyncadd.s32 $0xFFFFD800  }
0x24: {  	s3 =	simm.s32 @p0 $0x9;
	[bflag:$0x0] =	sbarrier.arrive $0xFFFF  }
0x25: {  	_ =	swait.ge @p0 [sflag:s3], $0x2000  }
0x26: {  	s5 =	simm.s32 @p0 $0x0;
	s7 =	simm.s32 @p0 $0x80;
	[sflag:s3] =	ssyncset.done @p0 $0x0  }
0x27: {  	s8 =	simm.s32 @p0 $0xA;
	[sflag:s3] =	ssyncadd.s32 @p0 $0xFFFFE000;
	s3 =	simm.s32 @p0 $0x5000  }
0x28: {  	[tilespmem:s3], [sflag:$0x1] =	stream.indirect.gather @p0 [hbm4b:s4+s7], $0x40, s5, s7, $0xb8;
	[tilespmem:$0x1F000] =	vst v63  }
0x29: {  	_ =	swait.ge @p0 [sflag:s8], $0x2000  }
0x2a: {  	s3 =	simm.s32 @p0 $0x80;
	[sflag:s8] =	ssyncset.done @p0 $0x0  }
0x2b: {  	s5 =	simm.s32 @p0 $0x7000;
	[sflag:s8] =	ssyncadd.s32 @p0 $0xFFFFE000;
	s8 =	simm.s32 @p0 $0xB  }
0x2c: {  	[tilespmem:s5], [sflag:$0x2] =	stream.indirect.gather @p0 [hbm4b:s4+s7], $0x40, s3, s7, $0xb8;
	[tilespmem:$0x1F000] =	vst v63  }
0x2d: {  	_ =	swait.ge @p0 [sflag:s8], $0x2000  }
0x2e: {  	s3 =	simm.s32 @p0 $0x100;
	[sflag:s8] =	ssyncset.done @p0 $0x0  }
0x2f: {  	s5 =	simm.s32 @p0 $0x9000;
	[sflag:s8] =	ssyncadd.s32 @p0 $0xFFFFE000;
	s8 =	simm.s32 @p0 $0xC  }
0x30: {  	[tilespmem:s5], [sflag:$0x3] =	stream.indirect.gather @p0 [hbm4b:s4+s7], $0x40, s3, s7, $0xb8;
	[tilespmem:$0x1F000] =	vst v63  }
0x31: {  	_ =	swait.ge @p0 [sflag:s8], $0x2000  }
0x32: {  	s3 =	simm.s32 @p0 $0x180;
	[sflag:s8] =	ssyncset.done @p0 $0x0  }
0x33: {  	s5 =	simm.s32 @p0 $0xB000;
	[sflag:s8] =	ssyncadd.s32 @p0 $0xFFFFE000;
	s8 =	simm.s32 @p0 $0xD  }
0x34: {  	[tilespmem:s5], [sflag:$0x4] =	stream.indirect.gather @p0 [hbm4b:s4+s7], $0x40, s3, s7, $0xb8;
	[tilespmem:$0x1F000] =	vst v63  }
0x35: {  	_ =	swait.ge @p0 [sflag:s8], $0x2000  }
0x36: {  	s3 =	simm.s32 @p0 $0x200;
	[sflag:s8] =	ssyncset.done @p0 $0x0  }
0x37: {  	s5 =	simm.s32 @p0 $0xD000;
	[sflag:s8] =	ssyncadd.s32 @p0 $0xFFFFE000;
	s8 =	simm.s32 @p0 $0xE  }
0x38: {  	[tilespmem:s5], [sflag:$0x5] =	stream.indirect.gather @p0 [hbm4b:s4+s7], $0x40, s3, s7, $0xb8;
	[tilespmem:$0x1F000] =	vst v63  }
0x39: {  	_ =	swait.ge @p0 [sflag:s8], $0x2000  }
0x3a: {  	s3 =	simm.s32 @p0 $0x280;
	[sflag:s8] =	ssyncset.done @p0 $0x0  }
0x3b: {  	s5 =	simm.s32 @p0 $0xF000;
	[sflag:s8] =	ssyncadd.s32 @p0 $0xFFFFE000;
	s8 =	simm.s32 @p0 $0xF  }
0x3c: {  	[tilespmem:s5], [sflag:$0x6] =	stream.indirect.gather @p0 [hbm4b:s4+s7], $0x40, s3, s7, $0xb8;
	[tilespmem:$0x1F000] =	vst v63  }
0x3d: {  	_ =	swait.ge @p0 [sflag:s8], $0x2000  }
0x3e: {  	s3 =	simm.s32 $0x300;
	[sflag:s8] =	ssyncset.done @p0 $0x0  }
0x3f: {  	s5 =	simm.s32 @p0 $0x11000;
	[sflag:s8] =	ssyncadd.s32 @p0 $0xFFFFE000;
	s8 =	simm.s32 @p0 $0x10  }
0x40: {  	[tilespmem:s5], [sflag:$0x7] =	stream.indirect.gather @p0 [hbm4b:s4+s7], $0x40, s3, s7, $0xb8;
	[tilespmem:$0x1F000] =	vst v63  }
0x41: {  	_ =	swait.ge @p0 [sflag:s8], $0x2000  }
0x42: {  	s5 =	simm.s32 @!p0 $0x80;
	[sflag:s8] =	ssyncset.done @p0 $0x0  }
0x43: {  	s3 =	simm.s32 @!p0 $0x0;
	s7 =	simm.s32 @!p0 $0x5000;
	[sflag:s8] =	ssyncadd.s32 @p0 $0xFFFFE000  }
0x44: {  	[tilespmem:s7], [sflag:$0x1] =	stream.indirect.gather @!p0 [hbm4b:s4+s5], $0x40, s3, s5, $0xb8;
	[tilespmem:$0x1F000] =	vst v63  }
0x45: {  	s3 =	simm.s32 @!p0 $0x7000  }
0x46: {  	[tilespmem:s3], [sflag:$0x2] =	stream.indirect.gather @!p0 [hbm4b:s4+s5], $0x40, s5, s5, $0xb8;
	[tilespmem:$0x1F000] =	vst v63  }
0x47: {  	s7 =	simm.s32 @!p0 $0x9000;
	s3 =	simm.s32 @!p0 $0x100  }
0x48: {  	[tilespmem:s7], [sflag:$0x3] =	stream.indirect.gather @!p0 [hbm4b:s4+s5], $0x40, s3, s5, $0xb8;
	[tilespmem:$0x1F000] =	vst v63  }
0x49: {  	s3 =	simm.s32 @!p0 $0x180;
	s7 =	simm.s32 @!p0 $0xB000  }
0x4a: {  	[tilespmem:s7], [sflag:$0x4] =	stream.indirect.gather @!p0 [hbm4b:s4+s5], $0x40, s3, s5, $0xb8;
	[tilespmem:$0x1F000] =	vst v63  }
0x4b: {  	s3 =	simm.s32 @!p0 $0x200;
	s7 =	simm.s32 @!p0 $0xD000  }
0x4c: {  	[tilespmem:s7], [sflag:$0x5] =	stream.indirect.gather @!p0 [hbm4b:s4+s5], $0x40, s3, s5, $0xb8;
	[tilespmem:$0x1F000] =	vst v63  }
0x4d: {  	s8 =	simm.s32 @!p0 $0xF000;
	s3 =	simm.s32 @p0 $0x0;
	s7 =	simm.s32 @!p0 $0x280  }
0x4e: {  	[tilespmem:s8], [sflag:$0x6] =	stream.indirect.gather @!p0 [hbm4b:s4+s5], $0x40, s7, s5, $0xb8;
	[tilespmem:$0x1F000] =	vst v63  }
0x4f: {  	s3 =	simm.s32 @!p0 $0x0;
	s7 =	simm.s32 @!p0 $0x300;
	s8 =	simm.s32 @!p0 $0x11000  }
0x50: {  	[tilespmem:s8], [sflag:$0x7] =	stream.indirect.gather @!p0 [hbm4b:s4+s5], $0x40, s7, s5, $0xb8;
	[tilespmem:$0x1F000] =	vst v63  }
0x51: {  	s10 =	sor.u32 $0x380, s3  }
0x52: {  	[tilespmem:s15], [sflag:$0x8] =	stream.indirect.gather [hbm4b:s4+s14], $0x40, s10, s14, $0xb8;
	[tilespmem:$0x1F000] =	vst v63  }
0x53: {  	_ =	swait.ge [sflag:s16], $0x2000  }
0x54: {  	[sflag:s16] =	ssyncset.done $0x0  }
0x55: {  	s24 =	sadd.s32 $0x2800, s3;
	s13 =	rddreg [dreg:$0x3];
	[sflag:s16] =	ssyncadd.s32 $0xFFFFE000  }
0x56: {  	[spmem:s2] =	stream.indirect.scatter.add.f32 [tilespmem:s13], [sflag:$0x9], $0x40, s24, s14, $0xb8;
	[tilespmem:$0x1F000] =	vst v63  }
0x57: {  	s5 =	simm.s32 @p0 $0x80;
	_ =	swait.ge [sflag:s17], $0x2000  }
0x58: {  	s5 =	simm.s32 @!p0 $0x80;
	[sflag:s17] =	ssyncset.done $0x0  }
0x59: {  	s5 =	sadd.s32 $0x2800, s5;
	s25 =	rddreg [dreg:$0x4];
	[sflag:s17] =	ssyncadd.s32 $0xFFFFE000  }
0x5a: {  	[spmem:s2] =	stream.indirect.scatter.add.f32 [tilespmem:s25], [sflag:$0xA], $0x40, s5, s14, $0xb8;
	[tilespmem:$0x1F000] =	vst v63  }
0x5b: {  	s5 =	simm.s32 @p0 $0x100;
	_ =	swait.ge [sflag:s18], $0x2000  }
0x5c: {  	s5 =	simm.s32 @!p0 $0x100;
	[sflag:s18] =	ssyncset.done $0x0  }
0x5d: {  	s26 =	rddreg [dreg:$0x5];
	s5 =	sadd.s32 $0x2800, s5;
	[sflag:s18] =	ssyncadd.s32 $0xFFFFE000  }
0x5e: {  	[spmem:s2] =	stream.indirect.scatter.add.f32 [tilespmem:s26], [sflag:$0xB], $0x40, s5, s14, $0xb8;
	[tilespmem:$0x1F000] =	vst v63  }
0x5f: {  	s5 =	simm.s32 @p0 $0x180;
	_ =	swait.ge [sflag:s19], $0x2000  }
0x60: {  	s5 =	simm.s32 @!p0 $0x180;
	[sflag:s19] =	ssyncset.done $0x0  }
0x61: {  	s28 =	rddreg [dreg:$0x6];
	s5 =	sadd.s32 $0x2800, s5;
	[sflag:s19] =	ssyncadd.s32 $0xFFFFE000  }
0x62: {  	[spmem:s2] =	stream.indirect.scatter.add.f32 [tilespmem:s28], [sflag:$0xC], $0x40, s5, s14, $0xb8;
	[tilespmem:$0x1F000] =	vst v63  }
0x63: {  	s5 =	simm.s32 @p0 $0x200;
	_ =	swait.ge [sflag:s20], $0x2000  }
0x64: {  	s5 =	simm.s32 @!p0 $0x200;
	[sflag:s20] =	ssyncset.done $0x0  }
0x65: {  	s29 =	rddreg [dreg:$0x7];
	s5 =	sadd.s32 $0x2800, s5;
	[sflag:s20] =	ssyncadd.s32 $0xFFFFE000  }
0x66: {  	[spmem:s2] =	stream.indirect.scatter.add.f32 [tilespmem:s29], [sflag:$0xD], $0x40, s5, s14, $0xb8;
	[tilespmem:$0x1F000] =	vst v63  }
0x67: {  	s5 =	simm.s32 @p0 $0x280;
	_ =	swait.ge [sflag:s21], $0x2000  }
0x68: {  	s5 =	simm.s32 @!p0 $0x280;
	[sflag:s21] =	ssyncset.done $0x0  }
0x69: {  	s30 =	rddreg [dreg:$0x8];
	s5 =	sadd.s32 $0x2800, s5;
	[sflag:s21] =	ssyncadd.s32 $0xFFFFE000  }
0x6a: {  	[spmem:s2] =	stream.indirect.scatter.add.f32 [tilespmem:s30], [sflag:$0xE], $0x40, s5, s14, $0xb8;
	[tilespmem:$0x1F000] =	vst v63  }
0x6b: {  	s8 =	sadd.s32 $0x2B80, s3;
	s5 =	simm.s32 $0x300;
	_ =	swait.ge [sflag:s22], $0x2000  }
0x6c: {  	s3 =	simm.s32 $0x700;
	s5 =	simm.s32 @!p0 $0x300;
	[sflag:s22] =	ssyncset.done $0x0  }
0x6d: {  	s31 =	rddreg [dreg:$0x9];
	s5 =	sadd.s32 $0x2800, s5;
	[sflag:s22] =	ssyncadd.s32 $0xFFFFE000  }
0x6e: {  	[spmem:s2] =	stream.indirect.scatter.add.f32 [tilespmem:s31], [sflag:$0xF], $0x40, s5, s14, $0xb8;
	[tilespmem:$0x1F000] =	vst v63  }
0x6f: {  	s13 =	simm.s32 $0x700;
	p0 =	por $0x1, $0x1;
	s5 =	simm.s32 $0xB00  }
.LBB2_2:
0x70: {  	_ =	swait.ge [sflag:s23], $0x2000  }
0x71: {  	[sflag:s23] =	ssyncset.done $0x0  }
0x72: {  	s24 =	simm.s32 @p0 $0x9;
	[sflag:s23] =	ssyncadd.s32 $0xFFFFE000  }
0x73: {  	[spmem:s2] =	stream.indirect.scatter.add.f32 [tilespmem:s15], [sflag:$0x10], $0x40, s8, s14, $0xb8;
	[tilespmem:$0x1F000] =	vst v63  }
0x74: {  	_ =	swait.ge @p0 [sflag:s24], $0x2000  }
0x75: {  	s28 =	simm.s32 @p0 $0x80;
	s25 =	simm.s32 @p0 $0xA;
	[sflag:s24] =	ssyncset.done @p0 $0x0  }
0x76: {  	s8 =	sadd.s32 @p0 $0xFFFFFD00, s3;
	[sflag:s24] =	ssyncadd.s32 @p0 $0xFFFFE000;
	s24 =	simm.s32 @p0 $0x5000  }
0x77: {  	[tilespmem:s24], [sflag:$0x1] =	stream.indirect.gather @p0 [hbm4b:s4+s28], $0x40, s8, s28, $0xb8;
	[tilespmem:$0x1F000] =	vst v63  }
0x78: {  	_ =	swait.ge @p0 [sflag:s25], $0x2000  }
0x79: {  	s29 =	simm.s32 @p0 $0x7000;
	[sflag:s25] =	ssyncset.done @p0 $0x0  }
0x7a: {  	s30 =	simm.s32 @p0 $0xB;
	s8 =	sadd.s32 @p0 $0xFFFFFD80, s3;
	[sflag:s25] =	ssyncadd.s32 @p0 $0xFFFFE000  }
0x7b: {  	[tilespmem:s29], [sflag:$0x2] =	stream.indirect.gather @p0 [hbm4b:s4+s28], $0x40, s8, s28, $0xb8;
	[tilespmem:$0x1F000] =	vst v63  }
0x7c: {  	_ =	swait.ge @p0 [sflag:s30], $0x2000  }
0x7d: {  	s31 =	simm.s32 @p0 $0x9000;
	[sflag:s30] =	ssyncset.done @p0 $0x0  }
0x7e: {  	s29 =	sadd.s32 @p0 $0xFFFFFE00, s3;
	[sflag:s30] =	ssyncadd.s32 @p0 $0xFFFFE000;
	s30 =	simm.s32 @p0 $0xC  }
0x7f: {  	[tilespmem:s31], [sflag:$0x3] =	stream.indirect.gather @p0 [hbm4b:s4+s28], $0x40, s29, s28, $0xb8;
	[tilespmem:$0x1F000] =	vst v63  }
0x80: {  	_ =	swait.ge @p0 [sflag:s30], $0x2000  }
0x81: {  	s29 =	sadd.s32 @p0 $0xFFFFFE80, s3;
	[sflag:s30] =	ssyncset.done @p0 $0x0  }
0x82: {  	s31 =	simm.s32 @p0 $0xB000;
	[sflag:s30] =	ssyncadd.s32 @p0 $0xFFFFE000;
	s30 =	simm.s32 @p0 $0xD  }
0x83: {  	[tilespmem:s31], [sflag:$0x4] =	stream.indirect.gather @p0 [hbm4b:s4+s28], $0x40, s29, s28, $0xb8;
	[tilespmem:$0x1F000] =	vst v63  }
0x84: {  	_ =	swait.ge @p0 [sflag:s30], $0x2000  }
0x85: {  	s29 =	sadd.s32 @p0 $0xFFFFFF00, s3;
	[sflag:s30] =	ssyncset.done @p0 $0x0  }
0x86: {  	s31 =	simm.s32 @p0 $0xD000;
	[sflag:s30] =	ssyncadd.s32 @p0 $0xFFFFE000;
	s30 =	simm.s32 @p0 $0xE  }
0x87: {  	[tilespmem:s31], [sflag:$0x5] =	stream.indirect.gather @p0 [hbm4b:s4+s28], $0x40, s29, s28, $0xb8;
	[tilespmem:$0x1F000] =	vst v63  }
0x88: {  	_ =	swait.ge @p0 [sflag:s30], $0x2000  }
0x89: {  	s29 =	sadd.s32 @p0 $0xFFFFFF80, s3;
	[sflag:s30] =	ssyncset.done @p0 $0x0  }
0x8a: {  	s31 =	simm.s32 @p0 $0xF000;
	[sflag:s30] =	ssyncadd.s32 @p0 $0xFFFFE000;
	s30 =	simm.s32 @p0 $0xF  }
0x8b: {  	[tilespmem:s31], [sflag:$0x6] =	stream.indirect.gather @p0 [hbm4b:s4+s28], $0x40, s29, s28, $0xb8;
	[tilespmem:$0x1F000] =	vst v63  }
0x8c: {  	_ =	swait.ge @p0 [sflag:s30], $0x2000  }
0x8d: {  	[sflag:s30] =	ssyncset.done @p0 $0x0  }
0x8e: {  	s29 =	simm.s32 @p0 $0x11000;
	s31 =	simm.s32 @p0 $0x10;
	[sflag:s30] =	ssyncadd.s32 @p0 $0xFFFFE000  }
0x8f: {  	[tilespmem:s29], [sflag:$0x7] =	stream.indirect.gather @p0 [hbm4b:s4+s28], $0x40, s3, s28, $0xb8;
	[tilespmem:$0x1F000] =	vst v63  }
0x90: {  	_ =	swait.ge @p0 [sflag:s31], $0x2000  }
0x91: {  	s30 =	simm.s32 @!p0 $0x5000;
	[sflag:s31] =	ssyncset.done @p0 $0x0  }
0x92: {  	s28 =	simm.s32 @!p0 $0x80;
	s29 =	simm.s32 @!p0 $0x0;
	[sflag:s31] =	ssyncadd.s32 @p0 $0xFFFFE000  }
0x93: {  	[tilespmem:s30], [sflag:$0x1] =	stream.indirect.gather @!p0 [hbm4b:s4+s28], $0x40, s29, s28, $0xb8;
	[tilespmem:$0x1F000] =	vst v63  }
0x94: {  	s29 =	simm.s32 @!p0 $0x7000  }
0x95: {  	[tilespmem:s29], [sflag:$0x2] =	stream.indirect.gather @!p0 [hbm4b:s4+s28], $0x40, s28, s28, $0xb8;
	[tilespmem:$0x1F000] =	vst v63  }
0x96: {  	s30 =	simm.s32 @!p0 $0x9000;
	s29 =	simm.s32 @!p0 $0x100  }
0x97: {  	[tilespmem:s30], [sflag:$0x3] =	stream.indirect.gather @!p0 [hbm4b:s4+s28], $0x40, s29, s28, $0xb8;
	[tilespmem:$0x1F000] =	vst v63  }
0x98: {  	s29 =	simm.s32 @!p0 $0x180;
	s30 =	simm.s32 @!p0 $0xB000  }
0x99: {  	[tilespmem:s30], [sflag:$0x4] =	stream.indirect.gather @!p0 [hbm4b:s4+s28], $0x40, s29, s28, $0xb8;
	[tilespmem:$0x1F000] =	vst v63  }
0x9a: {  	s29 =	simm.s32 @!p0 $0x200;
	s30 =	simm.s32 @!p0 $0xD000  }
0x9b: {  	[tilespmem:s30], [sflag:$0x5] =	stream.indirect.gather @!p0 [hbm4b:s4+s28], $0x40, s29, s28, $0xb8;
	[tilespmem:$0x1F000] =	vst v63  }
0x9c: {  	s7 =	sadd.s32 @p0 $0xFFFFFD00, s13;
	s29 =	simm.s32 @!p0 $0x280;
	s30 =	simm.s32 @!p0 $0xF000  }
0x9d: {  	[tilespmem:s30], [sflag:$0x6] =	stream.indirect.gather @!p0 [hbm4b:s4+s28], $0x40, s29, s28, $0xb8;
	[tilespmem:$0x1F000] =	vst v63  }
0x9e: {  	s7 =	simm.s32 @!p0 $0x0;
	s29 =	simm.s32 @!p0 $0x300;
	s30 =	simm.s32 @!p0 $0x11000  }
0x9f: {  	[tilespmem:s30], [sflag:$0x7] =	stream.indirect.gather @!p0 [hbm4b:s4+s28], $0x40, s29, s28, $0xb8;
	[tilespmem:$0x1F000] =	vst v63  }
0xa0: {  	s29 =	sor.u32 $0x380, s7  }
0xa1: {  	[tilespmem:s15], [sflag:$0x8] =	stream.indirect.gather [hbm4b:s4+s14], $0x40, s29, s14, $0xb8;
	[tilespmem:$0x1F000] =	vst v63  }
0xa2: {  	_ =	swait.ge [sflag:s16], $0x2000  }
0xa3: {  	[sflag:s16] =	ssyncset.done $0x0  }
0xa4: {  	s31 =	sadd.s32 $0x2800, s7;
	s30 =	rddreg [dreg:$0x3];
	[sflag:s16] =	ssyncadd.s32 $0xFFFFE000  }
0xa5: {  	[spmem:s2] =	stream.indirect.scatter.add.f32 [tilespmem:s30], [sflag:$0x9], $0x40, s31, s14, $0xb8;
	[tilespmem:$0x1F000] =	vst v63  }
0xa6: {  	s26 =	sadd.s32 @p0 $0xFFFFFD80, s13;
	_ =	swait.ge [sflag:s17], $0x2000  }
0xa7: {  	s26 =	simm.s32 @!p0 $0x80;
	[sflag:s17] =	ssyncset.done $0x0  }
0xa8: {  	s26 =	sadd.s32 $0x2800, s26;
	s29 =	rddreg [dreg:$0x4];
	[sflag:s17] =	ssyncadd.s32 $0xFFFFE000  }
0xa9: {  	[spmem:s2] =	stream.indirect.scatter.add.f32 [tilespmem:s29], [sflag:$0xA], $0x40, s26, s14, $0xb8;
	[tilespmem:$0x1F000] =	vst v63  }
0xaa: {  	s9 =	sadd.s32 @p0 $0xFFFFFE00, s13;
	_ =	swait.ge [sflag:s18], $0x2000  }
0xab: {  	s10 =	sadd.s32 @p0 $0xFFFFFE80, s13;
	s9 =	simm.s32 @!p0 $0x100;
	[sflag:s18] =	ssyncset.done $0x0  }
0xac: {  	s9 =	sadd.s32 $0x2800, s9;
	s30 =	rddreg [dreg:$0x5];
	[sflag:s18] =	ssyncadd.s32 $0xFFFFE000  }
0xad: {  	[spmem:s2] =	stream.indirect.scatter.add.f32 [tilespmem:s30], [sflag:$0xB], $0x40, s9, s14, $0xb8;
	[tilespmem:$0x1F000] =	vst v63  }
0xae: {  	s10 =	simm.s32 @!p0 $0x180;
	_ =	swait.ge [sflag:s19], $0x2000  }
0xaf: {  	s10 =	sadd.s32 $0x2800, s10;
	[sflag:s19] =	ssyncset.done $0x0  }
0xb0: {  	s24 =	sadd.s32 @p0 $0xFFFFFF00, s13;
	s31 =	rddreg [dreg:$0x6];
	[sflag:s19] =	ssyncadd.s32 $0xFFFFE000  }
0xb1: {  	[spmem:s2] =	stream.indirect.scatter.add.f32 [tilespmem:s31], [sflag:$0xC], $0x40, s10, s14, $0xb8;
	[tilespmem:$0x1F000] =	vst v63  }
0xb2: {  	s24 =	simm.s32 @!p0 $0x200;
	_ =	swait.ge [sflag:s20], $0x2000  }
0xb3: {  	s25 =	sadd.s32 @p0 $0xFFFFFF80, s13;
	s8 =	smov.u32 s13;
	[sflag:s20] =	ssyncset.done $0x0  }
0xb4: {  	s26 =	sadd.s32 $0x2800, s24;
	s10 =	rddreg [dreg:$0x7];
	[sflag:s20] =	ssyncadd.s32 $0xFFFFE000  }
0xb5: {  	[spmem:s2] =	stream.indirect.scatter.add.f32 [tilespmem:s10], [sflag:$0xD], $0x40, s26, s14, $0xb8;
	[tilespmem:$0x1F000] =	vst v63  }
0xb6: {  	s13 =	smov.u32 s5;
	s5 =	sadd.s32 $0x400, s5;
	_ =	swait.ge [sflag:s21], $0x2000  }
0xb7: {  	s25 =	simm.s32 @!p0 $0x280;
	p1 =	sne.s32 s5, $0x2B00;
	[sflag:s21] =	ssyncset.done $0x0  }
0xb8: {  	s29 =	sadd.s32 $0x2800, s25;
	s28 =	rddreg [dreg:$0x8];
	[sflag:s21] =	ssyncadd.s32 $0xFFFFE000  }
0xb9: {  	[spmem:s2] =	stream.indirect.scatter.add.f32 [tilespmem:s28], [sflag:$0xE], $0x40, s29, s14, $0xb8;
	[tilespmem:$0x1F000] =	vst v63  }
.Ltmp0:
0xba: {  	_ = 	snop;
	(pc) =	sbr.rel @p1 .LBB2_2-.Ltmp0, $4  }
0xbb: {  	s8 =	simm.s32 @!p0 $0x300;
	s3 =	sadd.s32 $0x400, s3;
	_ =	swait.ge [sflag:s22], $0x2000  }
0xbc: {  	p0 =	sne.s32 s13, $0x300;
	s31 =	sadd.s32 $0x2800, s8;
	[sflag:s22] =	ssyncset.done $0x0  }
0xbd: {  	s8 =	sadd.s32 $0x2B80, s7;
	s30 =	rddreg [dreg:$0x9];
	[sflag:s22] =	ssyncadd.s32 $0xFFFFE000  }
0xbe: {  	[spmem:s2] =	stream.indirect.scatter.add.f32 [tilespmem:s30], [sflag:$0xF], $0x40, s31, s14, $0xb8;
	[tilespmem:$0x1F000] =	vst v63  }
0xbf: {  	_ =	swait.ge [sflag:s23], $0x2000  }
0xc0: {  	[sflag:s23] =	ssyncset.done $0x0  }
0xc1: {  	s5 =	simm.s32 @p0 $0x9;
	[sflag:s23] =	ssyncadd.s32 $0xFFFFE000  }
0xc2: {  	[spmem:s2] =	stream.indirect.scatter.add.f32 [tilespmem:s15], [sflag:$0x10], $0x40, s8, s14, $0xb8;
	[tilespmem:$0x1F000] =	vst v63  }
0xc3: {  	_ =	swait.ge @p0 [sflag:s5], $0x2000  }
0xc4: {  	s7 =	sadd.s32 @p0 $0xFFFFFD00, s3;
	[sflag:s5] =	ssyncset.done @p0 $0x0  }
0xc5: {  	s8 =	simm.s32 @p0 $0x80;
	[sflag:s5] =	ssyncadd.s32 @p0 $0xFFFFE000;
	s5 =	simm.s32 @p0 $0x5000  }
0xc6: {  	[tilespmem:s5], [sflag:$0x1] =	stream.indirect.gather @p0 [hbm4b:s4+s8], $0x40, s7, s8, $0xb8;
	[tilespmem:$0x1F000] =	vst v63  }
0xc7: {  	s5 =	simm.s32 @p0 $0xA  }
0xc8: {  	_ =	swait.ge @p0 [sflag:s5], $0x2000  }
0xc9: {  	[sflag:s5] =	ssyncset.done @p0 $0x0  }
0xca: {  	s7 =	sadd.s32 @p0 $0xFFFFFD80, s3;
	[sflag:s5] =	ssyncadd.s32 @p0 $0xFFFFE000;
	s5 =	simm.s32 @p0 $0x7000  }
0xcb: {  	[tilespmem:s5], [sflag:$0x2] =	stream.indirect.gather @p0 [hbm4b:s4+s8], $0x40, s7, s8, $0xb8;
	[tilespmem:$0x1F000] =	vst v63  }
0xcc: {  	s5 =	simm.s32 @p0 $0xB  }
0xcd: {  	_ =	swait.ge @p0 [sflag:s5], $0x2000  }
0xce: {  	[sflag:s5] =	ssyncset.done @p0 $0x0  }
0xcf: {  	s7 =	sadd.s32 @p0 $0xFFFFFE00, s3;
	[sflag:s5] =	ssyncadd.s32 @p0 $0xFFFFE000;
	s5 =	simm.s32 @p0 $0x9000  }
0xd0: {  	[tilespmem:s5], [sflag:$0x3] =	stream.indirect.gather @p0 [hbm4b:s4+s8], $0x40, s7, s8, $0xb8;
	[tilespmem:$0x1F000] =	vst v63  }
0xd1: {  	s5 =	simm.s32 @p0 $0xC  }
0xd2: {  	_ =	swait.ge @p0 [sflag:s5], $0x2000  }
0xd3: {  	[sflag:s5] =	ssyncset.done @p0 $0x0  }
0xd4: {  	s7 =	sadd.s32 @p0 $0xFFFFFE80, s3;
	[sflag:s5] =	ssyncadd.s32 @p0 $0xFFFFE000;
	s5 =	simm.s32 @p0 $0xB000  }
0xd5: {  	[tilespmem:s5], [sflag:$0x4] =	stream.indirect.gather @p0 [hbm4b:s4+s8], $0x40, s7, s8, $0xb8;
	[tilespmem:$0x1F000] =	vst v63  }
0xd6: {  	s5 =	simm.s32 @p0 $0xD  }
0xd7: {  	_ =	swait.ge @p0 [sflag:s5], $0x2000  }
0xd8: {  	[sflag:s5] =	ssyncset.done @p0 $0x0  }
0xd9: {  	s7 =	sadd.s32 @p0 $0xFFFFFF00, s3;
	[sflag:s5] =	ssyncadd.s32 @p0 $0xFFFFE000;
	s5 =	simm.s32 @p0 $0xD000  }
0xda: {  	[tilespmem:s5], [sflag:$0x5] =	stream.indirect.gather @p0 [hbm4b:s4+s8], $0x40, s7, s8, $0xb8;
	[tilespmem:$0x1F000] =	vst v63  }
0xdb: {  	s5 =	simm.s32 @p0 $0xE  }
0xdc: {  	_ =	swait.ge @p0 [sflag:s5], $0x2000  }
0xdd: {  	[sflag:s5] =	ssyncset.done @p0 $0x0  }
0xde: {  	s7 =	sadd.s32 @p0 $0xFFFFFF80, s3;
	[sflag:s5] =	ssyncadd.s32 @p0 $0xFFFFE000;
	s5 =	simm.s32 @p0 $0xF000  }
0xdf: {  	[tilespmem:s5], [sflag:$0x6] =	stream.indirect.gather @p0 [hbm4b:s4+s8], $0x40, s7, s8, $0xb8;
	[tilespmem:$0x1F000] =	vst v63  }
0xe0: {  	s5 =	simm.s32 @p0 $0xF  }
0xe1: {  	_ =	swait.ge @p0 [sflag:s5], $0x2000  }
0xe2: {  	[sflag:s5] =	ssyncset.done @p0 $0x0  }
0xe3: {  	[sflag:s5] =	ssyncadd.s32 @p0 $0xFFFFE000;
	s5 =	simm.s32 @p0 $0x11000  }
0xe4: {  	[tilespmem:s5], [sflag:$0x7] =	stream.indirect.gather @p0 [hbm4b:s4+s8], $0x40, s3, s8, $0xb8;
	[tilespmem:$0x1F000] =	vst v63  }
0xe5: {  	s3 =	simm.s32 @p0 $0x10  }
0xe6: {  	_ =	swait.ge @p0 [sflag:s3], $0x2000  }
0xe7: {  	s7 =	simm.s32 @!p0 $0x0;
	[sflag:s3] =	ssyncset.done @p0 $0x0  }
0xe8: {  	s5 =	simm.s32 @!p0 $0x80;
	[sflag:s3] =	ssyncadd.s32 @p0 $0xFFFFE000;
	s3 =	simm.s32 @!p0 $0x5000  }
0xe9: {  	[tilespmem:s3], [sflag:$0x1] =	stream.indirect.gather @!p0 [hbm4b:s4+s5], $0x40, s7, s5, $0xb8;
	[tilespmem:$0x1F000] =	vst v63  }
0xea: {  	s3 =	simm.s32 @!p0 $0x7000  }
0xeb: {  	[tilespmem:s3], [sflag:$0x2] =	stream.indirect.gather @!p0 [hbm4b:s4+s5], $0x40, s5, s5, $0xb8;
	[tilespmem:$0x1F000] =	vst v63  }
0xec: {  	s7 =	simm.s32 @!p0 $0x9000;
	s3 =	simm.s32 @!p0 $0x100  }
0xed: {  	[tilespmem:s7], [sflag:$0x3] =	stream.indirect.gather @!p0 [hbm4b:s4+s5], $0x40, s3, s5, $0xb8;
	[tilespmem:$0x1F000] =	vst v63  }
0xee: {  	s3 =	simm.s32 @!p0 $0x180;
	s7 =	simm.s32 @!p0 $0xB000  }
0xef: {  	[tilespmem:s7], [sflag:$0x4] =	stream.indirect.gather @!p0 [hbm4b:s4+s5], $0x40, s3, s5, $0xb8;
	[tilespmem:$0x1F000] =	vst v63  }
0xf0: {  	s3 =	simm.s32 @!p0 $0x200;
	s7 =	simm.s32 @!p0 $0xD000  }
0xf1: {  	[tilespmem:s7], [sflag:$0x5] =	stream.indirect.gather @!p0 [hbm4b:s4+s5], $0x40, s3, s5, $0xb8;
	[tilespmem:$0x1F000] =	vst v63  }
0xf2: {  	s3 =	simm.s32 @!p0 $0x280;
	s7 =	simm.s32 @!p0 $0xF000  }
0xf3: {  	[tilespmem:s7], [sflag:$0x6] =	stream.indirect.gather @!p0 [hbm4b:s4+s5], $0x40, s3, s5, $0xb8;
	[tilespmem:$0x1F000] =	vst v63  }
0xf4: {  	s3 =	simm.s32 @!p0 $0x300;
	s7 =	simm.s32 @!p0 $0x11000  }
0xf5: {  	[tilespmem:s7], [sflag:$0x7] =	stream.indirect.gather @!p0 [hbm4b:s4+s5], $0x40, s3, s5, $0xb8;
	[tilespmem:$0x1F000] =	vst v63  }
0xf6: {  	s3 =	sadd.s32 @p0 $0xFFFFFD00, s13  }
0xf7: {  	s3 =	simm.s32 @!p0 $0x0  }
0xf8: {  	s10 =	sor.u32 $0x380, s3  }
0xf9: {  	[tilespmem:s15], [sflag:$0x8] =	stream.indirect.gather [hbm4b:s4+s14], $0x40, s10, s14, $0xb8;
	[tilespmem:$0x1F000] =	vst v63  }
0xfa: {  	_ =	swait.ge [sflag:s16], $0x2000  }
0xfb: {  	[sflag:s16] =	ssyncset.done $0x0  }
0xfc: {  	s25 =	sadd.s32 $0x2800, s3;
	s24 =	rddreg [dreg:$0x3];
	[sflag:s16] =	ssyncadd.s32 $0xFFFFE000  }
0xfd: {  	[spmem:s2] =	stream.indirect.scatter.add.f32 [tilespmem:s24], [sflag:$0x9], $0x40, s25, s14, $0xb8;
	[tilespmem:$0x1F000] =	vst v63  }
0xfe: {  	s5 =	sadd.s32 @p0 $0xFFFFFD80, s13;
	_ =	swait.ge [sflag:s17], $0x2000  }
0xff: {  	s5 =	simm.s32 @!p0 $0x80;
	[sflag:s17] =	ssyncset.done $0x0  }
0x100: {  	s5 =	sadd.s32 $0x2800, s5;
	s26 =	rddreg [dreg:$0x4];
	[sflag:s17] =	ssyncadd.s32 $0xFFFFE000  }
0x101: {  	[spmem:s2] =	stream.indirect.scatter.add.f32 [tilespmem:s26], [sflag:$0xA], $0x40, s5, s14, $0xb8;
	[tilespmem:$0x1F000] =	vst v63  }
0x102: {  	s5 =	sadd.s32 @p0 $0xFFFFFE00, s13;
	_ =	swait.ge [sflag:s18], $0x2000  }
0x103: {  	s5 =	simm.s32 @!p0 $0x100;
	[sflag:s18] =	ssyncset.done $0x0  }
0x104: {  	s28 =	rddreg [dreg:$0x5];
	s5 =	sadd.s32 $0x2800, s5;
	[sflag:s18] =	ssyncadd.s32 $0xFFFFE000  }
0x105: {  	[spmem:s2] =	stream.indirect.scatter.add.f32 [tilespmem:s28], [sflag:$0xB], $0x40, s5, s14, $0xb8;
	[tilespmem:$0x1F000] =	vst v63  }
0x106: {  	s5 =	sadd.s32 @p0 $0xFFFFFE80, s13;
	_ =	swait.ge [sflag:s19], $0x2000  }
0x107: {  	s5 =	simm.s32 @!p0 $0x180;
	[sflag:s19] =	ssyncset.done $0x0  }
0x108: {  	s29 =	rddreg [dreg:$0x6];
	s5 =	sadd.s32 $0x2800, s5;
	[sflag:s19] =	ssyncadd.s32 $0xFFFFE000  }
0x109: {  	[spmem:s2] =	stream.indirect.scatter.add.f32 [tilespmem:s29], [sflag:$0xC], $0x40, s5, s14, $0xb8;
	[tilespmem:$0x1F000] =	vst v63  }
0x10a: {  	s5 =	sadd.s32 @p0 $0xFFFFFF00, s13;
	_ =	swait.ge [sflag:s20], $0x2000  }
0x10b: {  	s5 =	simm.s32 @!p0 $0x200;
	[sflag:s20] =	ssyncset.done $0x0  }
0x10c: {  	s30 =	rddreg [dreg:$0x7];
	s5 =	sadd.s32 $0x2800, s5;
	[sflag:s20] =	ssyncadd.s32 $0xFFFFE000  }
0x10d: {  	[spmem:s2] =	stream.indirect.scatter.add.f32 [tilespmem:s30], [sflag:$0xD], $0x40, s5, s14, $0xb8;
	[tilespmem:$0x1F000] =	vst v63  }
0x10e: {  	s5 =	sadd.s32 @p0 $0xFFFFFF80, s13;
	_ =	swait.ge [sflag:s21], $0x2000  }
0x10f: {  	s5 =	simm.s32 @!p0 $0x280;
	[sflag:s21] =	ssyncset.done $0x0  }
0x110: {  	s31 =	rddreg [dreg:$0x8];
	s5 =	sadd.s32 $0x2800, s5;
	[sflag:s21] =	ssyncadd.s32 $0xFFFFE000  }
0x111: {  	[spmem:s2] =	stream.indirect.scatter.add.f32 [tilespmem:s31], [sflag:$0xE], $0x40, s5, s14, $0xb8;
	[tilespmem:$0x1F000] =	vst v63  }
0x112: {  	_ =	swait.ge [sflag:s22], $0x2000  }
0x113: {  	s13 =	simm.s32 @!p0 $0x300;
	[sflag:s22] =	ssyncset.done $0x0  }
0x114: {  	s9 =	sadd.s32 $0x2800, s13;
	s8 =	rddreg [dreg:$0x9];
	[sflag:s22] =	ssyncadd.s32 $0xFFFFE000  }
0x115: {  	[spmem:s2] =	stream.indirect.scatter.add.f32 [tilespmem:s8], [sflag:$0xF], $0x40, s9, s14, $0xb8;
	[tilespmem:$0x1F000] =	vst v63  }
0x116: {  	_ =	swait.ge [sflag:s23], $0x2000  }
0x117: {  	[sflag:s23] =	ssyncset.done $0x0  }
0x118: {  	s3 =	sadd.s32 $0x2B80, s3;
	s10 =	simm.s32 $0x9;
	[sflag:s23] =	ssyncadd.s32 $0xFFFFE000  }
0x119: {  	[spmem:s2] =	stream.indirect.scatter.add.f32 [tilespmem:s15], [sflag:$0x10], $0x40, s3, s14, $0xb8;
	[tilespmem:$0x1F000] =	vst v63  }
0x11a: {  	_ =	swait.ge [sflag:s10], $0x2000  }
0x11b: {  	[sflag:s10] =	ssyncset.done $0x0  }
0x11c: {  	s13 =	simm.s32 $0xA;
	[sflag:s10] =	ssyncadd.s32 $0xFFFFE000  }
0x11d: {  	_ =	swait.ge [sflag:s13], $0x2000  }
0x11e: {  	[sflag:s13] =	ssyncset.done $0x0  }
0x11f: {  	s24 =	simm.s32 $0xB;
	[sflag:s13] =	ssyncadd.s32 $0xFFFFE000  }
0x120: {  	_ =	swait.ge [sflag:s24], $0x2000  }
0x121: {  	[sflag:s24] =	ssyncset.done $0x0  }
0x122: {  	s25 =	simm.s32 $0xC;
	[sflag:s24] =	ssyncadd.s32 $0xFFFFE000  }
0x123: {  	_ =	swait.ge [sflag:s25], $0x2000  }
0x124: {  	[sflag:s25] =	ssyncset.done $0x0  }
0x125: {  	s26 =	simm.s32 $0xD;
	[sflag:s25] =	ssyncadd.s32 $0xFFFFE000  }
0x126: {  	_ =	swait.ge [sflag:s26], $0x2000  }
0x127: {  	[sflag:s26] =	ssyncset.done $0x0  }
0x128: {  	s28 =	simm.s32 $0xE;
	[sflag:s26] =	ssyncadd.s32 $0xFFFFE000  }
0x129: {  	_ =	swait.ge [sflag:s28], $0x2000  }
0x12a: {  	[sflag:s28] =	ssyncset.done $0x0  }
0x12b: {  	s29 =	simm.s32 $0xF;
	[sflag:s28] =	ssyncadd.s32 $0xFFFFE000  }
0x12c: {  	_ =	swait.ge [sflag:s29], $0x2000  }
0x12d: {  	[sflag:s29] =	ssyncset.done $0x0  }
0x12e: {  	[sflag:s29] =	ssyncadd.s32 $0xFFFFE000  }
0x12f: {  	_ =	swait.ge [sflag:s1], $0x2000  }
0x130: {  	[sflag:s1] =	ssyncset.done $0x0  }
0x131: {  	[sflag:s1] =	ssyncadd.s32 $0xFFFFE000  }
0x132: {  	[bflag:$0x0] =	sbarrier.arrive $0xFFFF  }
0x133: {  	s30 =	rddreg [dreg:$0xd]  }
0x134: {  	[hbm:s30@s1], [sflag:s6] =	dma.strided [spmem:s11@s23], $0x1400, s16, $0x8   }
0x135: {  	_ =	swait.ge [sflag:s12], $0x1400  }
0x136: {  	s0 =	sadd.s32 $0x1, s0;
	s31 =	rddreg [dreg:$0xe]  }
0x137: {  	p0 =	sne.s32 s0, s31  }
.Ltmp1:
0x138: {  	_ = 	snop;
	(pc) =	sbr.rel @p0 .LBB2_1-.Ltmp1, $3  }
0x139: {  	_ =	sdelay $0x1  }
0x13a: {  	[sflag:s12] =	ssyncset.done $0x0  }
0x13b: {  	[sflag:s12] =	ssyncadd.s32 $0xFFFFEC00  }
0x13c: {  	_ =	sfence.sel $0x180000  }
0x13d: {  	[bflag:$0x0] =	sbarrier.arrive $0xFFFF  }
0x13e: {  	_ =	strace $0x9000004A  }
0x13f: {  	s0 =	stileid.u32;
	[bflag:$0x2] =	sbarrier.arrive $0xFFFF  }
0x140: {  	p0 =	sne.s32 s0, $0x0;
	s0 =	rddreg [dreg:$0x2]  }
0x141: {  	s0 =	sadd.s32 @!p0 $0x100000, s0  }
0x142: {  	[sflag:s0] =	ssyncadd.tile.s32 @!p0 $0x1;
	_ =	shalt  }
.Lfunc_end2:
_tile_overlayer_lowered:
.L_overlay_start_2:
0x143: {  	(tag) =	ssettag $0x2  }
0x144: {  	s0 =	rddreg [dreg:$0x0];
	s2 =	stileid.u32  }
0x145: {  	s1 =	rddreg [dreg:$0x1];
	p0 =	sne.s32 s2, $0x0  }
0x146: {  	s3 =	rddreg [dreg:$0x2];
	[bflag:$0x3] =	sbarrier.arrive $0xFFFF;
	s2 =	simm.s32 @!p0 $0x1C11  }
0x147: {  	[timem:s3], [sflag:s2] =	dma.local @!p0 [hbm:s0], s1  }
0x148: {  	s0 =	simm.s32 @!p0 $0x11  }
0x149: {  	_ =	swait.ge @!p0 [sflag:s0], s1  }
0x14a: {  	s1 =	ssub.s32 @!p0 $0x0, s1;
	[sflag:s0] =	ssyncset.done @!p0 $0x0  }
0x14b: {  	[sflag:s0] =	ssyncadd.s32 @!p0 s1  }
0x14c: {  	[bflag:$0x3] =	sbarrier.arrive $0xFFFF  }
0x14d: {  	_ =	shalt  }

// kernel: kernel.17.cloned.1.call-start
scs
__scs_entry_jumppad:
0x0: {  	(pc) =	sbr.rel $0x88, $3  }
0x1: {  	(tag) =	ssettag $0x0;
	lr =	simm.s32 $0x1  }
0x2: {  	[smem:$0x3F81] =	sst lr;
	_ =	strace $0xD0000000  }
0x3: {  	_ = 	snop  }
0x4: {  	_ = 	snop  }
0x5: {  	_ = 	snop  }
0x6: {  	_ = 	snop  }
0x7: {  	_ = 	snop  }
__scs_overlays_trampoline_lowered:
0x8: {  	[smem:$0x3F90] =	sst s0  }
0x9: {  	[smem:$0x3F91] =	sst s1  }
0xa: {  	[smem:$0x3F92] =	sst s2  }
0xb: {  	[smem:$0x3F93] =	sst s3  }
0xc: {  	[smem:$0x3F94] =	sst s4  }
0xd: {  	[smem:$0x3F95] =	sst s5  }
0xe: {  	[smem:$0x3F96] =	sst s6  }
0xf: {  	[smem:$0x3F97] =	sst s7  }
0x10: {  	[smem:$0x3F98] =	sst s8  }
0x11: {  	[smem:$0x3F99] =	sst s9;
	s0 =	simm.s32 @!p0 $0x0  }
0x12: {  	s1 =	sld [smem:$0x3F7F];
	s0 =	simm.s32 @p0 $0x1  }
0x13: {  	[smem:$0x3F9A] =	sst s0;
	s0 =	simm.s32 @!p1 $0x0  }
0x14: {  	s2 =	sld [smem:$0x3F7E];
	s0 =	simm.s32 @p1 $0x1  }
0x15: {  	[smem:$0x3F9B] =	sst s0;
	s0 =	simm.s32 @!p2 $0x0  }
0x16: {  	s3 =	sld [smem:$0x3FDB];
	s0 =	simm.s32 @p2 $0x1  }
0x17: {  	s4 =	simm.s32 $0x1BF5;
	[smem:$0x3F9D] =	sst s0  }
0x18: {  	s0 =	sld [smem:$0x3F80];
	_ =	swait.ge [sflag:s4], $0x0  }
0x19: {  	s7 =	sld [smem:$0x3F81]  }
0x1a: {  	s8 =	sadd.s32 $0xFFFFE003, lr  }
0x1b: {  	s9 =	sadd.s32 $0xFFFFFEF7, lr;
	s5 =	simm.s32 $0xFFFFFFFF;
	p2 =	slt.u32 s8, $0xFFFFF086  }
0x1c: {  	p1 =	slt.u32 s9, $0xF7A;
	s5 =	simm.s32 @!p2 $0x0  }
0x1d: {  	s5 =	simm.s32 @p1 $0x1;
	p0 =	seq.s32 s7, s2  }
0x1e: {  	s7 =	smul.u32 @!p0 $0xF7A, s2;
	p2 =	seq.s32 @!p0 s5, $0x0  }
0x1f: {  	s9 =	smul.u32 $0xF7A, s1;
	s8 =	simm.s32 @!p0 $0x1BF5;
	p2 =	por !p2, p0  }
0x20: {  	[sflag:s8] =	ssyncset.s32 @!p0 $0xFFFFF086;
	s6 =	sadd.s32 @!p0 s3, s7;
	s7 =	simm.s32 @!p0 $0x108  }
0x21: {  	s3 =	sadd.s32 s3, s9;
	s6 =	sadd.s32 @!p0 $0x88, s6;
	s7 =	simm.s32 @p2 $0x1082  }
0x22: {  	[simem:s7], [sflag:s8] =	dma.local @!p0 [hbm:s6], $0xF7A  }
0x23: {  	s9 =	sor.u32 $0xD0000000, s2;
	s6 =	simm.s32 $0x108;
	_ =	swait.ge @!p0 [sflag:s8], $0x0  }
0x24: {  	s3 =	sadd.s32 $0x88, s3;
	s6 =	simm.s32 @!p1 $0x1082;
	[sflag:s4] =	ssyncset.s32 $0xFFFFF086  }
0x25: {  	[simem:s6], [sflag:s4] =	dma.local [hbm:s3], $0xF7A  }
0x26: {  	[smem:$0x3F81] =	sst s1;
	(tag) =	ssettag s2;
	_ =	strace s9  }
0x27: {  	s1 =	sld [smem:$0x3F91]  }
0x28: {  	s2 =	sld [smem:$0x3F92]  }
0x29: {  	s4 =	sld [smem:$0x3F94]  }
0x2a: {  	p0 =	seq.s32 s5, $0x0;
	s5 =	sld [smem:$0x3F95]  }
0x2b: {  	s6 =	sld [smem:$0x3F96]  }
0x2c: {  	s7 =	sld [smem:$0x3F97]  }
0x2d: {  	s3 =	simm.s32 $0x108;
	s8 =	sld [smem:$0x3F98]  }
0x2e: {  	s3 =	simm.s32 @!p0 $0x1082;
	s9 =	sld [smem:$0x3F99]  }
0x2f: {  	lr =	sadd.s32 s0, s3;
	s0 =	sld [smem:$0x3F90]  }
0x30: {  	s3 =	sld [smem:$0x3F93]  }
0x31: {  	[smem:$0x3F9C] =	sst s10  }
0x32: {  	s10 =	sld [smem:$0x3F9A];
	_ =	sdelay $0x3  }
0x33: {  	p0 =	seq.s32 s10, $0x1;
	s10 =	sld [smem:$0x3F9C];
	_ =	sdelay $0x3  }
0x34: {  	[smem:$0x3F9C] =	sst s10  }
0x35: {  	s10 =	sld [smem:$0x3F9B];
	_ =	sdelay $0x3  }
0x36: {  	p1 =	seq.s32 s10, $0x1;
	s10 =	sld [smem:$0x3F9C];
	_ =	sdelay $0x3  }
0x37: {  	[smem:$0x3F9C] =	sst s10  }
0x38: {  	s10 =	sld [smem:$0x3F9D]  }
0x39: {  	_ = 	snop;
	(pc) =	sbr.ind lr, $3  }
0x3a: {  	_ = 	snop  }
0x3b: {  	_ = 	snop  }
0x3c: {  	p2 =	seq.s32 s10, $0x1;
	s10 =	sld [smem:$0x3F9C]  }
0x3d: {  	_ =	shalt  }
0x3e: {  	_ =	shalt  }
0x3f: {  	_ =	shalt  }
0x40: {  	_ =	shalt  }
0x41: {  	_ =	shalt  }
0x42: {  	_ =	shalt  }
0x43: {  	_ =	shalt  }
0x44: {  	_ =	shalt  }
0x45: {  	_ =	shalt  }
0x46: {  	_ =	shalt  }
0x47: {  	_ =	shalt  }
0x48: {  	_ =	shalt  }
0x49: {  	_ =	shalt  }
0x4a: {  	_ =	shalt  }
0x4b: {  	_ =	shalt  }
0x4c: {  	_ =	shalt  }
0x4d: {  	_ =	shalt  }
0x4e: {  	_ =	shalt  }
0x4f: {  	_ =	shalt  }
0x50: {  	_ =	shalt  }
0x51: {  	_ =	shalt  }
0x52: {  	_ =	shalt  }
0x53: {  	_ =	shalt  }
0x54: {  	_ =	shalt  }
0x55: {  	_ =	shalt  }
0x56: {  	_ =	shalt  }
0x57: {  	_ =	shalt  }
0x58: {  	_ =	shalt  }
0x59: {  	_ =	shalt  }
0x5a: {  	_ =	shalt  }
0x5b: {  	_ =	shalt  }
0x5c: {  	_ =	shalt  }
0x5d: {  	_ =	shalt  }
0x5e: {  	_ =	shalt  }
0x5f: {  	_ =	shalt  }
0x60: {  	_ =	shalt  }
0x61: {  	_ =	shalt  }
0x62: {  	_ =	shalt  }
0x63: {  	_ =	shalt  }
0x64: {  	_ =	shalt  }
0x65: {  	_ =	shalt  }
0x66: {  	_ =	shalt  }
0x67: {  	_ =	shalt  }
0x68: {  	_ =	shalt  }
0x69: {  	_ =	shalt  }
0x6a: {  	_ =	shalt  }
0x6b: {  	_ =	shalt  }
0x6c: {  	_ =	shalt  }
0x6d: {  	_ =	shalt  }
0x6e: {  	_ =	shalt  }
0x6f: {  	_ =	shalt  }
0x70: {  	_ =	shalt  }
0x71: {  	_ =	shalt  }
0x72: {  	_ =	shalt  }
0x73: {  	_ =	shalt  }
0x74: {  	_ =	shalt  }
0x75: {  	_ =	shalt  }
0x76: {  	_ =	shalt  }
0x77: {  	_ =	shalt  }
0x78: {  	_ =	shalt  }
0x79: {  	_ =	shalt  }
0x7a: {  	_ =	shalt  }
0x7b: {  	_ =	shalt  }
0x7c: {  	_ =	shalt  }
0x7d: {  	_ =	shalt  }
0x7e: {  	_ =	shalt  }
0x7f: {  	_ =	shalt  }
0x80: {  	_ =	shalt  }
0x81: {  	_ =	shalt  }
0x82: {  	_ =	shalt  }
0x83: {  	_ =	shalt  }
0x84: {  	_ =	shalt  }
0x85: {  	_ =	shalt  }
0x86: {  	_ =	shalt  }
0x87: {  	_ =	shalt  }
.Lfunc_end0:
.L_simem_size_0:
called_computation.2_lowered:
.L_overlay_start_0:
0x88: {  	s2 =	sld [smem:$0x3FD9]  }
0x89: {  	s3 =	sld [smem:$0x3FFE];
	_ =	sdelay $0x1  }
0x8a: {  	s1 =	srdreg.scid  }
0x8b: {  	s0 =	sand.u32 $0x1, s1  }
0x8c: {  	s16 =	sshll.u32 s0, $0xA;
	s2 =	sadd.s32 s3, s2  }
0x8d: {  	s2 =	sadd.s32 s2, s16  }
0x8e: {  	[smem:$0x3FA8] =	sst s2  }
0x8f: {  	_ = 	snop  }
0x90: {  	(tm) =	ssettm $0x1  }
0x91: {  	s17 =	sld [smem:$0x3FFB];
	_ =	sdelay $0x3  }
0x92: {  	_ =	strace s17  }
0x93: {  	s2 =	sld [smem:$0x3FFC];
	_ =	sdelay $0x3  }
0x94: {  	_ =	strace s2  }
0x95: {  	s2 =	sld [smem:$0x3FFD];
	_ =	sdelay $0x3  }
0x96: {  	_ =	strace s2  }
0x97: {  	_ =	strace $0x8FFFFFFF  }
0x98: {  	s18 =	sld [smem:$0x3FDB];
	_ =	sdelay $0x1  }
0x99: {  	s19 =	simm.s32 $_scs_section_size  }
0x9a: {  	s4 =	simm.s32 $_size__tile_overlayer_lowered;
	s5 =	simm.s32 $_tile_overlayer_lowered  }
0x9b: {  	s22 =	simm.s32 $0x1BFF;
	s21 =	sshll.u32 s5, $0x1;
	s2 =	sadd.s32 s19, s18  }
0x9c: {  	s6 =	simm.s32 $0x0;
	s20 =	sshll.u32 s4, $0x1;
	s4 =	sadd.s32 s21, s2  }
0x9d: {  	[timem:s6], [sflag:s22] =	dma.local [hbm:s4], s20  }
0x9e: {  	_ =	swait.ge [sflag:s22], s20  }
0x9f: {  	s3 =	ssub.s32 $0x0, s20;
	[sflag:s22] =	ssyncset.done $0x0  }
0xa0: {  	[sflag:s22] =	ssyncadd.s32 s3;
	_ =	sdelay $0x1  }
0xa1: {  	s23 =	simm.s32 $0x1B8B  }
0xa2: {  	_ =	swait.ge [sflag:s23], $0x1  }
0xa3: {  	[sflag:s23] =	ssyncset.done $0x0  }
0xa4: {  	s25 =	simm.s32 $0x1B8E;
	s24 =	sld [smem:$0x3FFE];
	[sflag:s23] =	ssyncadd.s32 $0xFFFFFFFF  }
0xa5: {  	s26 =	simm.s32 $execute0_lowered;
	[smem:$0x3FD2] =	sst s25  }
0xa6: {  	s4 =	sshll.u32 s26, $0x1;
	_ =	strace $0x8000004C;
	[dreg:$0x1] =	wrdreg $0xFFFFFFFF  }
0xa7: {  	s28 =	simm.s32 $_size_execute0_lowered;
	s2 =	sadd.s32 s2, s4;
	[dreg:$0x0] =	wrdreg $0x0  }
0xa8: {  	s4 =	sshll.u32 s28, $0x1;
	[dreg:$0x2] =	wrdreg s2  }
0xa9: {  	[dreg:$0x3] =	wrdreg s4  }
0xaa: {  	[dreg:$0x4] =	wrdreg $0xC0  }
0xab: {  	_ =	task [dreg:s6], $0x5FFFF  }
0xac: {  	[dreg:$0x1] =	wrdreg $0xFFFFFFFF  }
0xad: {  	[dreg:$0x0] =	wrdreg $0x60  }
0xae: {  	[dreg:$0x2] =	wrdreg s24  }
0xaf: {  	[dreg:$0x3] =	wrdreg $0x150000  }
0xb0: {  	[dreg:$0x4] =	wrdreg $0x9  }
0xb1: {  	_ =	task.clear_ibuf [dreg:s6], $0x5FFFF;
	_ =	strace $0x9000004C  }
0xb2: {  	s29 =	simm.s32 $0x9;
	_ =	strace $0x8000004E  }
0xb3: {  	_ =	swait.ge [sflag:s29], $0x1  }
0xb4: {  	[sflag:s29] =	ssyncadd.s32 $0xFFFFFFFF  }
0xb5: {  	_ =	strace $0x9000004E  }
0xb6: {  	_ =	sfence  }
0xb7: {  	s30 =	sld [smem:$0x0];
	_ =	sdelay $0x2  }
0xb8: {  	s31 =	sshll.u32 s1, $0xD;
	s1 =	sshrl.u32 s1, $0x2  }
0xb9: {  	s3 =	sand.u32 $0x4000, s31;
	s1 =	sadd.s32 s1, s30  }
0xba: {  	s0 =	sor.u32 s3, s0;
	s1 =	sshll.u32 s1, $0x11  }
0xbb: {  	s0 =	sor.u32 s1, s0  }
0xbc: {  	s0 =	sadd.s32 $0x8F2B, s0  }
0xbd: {  	[sflag:s0] =	ssyncadd.remote.s32 $0x1  }
0xbe: {  	_ =	sfence.sel $0xFFFF  }
0xbf: {  	[dreg:$0x0] =	wrdreg $0xFFFFFFFF;
	(pc) =	sbr.abs _section_cstart, $3  }
0xc0: {  	[dreg:$0x1] =	wrdreg $0xFFFFFFFF  }
0xc1: {  	_ =	task.clear_ibuf [dreg:s6], $0x2FFFF;
	_ =	strace $0x9FFFFFFF  }
0xc2: {  	(tm) =	ssettm $0x7FFFFFFF  }
0xc3: {  	_ =	shalt  }
tec
execute0_lowered:
.L_overlay_start_1:
0x0: {  	(tag) =	ssettag $0x1  }
0x1: {  	s0 =	srdreg.scid;
	s3 =	rddreg [dreg:$0x0]  }
0x2: {  	s7 =	stileid.u32;
	s2 =	rddreg [dreg:$0x1]  }
0x3: {  	s4 =	simm.s32 $0x0;
	s12 =	simm.s32 $0x11;
	s14 =	simm.s32 $0x80  }
0x4: {  	s15 =	simm.s32 $0x13000;
	s24 =	simm.s32 $0x5000;
	s16 =	simm.s32 $0x1  }
0x5: {  	s25 =	simm.s32 $0x7000;
	[smem:$0x7FF] =	sst s4;
	s8 =	sadd.s32 $0x2C400, s3  }
0x6: {  	s17 =	simm.s32 $0x2;
	_ =	strace $0x8000004D;
	[dreg:$0xa] =	wrdreg s8  }
0x7: {  	s26 =	simm.s32 $0x9000;
	s28 =	simm.s32 $0xB000;
	[dreg:$0x3] =	wrdreg s24  }
0x8: {  	s29 =	simm.s32 $0xD000;
	s30 =	simm.s32 $0xF000;
	[dreg:$0x4] =	wrdreg s25  }
0x9: {  	s31 =	simm.s32 $0x11000;
	s0 =	sand.u32 $0x1, s0;
	[dreg:$0x5] =	wrdreg s26  }
0xa: {  	s6 =	smul.u32 $0x14000, s7;
	s4 =	sadd.s32 $0x4A00, s3;
	[dreg:$0x6] =	wrdreg s28  }
0xb: {  	s18 =	smul.u32 $0x28000, s7;
	s21 =	sshll.u32 s7, $0x6;
	[dreg:$0x7] =	wrdreg s29  }
0xc: {  	s1 =	sshll.u32 s0, $0x4;
	s5 =	smul.u32 $0x140000, s0;
	[dreg:$0x8] =	wrdreg s30  }
0xd: {  	s0 =	ssub.s32 $0x2, s0;
	[dreg:$0x9] =	wrdreg s31;
	s1 =	sor.u32 s7, s1  }
0xe: {  	s19 =	sshrl.u32 s0, $0x1;
	s20 =	sshrl.u32 s18, $0x2;
	s18 =	simm.s32 $0x3  }
0xf: {  	s1 =	smul.u32 $0x500, s1;
	s5 =	sadd.s32 s6, s5;
	s0 =	ssub.s32 s0, s19  }
0x10: {  	s6 =	sor.u32 $0x1C11, s21;
	s19 =	simm.s32 $0x4;
	s21 =	simm.s32 $0x6  }
0x11: {  	s5 =	sshrl.u32 s5, $0x3;
	s0 =	smax.u32 s0, $0x1;
	s1 =	sadd.s32 s1, s3  }
0x12: {  	s3 =	sadd.s32 s5, s3;
	[dreg:$0xe] =	wrdreg s0;
	s22 =	sadd.s32 $0x18400, s1  }
0x13: {  	s5 =	sadd.s32 s20, s2;
	s1 =	sadd.s32 $0x22400, s1;
	[dreg:$0xb] =	wrdreg s22  }
0x14: {  	s20 =	simm.s32 $0x5;
	s23 =	sadd.s32 $0x2D800, s3;
	[dreg:$0xc] =	wrdreg s1  }
0x15: {  	s0 =	simm.s32 $0x0;
	s11 =	sshrl.u32 s5, $0x3;
	[dreg:$0xd] =	wrdreg s23  }
0x16: {  	s22 =	simm.s32 $0x7;
	s23 =	simm.s32 $0x8;
	s1 =	simm.s32 $0x10  }
.LBB2_1:
0x17: {  	s3 =	rddreg [dreg:$0xa]  }
0x18: {  	[spmem:s11], [sflag:s6] =	dma.local [hbm:s3], $0x1400  }
0x19: {  	_ =	swait.ge [sflag:s12], $0x1400  }
0x1a: {  	[sflag:s12] =	ssyncset.done $0x0  }
0x1b: {  	s8 =	simm.s32 $0x0;
	s5 =	rddreg [dreg:$0xb];
	[sflag:s12] =	ssyncadd.s32 $0xFFFFEC00  }
0x1c: {  	[tilespmem:s8], [sflag:$0x11] =	stream.linear.gather [hbm4b:s5+s8], $0x2800, $0x38;
	[tilespmem:$0x1F000] =	vst v63  }
0x1d: {  	_ =	swait.ge [sflag:s12], $0x2800  }
0x1e: {  	[sflag:s12] =	ssyncset.done $0x0  }
0x1f: {  	s7 =	simm.s32 $0x2800;
	s9 =	rddreg [dreg:$0xc];
	[sflag:s12] =	ssyncadd.s32 $0xFFFFD800  }
0x20: {  	[tilespmem:s7], [sflag:$0x11] =	stream.linear.gather [hbm4b:s9+s8], $0x2800, $0x38;
	[tilespmem:$0x1F000] =	vst v63  }
0x21: {  	_ =	swait.ge [sflag:s12], $0x2800  }
0x22: {  	[sflag:s12] =	ssyncset.done $0x0  }
0x23: {  	p0 =	por $0x0, $0x0;
	[sflag:s12] =	ssyncadd.s32 $0xFFFFD800  }
0x24: {  	s3 =	simm.s32 @p0 $0x9;
	[bflag:$0x0] =	sbarrier.arrive $0xFFFF  }
0x25: {  	_ =	swait.ge @p0 [sflag:s3], $0x2000  }
0x26: {  	s5 =	simm.s32 @p0 $0x0;
	s7 =	simm.s32 @p0 $0x80;
	[sflag:s3] =	ssyncset.done @p0 $0x0  }
0x27: {  	s8 =	simm.s32 @p0 $0xA;
	[sflag:s3] =	ssyncadd.s32 @p0 $0xFFFFE000;
	s3 =	simm.s32 @p0 $0x5000  }
0x28: {  	[tilespmem:s3], [sflag:$0x1] =	stream.indirect.gather @p0 [hbm4b:s4+s7], $0x40, s5, s7, $0xb8;
	[tilespmem:$0x1F000] =	vst v63  }
0x29: {  	_ =	swait.ge @p0 [sflag:s8], $0x2000  }
0x2a: {  	s3 =	simm.s32 @p0 $0x80;
	[sflag:s8] =	ssyncset.done @p0 $0x0  }
0x2b: {  	s5 =	simm.s32 @p0 $0x7000;
	[sflag:s8] =	ssyncadd.s32 @p0 $0xFFFFE000;
	s8 =	simm.s32 @p0 $0xB  }
0x2c: {  	[tilespmem:s5], [sflag:$0x2] =	stream.indirect.gather @p0 [hbm4b:s4+s7], $0x40, s3, s7, $0xb8;
	[tilespmem:$0x1F000] =	vst v63  }
0x2d: {  	_ =	swait.ge @p0 [sflag:s8], $0x2000  }
0x2e: {  	s3 =	simm.s32 @p0 $0x100;
	[sflag:s8] =	ssyncset.done @p0 $0x0  }
0x2f: {  	s5 =	simm.s32 @p0 $0x9000;
	[sflag:s8] =	ssyncadd.s32 @p0 $0xFFFFE000;
	s8 =	simm.s32 @p0 $0xC  }
0x30: {  	[tilespmem:s5], [sflag:$0x3] =	stream.indirect.gather @p0 [hbm4b:s4+s7], $0x40, s3, s7, $0xb8;
	[tilespmem:$0x1F000] =	vst v63  }
0x31: {  	_ =	swait.ge @p0 [sflag:s8], $0x2000  }
0x32: {  	s3 =	simm.s32 @p0 $0x180;
	[sflag:s8] =	ssyncset.done @p0 $0x0  }
0x33: {  	s5 =	simm.s32 @p0 $0xB000;
	[sflag:s8] =	ssyncadd.s32 @p0 $0xFFFFE000;
	s8 =	simm.s32 @p0 $0xD  }
0x34: {  	[tilespmem:s5], [sflag:$0x4] =	stream.indirect.gather @p0 [hbm4b:s4+s7], $0x40, s3, s7, $0xb8;
	[tilespmem:$0x1F000] =	vst v63  }
0x35: {  	_ =	swait.ge @p0 [sflag:s8], $0x2000  }
0x36: {  	s3 =	simm.s32 @p0 $0x200;
	[sflag:s8] =	ssyncset.done @p0 $0x0  }
0x37: {  	s5 =	simm.s32 @p0 $0xD000;
	[sflag:s8] =	ssyncadd.s32 @p0 $0xFFFFE000;
	s8 =	simm.s32 @p0 $0xE  }
0x38: {  	[tilespmem:s5], [sflag:$0x5] =	stream.indirect.gather @p0 [hbm4b:s4+s7], $0x40, s3, s7, $0xb8;
	[tilespmem:$0x1F000] =	vst v63  }
0x39: {  	_ =	swait.ge @p0 [sflag:s8], $0x2000  }
0x3a: {  	s3 =	simm.s32 @p0 $0x280;
	[sflag:s8] =	ssyncset.done @p0 $0x0  }
0x3b: {  	s5 =	simm.s32 @p0 $0xF000;
	[sflag:s8] =	ssyncadd.s32 @p0 $0xFFFFE000;
	s8 =	simm.s32 @p0 $0xF  }
0x3c: {  	[tilespmem:s5], [sflag:$0x6] =	stream.indirect.gather @p0 [hbm4b:s4+s7], $0x40, s3, s7, $0xb8;
	[tilespmem:$0x1F000] =	vst v63  }
0x3d: {  	_ =	swait.ge @p0 [sflag:s8], $0x2000  }
0x3e: {  	s3 =	simm.s32 $0x300;
	[sflag:s8] =	ssyncset.done @p0 $0x0  }
0x3f: {  	s5 =	simm.s32 @p0 $0x11000;
	[sflag:s8] =	ssyncadd.s32 @p0 $0xFFFFE000;
	s8 =	simm.s32 @p0 $0x10  }
0x40: {  	[tilespmem:s5], [sflag:$0x7] =	stream.indirect.gather @p0 [hbm4b:s4+s7], $0x40, s3, s7, $0xb8;
	[tilespmem:$0x1F000] =	vst v63  }
0x41: {  	_ =	swait.ge @p0 [sflag:s8], $0x2000  }
0x42: {  	s5 =	simm.s32 @!p0 $0x80;
	[sflag:s8] =	ssyncset.done @p0 $0x0  }
0x43: {  	s3 =	simm.s32 @!p0 $0x0;
	s7 =	simm.s32 @!p0 $0x5000;
	[sflag:s8] =	ssyncadd.s32 @p0 $0xFFFFE000  }
0x44: {  	[tilespmem:s7], [sflag:$0x1] =	stream.indirect.gather @!p0 [hbm4b:s4+s5], $0x40, s3, s5, $0xb8;
	[tilespmem:$0x1F000] =	vst v63  }
0x45: {  	s3 =	simm.s32 @!p0 $0x7000  }
0x46: {  	[tilespmem:s3], [sflag:$0x2] =	stream.indirect.gather @!p0 [hbm4b:s4+s5], $0x40, s5, s5, $0xb8;
	[tilespmem:$0x1F000] =	vst v63  }
0x47: {  	s7 =	simm.s32 @!p0 $0x9000;
	s3 =	simm.s32 @!p0 $0x100  }
0x48: {  	[tilespmem:s7], [sflag:$0x3] =	stream.indirect.gather @!p0 [hbm4b:s4+s5], $0x40, s3, s5, $0xb8;
	[tilespmem:$0x1F000] =	vst v63  }
0x49: {  	s3 =	simm.s32 @!p0 $0x180;
	s7 =	simm.s32 @!p0 $0xB000  }
0x4a: {  	[tilespmem:s7], [sflag:$0x4] =	stream.indirect.gather @!p0 [hbm4b:s4+s5], $0x40, s3, s5, $0xb8;
	[tilespmem:$0x1F000] =	vst v63  }
0x4b: {  	s3 =	simm.s32 @!p0 $0x200;
	s7 =	simm.s32 @!p0 $0xD000  }
0x4c: {  	[tilespmem:s7], [sflag:$0x5] =	stream.indirect.gather @!p0 [hbm4b:s4+s5], $0x40, s3, s5, $0xb8;
	[tilespmem:$0x1F000] =	vst v63  }
0x4d: {  	s8 =	simm.s32 @!p0 $0xF000;
	s3 =	simm.s32 @p0 $0x0;
	s7 =	simm.s32 @!p0 $0x280  }
0x4e: {  	[tilespmem:s8], [sflag:$0x6] =	stream.indirect.gather @!p0 [hbm4b:s4+s5], $0x40, s7, s5, $0xb8;
	[tilespmem:$0x1F000] =	vst v63  }
0x4f: {  	s3 =	simm.s32 @!p0 $0x0;
	s7 =	simm.s32 @!p0 $0x300;
	s8 =	simm.s32 @!p0 $0x11000  }
0x50: {  	[tilespmem:s8], [sflag:$0x7] =	stream.indirect.gather @!p0 [hbm4b:s4+s5], $0x40, s7, s5, $0xb8;
	[tilespmem:$0x1F000] =	vst v63  }
0x51: {  	s10 =	sor.u32 $0x380, s3  }
0x52: {  	[tilespmem:s15], [sflag:$0x8] =	stream.indirect.gather [hbm4b:s4+s14], $0x40, s10, s14, $0xb8;
	[tilespmem:$0x1F000] =	vst v63  }
0x53: {  	_ =	swait.ge [sflag:s16], $0x2000  }
0x54: {  	[sflag:s16] =	ssyncset.done $0x0  }
0x55: {  	s24 =	sadd.s32 $0x2800, s3;
	s13 =	rddreg [dreg:$0x3];
	[sflag:s16] =	ssyncadd.s32 $0xFFFFE000  }
0x56: {  	[spmem:s2] =	stream.indirect.scatter.add.f32 [tilespmem:s13], [sflag:$0x9], $0x40, s24, s14, $0xb8;
	[tilespmem:$0x1F000] =	vst v63  }
0x57: {  	s5 =	simm.s32 @p0 $0x80;
	_ =	swait.ge [sflag:s17], $0x2000  }
0x58: {  	s5 =	simm.s32 @!p0 $0x80;
	[sflag:s17] =	ssyncset.done $0x0  }
0x59: {  	s5 =	sadd.s32 $0x2800, s5;
	s25 =	rddreg [dreg:$0x4];
	[sflag:s17] =	ssyncadd.s32 $0xFFFFE000  }
0x5a: {  	[spmem:s2] =	stream.indirect.scatter.add.f32 [tilespmem:s25], [sflag:$0xA], $0x40, s5, s14, $0xb8;
	[tilespmem:$0x1F000] =	vst v63  }
0x5b: {  	s5 =	simm.s32 @p0 $0x100;
	_ =	swait.ge [sflag:s18], $0x2000  }
0x5c: {  	s5 =	simm.s32 @!p0 $0x100;
	[sflag:s18] =	ssyncset.done $0x0  }
0x5d: {  	s26 =	rddreg [dreg:$0x5];
	s5 =	sadd.s32 $0x2800, s5;
	[sflag:s18] =	ssyncadd.s32 $0xFFFFE000  }
0x5e: {  	[spmem:s2] =	stream.indirect.scatter.add.f32 [tilespmem:s26], [sflag:$0xB], $0x40, s5, s14, $0xb8;
	[tilespmem:$0x1F000] =	vst v63  }
0x5f: {  	s5 =	simm.s32 @p0 $0x180;
	_ =	swait.ge [sflag:s19], $0x2000  }
0x60: {  	s5 =	simm.s32 @!p0 $0x180;
	[sflag:s19] =	ssyncset.done $0x0  }
0x61: {  	s28 =	rddreg [dreg:$0x6];
	s5 =	sadd.s32 $0x2800, s5;
	[sflag:s19] =	ssyncadd.s32 $0xFFFFE000  }
0x62: {  	[spmem:s2] =	stream.indirect.scatter.add.f32 [tilespmem:s28], [sflag:$0xC], $0x40, s5, s14, $0xb8;
	[tilespmem:$0x1F000] =	vst v63  }
0x63: {  	s5 =	simm.s32 @p0 $0x200;
	_ =	swait.ge [sflag:s20], $0x2000  }
0x64: {  	s5 =	simm.s32 @!p0 $0x200;
	[sflag:s20] =	ssyncset.done $0x0  }
0x65: {  	s29 =	rddreg [dreg:$0x7];
	s5 =	sadd.s32 $0x2800, s5;
	[sflag:s20] =	ssyncadd.s32 $0xFFFFE000  }
0x66: {  	[spmem:s2] =	stream.indirect.scatter.add.f32 [tilespmem:s29], [sflag:$0xD], $0x40, s5, s14, $0xb8;
	[tilespmem:$0x1F000] =	vst v63  }
0x67: {  	s5 =	simm.s32 @p0 $0x280;
	_ =	swait.ge [sflag:s21], $0x2000  }
0x68: {  	s5 =	simm.s32 @!p0 $0x280;
	[sflag:s21] =	ssyncset.done $0x0  }
0x69: {  	s30 =	rddreg [dreg:$0x8];
	s5 =	sadd.s32 $0x2800, s5;
	[sflag:s21] =	ssyncadd.s32 $0xFFFFE000  }
0x6a: {  	[spmem:s2] =	stream.indirect.scatter.add.f32 [tilespmem:s30], [sflag:$0xE], $0x40, s5, s14, $0xb8;
	[tilespmem:$0x1F000] =	vst v63  }
0x6b: {  	s8 =	sadd.s32 $0x2B80, s3;
	s5 =	simm.s32 $0x300;
	_ =	swait.ge [sflag:s22], $0x2000  }
0x6c: {  	s3 =	simm.s32 $0x700;
	s5 =	simm.s32 @!p0 $0x300;
	[sflag:s22] =	ssyncset.done $0x0  }
0x6d: {  	s31 =	rddreg [dreg:$0x9];
	s5 =	sadd.s32 $0x2800, s5;
	[sflag:s22] =	ssyncadd.s32 $0xFFFFE000  }
0x6e: {  	[spmem:s2] =	stream.indirect.scatter.add.f32 [tilespmem:s31], [sflag:$0xF], $0x40, s5, s14, $0xb8;
	[tilespmem:$0x1F000] =	vst v63  }
0x6f: {  	s13 =	simm.s32 $0x700;
	p0 =	por $0x1, $0x1;
	s5 =	simm.s32 $0xB00  }
.LBB2_2:
0x70: {  	_ =	swait.ge [sflag:s23], $0x2000  }
0x71: {  	[sflag:s23] =	ssyncset.done $0x0  }
0x72: {  	s24 =	simm.s32 @p0 $0x9;
	[sflag:s23] =	ssyncadd.s32 $0xFFFFE000  }
0x73: {  	[spmem:s2] =	stream.indirect.scatter.add.f32 [tilespmem:s15], [sflag:$0x10], $0x40, s8, s14, $0xb8;
	[tilespmem:$0x1F000] =	vst v63  }
0x74: {  	_ =	swait.ge @p0 [sflag:s24], $0x2000  }
0x75: {  	s28 =	simm.s32 @p0 $0x80;
	s25 =	simm.s32 @p0 $0xA;
	[sflag:s24] =	ssyncset.done @p0 $0x0  }
0x76: {  	s8 =	sadd.s32 @p0 $0xFFFFFD00, s3;
	[sflag:s24] =	ssyncadd.s32 @p0 $0xFFFFE000;
	s24 =	simm.s32 @p0 $0x5000  }
0x77: {  	[tilespmem:s24], [sflag:$0x1] =	stream.indirect.gather @p0 [hbm4b:s4+s28], $0x40, s8, s28, $0xb8;
	[tilespmem:$0x1F000] =	vst v63  }
0x78: {  	_ =	swait.ge @p0 [sflag:s25], $0x2000  }
0x79: {  	s29 =	simm.s32 @p0 $0x7000;
	[sflag:s25] =	ssyncset.done @p0 $0x0  }
0x7a: {  	s30 =	simm.s32 @p0 $0xB;
	s8 =	sadd.s32 @p0 $0xFFFFFD80, s3;
	[sflag:s25] =	ssyncadd.s32 @p0 $0xFFFFE000  }
0x7b: {  	[tilespmem:s29], [sflag:$0x2] =	stream.indirect.gather @p0 [hbm4b:s4+s28], $0x40, s8, s28, $0xb8;
	[tilespmem:$0x1F000] =	vst v63  }
0x7c: {  	_ =	swait.ge @p0 [sflag:s30], $0x2000  }
0x7d: {  	s31 =	simm.s32 @p0 $0x9000;
	[sflag:s30] =	ssyncset.done @p0 $0x0  }
0x7e: {  	s29 =	sadd.s32 @p0 $0xFFFFFE00, s3;
	[sflag:s30] =	ssyncadd.s32 @p0 $0xFFFFE000;
	s30 =	simm.s32 @p0 $0xC  }
0x7f: {  	[tilespmem:s31], [sflag:$0x3] =	stream.indirect.gather @p0 [hbm4b:s4+s28], $0x40, s29, s28, $0xb8;
	[tilespmem:$0x1F000] =	vst v63  }
0x80: {  	_ =	swait.ge @p0 [sflag:s30], $0x2000  }
0x81: {  	s29 =	sadd.s32 @p0 $0xFFFFFE80, s3;
	[sflag:s30] =	ssyncset.done @p0 $0x0  }
0x82: {  	s31 =	simm.s32 @p0 $0xB000;
	[sflag:s30] =	ssyncadd.s32 @p0 $0xFFFFE000;
	s30 =	simm.s32 @p0 $0xD  }
0x83: {  	[tilespmem:s31], [sflag:$0x4] =	stream.indirect.gather @p0 [hbm4b:s4+s28], $0x40, s29, s28, $0xb8;
	[tilespmem:$0x1F000] =	vst v63  }
0x84: {  	_ =	swait.ge @p0 [sflag:s30], $0x2000  }
0x85: {  	s29 =	sadd.s32 @p0 $0xFFFFFF00, s3;
	[sflag:s30] =	ssyncset.done @p0 $0x0  }
0x86: {  	s31 =	simm.s32 @p0 $0xD000;
	[sflag:s30] =	ssyncadd.s32 @p0 $0xFFFFE000;
	s30 =	simm.s32 @p0 $0xE  }
0x87: {  	[tilespmem:s31], [sflag:$0x5] =	stream.indirect.gather @p0 [hbm4b:s4+s28], $0x40, s29, s28, $0xb8;
	[tilespmem:$0x1F000] =	vst v63  }
0x88: {  	_ =	swait.ge @p0 [sflag:s30], $0x2000  }
0x89: {  	s29 =	sadd.s32 @p0 $0xFFFFFF80, s3;
	[sflag:s30] =	ssyncset.done @p0 $0x0  }
0x8a: {  	s31 =	simm.s32 @p0 $0xF000;
	[sflag:s30] =	ssyncadd.s32 @p0 $0xFFFFE000;
	s30 =	simm.s32 @p0 $0xF  }
0x8b: {  	[tilespmem:s31], [sflag:$0x6] =	stream.indirect.gather @p0 [hbm4b:s4+s28], $0x40, s29, s28, $0xb8;
	[tilespmem:$0x1F000] =	vst v63  }
0x8c: {  	_ =	swait.ge @p0 [sflag:s30], $0x2000  }
0x8d: {  	[sflag:s30] =	ssyncset.done @p0 $0x0  }
0x8e: {  	s29 =	simm.s32 @p0 $0x11000;
	s31 =	simm.s32 @p0 $0x10;
	[sflag:s30] =	ssyncadd.s32 @p0 $0xFFFFE000  }
0x8f: {  	[tilespmem:s29], [sflag:$0x7] =	stream.indirect.gather @p0 [hbm4b:s4+s28], $0x40, s3, s28, $0xb8;
	[tilespmem:$0x1F000] =	vst v63  }
0x90: {  	_ =	swait.ge @p0 [sflag:s31], $0x2000  }
0x91: {  	s30 =	simm.s32 @!p0 $0x5000;
	[sflag:s31] =	ssyncset.done @p0 $0x0  }
0x92: {  	s28 =	simm.s32 @!p0 $0x80;
	s29 =	simm.s32 @!p0 $0x0;
	[sflag:s31] =	ssyncadd.s32 @p0 $0xFFFFE000  }
0x93: {  	[tilespmem:s30], [sflag:$0x1] =	stream.indirect.gather @!p0 [hbm4b:s4+s28], $0x40, s29, s28, $0xb8;
	[tilespmem:$0x1F000] =	vst v63  }
0x94: {  	s29 =	simm.s32 @!p0 $0x7000  }
0x95: {  	[tilespmem:s29], [sflag:$0x2] =	stream.indirect.gather @!p0 [hbm4b:s4+s28], $0x40, s28, s28, $0xb8;
	[tilespmem:$0x1F000] =	vst v63  }
0x96: {  	s30 =	simm.s32 @!p0 $0x9000;
	s29 =	simm.s32 @!p0 $0x100  }
0x97: {  	[tilespmem:s30], [sflag:$0x3] =	stream.indirect.gather @!p0 [hbm4b:s4+s28], $0x40, s29, s28, $0xb8;
	[tilespmem:$0x1F000] =	vst v63  }
0x98: {  	s29 =	simm.s32 @!p0 $0x180;
	s30 =	simm.s32 @!p0 $0xB000  }
0x99: {  	[tilespmem:s30], [sflag:$0x4] =	stream.indirect.gather @!p0 [hbm4b:s4+s28], $0x40, s29, s28, $0xb8;
	[tilespmem:$0x1F000] =	vst v63  }
0x9a: {  	s29 =	simm.s32 @!p0 $0x200;
	s30 =	simm.s32 @!p0 $0xD000  }
0x9b: {  	[tilespmem:s30], [sflag:$0x5] =	stream.indirect.gather @!p0 [hbm4b:s4+s28], $0x40, s29, s28, $0xb8;
	[tilespmem:$0x1F000] =	vst v63  }
0x9c: {  	s7 =	sadd.s32 @p0 $0xFFFFFD00, s13;
	s29 =	simm.s32 @!p0 $0x280;
	s30 =	simm.s32 @!p0 $0xF000  }
0x9d: {  	[tilespmem:s30], [sflag:$0x6] =	stream.indirect.gather @!p0 [hbm4b:s4+s28], $0x40, s29, s28, $0xb8;
	[tilespmem:$0x1F000] =	vst v63  }
0x9e: {  	s7 =	simm.s32 @!p0 $0x0;
	s29 =	simm.s32 @!p0 $0x300;
	s30 =	simm.s32 @!p0 $0x11000  }
0x9f: {  	[tilespmem:s30], [sflag:$0x7] =	stream.indirect.gather @!p0 [hbm4b:s4+s28], $0x40, s29, s28, $0xb8;
	[tilespmem:$0x1F000] =	vst v63  }
0xa0: {  	s29 =	sor.u32 $0x380, s7  }
0xa1: {  	[tilespmem:s15], [sflag:$0x8] =	stream.indirect.gather [hbm4b:s4+s14], $0x40, s29, s14, $0xb8;
	[tilespmem:$0x1F000] =	vst v63  }
0xa2: {  	_ =	swait.ge [sflag:s16], $0x2000  }
0xa3: {  	[sflag:s16] =	ssyncset.done $0x0  }
0xa4: {  	s31 =	sadd.s32 $0x2800, s7;
	s30 =	rddreg [dreg:$0x3];
	[sflag:s16] =	ssyncadd.s32 $0xFFFFE000  }
0xa5: {  	[spmem:s2] =	stream.indirect.scatter.add.f32 [tilespmem:s30], [sflag:$0x9], $0x40, s31, s14, $0xb8;
	[tilespmem:$0x1F000] =	vst v63  }
0xa6: {  	s26 =	sadd.s32 @p0 $0xFFFFFD80, s13;
	_ =	swait.ge [sflag:s17], $0x2000  }
0xa7: {  	s26 =	simm.s32 @!p0 $0x80;
	[sflag:s17] =	ssyncset.done $0x0  }
0xa8: {  	s26 =	sadd.s32 $0x2800, s26;
	s29 =	rddreg [dreg:$0x4];
	[sflag:s17] =	ssyncadd.s32 $0xFFFFE000  }
0xa9: {  	[spmem:s2] =	stream.indirect.scatter.add.f32 [tilespmem:s29], [sflag:$0xA], $0x40, s26, s14, $0xb8;
	[tilespmem:$0x1F000] =	vst v63  }
0xaa: {  	s9 =	sadd.s32 @p0 $0xFFFFFE00, s13;
	_ =	swait.ge [sflag:s18], $0x2000  }
0xab: {  	s10 =	sadd.s32 @p0 $0xFFFFFE80, s13;
	s9 =	simm.s32 @!p0 $0x100;
	[sflag:s18] =	ssyncset.done $0x0  }
0xac: {  	s9 =	sadd.s32 $0x2800, s9;
	s30 =	rddreg [dreg:$0x5];
	[sflag:s18] =	ssyncadd.s32 $0xFFFFE000  }
0xad: {  	[spmem:s2] =	stream.indirect.scatter.add.f32 [tilespmem:s30], [sflag:$0xB], $0x40, s9, s14, $0xb8;
	[tilespmem:$0x1F000] =	vst v63  }
0xae: {  	s10 =	simm.s32 @!p0 $0x180;
	_ =	swait.ge [sflag:s19], $0x2000  }
0xaf: {  	s10 =	sadd.s32 $0x2800, s10;
	[sflag:s19] =	ssyncset.done $0x0  }
0xb0: {  	s24 =	sadd.s32 @p0 $0xFFFFFF00, s13;
	s31 =	rddreg [dreg:$0x6];
	[sflag:s19] =	ssyncadd.s32 $0xFFFFE000  }
0xb1: {  	[spmem:s2] =	stream.indirect.scatter.add.f32 [tilespmem:s31], [sflag:$0xC], $0x40, s10, s14, $0xb8;
	[tilespmem:$0x1F000] =	vst v63  }
0xb2: {  	s24 =	simm.s32 @!p0 $0x200;
	_ =	swait.ge [sflag:s20], $0x2000  }
0xb3: {  	s25 =	sadd.s32 @p0 $0xFFFFFF80, s13;
	s8 =	smov.u32 s13;
	[sflag:s20] =	ssyncset.done $0x0  }
0xb4: {  	s26 =	sadd.s32 $0x2800, s24;
	s10 =	rddreg [dreg:$0x7];
	[sflag:s20] =	ssyncadd.s32 $0xFFFFE000  }
0xb5: {  	[spmem:s2] =	stream.indirect.scatter.add.f32 [tilespmem:s10], [sflag:$0xD], $0x40, s26, s14, $0xb8;
	[tilespmem:$0x1F000] =	vst v63  }
0xb6: {  	s13 =	smov.u32 s5;
	s5 =	sadd.s32 $0x400, s5;
	_ =	swait.ge [sflag:s21], $0x2000  }
0xb7: {  	s25 =	simm.s32 @!p0 $0x280;
	p1 =	sne.s32 s5, $0x2B00;
	[sflag:s21] =	ssyncset.done $0x0  }
0xb8: {  	s29 =	sadd.s32 $0x2800, s25;
	s28 =	rddreg [dreg:$0x8];
	[sflag:s21] =	ssyncadd.s32 $0xFFFFE000  }
0xb9: {  	[spmem:s2] =	stream.indirect.scatter.add.f32 [tilespmem:s28], [sflag:$0xE], $0x40, s29, s14, $0xb8;
	[tilespmem:$0x1F000] =	vst v63  }
.Ltmp0:
0xba: {  	_ = 	snop;
	(pc) =	sbr.rel @p1 .LBB2_2-.Ltmp0, $4  }
0xbb: {  	s8 =	simm.s32 @!p0 $0x300;
	s3 =	sadd.s32 $0x400, s3;
	_ =	swait.ge [sflag:s22], $0x2000  }
0xbc: {  	p0 =	sne.s32 s13, $0x300;
	s31 =	sadd.s32 $0x2800, s8;
	[sflag:s22] =	ssyncset.done $0x0  }
0xbd: {  	s8 =	sadd.s32 $0x2B80, s7;
	s30 =	rddreg [dreg:$0x9];
	[sflag:s22] =	ssyncadd.s32 $0xFFFFE000  }
0xbe: {  	[spmem:s2] =	stream.indirect.scatter.add.f32 [tilespmem:s30], [sflag:$0xF], $0x40, s31, s14, $0xb8;
	[tilespmem:$0x1F000] =	vst v63  }
0xbf: {  	_ =	swait.ge [sflag:s23], $0x2000  }
0xc0: {  	[sflag:s23] =	ssyncset.done $0x0  }
0xc1: {  	s5 =	simm.s32 @p0 $0x9;
	[sflag:s23] =	ssyncadd.s32 $0xFFFFE000  }
0xc2: {  	[spmem:s2] =	stream.indirect.scatter.add.f32 [tilespmem:s15], [sflag:$0x10], $0x40, s8, s14, $0xb8;
	[tilespmem:$0x1F000] =	vst v63  }
0xc3: {  	_ =	swait.ge @p0 [sflag:s5], $0x2000  }
0xc4: {  	s7 =	sadd.s32 @p0 $0xFFFFFD00, s3;
	[sflag:s5] =	ssyncset.done @p0 $0x0  }
0xc5: {  	s8 =	simm.s32 @p0 $0x80;
	[sflag:s5] =	ssyncadd.s32 @p0 $0xFFFFE000;
	s5 =	simm.s32 @p0 $0x5000  }
0xc6: {  	[tilespmem:s5], [sflag:$0x1] =	stream.indirect.gather @p0 [hbm4b:s4+s8], $0x40, s7, s8, $0xb8;
	[tilespmem:$0x1F000] =	vst v63  }
0xc7: {  	s5 =	simm.s32 @p0 $0xA  }
0xc8: {  	_ =	swait.ge @p0 [sflag:s5], $0x2000  }
0xc9: {  	[sflag:s5] =	ssyncset.done @p0 $0x0  }
0xca: {  	s7 =	sadd.s32 @p0 $0xFFFFFD80, s3;
	[sflag:s5] =	ssyncadd.s32 @p0 $0xFFFFE000;
	s5 =	simm.s32 @p0 $0x7000  }
0xcb: {  	[tilespmem:s5], [sflag:$0x2] =	stream.indirect.gather @p0 [hbm4b:s4+s8], $0x40, s7, s8, $0xb8;
	[tilespmem:$0x1F000] =	vst v63  }
0xcc: {  	s5 =	simm.s32 @p0 $0xB  }
0xcd: {  	_ =	swait.ge @p0 [sflag:s5], $0x2000  }
0xce: {  	[sflag:s5] =	ssyncset.done @p0 $0x0  }
0xcf: {  	s7 =	sadd.s32 @p0 $0xFFFFFE00, s3;
	[sflag:s5] =	ssyncadd.s32 @p0 $0xFFFFE000;
	s5 =	simm.s32 @p0 $0x9000  }
0xd0: {  	[tilespmem:s5], [sflag:$0x3] =	stream.indirect.gather @p0 [hbm4b:s4+s8], $0x40, s7, s8, $0xb8;
	[tilespmem:$0x1F000] =	vst v63  }
0xd1: {  	s5 =	simm.s32 @p0 $0xC  }
0xd2: {  	_ =	swait.ge @p0 [sflag:s5], $0x2000  }
0xd3: {  	[sflag:s5] =	ssyncset.done @p0 $0x0  }
0xd4: {  	s7 =	sadd.s32 @p0 $0xFFFFFE80, s3;
	[sflag:s5] =	ssyncadd.s32 @p0 $0xFFFFE000;
	s5 =	simm.s32 @p0 $0xB000  }
0xd5: {  	[tilespmem:s5], [sflag:$0x4] =	stream.indirect.gather @p0 [hbm4b:s4+s8], $0x40, s7, s8, $0xb8;
	[tilespmem:$0x1F000] =	vst v63  }
0xd6: {  	s5 =	simm.s32 @p0 $0xD  }
0xd7: {  	_ =	swait.ge @p0 [sflag:s5], $0x2000  }
0xd8: {  	[sflag:s5] =	ssyncset.done @p0 $0x0  }
0xd9: {  	s7 =	sadd.s32 @p0 $0xFFFFFF00, s3;
	[sflag:s5] =	ssyncadd.s32 @p0 $0xFFFFE000;
	s5 =	simm.s32 @p0 $0xD000  }
0xda: {  	[tilespmem:s5], [sflag:$0x5] =	stream.indirect.gather @p0 [hbm4b:s4+s8], $0x40, s7, s8, $0xb8;
	[tilespmem:$0x1F000] =	vst v63  }
0xdb: {  	s5 =	simm.s32 @p0 $0xE  }
0xdc: {  	_ =	swait.ge @p0 [sflag:s5], $0x2000  }
0xdd: {  	[sflag:s5] =	ssyncset.done @p0 $0x0  }
0xde: {  	s7 =	sadd.s32 @p0 $0xFFFFFF80, s3;
	[sflag:s5] =	ssyncadd.s32 @p0 $0xFFFFE000;
	s5 =	simm.s32 @p0 $0xF000  }
0xdf: {  	[tilespmem:s5], [sflag:$0x6] =	stream.indirect.gather @p0 [hbm4b:s4+s8], $0x40, s7, s8, $0xb8;
	[tilespmem:$0x1F000] =	vst v63  }
0xe0: {  	s5 =	simm.s32 @p0 $0xF  }
0xe1: {  	_ =	swait.ge @p0 [sflag:s5], $0x2000  }
0xe2: {  	[sflag:s5] =	ssyncset.done @p0 $0x0  }
0xe3: {  	[sflag:s5] =	ssyncadd.s32 @p0 $0xFFFFE000;
	s5 =	simm.s32 @p0 $0x11000  }
0xe4: {  	[tilespmem:s5], [sflag:$0x7] =	stream.indirect.gather @p0 [hbm4b:s4+s8], $0x40, s3, s8, $0xb8;
	[tilespmem:$0x1F000] =	vst v63  }
0xe5: {  	s3 =	simm.s32 @p0 $0x10  }
0xe6: {  	_ =	swait.ge @p0 [sflag:s3], $0x2000  }
0xe7: {  	s7 =	simm.s32 @!p0 $0x0;
	[sflag:s3] =	ssyncset.done @p0 $0x0  }
0xe8: {  	s5 =	simm.s32 @!p0 $0x80;
	[sflag:s3] =	ssyncadd.s32 @p0 $0xFFFFE000;
	s3 =	simm.s32 @!p0 $0x5000  }
0xe9: {  	[tilespmem:s3], [sflag:$0x1] =	stream.indirect.gather @!p0 [hbm4b:s4+s5], $0x40, s7, s5, $0xb8;
	[tilespmem:$0x1F000] =	vst v63  }
0xea: {  	s3 =	simm.s32 @!p0 $0x7000  }
0xeb: {  	[tilespmem:s3], [sflag:$0x2] =	stream.indirect.gather @!p0 [hbm4b:s4+s5], $0x40, s5, s5, $0xb8;
	[tilespmem:$0x1F000] =	vst v63  }
0xec: {  	s7 =	simm.s32 @!p0 $0x9000;
	s3 =	simm.s32 @!p0 $0x100  }
0xed: {  	[tilespmem:s7], [sflag:$0x3] =	stream.indirect.gather @!p0 [hbm4b:s4+s5], $0x40, s3, s5, $0xb8;
	[tilespmem:$0x1F000] =	vst v63  }
0xee: {  	s3 =	simm.s32 @!p0 $0x180;
	s7 =	simm.s32 @!p0 $0xB000  }
0xef: {  	[tilespmem:s7], [sflag:$0x4] =	stream.indirect.gather @!p0 [hbm4b:s4+s5], $0x40, s3, s5, $0xb8;
	[tilespmem:$0x1F000] =	vst v63  }
0xf0: {  	s3 =	simm.s32 @!p0 $0x200;
	s7 =	simm.s32 @!p0 $0xD000  }
0xf1: {  	[tilespmem:s7], [sflag:$0x5] =	stream.indirect.gather @!p0 [hbm4b:s4+s5], $0x40, s3, s5, $0xb8;
	[tilespmem:$0x1F000] =	vst v63  }
0xf2: {  	s3 =	simm.s32 @!p0 $0x280;
	s7 =	simm.s32 @!p0 $0xF000  }
0xf3: {  	[tilespmem:s7], [sflag:$0x6] =	stream.indirect.gather @!p0 [hbm4b:s4+s5], $0x40, s3, s5, $0xb8;
	[tilespmem:$0x1F000] =	vst v63  }
0xf4: {  	s3 =	simm.s32 @!p0 $0x300;
	s7 =	simm.s32 @!p0 $0x11000  }
0xf5: {  	[tilespmem:s7], [sflag:$0x7] =	stream.indirect.gather @!p0 [hbm4b:s4+s5], $0x40, s3, s5, $0xb8;
	[tilespmem:$0x1F000] =	vst v63  }
0xf6: {  	s3 =	sadd.s32 @p0 $0xFFFFFD00, s13  }
0xf7: {  	s3 =	simm.s32 @!p0 $0x0  }
0xf8: {  	s10 =	sor.u32 $0x380, s3  }
0xf9: {  	[tilespmem:s15], [sflag:$0x8] =	stream.indirect.gather [hbm4b:s4+s14], $0x40, s10, s14, $0xb8;
	[tilespmem:$0x1F000] =	vst v63  }
0xfa: {  	_ =	swait.ge [sflag:s16], $0x2000  }
0xfb: {  	[sflag:s16] =	ssyncset.done $0x0  }
0xfc: {  	s25 =	sadd.s32 $0x2800, s3;
	s24 =	rddreg [dreg:$0x3];
	[sflag:s16] =	ssyncadd.s32 $0xFFFFE000  }
0xfd: {  	[spmem:s2] =	stream.indirect.scatter.add.f32 [tilespmem:s24], [sflag:$0x9], $0x40, s25, s14, $0xb8;
	[tilespmem:$0x1F000] =	vst v63  }
0xfe: {  	s5 =	sadd.s32 @p0 $0xFFFFFD80, s13;
	_ =	swait.ge [sflag:s17], $0x2000  }
0xff: {  	s5 =	simm.s32 @!p0 $0x80;
	[sflag:s17] =	ssyncset.done $0x0  }
0x100: {  	s5 =	sadd.s32 $0x2800, s5;
	s26 =	rddreg [dreg:$0x4];
	[sflag:s17] =	ssyncadd.s32 $0xFFFFE000  }
0x101: {  	[spmem:s2] =	stream.indirect.scatter.add.f32 [tilespmem:s26], [sflag:$0xA], $0x40, s5, s14, $0xb8;
	[tilespmem:$0x1F000] =	vst v63  }
0x102: {  	s5 =	sadd.s32 @p0 $0xFFFFFE00, s13;
	_ =	swait.ge [sflag:s18], $0x2000  }
0x103: {  	s5 =	simm.s32 @!p0 $0x100;
	[sflag:s18] =	ssyncset.done $0x0  }
0x104: {  	s28 =	rddreg [dreg:$0x5];
	s5 =	sadd.s32 $0x2800, s5;
	[sflag:s18] =	ssyncadd.s32 $0xFFFFE000  }
0x105: {  	[spmem:s2] =	stream.indirect.scatter.add.f32 [tilespmem:s28], [sflag:$0xB], $0x40, s5, s14, $0xb8;
	[tilespmem:$0x1F000] =	vst v63  }
0x106: {  	s5 =	sadd.s32 @p0 $0xFFFFFE80, s13;
	_ =	swait.ge [sflag:s19], $0x2000  }
0x107: {  	s5 =	simm.s32 @!p0 $0x180;
	[sflag:s19] =	ssyncset.done $0x0  }
0x108: {  	s29 =	rddreg [dreg:$0x6];
	s5 =	sadd.s32 $0x2800, s5;
	[sflag:s19] =	ssyncadd.s32 $0xFFFFE000  }
0x109: {  	[spmem:s2] =	stream.indirect.scatter.add.f32 [tilespmem:s29], [sflag:$0xC], $0x40, s5, s14, $0xb8;
	[tilespmem:$0x1F000] =	vst v63  }
0x10a: {  	s5 =	sadd.s32 @p0 $0xFFFFFF00, s13;
	_ =	swait.ge [sflag:s20], $0x2000  }
0x10b: {  	s5 =	simm.s32 @!p0 $0x200;
	[sflag:s20] =	ssyncset.done $0x0  }
0x10c: {  	s30 =	rddreg [dreg:$0x7];
	s5 =	sadd.s32 $0x2800, s5;
	[sflag:s20] =	ssyncadd.s32 $0xFFFFE000  }
0x10d: {  	[spmem:s2] =	stream.indirect.scatter.add.f32 [tilespmem:s30], [sflag:$0xD], $0x40, s5, s14, $0xb8;
	[tilespmem:$0x1F000] =	vst v63  }
0x10e: {  	s5 =	sadd.s32 @p0 $0xFFFFFF80, s13;
	_ =	swait.ge [sflag:s21], $0x2000  }
0x10f: {  	s5 =	simm.s32 @!p0 $0x280;
	[sflag:s21] =	ssyncset.done $0x0  }
0x110: {  	s31 =	rddreg [dreg:$0x8];
	s5 =	sadd.s32 $0x2800, s5;
	[sflag:s21] =	ssyncadd.s32 $0xFFFFE000  }
0x111: {  	[spmem:s2] =	stream.indirect.scatter.add.f32 [tilespmem:s31], [sflag:$0xE], $0x40, s5, s14, $0xb8;
	[tilespmem:$0x1F000] =	vst v63  }
0x112: {  	_ =	swait.ge [sflag:s22], $0x2000  }
0x113: {  	s13 =	simm.s32 @!p0 $0x300;
	[sflag:s22] =	ssyncset.done $0x0  }
0x114: {  	s9 =	sadd.s32 $0x2800, s13;
	s8 =	rddreg [dreg:$0x9];
	[sflag:s22] =	ssyncadd.s32 $0xFFFFE000  }
0x115: {  	[spmem:s2] =	stream.indirect.scatter.add.f32 [tilespmem:s8], [sflag:$0xF], $0x40, s9, s14, $0xb8;
	[tilespmem:$0x1F000] =	vst v63  }
0x116: {  	_ =	swait.ge [sflag:s23], $0x2000  }
0x117: {  	[sflag:s23] =	ssyncset.done $0x0  }
0x118: {  	s3 =	sadd.s32 $0x2B80, s3;
	s10 =	simm.s32 $0x9;
	[sflag:s23] =	ssyncadd.s32 $0xFFFFE000  }
0x119: {  	[spmem:s2] =	stream.indirect.scatter.add.f32 [tilespmem:s15], [sflag:$0x10], $0x40, s3, s14, $0xb8;
	[tilespmem:$0x1F000] =	vst v63  }
0x11a: {  	_ =	swait.ge [sflag:s10], $0x2000  }
0x11b: {  	[sflag:s10] =	ssyncset.done $0x0  }
0x11c: {  	s13 =	simm.s32 $0xA;
	[sflag:s10] =	ssyncadd.s32 $0xFFFFE000  }
0x11d: {  	_ =	swait.ge [sflag:s13], $0x2000  }
0x11e: {  	[sflag:s13] =	ssyncset.done $0x0  }
0x11f: {  	s24 =	simm.s32 $0xB;
	[sflag:s13] =	ssyncadd.s32 $0xFFFFE000  }
0x120: {  	_ =	swait.ge [sflag:s24], $0x2000  }
0x121: {  	[sflag:s24] =	ssyncset.done $0x0  }
0x122: {  	s25 =	simm.s32 $0xC;
	[sflag:s24] =	ssyncadd.s32 $0xFFFFE000  }
0x123: {  	_ =	swait.ge [sflag:s25], $0x2000  }
0x124: {  	[sflag:s25] =	ssyncset.done $0x0  }
0x125: {  	s26 =	simm.s32 $0xD;
	[sflag:s25] =	ssyncadd.s32 $0xFFFFE000  }
0x126: {  	_ =	swait.ge [sflag:s26], $0x2000  }
0x127: {  	[sflag:s26] =	ssyncset.done $0x0  }
0x128: {  	s28 =	simm.s32 $0xE;
	[sflag:s26] =	ssyncadd.s32 $0xFFFFE000  }
0x129: {  	_ =	swait.ge [sflag:s28], $0x2000  }
0x12a: {  	[sflag:s28] =	ssyncset.done $0x0  }
0x12b: {  	s29 =	simm.s32 $0xF;
	[sflag:s28] =	ssyncadd.s32 $0xFFFFE000  }
0x12c: {  	_ =	swait.ge [sflag:s29], $0x2000  }
0x12d: {  	[sflag:s29] =	ssyncset.done $0x0  }
0x12e: {  	[sflag:s29] =	ssyncadd.s32 $0xFFFFE000  }
0x12f: {  	_ =	swait.ge [sflag:s1], $0x2000  }
0x130: {  	[sflag:s1] =	ssyncset.done $0x0  }
0x131: {  	[sflag:s1] =	ssyncadd.s32 $0xFFFFE000  }
0x132: {  	[bflag:$0x0] =	sbarrier.arrive $0xFFFF  }
0x133: {  	s30 =	rddreg [dreg:$0xd]  }
0x134: {  	[hbm:s30@s1], [sflag:s6] =	dma.strided [spmem:s11@s23], $0x1400, s16, $0x8   }
0x135: {  	_ =	swait.ge [sflag:s12], $0x1400  }
0x136: {  	s0 =	sadd.s32 $0x1, s0;
	s31 =	rddreg [dreg:$0xe]  }
0x137: {  	p0 =	sne.s32 s0, s31  }
.Ltmp1:
0x138: {  	_ = 	snop;
	(pc) =	sbr.rel @p0 .LBB2_1-.Ltmp1, $3  }
0x139: {  	_ =	sdelay $0x1  }
0x13a: {  	[sflag:s12] =	ssyncset.done $0x0  }
0x13b: {  	[sflag:s12] =	ssyncadd.s32 $0xFFFFEC00  }
0x13c: {  	_ =	sfence.sel $0x180000  }
0x13d: {  	[bflag:$0x0] =	sbarrier.arrive $0xFFFF  }
0x13e: {  	_ =	strace $0x9000004D  }
0x13f: {  	s0 =	stileid.u32;
	[bflag:$0x2] =	sbarrier.arrive $0xFFFF  }
0x140: {  	p0 =	sne.s32 s0, $0x0;
	s0 =	rddreg [dreg:$0x2]  }
0x141: {  	s0 =	sadd.s32 @!p0 $0x100000, s0  }
0x142: {  	[sflag:s0] =	ssyncadd.tile.s32 @!p0 $0x1;
	_ =	shalt  }
.Lfunc_end2:
_tile_overlayer_lowered:
.L_overlay_start_2:
0x143: {  	(tag) =	ssettag $0x2  }
0x144: {  	s0 =	rddreg [dreg:$0x0];
	s2 =	stileid.u32  }
0x145: {  	s1 =	rddreg [dreg:$0x1];
	p0 =	sne.s32 s2, $0x0  }
0x146: {  	s3 =	rddreg [dreg:$0x2];
	[bflag:$0x3] =	sbarrier.arrive $0xFFFF;
	s2 =	simm.s32 @!p0 $0x1C11  }
0x147: {  	[timem:s3], [sflag:s2] =	dma.local @!p0 [hbm:s0], s1  }
0x148: {  	s0 =	simm.s32 @!p0 $0x11  }
0x149: {  	_ =	swait.ge @!p0 [sflag:s0], s1  }
0x14a: {  	s1 =	ssub.s32 @!p0 $0x0, s1;
	[sflag:s0] =	ssyncset.done @!p0 $0x0  }
0x14b: {  	[sflag:s0] =	ssyncadd.s32 @!p0 s1  }
0x14c: {  	[bflag:$0x3] =	sbarrier.arrive $0xFFFF  }
0x14d: {  	_ =	shalt  }

</sc_bundles>
